<compile_context>
chip_gen: v7x
topology: tpu7x:2x2x1
jax: 0.10.2.dev20260603
libtpu: 0.0.44.dev20260713+nightly
codegen_flags: <defaults>
</compile_context>

<pallas_src>
import math

import jax
import jax.numpy as jnp
from jax import lax
from jax.experimental import pallas as pl
from jax.experimental.pallas import tpu as pltpu
from jax.experimental.pallas import tpu_sc as plsc

VOCAB = 1000000
D = 64
ROWS = 4096
COLS = 50
NC = 2
NS = 16
NW = NC * NS
SCALE = math.sqrt(D)

VB = 128
LANES = 128
NBLK = VOCAB // VB
BASE_BLK = NBLK // NW
EXTRA = NBLK - BASE_BLK * NW
HALF = BASE_BLK // 2
PAIRS = NBLK * (VB // 2) + D
assert VOCAB - NBLK * VB == D

SB = ROWS // NW
COLS_PAD = 56


def _table_body(emb_t, tail_p, table, in0, in1, out0, out1, tbuf,
                isem0, isem1, osem0, osem1):
    w = lax.axis_index("s") * NC + lax.axis_index("c")
    start = w * BASE_BLK + jnp.minimum(w, EXTRA)
    ins = (in0, in1)
    outs = (out0, out1)
    isems = (isem0, isem1)
    osems = (osem0, osem1)

    def src(b):
        return emb_t.at[:, pl.ds(pl.multiple_of(b * VB, VB), VB)]

    def dst(b):
        return table.at[pl.ds(pl.multiple_of(b * (VB // 2), VB // 2),
                              VB // 2), :]

    def transpose_scale(ib, ob):
        iot = lax.iota(jnp.int32, 16)
        for jc in range(D // 16):
            jv = iot + jc * 16

            @plsc.parallel_loop(0, (VB // 16) * 16, unroll=8)
            def _(i):
                vv = ((iot + i) & 15) + ((i >> 4) << 4)
                vals = plsc.load_gather(ib, [jv, vv])
                plsc.store_scatter(
                    ob, [vv & 63, (vv & 64) + jv], vals)

    pltpu.async_copy(src(start), ins[0], isems[0])
    pltpu.async_copy(src(start + 1), ins[1], isems[1])

    def step(i, carry):
        for par in range(2):
            b = start + 2 * i + par
            pltpu.make_async_copy(src(b), ins[par], isems[par]).wait()

            @pl.when(i > 0)
            def _():
                pltpu.make_async_copy(
                    dst(b - 2), outs[par], osems[par]).wait()
            transpose_scale(ins[par], outs[par])
            pltpu.async_copy(outs[par], dst(b), osems[par])

            @pl.when(2 * i + par + 2 < BASE_BLK)
            def _():
                pltpu.async_copy(src(b + 2), ins[par], isems[par])
        return carry

    lax.fori_loop(0, HALF, step, 0)
    pltpu.make_async_copy(dst(start + BASE_BLK - 2), outs[0], osems[0]).wait()
    pltpu.make_async_copy(dst(start + BASE_BLK - 1), outs[1], osems[1]).wait()

    @pl.when(w < EXTRA)
    def _():
        b = start + BASE_BLK
        pltpu.async_copy(src(b), ins[0], isems[0]).wait()
        transpose_scale(ins[0], outs[0])
        pltpu.async_copy(outs[0], dst(b), osems[0]).wait()

    @pl.when(w == NW - 1)
    def _():
        pltpu.async_copy(tail_p, tbuf, isems[0]).wait()
        pltpu.async_copy(
            tbuf, table.at[pl.ds(NBLK * (VB // 2), VOCAB - NBLK * VB), :],
            osems[0]
        ).wait()


def _gather_body(table, xt, out, xv, xp, g0, g1, o0, o1,
                 gsem0, gsem1, osem0, osem1):
    w = lax.axis_index("s") * NC + lax.axis_index("c")
    soff = pl.multiple_of(w * SB, SB)
    gs = (g0, g1)
    os_ = (o0, o1)
    gsems = (gsem0, gsem1)
    osems = (osem0, osem1)
    iot = lax.iota(jnp.int32, 16)

    pltpu.sync_copy(xt.at[:, pl.ds(soff, SB)], xv)

    @plsc.parallel_loop(0, COLS_PAD * (SB // 16), unroll=8)
    def _(i):
        r = i >> 3
        c0 = (i & 7) * 16
        v = xv[r, pl.ds(c0, 16)]
        xp[r, pl.ds(c0, 16)] = ((v >> 1) & ~63) | (v & 63)

    def gather(t, par):
        return pltpu.async_copy(table.at[xp.at[t]], gs[par], gsems[par])

    def wait_gather(t, par):
        pltpu.make_async_copy(table.at[xp.at[t]], gs[par], gsems[par]).wait()

    def put(t, par):
        return pltpu.async_copy(
            os_[par], out.at[t, :, pl.ds(soff, SB)], osems[par])

    def wait_put(t, par):
        pltpu.make_async_copy(
            os_[par], out.at[t, :, pl.ds(soff, SB)], osems[par]).wait()

    def transpose(t, g, o):
        for sb in range(SB // 16):
            s0 = sb * 16
            parv = xv[t, pl.ds(s0, 16)] & 64

            @plsc.parallel_loop(0, (D // 16) * 16, unroll=8)
            def _(i):
                d = i & 15
                jbase = i >> 4
                sv = iot + s0
                jv = ((iot + d) & 15) + jbase * 16
                vals = plsc.load_gather(g, [sv, parv + jv])
                plsc.store_scatter(o, [jv, sv], vals * SCALE)

    gather(0, 0)
    gather(1, 1)

    def step(i, carry):
        for par in range(2):
            t = 2 * i + par
            wait_gather(t, par)

            @pl.when(i > 0)
            def _():
                wait_put(t - 2, par)
            transpose(t, gs[par], os_[par])
            put(t, par)

            @pl.when(t + 2 < COLS)
            def _():
                gather(t + 2, par)
        return carry

    lax.fori_loop(0, COLS // 2, step, 0)
    wait_put(COLS - 2, 0)
    wait_put(COLS - 1, 1)


@jax.jit
def kernel(x, embedding):
    emb_t = embedding.T
    tail_p = jnp.pad(embedding[NBLK * VB:],
                     ((0, 0), (0, LANES - D)))
    xt = jnp.pad(x.astype(jnp.int32).T,
                 ((0, COLS_PAD - COLS), (0, 0)))

    k1 = pl.kernel(
        _table_body,
        out_type=jax.ShapeDtypeStruct((PAIRS, LANES), jnp.float32),
        mesh=plsc.VectorSubcoreMesh(core_axis_name="c", subcore_axis_name="s"),
        scratch_types=[
            pltpu.VMEM((D, VB), jnp.float32),
            pltpu.VMEM((D, VB), jnp.float32),
            pltpu.VMEM((VB // 2, LANES), jnp.float32),
            pltpu.VMEM((VB // 2, LANES), jnp.float32),
            pltpu.VMEM((VOCAB - NBLK * VB, LANES), jnp.float32),
            pltpu.SemaphoreType.DMA,
            pltpu.SemaphoreType.DMA,
            pltpu.SemaphoreType.DMA,
            pltpu.SemaphoreType.DMA,
        ],
        compiler_params=pltpu.CompilerParams(
            use_tc_tiling_on_sc=True, needs_layout_passes=False),
    )
    table = k1(emb_t, tail_p)

    k2 = pl.kernel(
        _gather_body,
        out_type=jax.ShapeDtypeStruct((COLS, D, ROWS), jnp.float32),
        mesh=plsc.VectorSubcoreMesh(core_axis_name="c", subcore_axis_name="s"),
        scratch_types=[
            pltpu.VMEM((COLS_PAD, SB), jnp.int32),
            pltpu.VMEM((COLS_PAD, SB), jnp.int32),
            pltpu.VMEM((SB, LANES), jnp.float32),
            pltpu.VMEM((SB, LANES), jnp.float32),
            pltpu.VMEM((D, SB), jnp.float32),
            pltpu.VMEM((D, SB), jnp.float32),
            pltpu.SemaphoreType.DMA,
            pltpu.SemaphoreType.DMA,
            pltpu.SemaphoreType.DMA,
            pltpu.SemaphoreType.DMA,
        ],
        compiler_params=pltpu.CompilerParams(
            use_tc_tiling_on_sc=True, needs_layout_passes=False),
    )
    out3 = k2(table, xt)
    return out3.transpose(2, 0, 1)

# --- scband reference (transcript-rebuilt; emitter-appended) ---
"""Pipeline reference for scband-embedding-layer-11931419148339 (READ-ONLY COPY).

The authoritative reference and input builder live on the scoring server;
editing this copy changes nothing except your own understanding.
"""

import jax, jax.numpy as jnp
import numpy as np
import math

VOCAB_SIZE = 1000000
D_MODEL = 64

def setup_inputs(seed: int = 0) -> dict:
    key = jax.random.key(seed)
    k_idx, k_emb = jax.random.split(key)
    x = jax.random.randint(k_idx, (4096, 50), 0, VOCAB_SIZE, dtype=jnp.int64 if jax.config.jax_enable_x64 else jnp.int32)
    embedding = jax.random.normal(k_emb, (VOCAB_SIZE, D_MODEL), dtype=jnp.float32)
    return {"x": x, "embedding": embedding}

def reference(x, embedding):
    # nn.Embedding lookup followed by sqrt(d_model) scaling
    out = jnp.take(embedding, x, axis=0) * math.sqrt(D_MODEL)
    return out

if __name__ == "__main__":
    import jax
    _d = setup_inputs()
    print(jax.jit(kernel)(*tuple(_d.values())))

</pallas_src>

<mosaic_0001>
#map = affine_map<(d0, d1) -> (0, 0)>
#map1 = affine_map<(d0, d1) -> (0, 0, 0)>
module attributes {stable_mosaic.version = 14 : i64} {
  func.func @_gather_body(%arg0: i32, %arg1: i32, %arg2: memref<500032x128xf32, #tpu.memory_space<hbm>>, %arg3: memref<56x4096xi32, #tpu.memory_space<hbm>>, %arg4: memref<50x64x4096xf32, #tpu.memory_space<hbm>>, %arg5: memref<56x128xi32, #tpu.memory_space<vmem>>, %arg6: memref<56x128xi32, #tpu.memory_space<vmem>>, %arg7: memref<128x128xf32, #tpu.memory_space<vmem>>, %arg8: memref<128x128xf32, #tpu.memory_space<vmem>>, %arg9: memref<64x128xf32, #tpu.memory_space<vmem>>, %arg10: memref<64x128xf32, #tpu.memory_space<vmem>>, %arg11: memref<!tpu.dma_semaphore, #tpu.memory_space<semaphore_mem>>, %arg12: memref<!tpu.dma_semaphore, #tpu.memory_space<semaphore_mem>>, %arg13: memref<!tpu.dma_semaphore, #tpu.memory_space<semaphore_mem>>, %arg14: memref<!tpu.dma_semaphore, #tpu.memory_space<semaphore_mem>>) attributes {dimension_semantics = [#tpu.dimension_semantics<core_parallel>, #tpu.dimension_semantics<subcore_parallel>], iteration_bounds = array<i64: 2, 16>, scalar_prefetch = 0 : i64, scratch_operands = 10 : i64, tpu.core_type = #tpu.core_type<sc_vector_subcore>, window_params = [{transform_indices = #map}, {transform_indices = #map}, {transform_indices = #map1}]} {
    %mul3A = arith.constant 2 : i32
    %mul3A_0 = arith.muli %arg1, %mul3A : i32
    %add3A = arith.addi %mul3A_0, %arg0 : i32
    %mul3A_1 = arith.constant 128 : i32
    %mul3A_2 = arith.muli %add3A, %mul3A_1 : i32
    %multiple_of3A = tpu.assume_multiple %mul3A_2, 128 : i32
    %iota3A = tpu.iota {dimensions = array<i32: 0>} : vector<16xi32>
    "tpu.region"() ({
      %run_scoped3A = tpu.sem_alloc : memref<!tpu.dma_semaphore, #tpu.memory_space<semaphore_mem>>
      %dma_start3A_36 = arith.constant 0 : i32
      %dma_start3A_37 = tpu.memref_slice %arg3[%dma_start3A_36, %multiple_of3A] : memref<56x4096xi32, #tpu.memory_space<hbm>> -> memref<56x128xi32, #tpu.memory_space<hbm>>
      %dma_start3A_38 = arith.constant 0 : i32
      %dma_start3A_39 = tpu.memref_slice %arg3[%dma_start3A_38, %multiple_of3A] : memref<56x4096xi32, #tpu.memory_space<hbm>> -> memref<56x128xi32, #tpu.memory_space<hbm>>
      tpu.enqueue_dma source(%dma_start3A_39 : memref<56x128xi32, #tpu.memory_space<hbm>>) target(%arg5 : memref<56x128xi32, #tpu.memory_space<vmem>>) target_semaphore(%run_scoped3A : memref<!tpu.dma_semaphore, #tpu.memory_space<semaphore_mem>>)
      %dma_wait3A_40 = arith.constant 0 : i32
      %dma_wait3A_41 = tpu.memref_slice %arg3[%dma_wait3A_40, %multiple_of3A] : memref<56x4096xi32, #tpu.memory_space<hbm>> -> memref<56x128xi32, #tpu.memory_space<hbm>>
      %dma_wait3A_42 = arith.constant 0 : i32
      %dma_wait3A_43 = tpu.memref_slice %arg3[%dma_wait3A_42, %multiple_of3A] : memref<56x4096xi32, #tpu.memory_space<hbm>> -> memref<56x128xi32, #tpu.memory_space<hbm>>
      tpu.wait_dma2 semaphore(%run_scoped3A : memref<!tpu.dma_semaphore, #tpu.memory_space<semaphore_mem>>) src(%dma_wait3A_43 : memref<56x128xi32, #tpu.memory_space<hbm>>) dst(%arg5 : memref<56x128xi32, #tpu.memory_space<vmem>>)
      tpu.yield
    }) : () -> ()
    %parallel_loop3A = arith.constant 0 : i32
    %parallel_loop3A_3 = arith.constant 448 : i32
    %parallel_loop3A_4 = arith.constant 1 : i32
    scf.for %parallel_loop3A_36 = %parallel_loop3A to %parallel_loop3A_3 step %parallel_loop3A_4  : i32 {
      %parallel_loop3A_37 = arith.constant 3 : i32
      %parallel_loop3A_38 = arith.shrsi %parallel_loop3A_36, %parallel_loop3A_37 : i32
      %parallel_loop3A_39 = arith.constant 7 : i32
      %parallel_loop3A_40 = arith.andi %parallel_loop3A_36, %parallel_loop3A_39 : i32
      %parallel_loop3A_41 = arith.constant 16 : i32
      %parallel_loop3A_42 = arith.muli %parallel_loop3A_40, %parallel_loop3A_41 : i32
      %parallel_loop3A_43 = arith.index_cast %parallel_loop3A_38 : i32 to index
      %parallel_loop3A_44 = arith.index_cast %parallel_loop3A_42 : i32 to index
      %parallel_loop3A_45 = tpu.vector_load %arg5[%parallel_loop3A_43, %parallel_loop3A_44] {strides = array<i32>} : memref<56x128xi32, #tpu.memory_space<vmem>>, vector<16xi32>,
      %parallel_loop3A_46 = arith.constant 1 : i32
      %parallel_loop3A_47 = vector.broadcast %parallel_loop3A_46 : i32 to vector<16xi32>
      %parallel_loop3A_48 = arith.shrsi %parallel_loop3A_45, %parallel_loop3A_47 : vector<16xi32>
      %parallel_loop3A_49 = arith.constant -64 : i32
      %parallel_loop3A_50 = vector.broadcast %parallel_loop3A_49 : i32 to vector<16xi32>
      %parallel_loop3A_51 = arith.andi %parallel_loop3A_48, %parallel_loop3A_50 : vector<16xi32>
      %parallel_loop3A_52 = arith.constant 63 : i32
      %parallel_loop3A_53 = vector.broadcast %parallel_loop3A_52 : i32 to vector<16xi32>
      %parallel_loop3A_54 = arith.andi %parallel_loop3A_45, %parallel_loop3A_53 : vector<16xi32>
      %parallel_loop3A_55 = arith.ori %parallel_loop3A_51, %parallel_loop3A_54 : vector<16xi32>
      %parallel_loop3A_56 = arith.index_cast %parallel_loop3A_38 : i32 to index
      %parallel_loop3A_57 = arith.index_cast %parallel_loop3A_42 : i32 to index
      %parallel_loop3A_58 = tpu.vector_load %arg6[%parallel_loop3A_56, %parallel_loop3A_57] {strides = array<i32>} : memref<56x128xi32, #tpu.memory_space<vmem>>, vector<16xi32>,
      tpu.vector_store %arg6[%parallel_loop3A_56, %parallel_loop3A_57], %parallel_loop3A_55 {strides = array<i32>} : memref<56x128xi32, #tpu.memory_space<vmem>>, vector<16xi32>,
    } {sc.loop_unroll_factor = 8 : i64, sc.parallel_access}
    %dma_start3A = arith.constant 0 : i32
    %dma_start3A_5 = arith.constant 0 : i32
    %dma_start3A_6 = tpu.memref_slice %arg6[%dma_start3A, %dma_start3A_5] : memref<56x128xi32, #tpu.memory_space<vmem>> -> memref<1x128xi32, #tpu.memory_space<vmem>>
    %dma_start3A_7 = tpu.memref_squeeze %dma_start3A_6 : memref<1x128xi32, #tpu.memory_space<vmem>> -> memref<128xi32, #tpu.memory_space<vmem>>
    %dma_start3A_8 = arith.constant 0 : i32
    %dma_start3A_9 = arith.constant 0 : i32
    %dma_start3A_10 = tpu.memref_slice %arg2[%dma_start3A_8, %dma_start3A_9] : memref<500032x128xf32, #tpu.memory_space<hbm>> -> memref<500032x128xf32, #tpu.memory_space<hbm>>
    tpu.enqueue_indirect_dma source(%dma_start3A_10 : memref<500032x128xf32, #tpu.memory_space<hbm>>) target(%arg7 : memref<128x128xf32, #tpu.memory_space<vmem>>) offsets(%dma_start3A_7 : memref<128xi32, #tpu.memory_space<vmem>>) semaphore(%arg11 : memref<!tpu.dma_semaphore, #tpu.memory_space<semaphore_mem>>)
    %dma_start3A_11 = arith.constant 1 : i32
    %dma_start3A_12 = arith.constant 0 : i32
    %dma_start3A_13 = tpu.memref_slice %arg6[%dma_start3A_11, %dma_start3A_12] : memref<56x128xi32, #tpu.memory_space<vmem>> -> memref<1x128xi32, #tpu.memory_space<vmem>>
    %dma_start3A_14 = tpu.memref_squeeze %dma_start3A_13 : memref<1x128xi32, #tpu.memory_space<vmem>> -> memref<128xi32, #tpu.memory_space<vmem>>
    %dma_start3A_15 = arith.constant 0 : i32
    %dma_start3A_16 = arith.constant 0 : i32
    %dma_start3A_17 = tpu.memref_slice %arg2[%dma_start3A_15, %dma_start3A_16] : memref<500032x128xf32, #tpu.memory_space<hbm>> -> memref<500032x128xf32, #tpu.memory_space<hbm>>
    tpu.enqueue_indirect_dma source(%dma_start3A_17 : memref<500032x128xf32, #tpu.memory_space<hbm>>) target(%arg8 : memref<128x128xf32, #tpu.memory_space<vmem>>) offsets(%dma_start3A_14 : memref<128xi32, #tpu.memory_space<vmem>>) semaphore(%arg12 : memref<!tpu.dma_semaphore, #tpu.memory_space<semaphore_mem>>)
    %scan3A = arith.constant 0 : i32
    %scan3A_18 = arith.constant 0 : i32
    %scan3A_19 = arith.constant 25 : i32
    %scan3A_20 = arith.addi %scan3A_18, %scan3A_19 : i32
    %scan3A_21 = arith.constant 1 : i32
    scf.for %scan3A_36 = %scan3A_18 to %scan3A_20 step %scan3A_21  : i32 {
      %mul3A_37 = arith.constant 2 : i32
      %mul3A_38 = arith.muli %mul3A_37, %scan3A_36 : i32
      %add3A_39 = arith.constant 0 : i32
      %add3A_40 = arith.addi %mul3A_38, %add3A_39 : i32
      %dma_wait3A_41 = arith.constant 0 : i32
      %dma_wait3A_42 = tpu.memref_slice %arg6[%add3A_40, %dma_wait3A_41] : memref<56x128xi32, #tpu.memory_space<vmem>> -> memref<1x128xi32, #tpu.memory_space<vmem>>
      %dma_wait3A_43 = tpu.memref_squeeze %dma_wait3A_42 : memref<1x128xi32, #tpu.memory_space<vmem>> -> memref<128xi32, #tpu.memory_space<vmem>>
      %dma_wait3A_44 = arith.constant 0 : i32
      %dma_wait3A_45 = arith.constant 0 : i32
      %dma_wait3A_46 = tpu.memref_slice %arg2[%dma_wait3A_44, %dma_wait3A_45] : memref<500032x128xf32, #tpu.memory_space<hbm>> -> memref<500032x128xf32, #tpu.memory_space<hbm>>
      tpu.wait_indirect_dma semaphore(%arg11 : memref<!tpu.dma_semaphore, #tpu.memory_space<semaphore_mem>>) src(%dma_wait3A_46 : memref<500032x128xf32, #tpu.memory_space<hbm>>) dst(%arg7 : memref<128x128xf32, #tpu.memory_space<vmem>>)
      %gt3A = arith.constant 0 : i32
      %gt3A_47 = arith.cmpi sgt, %scan3A_36, %gt3A : i32
      %convert_element_type3A = arith.extui %gt3A_47 : i1 to i32
      %cond3A = arith.constant 0 : i32
      %cond3A_48 = arith.cmpi ne, %convert_element_type3A, %cond3A : i32
      scf.if %cond3A_48 {
        %sub3A = arith.constant 2 : i32
        %sub3A_231 = arith.subi %add3A_40, %sub3A : i32
        %dma_wait3A_232 = arith.constant 0 : i32
        %dma_wait3A_233 = tpu.memref_slice %arg4[%sub3A_231, %dma_wait3A_232, %multiple_of3A] : memref<50x64x4096xf32, #tpu.memory_space<hbm>> -> memref<1x64x128xf32, #tpu.memory_space<hbm>>
        %dma_wait3A_234 = tpu.memref_squeeze %dma_wait3A_233 : memref<1x64x128xf32, #tpu.memory_space<hbm>> -> memref<64x128xf32, #tpu.memory_space<hbm>>
        %dma_wait3A_235 = arith.constant 0 : i32
        %dma_wait3A_236 = tpu.memref_slice %arg4[%sub3A_231, %dma_wait3A_235, %multiple_of3A] : memref<50x64x4096xf32, #tpu.memory_space<hbm>> -> memref<1x64x128xf32, #tpu.memory_space<hbm>>
        %dma_wait3A_237 = tpu.memref_squeeze %dma_wait3A_236 : memref<1x64x128xf32, #tpu.memory_space<hbm>> -> memref<64x128xf32, #tpu.memory_space<hbm>>
        tpu.wait_dma2 semaphore(%arg13 : memref<!tpu.dma_semaphore, #tpu.memory_space<semaphore_mem>>) src(%arg9 : memref<64x128xf32, #tpu.memory_space<vmem>>) dst(%dma_wait3A_237 : memref<64x128xf32, #tpu.memory_space<hbm>>)
      } else {
      }
      %get3A = arith.index_cast %add3A_40 : i32 to index
      %get3A_49 = arith.constant 0 : index
      %get3A_50 = tpu.vector_load %arg5[%get3A, %get3A_49] {strides = array<i32>} : memref<56x128xi32, #tpu.memory_space<vmem>>, vector<16xi32>,
      %and3A = arith.constant 64 : i32
      %and3A_51 = vector.broadcast %and3A : i32 to vector<16xi32>
      %and3A_52 = arith.andi %get3A_50, %and3A_51 : vector<16xi32>
      %parallel_loop3A_53 = arith.constant 0 : i32
      %parallel_loop3A_54 = arith.constant 64 : i32
      %parallel_loop3A_55 = arith.constant 1 : i32
      scf.for %parallel_loop3A_231 = %parallel_loop3A_53 to %parallel_loop3A_54 step %parallel_loop3A_55  : i32 {
        %parallel_loop3A_232 = arith.constant 15 : i32
        %parallel_loop3A_233 = arith.andi %parallel_loop3A_231, %parallel_loop3A_232 : i32
        %parallel_loop3A_234 = arith.constant 4 : i32
        %parallel_loop3A_235 = arith.shrsi %parallel_loop3A_231, %parallel_loop3A_234 : i32
        %parallel_loop3A_236 = arith.constant 0 : i32
        %parallel_loop3A_237 = vector.broadcast %parallel_loop3A_236 : i32 to vector<16xi32>
        %parallel_loop3A_238 = arith.addi %iota3A, %parallel_loop3A_237 : vector<16xi32>
        %parallel_loop3A_239 = vector.broadcast %parallel_loop3A_233 : i32 to vector<16xi32>
        %parallel_loop3A_240 = arith.addi %iota3A, %parallel_loop3A_239 : vector<16xi32>
        %parallel_loop3A_241 = arith.constant 15 : i32
        %parallel_loop3A_242 = vector.broadcast %parallel_loop3A_241 : i32 to vector<16xi32>
        %parallel_loop3A_243 = arith.andi %parallel_loop3A_240, %parallel_loop3A_242 : vector<16xi32>
        %parallel_loop3A_244 = arith.constant 16 : i32
        %parallel_loop3A_245 = arith.muli %parallel_loop3A_235, %parallel_loop3A_244 : i32
        %parallel_loop3A_246 = vector.broadcast %parallel_loop3A_245 : i32 to vector<16xi32>
        %parallel_loop3A_247 = arith.addi %parallel_loop3A_243, %parallel_loop3A_246 : vector<16xi32>
        %parallel_loop3A_248 = arith.addi %and3A_52, %parallel_loop3A_247 : vector<16xi32>
        %parallel_loop3A_249 = tpu.vector_load_idx %arg7[%parallel_loop3A_238, %parallel_loop3A_248] : memref<128x128xf32, #tpu.memory_space<vmem>>[vector<16xi32>, vector<16xi32>], vector<16xf32>,
        %parallel_loop3A_250 = arith.constant 8.000000e+00 : f32
        %parallel_loop3A_251 = vector.broadcast %parallel_loop3A_250 : f32 to vector<16xf32>
        %parallel_loop3A_252 = arith.mulf %parallel_loop3A_249, %parallel_loop3A_251 : vector<16xf32>
        tpu.vector_store_idx %arg9[%parallel_loop3A_247, %parallel_loop3A_238], %parallel_loop3A_252 : memref<64x128xf32, #tpu.memory_space<vmem>>[vector<16xi32>, vector<16xi32>], vector<16xf32>,
      } {sc.loop_unroll_factor = 8 : i64, sc.parallel_access}
      %get3A_56 = arith.index_cast %add3A_40 : i32 to index
      %get3A_57 = arith.constant 16 : index
      %get3A_58 = tpu.vector_load %arg5[%get3A_56, %get3A_57] {strides = array<i32>} : memref<56x128xi32, #tpu.memory_space<vmem>>, vector<16xi32>,
      %and3A_59 = arith.constant 64 : i32
      %and3A_60 = vector.broadcast %and3A_59 : i32 to vector<16xi32>
      %and3A_61 = arith.andi %get3A_58, %and3A_60 : vector<16xi32>
      %parallel_loop3A_62 = arith.constant 0 : i32
      %parallel_loop3A_63 = arith.constant 64 : i32
      %parallel_loop3A_64 = arith.constant 1 : i32
      scf.for %parallel_loop3A_231 = %parallel_loop3A_62 to %parallel_loop3A_63 step %parallel_loop3A_64  : i32 {
        %parallel_loop3A_232 = arith.constant 15 : i32
        %parallel_loop3A_233 = arith.andi %parallel_loop3A_231, %parallel_loop3A_232 : i32
        %parallel_loop3A_234 = arith.constant 4 : i32
        %parallel_loop3A_235 = arith.shrsi %parallel_loop3A_231, %parallel_loop3A_234 : i32
        %parallel_loop3A_236 = arith.constant 16 : i32
        %parallel_loop3A_237 = vector.broadcast %parallel_loop3A_236 : i32 to vector<16xi32>
        %parallel_loop3A_238 = arith.addi %iota3A, %parallel_loop3A_237 : vector<16xi32>
        %parallel_loop3A_239 = vector.broadcast %parallel_loop3A_233 : i32 to vector<16xi32>
        %parallel_loop3A_240 = arith.addi %iota3A, %parallel_loop3A_239 : vector<16xi32>
        %parallel_loop3A_241 = arith.constant 15 : i32
        %parallel_loop3A_242 = vector.broadcast %parallel_loop3A_241 : i32 to vector<16xi32>
        %parallel_loop3A_243 = arith.andi %parallel_loop3A_240, %parallel_loop3A_242 : vector<16xi32>
        %parallel_loop3A_244 = arith.constant 16 : i32
        %parallel_loop3A_245 = arith.muli %parallel_loop3A_235, %parallel_loop3A_244 : i32
        %parallel_loop3A_246 = vector.broadcast %parallel_loop3A_245 : i32 to vector<16xi32>
        %parallel_loop3A_247 = arith.addi %parallel_loop3A_243, %parallel_loop3A_246 : vector<16xi32>
        %parallel_loop3A_248 = arith.addi %and3A_61, %parallel_loop3A_247 : vector<16xi32>
        %parallel_loop3A_249 = tpu.vector_load_idx %arg7[%parallel_loop3A_238, %parallel_loop3A_248] : memref<128x128xf32, #tpu.memory_space<vmem>>[vector<16xi32>, vector<16xi32>], vector<16xf32>,
        %parallel_loop3A_250 = arith.constant 8.000000e+00 : f32
        %parallel_loop3A_251 = vector.broadcast %parallel_loop3A_250 : f32 to vector<16xf32>
        %parallel_loop3A_252 = arith.mulf %parallel_loop3A_249, %parallel_loop3A_251 : vector<16xf32>
        tpu.vector_store_idx %arg9[%parallel_loop3A_247, %parallel_loop3A_238], %parallel_loop3A_252 : memref<64x128xf32, #tpu.memory_space<vmem>>[vector<16xi32>, vector<16xi32>], vector<16xf32>,
      } {sc.loop_unroll_factor = 8 : i64, sc.parallel_access}
      %get3A_65 = arith.index_cast %add3A_40 : i32 to index
      %get3A_66 = arith.constant 32 : index
      %get3A_67 = tpu.vector_load %arg5[%get3A_65, %get3A_66] {strides = array<i32>} : memref<56x128xi32, #tpu.memory_space<vmem>>, vector<16xi32>,
      %and3A_68 = arith.constant 64 : i32
      %and3A_69 = vector.broadcast %and3A_68 : i32 to vector<16xi32>
      %and3A_70 = arith.andi %get3A_67, %and3A_69 : vector<16xi32>
      %parallel_loop3A_71 = arith.constant 0 : i32
      %parallel_loop3A_72 = arith.constant 64 : i32
      %parallel_loop3A_73 = arith.constant 1 : i32
      scf.for %parallel_loop3A_231 = %parallel_loop3A_71 to %parallel_loop3A_72 step %parallel_loop3A_73  : i32 {
        %parallel_loop3A_232 = arith.constant 15 : i32
        %parallel_loop3A_233 = arith.andi %parallel_loop3A_231, %parallel_loop3A_232 : i32
        %parallel_loop3A_234 = arith.constant 4 : i32
        %parallel_loop3A_235 = arith.shrsi %parallel_loop3A_231, %parallel_loop3A_234 : i32
        %parallel_loop3A_236 = arith.constant 32 : i32
        %parallel_loop3A_237 = vector.broadcast %parallel_loop3A_236 : i32 to vector<16xi32>
        %parallel_loop3A_238 = arith.addi %iota3A, %parallel_loop3A_237 : vector<16xi32>
        %parallel_loop3A_239 = vector.broadcast %parallel_loop3A_233 : i32 to vector<16xi32>
        %parallel_loop3A_240 = arith.addi %iota3A, %parallel_loop3A_239 : vector<16xi32>
        %parallel_loop3A_241 = arith.constant 15 : i32
        %parallel_loop3A_242 = vector.broadcast %parallel_loop3A_241 : i32 to vector<16xi32>
        %parallel_loop3A_243 = arith.andi %parallel_loop3A_240, %parallel_loop3A_242 : vector<16xi32>
        %parallel_loop3A_244 = arith.constant 16 : i32
        %parallel_loop3A_245 = arith.muli %parallel_loop3A_235, %parallel_loop3A_244 : i32
        %parallel_loop3A_246 = vector.broadcast %parallel_loop3A_245 : i32 to vector<16xi32>
        %parallel_loop3A_247 = arith.addi %parallel_loop3A_243, %parallel_loop3A_246 : vector<16xi32>
        %parallel_loop3A_248 = arith.addi %and3A_70, %parallel_loop3A_247 : vector<16xi32>
        %parallel_loop3A_249 = tpu.vector_load_idx %arg7[%parallel_loop3A_238, %parallel_loop3A_248] : memref<128x128xf32, #tpu.memory_space<vmem>>[vector<16xi32>, vector<16xi32>], vector<16xf32>,
        %parallel_loop3A_250 = arith.constant 8.000000e+00 : f32
        %parallel_loop3A_251 = vector.broadcast %parallel_loop3A_250 : f32 to vector<16xf32>
        %parallel_loop3A_252 = arith.mulf %parallel_loop3A_249, %parallel_loop3A_251 : vector<16xf32>
        tpu.vector_store_idx %arg9[%parallel_loop3A_247, %parallel_loop3A_238], %parallel_loop3A_252 : memref<64x128xf32, #tpu.memory_space<vmem>>[vector<16xi32>, vector<16xi32>], vector<16xf32>,
      } {sc.loop_unroll_factor = 8 : i64, sc.parallel_access}
      %get3A_74 = arith.index_cast %add3A_40 : i32 to index
      %get3A_75 = arith.constant 48 : index
      %get3A_76 = tpu.vector_load %arg5[%get3A_74, %get3A_75] {strides = array<i32>} : memref<56x128xi32, #tpu.memory_space<vmem>>, vector<16xi32>,
      %and3A_77 = arith.constant 64 : i32
      %and3A_78 = vector.broadcast %and3A_77 : i32 to vector<16xi32>
      %and3A_79 = arith.andi %get3A_76, %and3A_78 : vector<16xi32>
      %parallel_loop3A_80 = arith.constant 0 : i32
      %parallel_loop3A_81 = arith.constant 64 : i32
      %parallel_loop3A_82 = arith.constant 1 : i32
      scf.for %parallel_loop3A_231 = %parallel_loop3A_80 to %parallel_loop3A_81 step %parallel_loop3A_82  : i32 {
        %parallel_loop3A_232 = arith.constant 15 : i32
        %parallel_loop3A_233 = arith.andi %parallel_loop3A_231, %parallel_loop3A_232 : i32
        %parallel_loop3A_234 = arith.constant 4 : i32
        %parallel_loop3A_235 = arith.shrsi %parallel_loop3A_231, %parallel_loop3A_234 : i32
        %parallel_loop3A_236 = arith.constant 48 : i32
        %parallel_loop3A_237 = vector.broadcast %parallel_loop3A_236 : i32 to vector<16xi32>
        %parallel_loop3A_238 = arith.addi %iota3A, %parallel_loop3A_237 : vector<16xi32>
        %parallel_loop3A_239 = vector.broadcast %parallel_loop3A_233 : i32 to vector<16xi32>
        %parallel_loop3A_240 = arith.addi %iota3A, %parallel_loop3A_239 : vector<16xi32>
        %parallel_loop3A_241 = arith.constant 15 : i32
        %parallel_loop3A_242 = vector.broadcast %parallel_loop3A_241 : i32 to vector<16xi32>
        %parallel_loop3A_243 = arith.andi %parallel_loop3A_240, %parallel_loop3A_242 : vector<16xi32>
        %parallel_loop3A_244 = arith.constant 16 : i32
        %parallel_loop3A_245 = arith.muli %parallel_loop3A_235, %parallel_loop3A_244 : i32
        %parallel_loop3A_246 = vector.broadcast %parallel_loop3A_245 : i32 to vector<16xi32>
        %parallel_loop3A_247 = arith.addi %parallel_loop3A_243, %parallel_loop3A_246 : vector<16xi32>
        %parallel_loop3A_248 = arith.addi %and3A_79, %parallel_loop3A_247 : vector<16xi32>
        %parallel_loop3A_249 = tpu.vector_load_idx %arg7[%parallel_loop3A_238, %parallel_loop3A_248] : memref<128x128xf32, #tpu.memory_space<vmem>>[vector<16xi32>, vector<16xi32>], vector<16xf32>,
        %parallel_loop3A_250 = arith.constant 8.000000e+00 : f32
        %parallel_loop3A_251 = vector.broadcast %parallel_loop3A_250 : f32 to vector<16xf32>
        %parallel_loop3A_252 = arith.mulf %parallel_loop3A_249, %parallel_loop3A_251 : vector<16xf32>
        tpu.vector_store_idx %arg9[%parallel_loop3A_247, %parallel_loop3A_238], %parallel_loop3A_252 : memref<64x128xf32, #tpu.memory_space<vmem>>[vector<16xi32>, vector<16xi32>], vector<16xf32>,
      } {sc.loop_unroll_factor = 8 : i64, sc.parallel_access}
      %get3A_83 = arith.index_cast %add3A_40 : i32 to index
      %get3A_84 = arith.constant 64 : index
      %get3A_85 = tpu.vector_load %arg5[%get3A_83, %get3A_84] {strides = array<i32>} : memref<56x128xi32, #tpu.memory_space<vmem>>, vector<16xi32>,
      %and3A_86 = arith.constant 64 : i32
      %and3A_87 = vector.broadcast %and3A_86 : i32 to vector<16xi32>
      %and3A_88 = arith.andi %get3A_85, %and3A_87 : vector<16xi32>
      %parallel_loop3A_89 = arith.constant 0 : i32
      %parallel_loop3A_90 = arith.constant 64 : i32
      %parallel_loop3A_91 = arith.constant 1 : i32
      scf.for %parallel_loop3A_231 = %parallel_loop3A_89 to %parallel_loop3A_90 step %parallel_loop3A_91  : i32 {
        %parallel_loop3A_232 = arith.constant 15 : i32
        %parallel_loop3A_233 = arith.andi %parallel_loop3A_231, %parallel_loop3A_232 : i32
        %parallel_loop3A_234 = arith.constant 4 : i32
        %parallel_loop3A_235 = arith.shrsi %parallel_loop3A_231, %parallel_loop3A_234 : i32
        %parallel_loop3A_236 = arith.constant 64 : i32
        %parallel_loop3A_237 = vector.broadcast %parallel_loop3A_236 : i32 to vector<16xi32>
        %parallel_loop3A_238 = arith.addi %iota3A, %parallel_loop3A_237 : vector<16xi32>
        %parallel_loop3A_239 = vector.broadcast %parallel_loop3A_233 : i32 to vector<16xi32>
        %parallel_loop3A_240 = arith.addi %iota3A, %parallel_loop3A_239 : vector<16xi32>
        %parallel_loop3A_241 = arith.constant 15 : i32
        %parallel_loop3A_242 = vector.broadcast %parallel_loop3A_241 : i32 to vector<16xi32>
        %parallel_loop3A_243 = arith.andi %parallel_loop3A_240, %parallel_loop3A_242 : vector<16xi32>
        %parallel_loop3A_244 = arith.constant 16 : i32
        %parallel_loop3A_245 = arith.muli %parallel_loop3A_235, %parallel_loop3A_244 : i32
        %parallel_loop3A_246 = vector.broadcast %parallel_loop3A_245 : i32 to vector<16xi32>
        %parallel_loop3A_247 = arith.addi %parallel_loop3A_243, %parallel_loop3A_246 : vector<16xi32>
        %parallel_loop3A_248 = arith.addi %and3A_88, %parallel_loop3A_247 : vector<16xi32>
        %parallel_loop3A_249 = tpu.vector_load_idx %arg7[%parallel_loop3A_238, %parallel_loop3A_248] : memref<128x128xf32, #tpu.memory_space<vmem>>[vector<16xi32>, vector<16xi32>], vector<16xf32>,
        %parallel_loop3A_250 = arith.constant 8.000000e+00 : f32
        %parallel_loop3A_251 = vector.broadcast %parallel_loop3A_250 : f32 to vector<16xf32>
        %parallel_loop3A_252 = arith.mulf %parallel_loop3A_249, %parallel_loop3A_251 : vector<16xf32>
        tpu.vector_store_idx %arg9[%parallel_loop3A_247, %parallel_loop3A_238], %parallel_loop3A_252 : memref<64x128xf32, #tpu.memory_space<vmem>>[vector<16xi32>, vector<16xi32>], vector<16xf32>,
      } {sc.loop_unroll_factor = 8 : i64, sc.parallel_access}
      %get3A_92 = arith.index_cast %add3A_40 : i32 to index
      %get3A_93 = arith.constant 80 : index
      %get3A_94 = tpu.vector_load %arg5[%get3A_92, %get3A_93] {strides = array<i32>} : memref<56x128xi32, #tpu.memory_space<vmem>>, vector<16xi32>,
      %and3A_95 = arith.constant 64 : i32
      %and3A_96 = vector.broadcast %and3A_95 : i32 to vector<16xi32>
      %and3A_97 = arith.andi %get3A_94, %and3A_96 : vector<16xi32>
      %parallel_loop3A_98 = arith.constant 0 : i32
      %parallel_loop3A_99 = arith.constant 64 : i32
      %parallel_loop3A_100 = arith.constant 1 : i32
      scf.for %parallel_loop3A_231 = %parallel_loop3A_98 to %parallel_loop3A_99 step %parallel_loop3A_100  : i32 {
        %parallel_loop3A_232 = arith.constant 15 : i32
        %parallel_loop3A_233 = arith.andi %parallel_loop3A_231, %parallel_loop3A_232 : i32
        %parallel_loop3A_234 = arith.constant 4 : i32
        %parallel_loop3A_235 = arith.shrsi %parallel_loop3A_231, %parallel_loop3A_234 : i32
        %parallel_loop3A_236 = arith.constant 80 : i32
        %parallel_loop3A_237 = vector.broadcast %parallel_loop3A_236 : i32 to vector<16xi32>
        %parallel_loop3A_238 = arith.addi %iota3A, %parallel_loop3A_237 : vector<16xi32>
        %parallel_loop3A_239 = vector.broadcast %parallel_loop3A_233 : i32 to vector<16xi32>
        %parallel_loop3A_240 = arith.addi %iota3A, %parallel_loop3A_239 : vector<16xi32>
        %parallel_loop3A_241 = arith.constant 15 : i32
        %parallel_loop3A_242 = vector.broadcast %parallel_loop3A_241 : i32 to vector<16xi32>
        %parallel_loop3A_243 = arith.andi %parallel_loop3A_240, %parallel_loop3A_242 : vector<16xi32>
        %parallel_loop3A_244 = arith.constant 16 : i32
        %parallel_loop3A_245 = arith.muli %parallel_loop3A_235, %parallel_loop3A_244 : i32
        %parallel_loop3A_246 = vector.broadcast %parallel_loop3A_245 : i32 to vector<16xi32>
        %parallel_loop3A_247 = arith.addi %parallel_loop3A_243, %parallel_loop3A_246 : vector<16xi32>
        %parallel_loop3A_248 = arith.addi %and3A_97, %parallel_loop3A_247 : vector<16xi32>
        %parallel_loop3A_249 = tpu.vector_load_idx %arg7[%parallel_loop3A_238, %parallel_loop3A_248] : memref<128x128xf32, #tpu.memory_space<vmem>>[vector<16xi32>, vector<16xi32>], vector<16xf32>,
        %parallel_loop3A_250 = arith.constant 8.000000e+00 : f32
        %parallel_loop3A_251 = vector.broadcast %parallel_loop3A_250 : f32 to vector<16xf32>
        %parallel_loop3A_252 = arith.mulf %parallel_loop3A_249, %parallel_loop3A_251 : vector<16xf32>
        tpu.vector_store_idx %arg9[%parallel_loop3A_247, %parallel_loop3A_238], %parallel_loop3A_252 : memref<64x128xf32, #tpu.memory_space<vmem>>[vector<16xi32>, vector<16xi32>], vector<16xf32>,
      } {sc.loop_unroll_factor = 8 : i64, sc.parallel_access}
      %get3A_101 = arith.index_cast %add3A_40 : i32 to index
      %get3A_102 = arith.constant 96 : index
      %get3A_103 = tpu.vector_load %arg5[%get3A_101, %get3A_102] {strides = array<i32>} : memref<56x128xi32, #tpu.memory_space<vmem>>, vector<16xi32>,
      %and3A_104 = arith.constant 64 : i32
      %and3A_105 = vector.broadcast %and3A_104 : i32 to vector<16xi32>
      %and3A_106 = arith.andi %get3A_103, %and3A_105 : vector<16xi32>
      %parallel_loop3A_107 = arith.constant 0 : i32
      %parallel_loop3A_108 = arith.constant 64 : i32
      %parallel_loop3A_109 = arith.constant 1 : i32
      scf.for %parallel_loop3A_231 = %parallel_loop3A_107 to %parallel_loop3A_108 step %parallel_loop3A_109  : i32 {
        %parallel_loop3A_232 = arith.constant 15 : i32
        %parallel_loop3A_233 = arith.andi %parallel_loop3A_231, %parallel_loop3A_232 : i32
        %parallel_loop3A_234 = arith.constant 4 : i32
        %parallel_loop3A_235 = arith.shrsi %parallel_loop3A_231, %parallel_loop3A_234 : i32
        %parallel_loop3A_236 = arith.constant 96 : i32
        %parallel_loop3A_237 = vector.broadcast %parallel_loop3A_236 : i32 to vector<16xi32>
        %parallel_loop3A_238 = arith.addi %iota3A, %parallel_loop3A_237 : vector<16xi32>
        %parallel_loop3A_239 = vector.broadcast %parallel_loop3A_233 : i32 to vector<16xi32>
        %parallel_loop3A_240 = arith.addi %iota3A, %parallel_loop3A_239 : vector<16xi32>
        %parallel_loop3A_241 = arith.constant 15 : i32
        %parallel_loop3A_242 = vector.broadcast %parallel_loop3A_241 : i32 to vector<16xi32>
        %parallel_loop3A_243 = arith.andi %parallel_loop3A_240, %parallel_loop3A_242 : vector<16xi32>
        %parallel_loop3A_244 = arith.constant 16 : i32
        %parallel_loop3A_245 = arith.muli %parallel_loop3A_235, %parallel_loop3A_244 : i32
        %parallel_loop3A_246 = vector.broadcast %parallel_loop3A_245 : i32 to vector<16xi32>
        %parallel_loop3A_247 = arith.addi %parallel_loop3A_243, %parallel_loop3A_246 : vector<16xi32>
        %parallel_loop3A_248 = arith.addi %and3A_106, %parallel_loop3A_247 : vector<16xi32>
        %parallel_loop3A_249 = tpu.vector_load_idx %arg7[%parallel_loop3A_238, %parallel_loop3A_248] : memref<128x128xf32, #tpu.memory_space<vmem>>[vector<16xi32>, vector<16xi32>], vector<16xf32>,
        %parallel_loop3A_250 = arith.constant 8.000000e+00 : f32
        %parallel_loop3A_251 = vector.broadcast %parallel_loop3A_250 : f32 to vector<16xf32>
        %parallel_loop3A_252 = arith.mulf %parallel_loop3A_249, %parallel_loop3A_251 : vector<16xf32>
        tpu.vector_store_idx %arg9[%parallel_loop3A_247, %parallel_loop3A_238], %parallel_loop3A_252 : memref<64x128xf32, #tpu.memory_space<vmem>>[vector<16xi32>, vector<16xi32>], vector<16xf32>,
      } {sc.loop_unroll_factor = 8 : i64, sc.parallel_access}
      %get3A_110 = arith.index_cast %add3A_40 : i32 to index
      %get3A_111 = arith.constant 112 : index
      %get3A_112 = tpu.vector_load %arg5[%get3A_110, %get3A_111] {strides = array<i32>} : memref<56x128xi32, #tpu.memory_space<vmem>>, vector<16xi32>,
      %and3A_113 = arith.constant 64 : i32
      %and3A_114 = vector.broadcast %and3A_113 : i32 to vector<16xi32>
      %and3A_115 = arith.andi %get3A_112, %and3A_114 : vector<16xi32>
      %parallel_loop3A_116 = arith.constant 0 : i32
      %parallel_loop3A_117 = arith.constant 64 : i32
      %parallel_loop3A_118 = arith.constant 1 : i32
      scf.for %parallel_loop3A_231 = %parallel_loop3A_116 to %parallel_loop3A_117 step %parallel_loop3A_118  : i32 {
        %parallel_loop3A_232 = arith.constant 15 : i32
        %parallel_loop3A_233 = arith.andi %parallel_loop3A_231, %parallel_loop3A_232 : i32
        %parallel_loop3A_234 = arith.constant 4 : i32
        %parallel_loop3A_235 = arith.shrsi %parallel_loop3A_231, %parallel_loop3A_234 : i32
        %parallel_loop3A_236 = arith.constant 112 : i32
        %parallel_loop3A_237 = vector.broadcast %parallel_loop3A_236 : i32 to vector<16xi32>
        %parallel_loop3A_238 = arith.addi %iota3A, %parallel_loop3A_237 : vector<16xi32>
        %parallel_loop3A_239 = vector.broadcast %parallel_loop3A_233 : i32 to vector<16xi32>
        %parallel_loop3A_240 = arith.addi %iota3A, %parallel_loop3A_239 : vector<16xi32>
        %parallel_loop3A_241 = arith.constant 15 : i32
        %parallel_loop3A_242 = vector.broadcast %parallel_loop3A_241 : i32 to vector<16xi32>
        %parallel_loop3A_243 = arith.andi %parallel_loop3A_240, %parallel_loop3A_242 : vector<16xi32>
        %parallel_loop3A_244 = arith.constant 16 : i32
        %parallel_loop3A_245 = arith.muli %parallel_loop3A_235, %parallel_loop3A_244 : i32
        %parallel_loop3A_246 = vector.broadcast %parallel_loop3A_245 : i32 to vector<16xi32>
        %parallel_loop3A_247 = arith.addi %parallel_loop3A_243, %parallel_loop3A_246 : vector<16xi32>
        %parallel_loop3A_248 = arith.addi %and3A_115, %parallel_loop3A_247 : vector<16xi32>
        %parallel_loop3A_249 = tpu.vector_load_idx %arg7[%parallel_loop3A_238, %parallel_loop3A_248] : memref<128x128xf32, #tpu.memory_space<vmem>>[vector<16xi32>, vector<16xi32>], vector<16xf32>,
        %parallel_loop3A_250 = arith.constant 8.000000e+00 : f32
        %parallel_loop3A_251 = vector.broadcast %parallel_loop3A_250 : f32 to vector<16xf32>
        %parallel_loop3A_252 = arith.mulf %parallel_loop3A_249, %parallel_loop3A_251 : vector<16xf32>
        tpu.vector_store_idx %arg9[%parallel_loop3A_247, %parallel_loop3A_238], %parallel_loop3A_252 : memref<64x128xf32, #tpu.memory_space<vmem>>[vector<16xi32>, vector<16xi32>], vector<16xf32>,
      } {sc.loop_unroll_factor = 8 : i64, sc.parallel_access}
      %dma_start3A_119 = arith.constant 0 : i32
      %dma_start3A_120 = tpu.memref_slice %arg4[%add3A_40, %dma_start3A_119, %multiple_of3A] : memref<50x64x4096xf32, #tpu.memory_space<hbm>> -> memref<1x64x128xf32, #tpu.memory_space<hbm>>
      %dma_start3A_121 = tpu.memref_squeeze %dma_start3A_120 : memref<1x64x128xf32, #tpu.memory_space<hbm>> -> memref<64x128xf32, #tpu.memory_space<hbm>>
      %dma_start3A_122 = arith.constant 0 : i32
      %dma_start3A_123 = tpu.memref_slice %arg4[%add3A_40, %dma_start3A_122, %multiple_of3A] : memref<50x64x4096xf32, #tpu.memory_space<hbm>> -> memref<1x64x128xf32, #tpu.memory_space<hbm>>
      %dma_start3A_124 = tpu.memref_squeeze %dma_start3A_123 : memref<1x64x128xf32, #tpu.memory_space<hbm>> -> memref<64x128xf32, #tpu.memory_space<hbm>>
      tpu.enqueue_dma source(%arg9 : memref<64x128xf32, #tpu.memory_space<vmem>>) target(%dma_start3A_124 : memref<64x128xf32, #tpu.memory_space<hbm>>) target_semaphore(%arg13 : memref<!tpu.dma_semaphore, #tpu.memory_space<semaphore_mem>>)
      %add3A_125 = arith.constant 2 : i32
      %add3A_126 = arith.addi %add3A_40, %add3A_125 : i32
      %lt3A = arith.constant 50 : i32
      %lt3A_127 = arith.cmpi slt, %add3A_126, %lt3A : i32
      %convert_element_type3A_128 = arith.extui %lt3A_127 : i1 to i32
      %cond3A_129 = arith.constant 0 : i32
      %cond3A_130 = arith.cmpi ne, %convert_element_type3A_128, %cond3A_129 : i32
      scf.if %cond3A_130 {
        %add3A_231 = arith.constant 2 : i32
        %add3A_232 = arith.addi %add3A_40, %add3A_231 : i32
        %dma_start3A_233 = arith.constant 0 : i32
        %dma_start3A_234 = tpu.memref_slice %arg6[%add3A_232, %dma_start3A_233] : memref<56x128xi32, #tpu.memory_space<vmem>> -> memref<1x128xi32, #tpu.memory_space<vmem>>
        %dma_start3A_235 = tpu.memref_squeeze %dma_start3A_234 : memref<1x128xi32, #tpu.memory_space<vmem>> -> memref<128xi32, #tpu.memory_space<vmem>>
        %dma_start3A_236 = arith.constant 0 : i32
        %dma_start3A_237 = arith.constant 0 : i32
        %dma_start3A_238 = tpu.memref_slice %arg2[%dma_start3A_236, %dma_start3A_237] : memref<500032x128xf32, #tpu.memory_space<hbm>> -> memref<500032x128xf32, #tpu.memory_space<hbm>>
        tpu.enqueue_indirect_dma source(%dma_start3A_238 : memref<500032x128xf32, #tpu.memory_space<hbm>>) target(%arg7 : memref<128x128xf32, #tpu.memory_space<vmem>>) offsets(%dma_start3A_235 : memref<128xi32, #tpu.memory_space<vmem>>) semaphore(%arg11 : memref<!tpu.dma_semaphore, #tpu.memory_space<semaphore_mem>>)
      } else {
      }
      %mul3A_131 = arith.constant 2 : i32
      %mul3A_132 = arith.muli %mul3A_131, %scan3A_36 : i32
      %add3A_133 = arith.constant 1 : i32
      %add3A_134 = arith.addi %mul3A_132, %add3A_133 : i32
      %dma_wait3A_135 = arith.constant 0 : i32
      %dma_wait3A_136 = tpu.memref_slice %arg6[%add3A_134, %dma_wait3A_135] : memref<56x128xi32, #tpu.memory_space<vmem>> -> memref<1x128xi32, #tpu.memory_space<vmem>>
      %dma_wait3A_137 = tpu.memref_squeeze %dma_wait3A_136 : memref<1x128xi32, #tpu.memory_space<vmem>> -> memref<128xi32, #tpu.memory_space<vmem>>
      %dma_wait3A_138 = arith.constant 0 : i32
      %dma_wait3A_139 = arith.constant 0 : i32
      %dma_wait3A_140 = tpu.memref_slice %arg2[%dma_wait3A_138, %dma_wait3A_139] : memref<500032x128xf32, #tpu.memory_space<hbm>> -> memref<500032x128xf32, #tpu.memory_space<hbm>>
      tpu.wait_indirect_dma semaphore(%arg12 : memref<!tpu.dma_semaphore, #tpu.memory_space<semaphore_mem>>) src(%dma_wait3A_140 : memref<500032x128xf32, #tpu.memory_space<hbm>>) dst(%arg8 : memref<128x128xf32, #tpu.memory_space<vmem>>)
      %gt3A_141 = arith.constant 0 : i32
      %gt3A_142 = arith.cmpi sgt, %scan3A_36, %gt3A_141 : i32
      %convert_element_type3A_143 = arith.extui %gt3A_142 : i1 to i32
      %cond3A_144 = arith.constant 0 : i32
      %cond3A_145 = arith.cmpi ne, %convert_element_type3A_143, %cond3A_144 : i32
      scf.if %cond3A_145 {
        %sub3A = arith.constant 2 : i32
        %sub3A_231 = arith.subi %add3A_134, %sub3A : i32
        %dma_wait3A_232 = arith.constant 0 : i32
        %dma_wait3A_233 = tpu.memref_slice %arg4[%sub3A_231, %dma_wait3A_232, %multiple_of3A] : memref<50x64x4096xf32, #tpu.memory_space<hbm>> -> memref<1x64x128xf32, #tpu.memory_space<hbm>>
        %dma_wait3A_234 = tpu.memref_squeeze %dma_wait3A_233 : memref<1x64x128xf32, #tpu.memory_space<hbm>> -> memref<64x128xf32, #tpu.memory_space<hbm>>
        %dma_wait3A_235 = arith.constant 0 : i32
        %dma_wait3A_236 = tpu.memref_slice %arg4[%sub3A_231, %dma_wait3A_235, %multiple_of3A] : memref<50x64x4096xf32, #tpu.memory_space<hbm>> -> memref<1x64x128xf32, #tpu.memory_space<hbm>>
        %dma_wait3A_237 = tpu.memref_squeeze %dma_wait3A_236 : memref<1x64x128xf32, #tpu.memory_space<hbm>> -> memref<64x128xf32, #tpu.memory_space<hbm>>
        tpu.wait_dma2 semaphore(%arg14 : memref<!tpu.dma_semaphore, #tpu.memory_space<semaphore_mem>>) src(%arg10 : memref<64x128xf32, #tpu.memory_space<vmem>>) dst(%dma_wait3A_237 : memref<64x128xf32, #tpu.memory_space<hbm>>)
      } else {
      }
      %get3A_146 = arith.index_cast %add3A_134 : i32 to index
      %get3A_147 = arith.constant 0 : index
      %get3A_148 = tpu.vector_load %arg5[%get3A_146, %get3A_147] {strides = array<i32>} : memref<56x128xi32, #tpu.memory_space<vmem>>, vector<16xi32>,
      %and3A_149 = arith.constant 64 : i32
      %and3A_150 = vector.broadcast %and3A_149 : i32 to vector<16xi32>
      %and3A_151 = arith.andi %get3A_148, %and3A_150 : vector<16xi32>
      %parallel_loop3A_152 = arith.constant 0 : i32
      %parallel_loop3A_153 = arith.constant 64 : i32
      %parallel_loop3A_154 = arith.constant 1 : i32
      scf.for %parallel_loop3A_231 = %parallel_loop3A_152 to %parallel_loop3A_153 step %parallel_loop3A_154  : i32 {
        %parallel_loop3A_232 = arith.constant 15 : i32
        %parallel_loop3A_233 = arith.andi %parallel_loop3A_231, %parallel_loop3A_232 : i32
        %parallel_loop3A_234 = arith.constant 4 : i32
        %parallel_loop3A_235 = arith.shrsi %parallel_loop3A_231, %parallel_loop3A_234 : i32
        %parallel_loop3A_236 = arith.constant 0 : i32
        %parallel_loop3A_237 = vector.broadcast %parallel_loop3A_236 : i32 to vector<16xi32>
        %parallel_loop3A_238 = arith.addi %iota3A, %parallel_loop3A_237 : vector<16xi32>
        %parallel_loop3A_239 = vector.broadcast %parallel_loop3A_233 : i32 to vector<16xi32>
        %parallel_loop3A_240 = arith.addi %iota3A, %parallel_loop3A_239 : vector<16xi32>
        %parallel_loop3A_241 = arith.constant 15 : i32
        %parallel_loop3A_242 = vector.broadcast %parallel_loop3A_241 : i32 to vector<16xi32>
        %parallel_loop3A_243 = arith.andi %parallel_loop3A_240, %parallel_loop3A_242 : vector<16xi32>
        %parallel_loop3A_244 = arith.constant 16 : i32
        %parallel_loop3A_245 = arith.muli %parallel_loop3A_235, %parallel_loop3A_244 : i32
        %parallel_loop3A_246 = vector.broadcast %parallel_loop3A_245 : i32 to vector<16xi32>
        %parallel_loop3A_247 = arith.addi %parallel_loop3A_243, %parallel_loop3A_246 : vector<16xi32>
        %parallel_loop3A_248 = arith.addi %and3A_151, %parallel_loop3A_247 : vector<16xi32>
        %parallel_loop3A_249 = tpu.vector_load_idx %arg8[%parallel_loop3A_238, %parallel_loop3A_248] : memref<128x128xf32, #tpu.memory_space<vmem>>[vector<16xi32>, vector<16xi32>], vector<16xf32>,
        %parallel_loop3A_250 = arith.constant 8.000000e+00 : f32
        %parallel_loop3A_251 = vector.broadcast %parallel_loop3A_250 : f32 to vector<16xf32>
        %parallel_loop3A_252 = arith.mulf %parallel_loop3A_249, %parallel_loop3A_251 : vector<16xf32>
        tpu.vector_store_idx %arg10[%parallel_loop3A_247, %parallel_loop3A_238], %parallel_loop3A_252 : memref<64x128xf32, #tpu.memory_space<vmem>>[vector<16xi32>, vector<16xi32>], vector<16xf32>,
      } {sc.loop_unroll_factor = 8 : i64, sc.parallel_access}
      %get3A_155 = arith.index_cast %add3A_134 : i32 to index
      %get3A_156 = arith.constant 16 : index
      %get3A_157 = tpu.vector_load %arg5[%get3A_155, %get3A_156] {strides = array<i32>} : memref<56x128xi32, #tpu.memory_space<vmem>>, vector<16xi32>,
      %and3A_158 = arith.constant 64 : i32
      %and3A_159 = vector.broadcast %and3A_158 : i32 to vector<16xi32>
      %and3A_160 = arith.andi %get3A_157, %and3A_159 : vector<16xi32>
      %parallel_loop3A_161 = arith.constant 0 : i32
      %parallel_loop3A_162 = arith.constant 64 : i32
      %parallel_loop3A_163 = arith.constant 1 : i32
      scf.for %parallel_loop3A_231 = %parallel_loop3A_161 to %parallel_loop3A_162 step %parallel_loop3A_163  : i32 {
        %parallel_loop3A_232 = arith.constant 15 : i32
        %parallel_loop3A_233 = arith.andi %parallel_loop3A_231, %parallel_loop3A_232 : i32
        %parallel_loop3A_234 = arith.constant 4 : i32
        %parallel_loop3A_235 = arith.shrsi %parallel_loop3A_231, %parallel_loop3A_234 : i32
        %parallel_loop3A_236 = arith.constant 16 : i32
        %parallel_loop3A_237 = vector.broadcast %parallel_loop3A_236 : i32 to vector<16xi32>
        %parallel_loop3A_238 = arith.addi %iota3A, %parallel_loop3A_237 : vector<16xi32>
        %parallel_loop3A_239 = vector.broadcast %parallel_loop3A_233 : i32 to vector<16xi32>
        %parallel_loop3A_240 = arith.addi %iota3A, %parallel_loop3A_239 : vector<16xi32>
        %parallel_loop3A_241 = arith.constant 15 : i32
        %parallel_loop3A_242 = vector.broadcast %parallel_loop3A_241 : i32 to vector<16xi32>
        %parallel_loop3A_243 = arith.andi %parallel_loop3A_240, %parallel_loop3A_242 : vector<16xi32>
        %parallel_loop3A_244 = arith.constant 16 : i32
        %parallel_loop3A_245 = arith.muli %parallel_loop3A_235, %parallel_loop3A_244 : i32
        %parallel_loop3A_246 = vector.broadcast %parallel_loop3A_245 : i32 to vector<16xi32>
        %parallel_loop3A_247 = arith.addi %parallel_loop3A_243, %parallel_loop3A_246 : vector<16xi32>
        %parallel_loop3A_248 = arith.addi %and3A_160, %parallel_loop3A_247 : vector<16xi32>
        %parallel_loop3A_249 = tpu.vector_load_idx %arg8[%parallel_loop3A_238, %parallel_loop3A_248] : memref<128x128xf32, #tpu.memory_space<vmem>>[vector<16xi32>, vector<16xi32>], vector<16xf32>,
        %parallel_loop3A_250 = arith.constant 8.000000e+00 : f32
        %parallel_loop3A_251 = vector.broadcast %parallel_loop3A_250 : f32 to vector<16xf32>
        %parallel_loop3A_252 = arith.mulf %parallel_loop3A_249, %parallel_loop3A_251 : vector<16xf32>
        tpu.vector_store_idx %arg10[%parallel_loop3A_247, %parallel_loop3A_238], %parallel_loop3A_252 : memref<64x128xf32, #tpu.memory_space<vmem>>[vector<16xi32>, vector<16xi32>], vector<16xf32>,
      } {sc.loop_unroll_factor = 8 : i64, sc.parallel_access}
      %get3A_164 = arith.index_cast %add3A_134 : i32 to index
      %get3A_165 = arith.constant 32 : index
      %get3A_166 = tpu.vector_load %arg5[%get3A_164, %get3A_165] {strides = array<i32>} : memref<56x128xi32, #tpu.memory_space<vmem>>, vector<16xi32>,
      %and3A_167 = arith.constant 64 : i32
      %and3A_168 = vector.broadcast %and3A_167 : i32 to vector<16xi32>
      %and3A_169 = arith.andi %get3A_166, %and3A_168 : vector<16xi32>
      %parallel_loop3A_170 = arith.constant 0 : i32
      %parallel_loop3A_171 = arith.constant 64 : i32
      %parallel_loop3A_172 = arith.constant 1 : i32
      scf.for %parallel_loop3A_231 = %parallel_loop3A_170 to %parallel_loop3A_171 step %parallel_loop3A_172  : i32 {
        %parallel_loop3A_232 = arith.constant 15 : i32
        %parallel_loop3A_233 = arith.andi %parallel_loop3A_231, %parallel_loop3A_232 : i32
        %parallel_loop3A_234 = arith.constant 4 : i32
        %parallel_loop3A_235 = arith.shrsi %parallel_loop3A_231, %parallel_loop3A_234 : i32
        %parallel_loop3A_236 = arith.constant 32 : i32
        %parallel_loop3A_237 = vector.broadcast %parallel_loop3A_236 : i32 to vector<16xi32>
        %parallel_loop3A_238 = arith.addi %iota3A, %parallel_loop3A_237 : vector<16xi32>
        %parallel_loop3A_239 = vector.broadcast %parallel_loop3A_233 : i32 to vector<16xi32>
        %parallel_loop3A_240 = arith.addi %iota3A, %parallel_loop3A_239 : vector<16xi32>
        %parallel_loop3A_241 = arith.constant 15 : i32
        %parallel_loop3A_242 = vector.broadcast %parallel_loop3A_241 : i32 to vector<16xi32>
        %parallel_loop3A_243 = arith.andi %parallel_loop3A_240, %parallel_loop3A_242 : vector<16xi32>
        %parallel_loop3A_244 = arith.constant 16 : i32
        %parallel_loop3A_245 = arith.muli %parallel_loop3A_235, %parallel_loop3A_244 : i32
        %parallel_loop3A_246 = vector.broadcast %parallel_loop3A_245 : i32 to vector<16xi32>
        %parallel_loop3A_247 = arith.addi %parallel_loop3A_243, %parallel_loop3A_246 : vector<16xi32>
        %parallel_loop3A_248 = arith.addi %and3A_169, %parallel_loop3A_247 : vector<16xi32>
        %parallel_loop3A_249 = tpu.vector_load_idx %arg8[%parallel_loop3A_238, %parallel_loop3A_248] : memref<128x128xf32, #tpu.memory_space<vmem>>[vector<16xi32>, vector<16xi32>], vector<16xf32>,
        %parallel_loop3A_250 = arith.constant 8.000000e+00 : f32
        %parallel_loop3A_251 = vector.broadcast %parallel_loop3A_250 : f32 to vector<16xf32>
        %parallel_loop3A_252 = arith.mulf %parallel_loop3A_249, %parallel_loop3A_251 : vector<16xf32>
        tpu.vector_store_idx %arg10[%parallel_loop3A_247, %parallel_loop3A_238], %parallel_loop3A_252 : memref<64x128xf32, #tpu.memory_space<vmem>>[vector<16xi32>, vector<16xi32>], vector<16xf32>,
      } {sc.loop_unroll_factor = 8 : i64, sc.parallel_access}
      %get3A_173 = arith.index_cast %add3A_134 : i32 to index
      %get3A_174 = arith.constant 48 : index
      %get3A_175 = tpu.vector_load %arg5[%get3A_173, %get3A_174] {strides = array<i32>} : memref<56x128xi32, #tpu.memory_space<vmem>>, vector<16xi32>,
      %and3A_176 = arith.constant 64 : i32
      %and3A_177 = vector.broadcast %and3A_176 : i32 to vector<16xi32>
      %and3A_178 = arith.andi %get3A_175, %and3A_177 : vector<16xi32>
      %parallel_loop3A_179 = arith.constant 0 : i32
      %parallel_loop3A_180 = arith.constant 64 : i32
      %parallel_loop3A_181 = arith.constant 1 : i32
      scf.for %parallel_loop3A_231 = %parallel_loop3A_179 to %parallel_loop3A_180 step %parallel_loop3A_181  : i32 {
        %parallel_loop3A_232 = arith.constant 15 : i32
        %parallel_loop3A_233 = arith.andi %parallel_loop3A_231, %parallel_loop3A_232 : i32
        %parallel_loop3A_234 = arith.constant 4 : i32
        %parallel_loop3A_235 = arith.shrsi %parallel_loop3A_231, %parallel_loop3A_234 : i32
        %parallel_loop3A_236 = arith.constant 48 : i32
        %parallel_loop3A_237 = vector.broadcast %parallel_loop3A_236 : i32 to vector<16xi32>
        %parallel_loop3A_238 = arith.addi %iota3A, %parallel_loop3A_237 : vector<16xi32>
        %parallel_loop3A_239 = vector.broadcast %parallel_loop3A_233 : i32 to vector<16xi32>
        %parallel_loop3A_240 = arith.addi %iota3A, %parallel_loop3A_239 : vector<16xi32>
        %parallel_loop3A_241 = arith.constant 15 : i32
        %parallel_loop3A_242 = vector.broadcast %parallel_loop3A_241 : i32 to vector<16xi32>
        %parallel_loop3A_243 = arith.andi %parallel_loop3A_240, %parallel_loop3A_242 : vector<16xi32>
        %parallel_loop3A_244 = arith.constant 16 : i32
        %parallel_loop3A_245 = arith.muli %parallel_loop3A_235, %parallel_loop3A_244 : i32
        %parallel_loop3A_246 = vector.broadcast %parallel_loop3A_245 : i32 to vector<16xi32>
        %parallel_loop3A_247 = arith.addi %parallel_loop3A_243, %parallel_loop3A_246 : vector<16xi32>
        %parallel_loop3A_248 = arith.addi %and3A_178, %parallel_loop3A_247 : vector<16xi32>
        %parallel_loop3A_249 = tpu.vector_load_idx %arg8[%parallel_loop3A_238, %parallel_loop3A_248] : memref<128x128xf32, #tpu.memory_space<vmem>>[vector<16xi32>, vector<16xi32>], vector<16xf32>,
        %parallel_loop3A_250 = arith.constant 8.000000e+00 : f32
        %parallel_loop3A_251 = vector.broadcast %parallel_loop3A_250 : f32 to vector<16xf32>
        %parallel_loop3A_252 = arith.mulf %parallel_loop3A_249, %parallel_loop3A_251 : vector<16xf32>
        tpu.vector_store_idx %arg10[%parallel_loop3A_247, %parallel_loop3A_238], %parallel_loop3A_252 : memref<64x128xf32, #tpu.memory_space<vmem>>[vector<16xi32>, vector<16xi32>], vector<16xf32>,
      } {sc.loop_unroll_factor = 8 : i64, sc.parallel_access}
      %get3A_182 = arith.index_cast %add3A_134 : i32 to index
      %get3A_183 = arith.constant 64 : index
      %get3A_184 = tpu.vector_load %arg5[%get3A_182, %get3A_183] {strides = array<i32>} : memref<56x128xi32, #tpu.memory_space<vmem>>, vector<16xi32>,
      %and3A_185 = arith.constant 64 : i32
      %and3A_186 = vector.broadcast %and3A_185 : i32 to vector<16xi32>
      %and3A_187 = arith.andi %get3A_184, %and3A_186 : vector<16xi32>
      %parallel_loop3A_188 = arith.constant 0 : i32
      %parallel_loop3A_189 = arith.constant 64 : i32
      %parallel_loop3A_190 = arith.constant 1 : i32
      scf.for %parallel_loop3A_231 = %parallel_loop3A_188 to %parallel_loop3A_189 step %parallel_loop3A_190  : i32 {
        %parallel_loop3A_232 = arith.constant 15 : i32
        %parallel_loop3A_233 = arith.andi %parallel_loop3A_231, %parallel_loop3A_232 : i32
        %parallel_loop3A_234 = arith.constant 4 : i32
        %parallel_loop3A_235 = arith.shrsi %parallel_loop3A_231, %parallel_loop3A_234 : i32
        %parallel_loop3A_236 = arith.constant 64 : i32
        %parallel_loop3A_237 = vector.broadcast %parallel_loop3A_236 : i32 to vector<16xi32>
        %parallel_loop3A_238 = arith.addi %iota3A, %parallel_loop3A_237 : vector<16xi32>
        %parallel_loop3A_239 = vector.broadcast %parallel_loop3A_233 : i32 to vector<16xi32>
        %parallel_loop3A_240 = arith.addi %iota3A, %parallel_loop3A_239 : vector<16xi32>
        %parallel_loop3A_241 = arith.constant 15 : i32
        %parallel_loop3A_242 = vector.broadcast %parallel_loop3A_241 : i32 to vector<16xi32>
        %parallel_loop3A_243 = arith.andi %parallel_loop3A_240, %parallel_loop3A_242 : vector<16xi32>
        %parallel_loop3A_244 = arith.constant 16 : i32
        %parallel_loop3A_245 = arith.muli %parallel_loop3A_235, %parallel_loop3A_244 : i32
        %parallel_loop3A_246 = vector.broadcast %parallel_loop3A_245 : i32 to vector<16xi32>
        %parallel_loop3A_247 = arith.addi %parallel_loop3A_243, %parallel_loop3A_246 : vector<16xi32>
        %parallel_loop3A_248 = arith.addi %and3A_187, %parallel_loop3A_247 : vector<16xi32>
        %parallel_loop3A_249 = tpu.vector_load_idx %arg8[%parallel_loop3A_238, %parallel_loop3A_248] : memref<128x128xf32, #tpu.memory_space<vmem>>[vector<16xi32>, vector<16xi32>], vector<16xf32>,
        %parallel_loop3A_250 = arith.constant 8.000000e+00 : f32
        %parallel_loop3A_251 = vector.broadcast %parallel_loop3A_250 : f32 to vector<16xf32>
        %parallel_loop3A_252 = arith.mulf %parallel_loop3A_249, %parallel_loop3A_251 : vector<16xf32>
        tpu.vector_store_idx %arg10[%parallel_loop3A_247, %parallel_loop3A_238], %parallel_loop3A_252 : memref<64x128xf32, #tpu.memory_space<vmem>>[vector<16xi32>, vector<16xi32>], vector<16xf32>,
      } {sc.loop_unroll_factor = 8 : i64, sc.parallel_access}
      %get3A_191 = arith.index_cast %add3A_134 : i32 to index
      %get3A_192 = arith.constant 80 : index
      %get3A_193 = tpu.vector_load %arg5[%get3A_191, %get3A_192] {strides = array<i32>} : memref<56x128xi32, #tpu.memory_space<vmem>>, vector<16xi32>,
      %and3A_194 = arith.constant 64 : i32
      %and3A_195 = vector.broadcast %and3A_194 : i32 to vector<16xi32>
      %and3A_196 = arith.andi %get3A_193, %and3A_195 : vector<16xi32>
      %parallel_loop3A_197 = arith.constant 0 : i32
      %parallel_loop3A_198 = arith.constant 64 : i32
      %parallel_loop3A_199 = arith.constant 1 : i32
      scf.for %parallel_loop3A_231 = %parallel_loop3A_197 to %parallel_loop3A_198 step %parallel_loop3A_199  : i32 {
        %parallel_loop3A_232 = arith.constant 15 : i32
        %parallel_loop3A_233 = arith.andi %parallel_loop3A_231, %parallel_loop3A_232 : i32
        %parallel_loop3A_234 = arith.constant 4 : i32
        %parallel_loop3A_235 = arith.shrsi %parallel_loop3A_231, %parallel_loop3A_234 : i32
        %parallel_loop3A_236 = arith.constant 80 : i32
        %parallel_loop3A_237 = vector.broadcast %parallel_loop3A_236 : i32 to vector<16xi32>
        %parallel_loop3A_238 = arith.addi %iota3A, %parallel_loop3A_237 : vector<16xi32>
        %parallel_loop3A_239 = vector.broadcast %parallel_loop3A_233 : i32 to vector<16xi32>
        %parallel_loop3A_240 = arith.addi %iota3A, %parallel_loop3A_239 : vector<16xi32>
        %parallel_loop3A_241 = arith.constant 15 : i32
        %parallel_loop3A_242 = vector.broadcast %parallel_loop3A_241 : i32 to vector<16xi32>
        %parallel_loop3A_243 = arith.andi %parallel_loop3A_240, %parallel_loop3A_242 : vector<16xi32>
        %parallel_loop3A_244 = arith.constant 16 : i32
        %parallel_loop3A_245 = arith.muli %parallel_loop3A_235, %parallel_loop3A_244 : i32
        %parallel_loop3A_246 = vector.broadcast %parallel_loop3A_245 : i32 to vector<16xi32>
        %parallel_loop3A_247 = arith.addi %parallel_loop3A_243, %parallel_loop3A_246 : vector<16xi32>
        %parallel_loop3A_248 = arith.addi %and3A_196, %parallel_loop3A_247 : vector<16xi32>
        %parallel_loop3A_249 = tpu.vector_load_idx %arg8[%parallel_loop3A_238, %parallel_loop3A_248] : memref<128x128xf32, #tpu.memory_space<vmem>>[vector<16xi32>, vector<16xi32>], vector<16xf32>,
        %parallel_loop3A_250 = arith.constant 8.000000e+00 : f32
        %parallel_loop3A_251 = vector.broadcast %parallel_loop3A_250 : f32 to vector<16xf32>
        %parallel_loop3A_252 = arith.mulf %parallel_loop3A_249, %parallel_loop3A_251 : vector<16xf32>
        tpu.vector_store_idx %arg10[%parallel_loop3A_247, %parallel_loop3A_238], %parallel_loop3A_252 : memref<64x128xf32, #tpu.memory_space<vmem>>[vector<16xi32>, vector<16xi32>], vector<16xf32>,
      } {sc.loop_unroll_factor = 8 : i64, sc.parallel_access}
      %get3A_200 = arith.index_cast %add3A_134 : i32 to index
      %get3A_201 = arith.constant 96 : index
      %get3A_202 = tpu.vector_load %arg5[%get3A_200, %get3A_201] {strides = array<i32>} : memref<56x128xi32, #tpu.memory_space<vmem>>, vector<16xi32>,
      %and3A_203 = arith.constant 64 : i32
      %and3A_204 = vector.broadcast %and3A_203 : i32 to vector<16xi32>
      %and3A_205 = arith.andi %get3A_202, %and3A_204 : vector<16xi32>
      %parallel_loop3A_206 = arith.constant 0 : i32
      %parallel_loop3A_207 = arith.constant 64 : i32
      %parallel_loop3A_208 = arith.constant 1 : i32
      scf.for %parallel_loop3A_231 = %parallel_loop3A_206 to %parallel_loop3A_207 step %parallel_loop3A_208  : i32 {
        %parallel_loop3A_232 = arith.constant 15 : i32
        %parallel_loop3A_233 = arith.andi %parallel_loop3A_231, %parallel_loop3A_232 : i32
        %parallel_loop3A_234 = arith.constant 4 : i32
        %parallel_loop3A_235 = arith.shrsi %parallel_loop3A_231, %parallel_loop3A_234 : i32
        %parallel_loop3A_236 = arith.constant 96 : i32
        %parallel_loop3A_237 = vector.broadcast %parallel_loop3A_236 : i32 to vector<16xi32>
        %parallel_loop3A_238 = arith.addi %iota3A, %parallel_loop3A_237 : vector<16xi32>
        %parallel_loop3A_239 = vector.broadcast %parallel_loop3A_233 : i32 to vector<16xi32>
        %parallel_loop3A_240 = arith.addi %iota3A, %parallel_loop3A_239 : vector<16xi32>
        %parallel_loop3A_241 = arith.constant 15 : i32
        %parallel_loop3A_242 = vector.broadcast %parallel_loop3A_241 : i32 to vector<16xi32>
        %parallel_loop3A_243 = arith.andi %parallel_loop3A_240, %parallel_loop3A_242 : vector<16xi32>
        %parallel_loop3A_244 = arith.constant 16 : i32
        %parallel_loop3A_245 = arith.muli %parallel_loop3A_235, %parallel_loop3A_244 : i32
        %parallel_loop3A_246 = vector.broadcast %parallel_loop3A_245 : i32 to vector<16xi32>
        %parallel_loop3A_247 = arith.addi %parallel_loop3A_243, %parallel_loop3A_246 : vector<16xi32>
        %parallel_loop3A_248 = arith.addi %and3A_205, %parallel_loop3A_247 : vector<16xi32>
        %parallel_loop3A_249 = tpu.vector_load_idx %arg8[%parallel_loop3A_238, %parallel_loop3A_248] : memref<128x128xf32, #tpu.memory_space<vmem>>[vector<16xi32>, vector<16xi32>], vector<16xf32>,
        %parallel_loop3A_250 = arith.constant 8.000000e+00 : f32
        %parallel_loop3A_251 = vector.broadcast %parallel_loop3A_250 : f32 to vector<16xf32>
        %parallel_loop3A_252 = arith.mulf %parallel_loop3A_249, %parallel_loop3A_251 : vector<16xf32>
        tpu.vector_store_idx %arg10[%parallel_loop3A_247, %parallel_loop3A_238], %parallel_loop3A_252 : memref<64x128xf32, #tpu.memory_space<vmem>>[vector<16xi32>, vector<16xi32>], vector<16xf32>,
      } {sc.loop_unroll_factor = 8 : i64, sc.parallel_access}
      %get3A_209 = arith.index_cast %add3A_134 : i32 to index
      %get3A_210 = arith.constant 112 : index
      %get3A_211 = tpu.vector_load %arg5[%get3A_209, %get3A_210] {strides = array<i32>} : memref<56x128xi32, #tpu.memory_space<vmem>>, vector<16xi32>,
      %and3A_212 = arith.constant 64 : i32
      %and3A_213 = vector.broadcast %and3A_212 : i32 to vector<16xi32>
      %and3A_214 = arith.andi %get3A_211, %and3A_213 : vector<16xi32>
      %parallel_loop3A_215 = arith.constant 0 : i32
      %parallel_loop3A_216 = arith.constant 64 : i32
      %parallel_loop3A_217 = arith.constant 1 : i32
      scf.for %parallel_loop3A_231 = %parallel_loop3A_215 to %parallel_loop3A_216 step %parallel_loop3A_217  : i32 {
        %parallel_loop3A_232 = arith.constant 15 : i32
        %parallel_loop3A_233 = arith.andi %parallel_loop3A_231, %parallel_loop3A_232 : i32
        %parallel_loop3A_234 = arith.constant 4 : i32
        %parallel_loop3A_235 = arith.shrsi %parallel_loop3A_231, %parallel_loop3A_234 : i32
        %parallel_loop3A_236 = arith.constant 112 : i32
        %parallel_loop3A_237 = vector.broadcast %parallel_loop3A_236 : i32 to vector<16xi32>
        %parallel_loop3A_238 = arith.addi %iota3A, %parallel_loop3A_237 : vector<16xi32>
        %parallel_loop3A_239 = vector.broadcast %parallel_loop3A_233 : i32 to vector<16xi32>
        %parallel_loop3A_240 = arith.addi %iota3A, %parallel_loop3A_239 : vector<16xi32>
        %parallel_loop3A_241 = arith.constant 15 : i32
        %parallel_loop3A_242 = vector.broadcast %parallel_loop3A_241 : i32 to vector<16xi32>
        %parallel_loop3A_243 = arith.andi %parallel_loop3A_240, %parallel_loop3A_242 : vector<16xi32>
        %parallel_loop3A_244 = arith.constant 16 : i32
        %parallel_loop3A_245 = arith.muli %parallel_loop3A_235, %parallel_loop3A_244 : i32
        %parallel_loop3A_246 = vector.broadcast %parallel_loop3A_245 : i32 to vector<16xi32>
        %parallel_loop3A_247 = arith.addi %parallel_loop3A_243, %parallel_loop3A_246 : vector<16xi32>
        %parallel_loop3A_248 = arith.addi %and3A_214, %parallel_loop3A_247 : vector<16xi32>
        %parallel_loop3A_249 = tpu.vector_load_idx %arg8[%parallel_loop3A_238, %parallel_loop3A_248] : memref<128x128xf32, #tpu.memory_space<vmem>>[vector<16xi32>, vector<16xi32>], vector<16xf32>,
        %parallel_loop3A_250 = arith.constant 8.000000e+00 : f32
        %parallel_loop3A_251 = vector.broadcast %parallel_loop3A_250 : f32 to vector<16xf32>
        %parallel_loop3A_252 = arith.mulf %parallel_loop3A_249, %parallel_loop3A_251 : vector<16xf32>
        tpu.vector_store_idx %arg10[%parallel_loop3A_247, %parallel_loop3A_238], %parallel_loop3A_252 : memref<64x128xf32, #tpu.memory_space<vmem>>[vector<16xi32>, vector<16xi32>], vector<16xf32>,
      } {sc.loop_unroll_factor = 8 : i64, sc.parallel_access}
      %dma_start3A_218 = arith.constant 0 : i32
      %dma_start3A_219 = tpu.memref_slice %arg4[%add3A_134, %dma_start3A_218, %multiple_of3A] : memref<50x64x4096xf32, #tpu.memory_space<hbm>> -> memref<1x64x128xf32, #tpu.memory_space<hbm>>
      %dma_start3A_220 = tpu.memref_squeeze %dma_start3A_219 : memref<1x64x128xf32, #tpu.memory_space<hbm>> -> memref<64x128xf32, #tpu.memory_space<hbm>>
      %dma_start3A_221 = arith.constant 0 : i32
      %dma_start3A_222 = tpu.memref_slice %arg4[%add3A_134, %dma_start3A_221, %multiple_of3A] : memref<50x64x4096xf32, #tpu.memory_space<hbm>> -> memref<1x64x128xf32, #tpu.memory_space<hbm>>
      %dma_start3A_223 = tpu.memref_squeeze %dma_start3A_222 : memref<1x64x128xf32, #tpu.memory_space<hbm>> -> memref<64x128xf32, #tpu.memory_space<hbm>>
      tpu.enqueue_dma source(%arg10 : memref<64x128xf32, #tpu.memory_space<vmem>>) target(%dma_start3A_223 : memref<64x128xf32, #tpu.memory_space<hbm>>) target_semaphore(%arg14 : memref<!tpu.dma_semaphore, #tpu.memory_space<semaphore_mem>>)
      %add3A_224 = arith.constant 2 : i32
      %add3A_225 = arith.addi %add3A_134, %add3A_224 : i32
      %lt3A_226 = arith.constant 50 : i32
      %lt3A_227 = arith.cmpi slt, %add3A_225, %lt3A_226 : i32
      %convert_element_type3A_228 = arith.extui %lt3A_227 : i1 to i32
      %cond3A_229 = arith.constant 0 : i32
      %cond3A_230 = arith.cmpi ne, %convert_element_type3A_228, %cond3A_229 : i32
      scf.if %cond3A_230 {
        %add3A_231 = arith.constant 2 : i32
        %add3A_232 = arith.addi %add3A_134, %add3A_231 : i32
        %dma_start3A_233 = arith.constant 0 : i32
        %dma_start3A_234 = tpu.memref_slice %arg6[%add3A_232, %dma_start3A_233] : memref<56x128xi32, #tpu.memory_space<vmem>> -> memref<1x128xi32, #tpu.memory_space<vmem>>
        %dma_start3A_235 = tpu.memref_squeeze %dma_start3A_234 : memref<1x128xi32, #tpu.memory_space<vmem>> -> memref<128xi32, #tpu.memory_space<vmem>>
        %dma_start3A_236 = arith.constant 0 : i32
        %dma_start3A_237 = arith.constant 0 : i32
        %dma_start3A_238 = tpu.memref_slice %arg2[%dma_start3A_236, %dma_start3A_237] : memref<500032x128xf32, #tpu.memory_space<hbm>> -> memref<500032x128xf32, #tpu.memory_space<hbm>>
        tpu.enqueue_indirect_dma source(%dma_start3A_238 : memref<500032x128xf32, #tpu.memory_space<hbm>>) target(%arg8 : memref<128x128xf32, #tpu.memory_space<vmem>>) offsets(%dma_start3A_235 : memref<128xi32, #tpu.memory_space<vmem>>) semaphore(%arg12 : memref<!tpu.dma_semaphore, #tpu.memory_space<semaphore_mem>>)
      } else {
      }
    }
    %scan3A_22 = arith.constant 25 : i32
    %dma_wait3A = arith.constant 48 : i32
    %dma_wait3A_23 = arith.constant 0 : i32
    %dma_wait3A_24 = tpu.memref_slice %arg4[%dma_wait3A, %dma_wait3A_23, %multiple_of3A] : memref<50x64x4096xf32, #tpu.memory_space<hbm>> -> memref<1x64x128xf32, #tpu.memory_space<hbm>>
    %dma_wait3A_25 = tpu.memref_squeeze %dma_wait3A_24 : memref<1x64x128xf32, #tpu.memory_space<hbm>> -> memref<64x128xf32, #tpu.memory_space<hbm>>
    %dma_wait3A_26 = arith.constant 0 : i32
    %dma_wait3A_27 = tpu.memref_slice %arg4[%dma_wait3A, %dma_wait3A_26, %multiple_of3A] : memref<50x64x4096xf32, #tpu.memory_space<hbm>> -> memref<1x64x128xf32, #tpu.memory_space<hbm>>
    %dma_wait3A_28 = tpu.memref_squeeze %dma_wait3A_27 : memref<1x64x128xf32, #tpu.memory_space<hbm>> -> memref<64x128xf32, #tpu.memory_space<hbm>>
    tpu.wait_dma2 semaphore(%arg13 : memref<!tpu.dma_semaphore, #tpu.memory_space<semaphore_mem>>) src(%arg9 : memref<64x128xf32, #tpu.memory_space<vmem>>) dst(%dma_wait3A_28 : memref<64x128xf32, #tpu.memory_space<hbm>>)
    %dma_wait3A_29 = arith.constant 49 : i32
    %dma_wait3A_30 = arith.constant 0 : i32
    %dma_wait3A_31 = tpu.memref_slice %arg4[%dma_wait3A_29, %dma_wait3A_30, %multiple_of3A] : memref<50x64x4096xf32, #tpu.memory_space<hbm>> -> memref<1x64x128xf32, #tpu.memory_space<hbm>>
    %dma_wait3A_32 = tpu.memref_squeeze %dma_wait3A_31 : memref<1x64x128xf32, #tpu.memory_space<hbm>> -> memref<64x128xf32, #tpu.memory_space<hbm>>
    %dma_wait3A_33 = arith.constant 0 : i32
    %dma_wait3A_34 = tpu.memref_slice %arg4[%dma_wait3A_29, %dma_wait3A_33, %multiple_of3A] : memref<50x64x4096xf32, #tpu.memory_space<hbm>> -> memref<1x64x128xf32, #tpu.memory_space<hbm>>
    %dma_wait3A_35 = tpu.memref_squeeze %dma_wait3A_34 : memref<1x64x128xf32, #tpu.memory_space<hbm>> -> memref<64x128xf32, #tpu.memory_space<hbm>>
    tpu.wait_dma2 semaphore(%arg14 : memref<!tpu.dma_semaphore, #tpu.memory_space<semaphore_mem>>) src(%arg10 : memref<64x128xf32, #tpu.memory_space<vmem>>) dst(%dma_wait3A_35 : memref<64x128xf32, #tpu.memory_space<hbm>>)
    return
  }
}

#map = affine_map<(d0, d1) -> (0, 0)>
module attributes {stable_mosaic.version = 14 : i64} {
  func.func @_table_body(%arg0: i32, %arg1: i32, %arg2: memref<64x1000000xf32, #tpu.memory_space<hbm>>, %arg3: memref<64x128xf32, #tpu.memory_space<hbm>>, %arg4: memref<500032x128xf32, #tpu.memory_space<hbm>>, %arg5: memref<64x128xf32, #tpu.memory_space<vmem>>, %arg6: memref<64x128xf32, #tpu.memory_space<vmem>>, %arg7: memref<64x128xf32, #tpu.memory_space<vmem>>, %arg8: memref<64x128xf32, #tpu.memory_space<vmem>>, %arg9: memref<64x128xf32, #tpu.memory_space<vmem>>, %arg10: memref<!tpu.dma_semaphore, #tpu.memory_space<semaphore_mem>>, %arg11: memref<!tpu.dma_semaphore, #tpu.memory_space<semaphore_mem>>, %arg12: memref<!tpu.dma_semaphore, #tpu.memory_space<semaphore_mem>>, %arg13: memref<!tpu.dma_semaphore, #tpu.memory_space<semaphore_mem>>) attributes {dimension_semantics = [#tpu.dimension_semantics<core_parallel>, #tpu.dimension_semantics<subcore_parallel>], iteration_bounds = array<i64: 2, 16>, scalar_prefetch = 0 : i64, scratch_operands = 9 : i64, tpu.core_type = #tpu.core_type<sc_vector_subcore>, window_params = [{transform_indices = #map}, {transform_indices = #map}, {transform_indices = #map}]} {
    %mul3A = arith.constant 2 : i32
    %mul3A_0 = arith.muli %arg1, %mul3A : i32
    %add3A = arith.addi %mul3A_0, %arg0 : i32
    %mul3A_1 = arith.constant 244 : i32
    %mul3A_2 = arith.muli %add3A, %mul3A_1 : i32
    %min3A = arith.constant 4 : i32
    %min3A_3 = arith.minsi %add3A, %min3A : i32
    %add3A_4 = arith.addi %mul3A_2, %min3A_3 : i32
    %mul3A_5 = arith.constant 128 : i32
    %mul3A_6 = arith.muli %add3A_4, %mul3A_5 : i32
    %multiple_of3A = tpu.assume_multiple %mul3A_6, 128 : i32
    %dma_start3A = arith.constant 0 : i32
    %dma_start3A_7 = tpu.memref_slice %arg2[%dma_start3A, %multiple_of3A] : memref<64x1000000xf32, #tpu.memory_space<hbm>> -> memref<64x128xf32, #tpu.memory_space<hbm>>
    %dma_start3A_8 = arith.constant 0 : i32
    %dma_start3A_9 = tpu.memref_slice %arg2[%dma_start3A_8, %multiple_of3A] : memref<64x1000000xf32, #tpu.memory_space<hbm>> -> memref<64x128xf32, #tpu.memory_space<hbm>>
    tpu.enqueue_dma source(%dma_start3A_9 : memref<64x128xf32, #tpu.memory_space<hbm>>) target(%arg5 : memref<64x128xf32, #tpu.memory_space<vmem>>) target_semaphore(%arg10 : memref<!tpu.dma_semaphore, #tpu.memory_space<semaphore_mem>>)
    %add3A_10 = arith.constant 1 : i32
    %add3A_11 = arith.addi %add3A_4, %add3A_10 : i32
    %mul3A_12 = arith.constant 128 : i32
    %mul3A_13 = arith.muli %add3A_11, %mul3A_12 : i32
    %multiple_of3A_14 = tpu.assume_multiple %mul3A_13, 128 : i32
    %dma_start3A_15 = arith.constant 0 : i32
    %dma_start3A_16 = tpu.memref_slice %arg2[%dma_start3A_15, %multiple_of3A_14] : memref<64x1000000xf32, #tpu.memory_space<hbm>> -> memref<64x128xf32, #tpu.memory_space<hbm>>
    %dma_start3A_17 = arith.constant 0 : i32
    %dma_start3A_18 = tpu.memref_slice %arg2[%dma_start3A_17, %multiple_of3A_14] : memref<64x1000000xf32, #tpu.memory_space<hbm>> -> memref<64x128xf32, #tpu.memory_space<hbm>>
    tpu.enqueue_dma source(%dma_start3A_18 : memref<64x128xf32, #tpu.memory_space<hbm>>) target(%arg6 : memref<64x128xf32, #tpu.memory_space<vmem>>) target_semaphore(%arg11 : memref<!tpu.dma_semaphore, #tpu.memory_space<semaphore_mem>>)
    %scan3A = arith.constant 0 : i32
    %scan3A_19 = arith.constant 0 : i32
    %scan3A_20 = arith.constant 122 : i32
    %scan3A_21 = arith.addi %scan3A_19, %scan3A_20 : i32
    %scan3A_22 = arith.constant 1 : i32
    scf.for %scan3A_50 = %scan3A_19 to %scan3A_21 step %scan3A_22  : i32 {
      %mul3A_51 = arith.constant 2 : i32
      %mul3A_52 = arith.muli %mul3A_51, %scan3A_50 : i32
      %add3A_53 = arith.addi %add3A_4, %mul3A_52 : i32
      %add3A_54 = arith.constant 0 : i32
      %add3A_55 = arith.addi %add3A_53, %add3A_54 : i32
      %mul3A_56 = arith.constant 128 : i32
      %mul3A_57 = arith.muli %add3A_55, %mul3A_56 : i32
      %multiple_of3A_58 = tpu.assume_multiple %mul3A_57, 128 : i32
      %dma_wait3A_59 = arith.constant 0 : i32
      %dma_wait3A_60 = tpu.memref_slice %arg2[%dma_wait3A_59, %multiple_of3A_58] : memref<64x1000000xf32, #tpu.memory_space<hbm>> -> memref<64x128xf32, #tpu.memory_space<hbm>>
      %dma_wait3A_61 = arith.constant 0 : i32
      %dma_wait3A_62 = tpu.memref_slice %arg2[%dma_wait3A_61, %multiple_of3A_58] : memref<64x1000000xf32, #tpu.memory_space<hbm>> -> memref<64x128xf32, #tpu.memory_space<hbm>>
      tpu.wait_dma2 semaphore(%arg10 : memref<!tpu.dma_semaphore, #tpu.memory_space<semaphore_mem>>) src(%dma_wait3A_62 : memref<64x128xf32, #tpu.memory_space<hbm>>) dst(%arg5 : memref<64x128xf32, #tpu.memory_space<vmem>>)
      %gt3A = arith.constant 0 : i32
      %gt3A_63 = arith.cmpi sgt, %scan3A_50, %gt3A : i32
      %convert_element_type3A_64 = arith.extui %gt3A_63 : i1 to i32
      %cond3A_65 = arith.constant 0 : i32
      %cond3A_66 = arith.cmpi ne, %convert_element_type3A_64, %cond3A_65 : i32
      scf.if %cond3A_66 {
        %sub3A_168 = arith.constant 2 : i32
        %sub3A_169 = arith.subi %add3A_55, %sub3A_168 : i32
        %mul3A_170 = arith.constant 64 : i32
        %mul3A_171 = arith.muli %sub3A_169, %mul3A_170 : i32
        %multiple_of3A_172 = tpu.assume_multiple %mul3A_171, 64 : i32
        %dma_wait3A_173 = arith.constant 0 : i32
        %dma_wait3A_174 = tpu.memref_slice %arg4[%multiple_of3A_172, %dma_wait3A_173] : memref<500032x128xf32, #tpu.memory_space<hbm>> -> memref<64x128xf32, #tpu.memory_space<hbm>>
        %dma_wait3A_175 = arith.constant 0 : i32
        %dma_wait3A_176 = tpu.memref_slice %arg4[%multiple_of3A_172, %dma_wait3A_175] : memref<500032x128xf32, #tpu.memory_space<hbm>> -> memref<64x128xf32, #tpu.memory_space<hbm>>
        tpu.wait_dma2 semaphore(%arg12 : memref<!tpu.dma_semaphore, #tpu.memory_space<semaphore_mem>>) src(%dma_wait3A_176 : memref<64x128xf32, #tpu.memory_space<hbm>>) dst(%arg7 : memref<64x128xf32, #tpu.memory_space<vmem>>)
      } else {
      }
      %iota3A = tpu.iota {dimensions = array<i32: 0>} : vector<16xi32>
      %add3A_67 = arith.constant 0 : i32
      %add3A_68 = vector.broadcast %add3A_67 : i32 to vector<16xi32>
      %add3A_69 = arith.addi %iota3A, %add3A_68 : vector<16xi32>
      %parallel_loop3A = arith.constant 0 : i32
      %parallel_loop3A_70 = arith.constant 128 : i32
      %parallel_loop3A_71 = arith.constant 1 : i32
      scf.for %parallel_loop3A_168 = %parallel_loop3A to %parallel_loop3A_70 step %parallel_loop3A_71  : i32 {
        %parallel_loop3A_169 = vector.broadcast %parallel_loop3A_168 : i32 to vector<16xi32>
        %parallel_loop3A_170 = arith.addi %iota3A, %parallel_loop3A_169 : vector<16xi32>
        %parallel_loop3A_171 = arith.constant 15 : i32
        %parallel_loop3A_172 = vector.broadcast %parallel_loop3A_171 : i32 to vector<16xi32>
        %parallel_loop3A_173 = arith.andi %parallel_loop3A_170, %parallel_loop3A_172 : vector<16xi32>
        %parallel_loop3A_174 = arith.constant 4 : i32
        %parallel_loop3A_175 = arith.shrsi %parallel_loop3A_168, %parallel_loop3A_174 : i32
        %parallel_loop3A_176 = arith.constant 4 : i32
        %parallel_loop3A_177 = arith.shli %parallel_loop3A_175, %parallel_loop3A_176 : i32
        %parallel_loop3A_178 = vector.broadcast %parallel_loop3A_177 : i32 to vector<16xi32>
        %parallel_loop3A_179 = arith.addi %parallel_loop3A_173, %parallel_loop3A_178 : vector<16xi32>
        %parallel_loop3A_180 = tpu.vector_load_idx %arg5[%add3A_69, %parallel_loop3A_179] : memref<64x128xf32, #tpu.memory_space<vmem>>[vector<16xi32>, vector<16xi32>], vector<16xf32>,
        %parallel_loop3A_181 = arith.constant 63 : i32
        %parallel_loop3A_182 = vector.broadcast %parallel_loop3A_181 : i32 to vector<16xi32>
        %parallel_loop3A_183 = arith.andi %parallel_loop3A_179, %parallel_loop3A_182 : vector<16xi32>
        %parallel_loop3A_184 = arith.constant 64 : i32
        %parallel_loop3A_185 = vector.broadcast %parallel_loop3A_184 : i32 to vector<16xi32>
        %parallel_loop3A_186 = arith.andi %parallel_loop3A_179, %parallel_loop3A_185 : vector<16xi32>
        %parallel_loop3A_187 = arith.addi %parallel_loop3A_186, %add3A_69 : vector<16xi32>
        tpu.vector_store_idx %arg7[%parallel_loop3A_183, %parallel_loop3A_187], %parallel_loop3A_180 : memref<64x128xf32, #tpu.memory_space<vmem>>[vector<16xi32>, vector<16xi32>], vector<16xf32>,
      } {sc.loop_unroll_factor = 8 : i64, sc.parallel_access}
      %add3A_72 = arith.constant 16 : i32
      %add3A_73 = vector.broadcast %add3A_72 : i32 to vector<16xi32>
      %add3A_74 = arith.addi %iota3A, %add3A_73 : vector<16xi32>
      %parallel_loop3A_75 = arith.constant 0 : i32
      %parallel_loop3A_76 = arith.constant 128 : i32
      %parallel_loop3A_77 = arith.constant 1 : i32
      scf.for %parallel_loop3A_168 = %parallel_loop3A_75 to %parallel_loop3A_76 step %parallel_loop3A_77  : i32 {
        %parallel_loop3A_169 = vector.broadcast %parallel_loop3A_168 : i32 to vector<16xi32>
        %parallel_loop3A_170 = arith.addi %iota3A, %parallel_loop3A_169 : vector<16xi32>
        %parallel_loop3A_171 = arith.constant 15 : i32
        %parallel_loop3A_172 = vector.broadcast %parallel_loop3A_171 : i32 to vector<16xi32>
        %parallel_loop3A_173 = arith.andi %parallel_loop3A_170, %parallel_loop3A_172 : vector<16xi32>
        %parallel_loop3A_174 = arith.constant 4 : i32
        %parallel_loop3A_175 = arith.shrsi %parallel_loop3A_168, %parallel_loop3A_174 : i32
        %parallel_loop3A_176 = arith.constant 4 : i32
        %parallel_loop3A_177 = arith.shli %parallel_loop3A_175, %parallel_loop3A_176 : i32
        %parallel_loop3A_178 = vector.broadcast %parallel_loop3A_177 : i32 to vector<16xi32>
        %parallel_loop3A_179 = arith.addi %parallel_loop3A_173, %parallel_loop3A_178 : vector<16xi32>
        %parallel_loop3A_180 = tpu.vector_load_idx %arg5[%add3A_74, %parallel_loop3A_179] : memref<64x128xf32, #tpu.memory_space<vmem>>[vector<16xi32>, vector<16xi32>], vector<16xf32>,
        %parallel_loop3A_181 = arith.constant 63 : i32
        %parallel_loop3A_182 = vector.broadcast %parallel_loop3A_181 : i32 to vector<16xi32>
        %parallel_loop3A_183 = arith.andi %parallel_loop3A_179, %parallel_loop3A_182 : vector<16xi32>
        %parallel_loop3A_184 = arith.constant 64 : i32
        %parallel_loop3A_185 = vector.broadcast %parallel_loop3A_184 : i32 to vector<16xi32>
        %parallel_loop3A_186 = arith.andi %parallel_loop3A_179, %parallel_loop3A_185 : vector<16xi32>
        %parallel_loop3A_187 = arith.addi %parallel_loop3A_186, %add3A_74 : vector<16xi32>
        tpu.vector_store_idx %arg7[%parallel_loop3A_183, %parallel_loop3A_187], %parallel_loop3A_180 : memref<64x128xf32, #tpu.memory_space<vmem>>[vector<16xi32>, vector<16xi32>], vector<16xf32>,
      } {sc.loop_unroll_factor = 8 : i64, sc.parallel_access}
      %add3A_78 = arith.constant 32 : i32
      %add3A_79 = vector.broadcast %add3A_78 : i32 to vector<16xi32>
      %add3A_80 = arith.addi %iota3A, %add3A_79 : vector<16xi32>
      %parallel_loop3A_81 = arith.constant 0 : i32
      %parallel_loop3A_82 = arith.constant 128 : i32
      %parallel_loop3A_83 = arith.constant 1 : i32
      scf.for %parallel_loop3A_168 = %parallel_loop3A_81 to %parallel_loop3A_82 step %parallel_loop3A_83  : i32 {
        %parallel_loop3A_169 = vector.broadcast %parallel_loop3A_168 : i32 to vector<16xi32>
        %parallel_loop3A_170 = arith.addi %iota3A, %parallel_loop3A_169 : vector<16xi32>
        %parallel_loop3A_171 = arith.constant 15 : i32
        %parallel_loop3A_172 = vector.broadcast %parallel_loop3A_171 : i32 to vector<16xi32>
        %parallel_loop3A_173 = arith.andi %parallel_loop3A_170, %parallel_loop3A_172 : vector<16xi32>
        %parallel_loop3A_174 = arith.constant 4 : i32
        %parallel_loop3A_175 = arith.shrsi %parallel_loop3A_168, %parallel_loop3A_174 : i32
        %parallel_loop3A_176 = arith.constant 4 : i32
        %parallel_loop3A_177 = arith.shli %parallel_loop3A_175, %parallel_loop3A_176 : i32
        %parallel_loop3A_178 = vector.broadcast %parallel_loop3A_177 : i32 to vector<16xi32>
        %parallel_loop3A_179 = arith.addi %parallel_loop3A_173, %parallel_loop3A_178 : vector<16xi32>
        %parallel_loop3A_180 = tpu.vector_load_idx %arg5[%add3A_80, %parallel_loop3A_179] : memref<64x128xf32, #tpu.memory_space<vmem>>[vector<16xi32>, vector<16xi32>], vector<16xf32>,
        %parallel_loop3A_181 = arith.constant 63 : i32
        %parallel_loop3A_182 = vector.broadcast %parallel_loop3A_181 : i32 to vector<16xi32>
        %parallel_loop3A_183 = arith.andi %parallel_loop3A_179, %parallel_loop3A_182 : vector<16xi32>
        %parallel_loop3A_184 = arith.constant 64 : i32
        %parallel_loop3A_185 = vector.broadcast %parallel_loop3A_184 : i32 to vector<16xi32>
        %parallel_loop3A_186 = arith.andi %parallel_loop3A_179, %parallel_loop3A_185 : vector<16xi32>
        %parallel_loop3A_187 = arith.addi %parallel_loop3A_186, %add3A_80 : vector<16xi32>
        tpu.vector_store_idx %arg7[%parallel_loop3A_183, %parallel_loop3A_187], %parallel_loop3A_180 : memref<64x128xf32, #tpu.memory_space<vmem>>[vector<16xi32>, vector<16xi32>], vector<16xf32>,
      } {sc.loop_unroll_factor = 8 : i64, sc.parallel_access}
      %add3A_84 = arith.constant 48 : i32
      %add3A_85 = vector.broadcast %add3A_84 : i32 to vector<16xi32>
      %add3A_86 = arith.addi %iota3A, %add3A_85 : vector<16xi32>
      %parallel_loop3A_87 = arith.constant 0 : i32
      %parallel_loop3A_88 = arith.constant 128 : i32
      %parallel_loop3A_89 = arith.constant 1 : i32
      scf.for %parallel_loop3A_168 = %parallel_loop3A_87 to %parallel_loop3A_88 step %parallel_loop3A_89  : i32 {
        %parallel_loop3A_169 = vector.broadcast %parallel_loop3A_168 : i32 to vector<16xi32>
        %parallel_loop3A_170 = arith.addi %iota3A, %parallel_loop3A_169 : vector<16xi32>
        %parallel_loop3A_171 = arith.constant 15 : i32
        %parallel_loop3A_172 = vector.broadcast %parallel_loop3A_171 : i32 to vector<16xi32>
        %parallel_loop3A_173 = arith.andi %parallel_loop3A_170, %parallel_loop3A_172 : vector<16xi32>
        %parallel_loop3A_174 = arith.constant 4 : i32
        %parallel_loop3A_175 = arith.shrsi %parallel_loop3A_168, %parallel_loop3A_174 : i32
        %parallel_loop3A_176 = arith.constant 4 : i32
        %parallel_loop3A_177 = arith.shli %parallel_loop3A_175, %parallel_loop3A_176 : i32
        %parallel_loop3A_178 = vector.broadcast %parallel_loop3A_177 : i32 to vector<16xi32>
        %parallel_loop3A_179 = arith.addi %parallel_loop3A_173, %parallel_loop3A_178 : vector<16xi32>
        %parallel_loop3A_180 = tpu.vector_load_idx %arg5[%add3A_86, %parallel_loop3A_179] : memref<64x128xf32, #tpu.memory_space<vmem>>[vector<16xi32>, vector<16xi32>], vector<16xf32>,
        %parallel_loop3A_181 = arith.constant 63 : i32
        %parallel_loop3A_182 = vector.broadcast %parallel_loop3A_181 : i32 to vector<16xi32>
        %parallel_loop3A_183 = arith.andi %parallel_loop3A_179, %parallel_loop3A_182 : vector<16xi32>
        %parallel_loop3A_184 = arith.constant 64 : i32
        %parallel_loop3A_185 = vector.broadcast %parallel_loop3A_184 : i32 to vector<16xi32>
        %parallel_loop3A_186 = arith.andi %parallel_loop3A_179, %parallel_loop3A_185 : vector<16xi32>
        %parallel_loop3A_187 = arith.addi %parallel_loop3A_186, %add3A_86 : vector<16xi32>
        tpu.vector_store_idx %arg7[%parallel_loop3A_183, %parallel_loop3A_187], %parallel_loop3A_180 : memref<64x128xf32, #tpu.memory_space<vmem>>[vector<16xi32>, vector<16xi32>], vector<16xf32>,
      } {sc.loop_unroll_factor = 8 : i64, sc.parallel_access}
      %mul3A_90 = arith.constant 64 : i32
      %mul3A_91 = arith.muli %add3A_55, %mul3A_90 : i32
      %multiple_of3A_92 = tpu.assume_multiple %mul3A_91, 64 : i32
      %dma_start3A_93 = arith.constant 0 : i32
      %dma_start3A_94 = tpu.memref_slice %arg4[%multiple_of3A_92, %dma_start3A_93] : memref<500032x128xf32, #tpu.memory_space<hbm>> -> memref<64x128xf32, #tpu.memory_space<hbm>>
      %dma_start3A_95 = arith.constant 0 : i32
      %dma_start3A_96 = tpu.memref_slice %arg4[%multiple_of3A_92, %dma_start3A_95] : memref<500032x128xf32, #tpu.memory_space<hbm>> -> memref<64x128xf32, #tpu.memory_space<hbm>>
      tpu.enqueue_dma source(%arg7 : memref<64x128xf32, #tpu.memory_space<vmem>>) target(%dma_start3A_96 : memref<64x128xf32, #tpu.memory_space<hbm>>) target_semaphore(%arg12 : memref<!tpu.dma_semaphore, #tpu.memory_space<semaphore_mem>>)
      %mul3A_97 = arith.constant 2 : i32
      %mul3A_98 = arith.muli %mul3A_97, %scan3A_50 : i32
      %add3A_99 = arith.constant 0 : i32
      %add3A_100 = arith.addi %mul3A_98, %add3A_99 : i32
      %add3A_101 = arith.constant 2 : i32
      %add3A_102 = arith.addi %add3A_100, %add3A_101 : i32
      %lt3A_103 = arith.constant 244 : i32
      %lt3A_104 = arith.cmpi slt, %add3A_102, %lt3A_103 : i32
      %convert_element_type3A_105 = arith.extui %lt3A_104 : i1 to i32
      %cond3A_106 = arith.constant 0 : i32
      %cond3A_107 = arith.cmpi ne, %convert_element_type3A_105, %cond3A_106 : i32
      scf.if %cond3A_107 {
        %add3A_168 = arith.constant 2 : i32
        %add3A_169 = arith.addi %add3A_55, %add3A_168 : i32
        %mul3A_170 = arith.constant 128 : i32
        %mul3A_171 = arith.muli %add3A_169, %mul3A_170 : i32
        %multiple_of3A_172 = tpu.assume_multiple %mul3A_171, 128 : i32
        %dma_start3A_173 = arith.constant 0 : i32
        %dma_start3A_174 = tpu.memref_slice %arg2[%dma_start3A_173, %multiple_of3A_172] : memref<64x1000000xf32, #tpu.memory_space<hbm>> -> memref<64x128xf32, #tpu.memory_space<hbm>>
        %dma_start3A_175 = arith.constant 0 : i32
        %dma_start3A_176 = tpu.memref_slice %arg2[%dma_start3A_175, %multiple_of3A_172] : memref<64x1000000xf32, #tpu.memory_space<hbm>> -> memref<64x128xf32, #tpu.memory_space<hbm>>
        tpu.enqueue_dma source(%dma_start3A_176 : memref<64x128xf32, #tpu.memory_space<hbm>>) target(%arg5 : memref<64x128xf32, #tpu.memory_space<vmem>>) target_semaphore(%arg10 : memref<!tpu.dma_semaphore, #tpu.memory_space<semaphore_mem>>)
      } else {
      }
      %mul3A_108 = arith.constant 2 : i32
      %mul3A_109 = arith.muli %mul3A_108, %scan3A_50 : i32
      %add3A_110 = arith.addi %add3A_4, %mul3A_109 : i32
      %add3A_111 = arith.constant 1 : i32
      %add3A_112 = arith.addi %add3A_110, %add3A_111 : i32
      %mul3A_113 = arith.constant 128 : i32
      %mul3A_114 = arith.muli %add3A_112, %mul3A_113 : i32
      %multiple_of3A_115 = tpu.assume_multiple %mul3A_114, 128 : i32
      %dma_wait3A_116 = arith.constant 0 : i32
      %dma_wait3A_117 = tpu.memref_slice %arg2[%dma_wait3A_116, %multiple_of3A_115] : memref<64x1000000xf32, #tpu.memory_space<hbm>> -> memref<64x128xf32, #tpu.memory_space<hbm>>
      %dma_wait3A_118 = arith.constant 0 : i32
      %dma_wait3A_119 = tpu.memref_slice %arg2[%dma_wait3A_118, %multiple_of3A_115] : memref<64x1000000xf32, #tpu.memory_space<hbm>> -> memref<64x128xf32, #tpu.memory_space<hbm>>
      tpu.wait_dma2 semaphore(%arg11 : memref<!tpu.dma_semaphore, #tpu.memory_space<semaphore_mem>>) src(%dma_wait3A_119 : memref<64x128xf32, #tpu.memory_space<hbm>>) dst(%arg6 : memref<64x128xf32, #tpu.memory_space<vmem>>)
      %gt3A_120 = arith.constant 0 : i32
      %gt3A_121 = arith.cmpi sgt, %scan3A_50, %gt3A_120 : i32
      %convert_element_type3A_122 = arith.extui %gt3A_121 : i1 to i32
      %cond3A_123 = arith.constant 0 : i32
      %cond3A_124 = arith.cmpi ne, %convert_element_type3A_122, %cond3A_123 : i32
      scf.if %cond3A_124 {
        %sub3A_168 = arith.constant 2 : i32
        %sub3A_169 = arith.subi %add3A_112, %sub3A_168 : i32
        %mul3A_170 = arith.constant 64 : i32
        %mul3A_171 = arith.muli %sub3A_169, %mul3A_170 : i32
        %multiple_of3A_172 = tpu.assume_multiple %mul3A_171, 64 : i32
        %dma_wait3A_173 = arith.constant 0 : i32
        %dma_wait3A_174 = tpu.memref_slice %arg4[%multiple_of3A_172, %dma_wait3A_173] : memref<500032x128xf32, #tpu.memory_space<hbm>> -> memref<64x128xf32, #tpu.memory_space<hbm>>
        %dma_wait3A_175 = arith.constant 0 : i32
        %dma_wait3A_176 = tpu.memref_slice %arg4[%multiple_of3A_172, %dma_wait3A_175] : memref<500032x128xf32, #tpu.memory_space<hbm>> -> memref<64x128xf32, #tpu.memory_space<hbm>>
        tpu.wait_dma2 semaphore(%arg13 : memref<!tpu.dma_semaphore, #tpu.memory_space<semaphore_mem>>) src(%dma_wait3A_176 : memref<64x128xf32, #tpu.memory_space<hbm>>) dst(%arg8 : memref<64x128xf32, #tpu.memory_space<vmem>>)
      } else {
      }
      %iota3A_125 = tpu.iota {dimensions = array<i32: 0>} : vector<16xi32>
      %add3A_126 = arith.constant 0 : i32
      %add3A_127 = vector.broadcast %add3A_126 : i32 to vector<16xi32>
      %add3A_128 = arith.addi %iota3A_125, %add3A_127 : vector<16xi32>
      %parallel_loop3A_129 = arith.constant 0 : i32
      %parallel_loop3A_130 = arith.constant 128 : i32
      %parallel_loop3A_131 = arith.constant 1 : i32
      scf.for %parallel_loop3A_168 = %parallel_loop3A_129 to %parallel_loop3A_130 step %parallel_loop3A_131  : i32 {
        %parallel_loop3A_169 = vector.broadcast %parallel_loop3A_168 : i32 to vector<16xi32>
        %parallel_loop3A_170 = arith.addi %iota3A_125, %parallel_loop3A_169 : vector<16xi32>
        %parallel_loop3A_171 = arith.constant 15 : i32
        %parallel_loop3A_172 = vector.broadcast %parallel_loop3A_171 : i32 to vector<16xi32>
        %parallel_loop3A_173 = arith.andi %parallel_loop3A_170, %parallel_loop3A_172 : vector<16xi32>
        %parallel_loop3A_174 = arith.constant 4 : i32
        %parallel_loop3A_175 = arith.shrsi %parallel_loop3A_168, %parallel_loop3A_174 : i32
        %parallel_loop3A_176 = arith.constant 4 : i32
        %parallel_loop3A_177 = arith.shli %parallel_loop3A_175, %parallel_loop3A_176 : i32
        %parallel_loop3A_178 = vector.broadcast %parallel_loop3A_177 : i32 to vector<16xi32>
        %parallel_loop3A_179 = arith.addi %parallel_loop3A_173, %parallel_loop3A_178 : vector<16xi32>
        %parallel_loop3A_180 = tpu.vector_load_idx %arg6[%add3A_128, %parallel_loop3A_179] : memref<64x128xf32, #tpu.memory_space<vmem>>[vector<16xi32>, vector<16xi32>], vector<16xf32>,
        %parallel_loop3A_181 = arith.constant 63 : i32
        %parallel_loop3A_182 = vector.broadcast %parallel_loop3A_181 : i32 to vector<16xi32>
        %parallel_loop3A_183 = arith.andi %parallel_loop3A_179, %parallel_loop3A_182 : vector<16xi32>
        %parallel_loop3A_184 = arith.constant 64 : i32
        %parallel_loop3A_185 = vector.broadcast %parallel_loop3A_184 : i32 to vector<16xi32>
        %parallel_loop3A_186 = arith.andi %parallel_loop3A_179, %parallel_loop3A_185 : vector<16xi32>
        %parallel_loop3A_187 = arith.addi %parallel_loop3A_186, %add3A_128 : vector<16xi32>
        tpu.vector_store_idx %arg8[%parallel_loop3A_183, %parallel_loop3A_187], %parallel_loop3A_180 : memref<64x128xf32, #tpu.memory_space<vmem>>[vector<16xi32>, vector<16xi32>], vector<16xf32>,
      } {sc.loop_unroll_factor = 8 : i64, sc.parallel_access}
      %add3A_132 = arith.constant 16 : i32
      %add3A_133 = vector.broadcast %add3A_132 : i32 to vector<16xi32>
      %add3A_134 = arith.addi %iota3A_125, %add3A_133 : vector<16xi32>
      %parallel_loop3A_135 = arith.constant 0 : i32
      %parallel_loop3A_136 = arith.constant 128 : i32
      %parallel_loop3A_137 = arith.constant 1 : i32
      scf.for %parallel_loop3A_168 = %parallel_loop3A_135 to %parallel_loop3A_136 step %parallel_loop3A_137  : i32 {
        %parallel_loop3A_169 = vector.broadcast %parallel_loop3A_168 : i32 to vector<16xi32>
        %parallel_loop3A_170 = arith.addi %iota3A_125, %parallel_loop3A_169 : vector<16xi32>
        %parallel_loop3A_171 = arith.constant 15 : i32
        %parallel_loop3A_172 = vector.broadcast %parallel_loop3A_171 : i32 to vector<16xi32>
        %parallel_loop3A_173 = arith.andi %parallel_loop3A_170, %parallel_loop3A_172 : vector<16xi32>
        %parallel_loop3A_174 = arith.constant 4 : i32
        %parallel_loop3A_175 = arith.shrsi %parallel_loop3A_168, %parallel_loop3A_174 : i32
        %parallel_loop3A_176 = arith.constant 4 : i32
        %parallel_loop3A_177 = arith.shli %parallel_loop3A_175, %parallel_loop3A_176 : i32
        %parallel_loop3A_178 = vector.broadcast %parallel_loop3A_177 : i32 to vector<16xi32>
        %parallel_loop3A_179 = arith.addi %parallel_loop3A_173, %parallel_loop3A_178 : vector<16xi32>
        %parallel_loop3A_180 = tpu.vector_load_idx %arg6[%add3A_134, %parallel_loop3A_179] : memref<64x128xf32, #tpu.memory_space<vmem>>[vector<16xi32>, vector<16xi32>], vector<16xf32>,
        %parallel_loop3A_181 = arith.constant 63 : i32
        %parallel_loop3A_182 = vector.broadcast %parallel_loop3A_181 : i32 to vector<16xi32>
        %parallel_loop3A_183 = arith.andi %parallel_loop3A_179, %parallel_loop3A_182 : vector<16xi32>
        %parallel_loop3A_184 = arith.constant 64 : i32
        %parallel_loop3A_185 = vector.broadcast %parallel_loop3A_184 : i32 to vector<16xi32>
        %parallel_loop3A_186 = arith.andi %parallel_loop3A_179, %parallel_loop3A_185 : vector<16xi32>
        %parallel_loop3A_187 = arith.addi %parallel_loop3A_186, %add3A_134 : vector<16xi32>
        tpu.vector_store_idx %arg8[%parallel_loop3A_183, %parallel_loop3A_187], %parallel_loop3A_180 : memref<64x128xf32, #tpu.memory_space<vmem>>[vector<16xi32>, vector<16xi32>], vector<16xf32>,
      } {sc.loop_unroll_factor = 8 : i64, sc.parallel_access}
      %add3A_138 = arith.constant 32 : i32
      %add3A_139 = vector.broadcast %add3A_138 : i32 to vector<16xi32>
      %add3A_140 = arith.addi %iota3A_125, %add3A_139 : vector<16xi32>
      %parallel_loop3A_141 = arith.constant 0 : i32
      %parallel_loop3A_142 = arith.constant 128 : i32
      %parallel_loop3A_143 = arith.constant 1 : i32
      scf.for %parallel_loop3A_168 = %parallel_loop3A_141 to %parallel_loop3A_142 step %parallel_loop3A_143  : i32 {
        %parallel_loop3A_169 = vector.broadcast %parallel_loop3A_168 : i32 to vector<16xi32>
        %parallel_loop3A_170 = arith.addi %iota3A_125, %parallel_loop3A_169 : vector<16xi32>
        %parallel_loop3A_171 = arith.constant 15 : i32
        %parallel_loop3A_172 = vector.broadcast %parallel_loop3A_171 : i32 to vector<16xi32>
        %parallel_loop3A_173 = arith.andi %parallel_loop3A_170, %parallel_loop3A_172 : vector<16xi32>
        %parallel_loop3A_174 = arith.constant 4 : i32
        %parallel_loop3A_175 = arith.shrsi %parallel_loop3A_168, %parallel_loop3A_174 : i32
        %parallel_loop3A_176 = arith.constant 4 : i32
        %parallel_loop3A_177 = arith.shli %parallel_loop3A_175, %parallel_loop3A_176 : i32
        %parallel_loop3A_178 = vector.broadcast %parallel_loop3A_177 : i32 to vector<16xi32>
        %parallel_loop3A_179 = arith.addi %parallel_loop3A_173, %parallel_loop3A_178 : vector<16xi32>
        %parallel_loop3A_180 = tpu.vector_load_idx %arg6[%add3A_140, %parallel_loop3A_179] : memref<64x128xf32, #tpu.memory_space<vmem>>[vector<16xi32>, vector<16xi32>], vector<16xf32>,
        %parallel_loop3A_181 = arith.constant 63 : i32
        %parallel_loop3A_182 = vector.broadcast %parallel_loop3A_181 : i32 to vector<16xi32>
        %parallel_loop3A_183 = arith.andi %parallel_loop3A_179, %parallel_loop3A_182 : vector<16xi32>
        %parallel_loop3A_184 = arith.constant 64 : i32
        %parallel_loop3A_185 = vector.broadcast %parallel_loop3A_184 : i32 to vector<16xi32>
        %parallel_loop3A_186 = arith.andi %parallel_loop3A_179, %parallel_loop3A_185 : vector<16xi32>
        %parallel_loop3A_187 = arith.addi %parallel_loop3A_186, %add3A_140 : vector<16xi32>
        tpu.vector_store_idx %arg8[%parallel_loop3A_183, %parallel_loop3A_187], %parallel_loop3A_180 : memref<64x128xf32, #tpu.memory_space<vmem>>[vector<16xi32>, vector<16xi32>], vector<16xf32>,
      } {sc.loop_unroll_factor = 8 : i64, sc.parallel_access}
      %add3A_144 = arith.constant 48 : i32
      %add3A_145 = vector.broadcast %add3A_144 : i32 to vector<16xi32>
      %add3A_146 = arith.addi %iota3A_125, %add3A_145 : vector<16xi32>
      %parallel_loop3A_147 = arith.constant 0 : i32
      %parallel_loop3A_148 = arith.constant 128 : i32
      %parallel_loop3A_149 = arith.constant 1 : i32
      scf.for %parallel_loop3A_168 = %parallel_loop3A_147 to %parallel_loop3A_148 step %parallel_loop3A_149  : i32 {
        %parallel_loop3A_169 = vector.broadcast %parallel_loop3A_168 : i32 to vector<16xi32>
        %parallel_loop3A_170 = arith.addi %iota3A_125, %parallel_loop3A_169 : vector<16xi32>
        %parallel_loop3A_171 = arith.constant 15 : i32
        %parallel_loop3A_172 = vector.broadcast %parallel_loop3A_171 : i32 to vector<16xi32>
        %parallel_loop3A_173 = arith.andi %parallel_loop3A_170, %parallel_loop3A_172 : vector<16xi32>
        %parallel_loop3A_174 = arith.constant 4 : i32
        %parallel_loop3A_175 = arith.shrsi %parallel_loop3A_168, %parallel_loop3A_174 : i32
        %parallel_loop3A_176 = arith.constant 4 : i32
        %parallel_loop3A_177 = arith.shli %parallel_loop3A_175, %parallel_loop3A_176 : i32
        %parallel_loop3A_178 = vector.broadcast %parallel_loop3A_177 : i32 to vector<16xi32>
        %parallel_loop3A_179 = arith.addi %parallel_loop3A_173, %parallel_loop3A_178 : vector<16xi32>
        %parallel_loop3A_180 = tpu.vector_load_idx %arg6[%add3A_146, %parallel_loop3A_179] : memref<64x128xf32, #tpu.memory_space<vmem>>[vector<16xi32>, vector<16xi32>], vector<16xf32>,
        %parallel_loop3A_181 = arith.constant 63 : i32
        %parallel_loop3A_182 = vector.broadcast %parallel_loop3A_181 : i32 to vector<16xi32>
        %parallel_loop3A_183 = arith.andi %parallel_loop3A_179, %parallel_loop3A_182 : vector<16xi32>
        %parallel_loop3A_184 = arith.constant 64 : i32
        %parallel_loop3A_185 = vector.broadcast %parallel_loop3A_184 : i32 to vector<16xi32>
        %parallel_loop3A_186 = arith.andi %parallel_loop3A_179, %parallel_loop3A_185 : vector<16xi32>
        %parallel_loop3A_187 = arith.addi %parallel_loop3A_186, %add3A_146 : vector<16xi32>
        tpu.vector_store_idx %arg8[%parallel_loop3A_183, %parallel_loop3A_187], %parallel_loop3A_180 : memref<64x128xf32, #tpu.memory_space<vmem>>[vector<16xi32>, vector<16xi32>], vector<16xf32>,
      } {sc.loop_unroll_factor = 8 : i64, sc.parallel_access}
      %mul3A_150 = arith.constant 64 : i32
      %mul3A_151 = arith.muli %add3A_112, %mul3A_150 : i32
      %multiple_of3A_152 = tpu.assume_multiple %mul3A_151, 64 : i32
      %dma_start3A_153 = arith.constant 0 : i32
      %dma_start3A_154 = tpu.memref_slice %arg4[%multiple_of3A_152, %dma_start3A_153] : memref<500032x128xf32, #tpu.memory_space<hbm>> -> memref<64x128xf32, #tpu.memory_space<hbm>>
      %dma_start3A_155 = arith.constant 0 : i32
      %dma_start3A_156 = tpu.memref_slice %arg4[%multiple_of3A_152, %dma_start3A_155] : memref<500032x128xf32, #tpu.memory_space<hbm>> -> memref<64x128xf32, #tpu.memory_space<hbm>>
      tpu.enqueue_dma source(%arg8 : memref<64x128xf32, #tpu.memory_space<vmem>>) target(%dma_start3A_156 : memref<64x128xf32, #tpu.memory_space<hbm>>) target_semaphore(%arg13 : memref<!tpu.dma_semaphore, #tpu.memory_space<semaphore_mem>>)
      %mul3A_157 = arith.constant 2 : i32
      %mul3A_158 = arith.muli %mul3A_157, %scan3A_50 : i32
      %add3A_159 = arith.constant 1 : i32
      %add3A_160 = arith.addi %mul3A_158, %add3A_159 : i32
      %add3A_161 = arith.constant 2 : i32
      %add3A_162 = arith.addi %add3A_160, %add3A_161 : i32
      %lt3A_163 = arith.constant 244 : i32
      %lt3A_164 = arith.cmpi slt, %add3A_162, %lt3A_163 : i32
      %convert_element_type3A_165 = arith.extui %lt3A_164 : i1 to i32
      %cond3A_166 = arith.constant 0 : i32
      %cond3A_167 = arith.cmpi ne, %convert_element_type3A_165, %cond3A_166 : i32
      scf.if %cond3A_167 {
        %add3A_168 = arith.constant 2 : i32
        %add3A_169 = arith.addi %add3A_112, %add3A_168 : i32
        %mul3A_170 = arith.constant 128 : i32
        %mul3A_171 = arith.muli %add3A_169, %mul3A_170 : i32
        %multiple_of3A_172 = tpu.assume_multiple %mul3A_171, 128 : i32
        %dma_start3A_173 = arith.constant 0 : i32
        %dma_start3A_174 = tpu.memref_slice %arg2[%dma_start3A_173, %multiple_of3A_172] : memref<64x1000000xf32, #tpu.memory_space<hbm>> -> memref<64x128xf32, #tpu.memory_space<hbm>>
        %dma_start3A_175 = arith.constant 0 : i32
        %dma_start3A_176 = tpu.memref_slice %arg2[%dma_start3A_175, %multiple_of3A_172] : memref<64x1000000xf32, #tpu.memory_space<hbm>> -> memref<64x128xf32, #tpu.memory_space<hbm>>
        tpu.enqueue_dma source(%dma_start3A_176 : memref<64x128xf32, #tpu.memory_space<hbm>>) target(%arg6 : memref<64x128xf32, #tpu.memory_space<vmem>>) target_semaphore(%arg11 : memref<!tpu.dma_semaphore, #tpu.memory_space<semaphore_mem>>)
      } else {
      }
    }
    %scan3A_23 = arith.constant 122 : i32
    %add3A_24 = arith.constant 244 : i32
    %add3A_25 = arith.addi %add3A_4, %add3A_24 : i32
    %sub3A = arith.constant 2 : i32
    %sub3A_26 = arith.subi %add3A_25, %sub3A : i32
    %mul3A_27 = arith.constant 64 : i32
    %mul3A_28 = arith.muli %sub3A_26, %mul3A_27 : i32
    %multiple_of3A_29 = tpu.assume_multiple %mul3A_28, 64 : i32
    %dma_wait3A = arith.constant 0 : i32
    %dma_wait3A_30 = tpu.memref_slice %arg4[%multiple_of3A_29, %dma_wait3A] : memref<500032x128xf32, #tpu.memory_space<hbm>> -> memref<64x128xf32, #tpu.memory_space<hbm>>
    %dma_wait3A_31 = arith.constant 0 : i32
    %dma_wait3A_32 = tpu.memref_slice %arg4[%multiple_of3A_29, %dma_wait3A_31] : memref<500032x128xf32, #tpu.memory_space<hbm>> -> memref<64x128xf32, #tpu.memory_space<hbm>>
    tpu.wait_dma2 semaphore(%arg12 : memref<!tpu.dma_semaphore, #tpu.memory_space<semaphore_mem>>) src(%dma_wait3A_32 : memref<64x128xf32, #tpu.memory_space<hbm>>) dst(%arg7 : memref<64x128xf32, #tpu.memory_space<vmem>>)
    %add3A_33 = arith.constant 244 : i32
    %add3A_34 = arith.addi %add3A_4, %add3A_33 : i32
    %sub3A_35 = arith.constant 1 : i32
    %sub3A_36 = arith.subi %add3A_34, %sub3A_35 : i32
    %mul3A_37 = arith.constant 64 : i32
    %mul3A_38 = arith.muli %sub3A_36, %mul3A_37 : i32
    %multiple_of3A_39 = tpu.assume_multiple %mul3A_38, 64 : i32
    %dma_wait3A_40 = arith.constant 0 : i32
    %dma_wait3A_41 = tpu.memref_slice %arg4[%multiple_of3A_39, %dma_wait3A_40] : memref<500032x128xf32, #tpu.memory_space<hbm>> -> memref<64x128xf32, #tpu.memory_space<hbm>>
    %dma_wait3A_42 = arith.constant 0 : i32
    %dma_wait3A_43 = tpu.memref_slice %arg4[%multiple_of3A_39, %dma_wait3A_42] : memref<500032x128xf32, #tpu.memory_space<hbm>> -> memref<64x128xf32, #tpu.memory_space<hbm>>
    tpu.wait_dma2 semaphore(%arg13 : memref<!tpu.dma_semaphore, #tpu.memory_space<semaphore_mem>>) src(%dma_wait3A_43 : memref<64x128xf32, #tpu.memory_space<hbm>>) dst(%arg8 : memref<64x128xf32, #tpu.memory_space<vmem>>)
    %lt3A = arith.constant 4 : i32
    %lt3A_44 = arith.cmpi slt, %add3A, %lt3A : i32
    %convert_element_type3A = arith.extui %lt3A_44 : i1 to i32
    %cond3A = arith.constant 0 : i32
    %cond3A_45 = arith.cmpi ne, %convert_element_type3A, %cond3A : i32
    scf.if %cond3A_45 {
      %add3A_50 = arith.constant 244 : i32
      %add3A_51 = arith.addi %add3A_4, %add3A_50 : i32
      %mul3A_52 = arith.constant 128 : i32
      %mul3A_53 = arith.muli %add3A_51, %mul3A_52 : i32
      %multiple_of3A_54 = tpu.assume_multiple %mul3A_53, 128 : i32
      %dma_start3A_55 = arith.constant 0 : i32
      %dma_start3A_56 = tpu.memref_slice %arg2[%dma_start3A_55, %multiple_of3A_54] : memref<64x1000000xf32, #tpu.memory_space<hbm>> -> memref<64x128xf32, #tpu.memory_space<hbm>>
      %dma_start3A_57 = arith.constant 0 : i32
      %dma_start3A_58 = tpu.memref_slice %arg2[%dma_start3A_57, %multiple_of3A_54] : memref<64x1000000xf32, #tpu.memory_space<hbm>> -> memref<64x128xf32, #tpu.memory_space<hbm>>
      tpu.enqueue_dma source(%dma_start3A_58 : memref<64x128xf32, #tpu.memory_space<hbm>>) target(%arg5 : memref<64x128xf32, #tpu.memory_space<vmem>>) target_semaphore(%arg10 : memref<!tpu.dma_semaphore, #tpu.memory_space<semaphore_mem>>)
      %dma_wait3A_59 = arith.constant 0 : i32
      %dma_wait3A_60 = tpu.memref_slice %arg2[%dma_wait3A_59, %multiple_of3A_54] : memref<64x1000000xf32, #tpu.memory_space<hbm>> -> memref<64x128xf32, #tpu.memory_space<hbm>>
      %dma_wait3A_61 = arith.constant 0 : i32
      %dma_wait3A_62 = tpu.memref_slice %arg2[%dma_wait3A_61, %multiple_of3A_54] : memref<64x1000000xf32, #tpu.memory_space<hbm>> -> memref<64x128xf32, #tpu.memory_space<hbm>>
      tpu.wait_dma2 semaphore(%arg10 : memref<!tpu.dma_semaphore, #tpu.memory_space<semaphore_mem>>) src(%dma_wait3A_62 : memref<64x128xf32, #tpu.memory_space<hbm>>) dst(%arg5 : memref<64x128xf32, #tpu.memory_space<vmem>>)
      %iota3A = tpu.iota {dimensions = array<i32: 0>} : vector<16xi32>
      %add3A_63 = arith.constant 0 : i32
      %add3A_64 = vector.broadcast %add3A_63 : i32 to vector<16xi32>
      %add3A_65 = arith.addi %iota3A, %add3A_64 : vector<16xi32>
      %parallel_loop3A = arith.constant 0 : i32
      %parallel_loop3A_66 = arith.constant 128 : i32
      %parallel_loop3A_67 = arith.constant 1 : i32
      scf.for %parallel_loop3A_97 = %parallel_loop3A to %parallel_loop3A_66 step %parallel_loop3A_67  : i32 {
        %parallel_loop3A_98 = vector.broadcast %parallel_loop3A_97 : i32 to vector<16xi32>
        %parallel_loop3A_99 = arith.addi %iota3A, %parallel_loop3A_98 : vector<16xi32>
        %parallel_loop3A_100 = arith.constant 15 : i32
        %parallel_loop3A_101 = vector.broadcast %parallel_loop3A_100 : i32 to vector<16xi32>
        %parallel_loop3A_102 = arith.andi %parallel_loop3A_99, %parallel_loop3A_101 : vector<16xi32>
        %parallel_loop3A_103 = arith.constant 4 : i32
        %parallel_loop3A_104 = arith.shrsi %parallel_loop3A_97, %parallel_loop3A_103 : i32
        %parallel_loop3A_105 = arith.constant 4 : i32
        %parallel_loop3A_106 = arith.shli %parallel_loop3A_104, %parallel_loop3A_105 : i32
        %parallel_loop3A_107 = vector.broadcast %parallel_loop3A_106 : i32 to vector<16xi32>
        %parallel_loop3A_108 = arith.addi %parallel_loop3A_102, %parallel_loop3A_107 : vector<16xi32>
        %parallel_loop3A_109 = tpu.vector_load_idx %arg5[%add3A_65, %parallel_loop3A_108] : memref<64x128xf32, #tpu.memory_space<vmem>>[vector<16xi32>, vector<16xi32>], vector<16xf32>,
        %parallel_loop3A_110 = arith.constant 63 : i32
        %parallel_loop3A_111 = vector.broadcast %parallel_loop3A_110 : i32 to vector<16xi32>
        %parallel_loop3A_112 = arith.andi %parallel_loop3A_108, %parallel_loop3A_111 : vector<16xi32>
        %parallel_loop3A_113 = arith.constant 64 : i32
        %parallel_loop3A_114 = vector.broadcast %parallel_loop3A_113 : i32 to vector<16xi32>
        %parallel_loop3A_115 = arith.andi %parallel_loop3A_108, %parallel_loop3A_114 : vector<16xi32>
        %parallel_loop3A_116 = arith.addi %parallel_loop3A_115, %add3A_65 : vector<16xi32>
        tpu.vector_store_idx %arg7[%parallel_loop3A_112, %parallel_loop3A_116], %parallel_loop3A_109 : memref<64x128xf32, #tpu.memory_space<vmem>>[vector<16xi32>, vector<16xi32>], vector<16xf32>,
      } {sc.loop_unroll_factor = 8 : i64, sc.parallel_access}
      %add3A_68 = arith.constant 16 : i32
      %add3A_69 = vector.broadcast %add3A_68 : i32 to vector<16xi32>
      %add3A_70 = arith.addi %iota3A, %add3A_69 : vector<16xi32>
      %parallel_loop3A_71 = arith.constant 0 : i32
      %parallel_loop3A_72 = arith.constant 128 : i32
      %parallel_loop3A_73 = arith.constant 1 : i32
      scf.for %parallel_loop3A_97 = %parallel_loop3A_71 to %parallel_loop3A_72 step %parallel_loop3A_73  : i32 {
        %parallel_loop3A_98 = vector.broadcast %parallel_loop3A_97 : i32 to vector<16xi32>
        %parallel_loop3A_99 = arith.addi %iota3A, %parallel_loop3A_98 : vector<16xi32>
        %parallel_loop3A_100 = arith.constant 15 : i32
        %parallel_loop3A_101 = vector.broadcast %parallel_loop3A_100 : i32 to vector<16xi32>
        %parallel_loop3A_102 = arith.andi %parallel_loop3A_99, %parallel_loop3A_101 : vector<16xi32>
        %parallel_loop3A_103 = arith.constant 4 : i32
        %parallel_loop3A_104 = arith.shrsi %parallel_loop3A_97, %parallel_loop3A_103 : i32
        %parallel_loop3A_105 = arith.constant 4 : i32
        %parallel_loop3A_106 = arith.shli %parallel_loop3A_104, %parallel_loop3A_105 : i32
        %parallel_loop3A_107 = vector.broadcast %parallel_loop3A_106 : i32 to vector<16xi32>
        %parallel_loop3A_108 = arith.addi %parallel_loop3A_102, %parallel_loop3A_107 : vector<16xi32>
        %parallel_loop3A_109 = tpu.vector_load_idx %arg5[%add3A_70, %parallel_loop3A_108] : memref<64x128xf32, #tpu.memory_space<vmem>>[vector<16xi32>, vector<16xi32>], vector<16xf32>,
        %parallel_loop3A_110 = arith.constant 63 : i32
        %parallel_loop3A_111 = vector.broadcast %parallel_loop3A_110 : i32 to vector<16xi32>
        %parallel_loop3A_112 = arith.andi %parallel_loop3A_108, %parallel_loop3A_111 : vector<16xi32>
        %parallel_loop3A_113 = arith.constant 64 : i32
        %parallel_loop3A_114 = vector.broadcast %parallel_loop3A_113 : i32 to vector<16xi32>
        %parallel_loop3A_115 = arith.andi %parallel_loop3A_108, %parallel_loop3A_114 : vector<16xi32>
        %parallel_loop3A_116 = arith.addi %parallel_loop3A_115, %add3A_70 : vector<16xi32>
        tpu.vector_store_idx %arg7[%parallel_loop3A_112, %parallel_loop3A_116], %parallel_loop3A_109 : memref<64x128xf32, #tpu.memory_space<vmem>>[vector<16xi32>, vector<16xi32>], vector<16xf32>,
      } {sc.loop_unroll_factor = 8 : i64, sc.parallel_access}
      %add3A_74 = arith.constant 32 : i32
      %add3A_75 = vector.broadcast %add3A_74 : i32 to vector<16xi32>
      %add3A_76 = arith.addi %iota3A, %add3A_75 : vector<16xi32>
      %parallel_loop3A_77 = arith.constant 0 : i32
      %parallel_loop3A_78 = arith.constant 128 : i32
      %parallel_loop3A_79 = arith.constant 1 : i32
      scf.for %parallel_loop3A_97 = %parallel_loop3A_77 to %parallel_loop3A_78 step %parallel_loop3A_79  : i32 {
        %parallel_loop3A_98 = vector.broadcast %parallel_loop3A_97 : i32 to vector<16xi32>
        %parallel_loop3A_99 = arith.addi %iota3A, %parallel_loop3A_98 : vector<16xi32>
        %parallel_loop3A_100 = arith.constant 15 : i32
        %parallel_loop3A_101 = vector.broadcast %parallel_loop3A_100 : i32 to vector<16xi32>
        %parallel_loop3A_102 = arith.andi %parallel_loop3A_99, %parallel_loop3A_101 : vector<16xi32>
        %parallel_loop3A_103 = arith.constant 4 : i32
        %parallel_loop3A_104 = arith.shrsi %parallel_loop3A_97, %parallel_loop3A_103 : i32
        %parallel_loop3A_105 = arith.constant 4 : i32
        %parallel_loop3A_106 = arith.shli %parallel_loop3A_104, %parallel_loop3A_105 : i32
        %parallel_loop3A_107 = vector.broadcast %parallel_loop3A_106 : i32 to vector<16xi32>
        %parallel_loop3A_108 = arith.addi %parallel_loop3A_102, %parallel_loop3A_107 : vector<16xi32>
        %parallel_loop3A_109 = tpu.vector_load_idx %arg5[%add3A_76, %parallel_loop3A_108] : memref<64x128xf32, #tpu.memory_space<vmem>>[vector<16xi32>, vector<16xi32>], vector<16xf32>,
        %parallel_loop3A_110 = arith.constant 63 : i32
        %parallel_loop3A_111 = vector.broadcast %parallel_loop3A_110 : i32 to vector<16xi32>
        %parallel_loop3A_112 = arith.andi %parallel_loop3A_108, %parallel_loop3A_111 : vector<16xi32>
        %parallel_loop3A_113 = arith.constant 64 : i32
        %parallel_loop3A_114 = vector.broadcast %parallel_loop3A_113 : i32 to vector<16xi32>
        %parallel_loop3A_115 = arith.andi %parallel_loop3A_108, %parallel_loop3A_114 : vector<16xi32>
        %parallel_loop3A_116 = arith.addi %parallel_loop3A_115, %add3A_76 : vector<16xi32>
        tpu.vector_store_idx %arg7[%parallel_loop3A_112, %parallel_loop3A_116], %parallel_loop3A_109 : memref<64x128xf32, #tpu.memory_space<vmem>>[vector<16xi32>, vector<16xi32>], vector<16xf32>,
      } {sc.loop_unroll_factor = 8 : i64, sc.parallel_access}
      %add3A_80 = arith.constant 48 : i32
      %add3A_81 = vector.broadcast %add3A_80 : i32 to vector<16xi32>
      %add3A_82 = arith.addi %iota3A, %add3A_81 : vector<16xi32>
      %parallel_loop3A_83 = arith.constant 0 : i32
      %parallel_loop3A_84 = arith.constant 128 : i32
      %parallel_loop3A_85 = arith.constant 1 : i32
      scf.for %parallel_loop3A_97 = %parallel_loop3A_83 to %parallel_loop3A_84 step %parallel_loop3A_85  : i32 {
        %parallel_loop3A_98 = vector.broadcast %parallel_loop3A_97 : i32 to vector<16xi32>
        %parallel_loop3A_99 = arith.addi %iota3A, %parallel_loop3A_98 : vector<16xi32>
        %parallel_loop3A_100 = arith.constant 15 : i32
        %parallel_loop3A_101 = vector.broadcast %parallel_loop3A_100 : i32 to vector<16xi32>
        %parallel_loop3A_102 = arith.andi %parallel_loop3A_99, %parallel_loop3A_101 : vector<16xi32>
        %parallel_loop3A_103 = arith.constant 4 : i32
        %parallel_loop3A_104 = arith.shrsi %parallel_loop3A_97, %parallel_loop3A_103 : i32
        %parallel_loop3A_105 = arith.constant 4 : i32
        %parallel_loop3A_106 = arith.shli %parallel_loop3A_104, %parallel_loop3A_105 : i32
        %parallel_loop3A_107 = vector.broadcast %parallel_loop3A_106 : i32 to vector<16xi32>
        %parallel_loop3A_108 = arith.addi %parallel_loop3A_102, %parallel_loop3A_107 : vector<16xi32>
        %parallel_loop3A_109 = tpu.vector_load_idx %arg5[%add3A_82, %parallel_loop3A_108] : memref<64x128xf32, #tpu.memory_space<vmem>>[vector<16xi32>, vector<16xi32>], vector<16xf32>,
        %parallel_loop3A_110 = arith.constant 63 : i32
        %parallel_loop3A_111 = vector.broadcast %parallel_loop3A_110 : i32 to vector<16xi32>
        %parallel_loop3A_112 = arith.andi %parallel_loop3A_108, %parallel_loop3A_111 : vector<16xi32>
        %parallel_loop3A_113 = arith.constant 64 : i32
        %parallel_loop3A_114 = vector.broadcast %parallel_loop3A_113 : i32 to vector<16xi32>
        %parallel_loop3A_115 = arith.andi %parallel_loop3A_108, %parallel_loop3A_114 : vector<16xi32>
        %parallel_loop3A_116 = arith.addi %parallel_loop3A_115, %add3A_82 : vector<16xi32>
        tpu.vector_store_idx %arg7[%parallel_loop3A_112, %parallel_loop3A_116], %parallel_loop3A_109 : memref<64x128xf32, #tpu.memory_space<vmem>>[vector<16xi32>, vector<16xi32>], vector<16xf32>,
      } {sc.loop_unroll_factor = 8 : i64, sc.parallel_access}
      %mul3A_86 = arith.constant 64 : i32
      %mul3A_87 = arith.muli %add3A_51, %mul3A_86 : i32
      %multiple_of3A_88 = tpu.assume_multiple %mul3A_87, 64 : i32
      %dma_start3A_89 = arith.constant 0 : i32
      %dma_start3A_90 = tpu.memref_slice %arg4[%multiple_of3A_88, %dma_start3A_89] : memref<500032x128xf32, #tpu.memory_space<hbm>> -> memref<64x128xf32, #tpu.memory_space<hbm>>
      %dma_start3A_91 = arith.constant 0 : i32
      %dma_start3A_92 = tpu.memref_slice %arg4[%multiple_of3A_88, %dma_start3A_91] : memref<500032x128xf32, #tpu.memory_space<hbm>> -> memref<64x128xf32, #tpu.memory_space<hbm>>
      tpu.enqueue_dma source(%arg7 : memref<64x128xf32, #tpu.memory_space<vmem>>) target(%dma_start3A_92 : memref<64x128xf32, #tpu.memory_space<hbm>>) target_semaphore(%arg12 : memref<!tpu.dma_semaphore, #tpu.memory_space<semaphore_mem>>)
      %dma_wait3A_93 = arith.constant 0 : i32
      %dma_wait3A_94 = tpu.memref_slice %arg4[%multiple_of3A_88, %dma_wait3A_93] : memref<500032x128xf32, #tpu.memory_space<hbm>> -> memref<64x128xf32, #tpu.memory_space<hbm>>
      %dma_wait3A_95 = arith.constant 0 : i32
      %dma_wait3A_96 = tpu.memref_slice %arg4[%multiple_of3A_88, %dma_wait3A_95] : memref<500032x128xf32, #tpu.memory_space<hbm>> -> memref<64x128xf32, #tpu.memory_space<hbm>>
      tpu.wait_dma2 semaphore(%arg12 : memref<!tpu.dma_semaphore, #tpu.memory_space<semaphore_mem>>) src(%arg7 : memref<64x128xf32, #tpu.memory_space<vmem>>) dst(%dma_wait3A_96 : memref<64x128xf32, #tpu.memory_space<hbm>>)
    } else {
    }
    %eq3A = arith.constant 31 : i32
    %eq3A_46 = arith.cmpi eq, %add3A, %eq3A : i32
    %convert_element_type3A_47 = arith.extui %eq3A_46 : i1 to i32
    %cond3A_48 = arith.constant 0 : i32
    %cond3A_49 = arith.cmpi ne, %convert_element_type3A_47, %cond3A_48 : i32
    scf.if %cond3A_49 {
      tpu.enqueue_dma source(%arg3 : memref<64x128xf32, #tpu.memory_space<hbm>>) target(%arg9 : memref<64x128xf32, #tpu.memory_space<vmem>>) target_semaphore(%arg10 : memref<!tpu.dma_semaphore, #tpu.memory_space<semaphore_mem>>)
      tpu.wait_dma2 semaphore(%arg10 : memref<!tpu.dma_semaphore, #tpu.memory_space<semaphore_mem>>) src(%arg3 : memref<64x128xf32, #tpu.memory_space<hbm>>) dst(%arg9 : memref<64x128xf32, #tpu.memory_space<vmem>>)
      %dma_start3A_50 = arith.constant 499968 : i32
      %dma_start3A_51 = arith.constant 0 : i32
      %dma_start3A_52 = tpu.memref_slice %arg4[%dma_start3A_50, %dma_start3A_51] : memref<500032x128xf32, #tpu.memory_space<hbm>> -> memref<64x128xf32, #tpu.memory_space<hbm>>
      %dma_start3A_53 = arith.constant 499968 : i32
      %dma_start3A_54 = arith.constant 0 : i32
      %dma_start3A_55 = tpu.memref_slice %arg4[%dma_start3A_53, %dma_start3A_54] : memref<500032x128xf32, #tpu.memory_space<hbm>> -> memref<64x128xf32, #tpu.memory_space<hbm>>
      tpu.enqueue_dma source(%arg9 : memref<64x128xf32, #tpu.memory_space<vmem>>) target(%dma_start3A_55 : memref<64x128xf32, #tpu.memory_space<hbm>>) target_semaphore(%arg12 : memref<!tpu.dma_semaphore, #tpu.memory_space<semaphore_mem>>)
      %dma_wait3A_56 = arith.constant 499968 : i32
      %dma_wait3A_57 = arith.constant 0 : i32
      %dma_wait3A_58 = tpu.memref_slice %arg4[%dma_wait3A_56, %dma_wait3A_57] : memref<500032x128xf32, #tpu.memory_space<hbm>> -> memref<64x128xf32, #tpu.memory_space<hbm>>
      %dma_wait3A_59 = arith.constant 499968 : i32
      %dma_wait3A_60 = arith.constant 0 : i32
      %dma_wait3A_61 = tpu.memref_slice %arg4[%dma_wait3A_59, %dma_wait3A_60] : memref<500032x128xf32, #tpu.memory_space<hbm>> -> memref<64x128xf32, #tpu.memory_space<hbm>>
      tpu.wait_dma2 semaphore(%arg12 : memref<!tpu.dma_semaphore, #tpu.memory_space<semaphore_mem>>) src(%arg9 : memref<64x128xf32, #tpu.memory_space<vmem>>) dst(%dma_wait3A_61 : memref<64x128xf32, #tpu.memory_space<hbm>>)
    } else {
    }
    return
  }
}

</mosaic_0001>

<sc_bundles>
// kernel: kernel.4.cloned.1.call-start
scs
__scs_entry_jumppad:
0x0: {  	(pc) =	sbr.rel $0x88, $3  }
0x1: {  	(tag) =	ssettag $0x0;
	lr =	simm.s32 $0x1  }
0x2: {  	[smem:$0x3F9F] =	sst lr;
	_ =	strace $0xD0000000  }
0x3: {  	_ = 	snop  }
0x4: {  	_ = 	snop  }
0x5: {  	_ = 	snop  }
0x6: {  	_ = 	snop  }
0x7: {  	_ = 	snop  }
__scs_overlays_trampoline_lowered:
0x8: {  	[smem:$0x3FAE] =	sst s0  }
0x9: {  	[smem:$0x3FAF] =	sst s1  }
0xa: {  	[smem:$0x3FB0] =	sst s2  }
0xb: {  	[smem:$0x3FB1] =	sst s3  }
0xc: {  	[smem:$0x3FB2] =	sst s4  }
0xd: {  	[smem:$0x3FB3] =	sst s5  }
0xe: {  	[smem:$0x3FB4] =	sst s6  }
0xf: {  	[smem:$0x3FB5] =	sst s7  }
0x10: {  	[smem:$0x3FB6] =	sst s8  }
0x11: {  	[smem:$0x3FB7] =	sst s9;
	s0 =	simm.s32 @!p0 $0x0  }
0x12: {  	s1 =	sld [smem:$0x3F9D];
	s0 =	simm.s32 @p0 $0x1  }
0x13: {  	[smem:$0x3FB8] =	sst s0;
	s0 =	simm.s32 @!p1 $0x0  }
0x14: {  	s2 =	sld [smem:$0x3F9C];
	s0 =	simm.s32 @p1 $0x1  }
0x15: {  	[smem:$0x3FB9] =	sst s0;
	s0 =	simm.s32 @!p2 $0x0  }
0x16: {  	s3 =	sld [smem:$0x3FDB];
	s0 =	simm.s32 @p2 $0x1  }
0x17: {  	s4 =	simm.s32 $0x1BF5;
	[smem:$0x3FBB] =	sst s0  }
0x18: {  	s0 =	sld [smem:$0x3F9E];
	_ =	swait.ge [sflag:s4], $0x0  }
0x19: {  	s7 =	sld [smem:$0x3F9F]  }
0x1a: {  	s8 =	sadd.s32 $0xFFFFE003, lr  }
0x1b: {  	s9 =	sadd.s32 $0xFFFFFEF7, lr;
	s5 =	simm.s32 $0xFFFFFFFF;
	p2 =	slt.u32 s8, $0xFFFFF086  }
0x1c: {  	p1 =	slt.u32 s9, $0xF7A;
	s5 =	simm.s32 @!p2 $0x0  }
0x1d: {  	s5 =	simm.s32 @p1 $0x1;
	p0 =	seq.s32 s7, s2  }
0x1e: {  	s7 =	smul.u32 @!p0 $0xF7A, s2;
	p2 =	seq.s32 @!p0 s5, $0x0  }
0x1f: {  	s9 =	smul.u32 $0xF7A, s1;
	s8 =	simm.s32 @!p0 $0x1BF5;
	p2 =	por !p2, p0  }
0x20: {  	[sflag:s8] =	ssyncset.s32 @!p0 $0xFFFFF086;
	s6 =	sadd.s32 @!p0 s3, s7;
	s7 =	simm.s32 @!p0 $0x108  }
0x21: {  	s3 =	sadd.s32 s3, s9;
	s6 =	sadd.s32 @!p0 $0x88, s6;
	s7 =	simm.s32 @p2 $0x1082  }
0x22: {  	[simem:s7], [sflag:s8] =	dma.local @!p0 [hbm:s6], $0xF7A  }
0x23: {  	s9 =	sor.u32 $0xD0000000, s2;
	s6 =	simm.s32 $0x108;
	_ =	swait.ge @!p0 [sflag:s8], $0x0  }
0x24: {  	s3 =	sadd.s32 $0x88, s3;
	s6 =	simm.s32 @!p1 $0x1082;
	[sflag:s4] =	ssyncset.s32 $0xFFFFF086  }
0x25: {  	[simem:s6], [sflag:s4] =	dma.local [hbm:s3], $0xF7A  }
0x26: {  	[smem:$0x3F9F] =	sst s1;
	(tag) =	ssettag s2;
	_ =	strace s9  }
0x27: {  	s1 =	sld [smem:$0x3FAF]  }
0x28: {  	s2 =	sld [smem:$0x3FB0]  }
0x29: {  	s4 =	sld [smem:$0x3FB2]  }
0x2a: {  	p0 =	seq.s32 s5, $0x0;
	s5 =	sld [smem:$0x3FB3]  }
0x2b: {  	s6 =	sld [smem:$0x3FB4]  }
0x2c: {  	s7 =	sld [smem:$0x3FB5]  }
0x2d: {  	s3 =	simm.s32 $0x108;
	s8 =	sld [smem:$0x3FB6]  }
0x2e: {  	s3 =	simm.s32 @!p0 $0x1082;
	s9 =	sld [smem:$0x3FB7]  }
0x2f: {  	lr =	sadd.s32 s0, s3;
	s0 =	sld [smem:$0x3FAE]  }
0x30: {  	s3 =	sld [smem:$0x3FB1]  }
0x31: {  	[smem:$0x3FBA] =	sst s10  }
0x32: {  	s10 =	sld [smem:$0x3FB8];
	_ =	sdelay $0x3  }
0x33: {  	p0 =	seq.s32 s10, $0x1;
	s10 =	sld [smem:$0x3FBA];
	_ =	sdelay $0x3  }
0x34: {  	[smem:$0x3FBA] =	sst s10  }
0x35: {  	s10 =	sld [smem:$0x3FB9];
	_ =	sdelay $0x3  }
0x36: {  	p1 =	seq.s32 s10, $0x1;
	s10 =	sld [smem:$0x3FBA];
	_ =	sdelay $0x3  }
0x37: {  	[smem:$0x3FBA] =	sst s10  }
0x38: {  	s10 =	sld [smem:$0x3FBB]  }
0x39: {  	_ = 	snop;
	(pc) =	sbr.ind lr, $3  }
0x3a: {  	_ = 	snop  }
0x3b: {  	_ = 	snop  }
0x3c: {  	p2 =	seq.s32 s10, $0x1;
	s10 =	sld [smem:$0x3FBA]  }
0x3d: {  	_ =	shalt  }
0x3e: {  	_ =	shalt  }
0x3f: {  	_ =	shalt  }
0x40: {  	_ =	shalt  }
0x41: {  	_ =	shalt  }
0x42: {  	_ =	shalt  }
0x43: {  	_ =	shalt  }
0x44: {  	_ =	shalt  }
0x45: {  	_ =	shalt  }
0x46: {  	_ =	shalt  }
0x47: {  	_ =	shalt  }
0x48: {  	_ =	shalt  }
0x49: {  	_ =	shalt  }
0x4a: {  	_ =	shalt  }
0x4b: {  	_ =	shalt  }
0x4c: {  	_ =	shalt  }
0x4d: {  	_ =	shalt  }
0x4e: {  	_ =	shalt  }
0x4f: {  	_ =	shalt  }
0x50: {  	_ =	shalt  }
0x51: {  	_ =	shalt  }
0x52: {  	_ =	shalt  }
0x53: {  	_ =	shalt  }
0x54: {  	_ =	shalt  }
0x55: {  	_ =	shalt  }
0x56: {  	_ =	shalt  }
0x57: {  	_ =	shalt  }
0x58: {  	_ =	shalt  }
0x59: {  	_ =	shalt  }
0x5a: {  	_ =	shalt  }
0x5b: {  	_ =	shalt  }
0x5c: {  	_ =	shalt  }
0x5d: {  	_ =	shalt  }
0x5e: {  	_ =	shalt  }
0x5f: {  	_ =	shalt  }
0x60: {  	_ =	shalt  }
0x61: {  	_ =	shalt  }
0x62: {  	_ =	shalt  }
0x63: {  	_ =	shalt  }
0x64: {  	_ =	shalt  }
0x65: {  	_ =	shalt  }
0x66: {  	_ =	shalt  }
0x67: {  	_ =	shalt  }
0x68: {  	_ =	shalt  }
0x69: {  	_ =	shalt  }
0x6a: {  	_ =	shalt  }
0x6b: {  	_ =	shalt  }
0x6c: {  	_ =	shalt  }
0x6d: {  	_ =	shalt  }
0x6e: {  	_ =	shalt  }
0x6f: {  	_ =	shalt  }
0x70: {  	_ =	shalt  }
0x71: {  	_ =	shalt  }
0x72: {  	_ =	shalt  }
0x73: {  	_ =	shalt  }
0x74: {  	_ =	shalt  }
0x75: {  	_ =	shalt  }
0x76: {  	_ =	shalt  }
0x77: {  	_ =	shalt  }
0x78: {  	_ =	shalt  }
0x79: {  	_ =	shalt  }
0x7a: {  	_ =	shalt  }
0x7b: {  	_ =	shalt  }
0x7c: {  	_ =	shalt  }
0x7d: {  	_ =	shalt  }
0x7e: {  	_ =	shalt  }
0x7f: {  	_ =	shalt  }
0x80: {  	_ =	shalt  }
0x81: {  	_ =	shalt  }
0x82: {  	_ =	shalt  }
0x83: {  	_ =	shalt  }
0x84: {  	_ =	shalt  }
0x85: {  	_ =	shalt  }
0x86: {  	_ =	shalt  }
0x87: {  	_ =	shalt  }
.Lfunc_end0:
.L_simem_size_0:
called_computation_lowered:
.L_overlay_start_0:
0x88: {  	s2 =	sld [smem:$0x3FD9]  }
0x89: {  	s3 =	sld [smem:$0x3FFE];
	_ =	sdelay $0x1  }
0x8a: {  	s1 =	srdreg.scid  }
0x8b: {  	s0 =	sand.u32 $0x1, s1  }
0x8c: {  	s17 =	sshll.u32 s0, $0xA;
	s2 =	sadd.s32 s3, s2  }
0x8d: {  	s2 =	sadd.s32 s2, s17  }
0x8e: {  	[smem:$0x3FC6] =	sst s2  }
0x8f: {  	_ = 	snop  }
0x90: {  	s2 =	sld [smem:$0x3FC8]  }
0x91: {  	s18 =	sld [smem:$0x3FD0];
	(tm) =	ssettm $0x1  }
0x92: {  	s4 =	sld [smem:$0x3FFB];
	_ =	sdelay $0x3  }
0x93: {  	_ =	strace s4  }
0x94: {  	s4 =	sld [smem:$0x3FFC];
	_ =	sdelay $0x3  }
0x95: {  	_ =	strace s4  }
0x96: {  	s4 =	sld [smem:$0x3FFD];
	_ =	sdelay $0x3  }
0x97: {  	_ =	strace s4  }
0x98: {  	_ =	strace $0x8FFFFFFF  }
0x99: {  	s19 =	sld [smem:$0x3FDB];
	_ =	sdelay $0x1  }
0x9a: {  	s5 =	simm.s32 $_scs_section_size  }
0x9b: {  	s6 =	simm.s32 $_size__tile_overlayer_lowered;
	s7 =	simm.s32 $_tile_overlayer_lowered  }
0x9c: {  	s22 =	simm.s32 $0x1BFF;
	s21 =	sshll.u32 s7, $0x1;
	s4 =	sadd.s32 s5, s19  }
0x9d: {  	s8 =	simm.s32 $0x0;
	s20 =	sshll.u32 s6, $0x1;
	s6 =	sadd.s32 s21, s4  }
0x9e: {  	[timem:s8], [sflag:s22] =	dma.local [hbm:s6], s20  }
0x9f: {  	_ =	swait.ge [sflag:s22], s20  }
0xa0: {  	s5 =	ssub.s32 $0x0, s20;
	[sflag:s22] =	ssyncset.done $0x0  }
0xa1: {  	[sflag:s22] =	ssyncadd.s32 s5;
	_ =	sdelay $0x1  }
0xa2: {  	s23 =	simm.s32 $0x1B8B  }
0xa3: {  	_ =	swait.ge [sflag:s23], $0x1  }
0xa4: {  	[sflag:s23] =	ssyncset.done $0x0  }
0xa5: {  	s25 =	simm.s32 $0x1B8E;
	s24 =	sld [smem:$0x3FFE];
	[sflag:s23] =	ssyncadd.s32 $0xFFFFFFFF  }
0xa6: {  	s26 =	simm.s32 $execute0_lowered;
	[smem:$0x3FD2] =	sst s25  }
0xa7: {  	s6 =	sshll.u32 s26, $0x1;
	_ =	strace $0x80000046;
	[dreg:$0x1] =	wrdreg $0xFFFFFFFF  }
0xa8: {  	s28 =	simm.s32 $_size_execute0_lowered;
	s4 =	sadd.s32 s4, s6;
	[dreg:$0x0] =	wrdreg $0x0  }
0xa9: {  	s6 =	sshll.u32 s28, $0x1;
	[dreg:$0x2] =	wrdreg s4  }
0xaa: {  	[dreg:$0x3] =	wrdreg s6  }
0xab: {  	[dreg:$0x4] =	wrdreg $0xC0  }
0xac: {  	_ =	task [dreg:s8], $0x5FFFF  }
0xad: {  	[dreg:$0x1] =	wrdreg $0xFFFFFFFF  }
0xae: {  	[dreg:$0x0] =	wrdreg $0x60  }
0xaf: {  	[dreg:$0x2] =	wrdreg s2  }
0xb0: {  	[dreg:$0x3] =	wrdreg s18  }
0xb1: {  	[dreg:$0x4] =	wrdreg s24  }
0xb2: {  	[dreg:$0x5] =	wrdreg $0x9  }
0xb3: {  	_ =	task.clear_ibuf [dreg:s8], $0x6FFFF;
	_ =	strace $0x90000046  }
0xb4: {  	s29 =	simm.s32 $0x9;
	_ =	strace $0x80000048  }
0xb5: {  	_ =	swait.ge [sflag:s29], $0x1  }
0xb6: {  	[sflag:s29] =	ssyncadd.s32 $0xFFFFFFFF  }
0xb7: {  	_ =	strace $0x90000048  }
0xb8: {  	_ =	sfence  }
0xb9: {  	s30 =	sld [smem:$0x0];
	_ =	sdelay $0x2  }
0xba: {  	s31 =	sshll.u32 s1, $0xD;
	s1 =	sshrl.u32 s1, $0x2  }
0xbb: {  	s3 =	sand.u32 $0x4000, s31;
	s1 =	sadd.s32 s1, s30  }
0xbc: {  	s0 =	sor.u32 s3, s0;
	s1 =	sshll.u32 s1, $0x11  }
0xbd: {  	s0 =	sor.u32 s1, s0  }
0xbe: {  	s0 =	sadd.s32 $0x8F2B, s0  }
0xbf: {  	[sflag:s0] =	ssyncadd.remote.s32 $0x1  }
0xc0: {  	_ =	sfence.sel $0xFFFF  }
0xc1: {  	[dreg:$0x0] =	wrdreg $0xFFFFFFFF;
	(pc) =	sbr.abs _section_cstart, $3  }
0xc2: {  	[dreg:$0x1] =	wrdreg $0xFFFFFFFF  }
0xc3: {  	_ =	task.clear_ibuf [dreg:s8], $0x2FFFF;
	_ =	strace $0x9FFFFFFF  }
0xc4: {  	(tm) =	ssettm $0x7FFFFFFF  }
0xc5: {  	_ =	shalt  }
tec
execute0_lowered:
.L_overlay_start_1:
0x0: {  	(tag) =	ssettag $0x1  }
0x1: {  	s0 =	rddreg [dreg:$0x0];
	s1 =	srdreg.scid  }
0x2: {  	s23 =	stileid.u32;
	s11 =	rddreg [dreg:$0x2]  }
0x3: {  	s3 =	simm.s32 $0x0;
	s15 =	simm.s32 $0x400;
	s16 =	simm.s32 $0x7A1400  }
0x4: {  	s17 =	simm.s32 $0x2000;
	s18 =	simm.s32 $0x1;
	s19 =	simm.s32 $0x4000  }
0x5: {  	s20 =	simm.s32 $0x2;
	s21 =	simm.s32 $0x4;
	s22 =	simm.s32 $0x6000  }
0x6: {  	s24 =	simm.s32 $0x0;
	s1 =	sand.u32 $0x1, s1;
	s2 =	sshll.u32 s23, $0x1  }
0x7: {  	[smem:$0x7FF] =	sst s3;
	s8 =	sadd.s32 $0x100, s0;
	s2 =	sor.u32 s1, s2  }
0x8: {  	s9 =	sadd.s32 $0xE00, s11;
	s31 =	sadd.s32 $0x7A1A00, s11;
	s4 =	smul.u32 $0xF4, s2  }
0x9: {  	p0 =	sgt.u32 s23, $0x1;
	s1 =	ssub.s32 $0x2, s1;
	s5 =	smin.u32 s2, $0x4  }
0xa: {  	_ =	strace $0x80000047;
	s6 =	sshrl.u32 s1, $0x1;
	s4 =	sadd.s32 s5, s4  }
0xb: {  	[dreg:$0x7] =	wrdreg s31;
	s1 =	ssub.s32 s1, s6;
	s7 =	sshll.u32 s4, $0x7  }
0xc: {  	s5 =	sadd.s32 $0xA00, s11;
	s10 =	sadd.s32 $0xF4, s4;
	s6 =	sadd.s32 s0, s7  }
.Ltmp0:
0xd: {  	s12 =	sshll.u32 s10, $0x7;
	s13 =	sshll.u32 s10, $0xA;
	(pc) =	sbr.rel .LBB2_1-.Ltmp0, $4  }
0xe: {  	v0 =	vlaneseq.u32;
	s10 =	sadd.s32 $0x180, s0;
	s7 =	sadd.s32 $0x80, s6;
	s12 =	sand.u32 $0x1FFFFF80, s12  }
0xf: {  	v1 =	vmul.u32 $0x80, v0;
	s30 =	sand.u32 $0x1FFFFC00, s13;
	[dreg:$0x4] =	wrdreg s7;
	s0 =	sadd.s32 s0, s12  }
0x10: {  	v3 =	vor.u32 $0x10, v0;
	v5 =	vor.u32 $0x20, v0;
	v7 =	vor.u32 $0x30, v0;
	s23 =	simm.s32 $0x3;
	[dreg:$0x5] =	wrdreg s0;
	s0 =	sadd.s32 s5, s30  }
0x11: {  	v2 =	vor.u32 $0x800, v1;
	v4 =	vor.u32 $0x1000, v1;
	v6 =	vor.u32 $0x1800, v1;
	p1 =	sne.s32 s2, $0x1F;
	s14 =	smax.u32 s1, $0x1;
	[dreg:$0x6] =	wrdreg s0  }
.LBB2_42:
0x12: {  	_ =	sdelay $0x2  }
0x13: {  	v23 =	vor.u32 v9, v23  }
0x14: {  	v12 =	vld.idx.msk [tilespmem:v12+s3+$0x0], $0xffff  }
0x15: {  	v16 =	vshll.u32 v16, $0x7;
	v24 =	vand.u32 $0x1F80, v24;
	[tilespmem:v22+s19+$0x0] =	vst.idx.msk $0xffff, v19;
	v60 =	vld.idx.msk [tilespmem:v20+s3+$0x0], $0xffff  }
0x16: {  	[tilespmem:v21+s19+$0x0] =	vst.idx.msk $0xffff, v11;
	v61 =	vor.u32 v9, v24;
	v16 =	vand.u32 $0x1F80, v16  }
0x17: {  	v62 =	vld.idx.msk [tilespmem:v18+s3+$0x0], $0xffff;
	[tilespmem:v14+s19+$0x0] =	vst.idx.msk $0xffff, v17;
	v63 =	vor.u32 v9, v16  }
0x18: {  	[tilespmem:v23+s19+$0x0] =	vst.idx.msk $0xffff, v8  }
0x19: {  	[tilespmem:v15+s19+$0x0] =	vst.idx.msk $0xffff, v12  }
0x1a: {  	[tilespmem:v13+s19+$0x0] =	vst.idx.msk $0xffff, v60  }
0x1b: {  	[tilespmem:v61+s19+$0x0] =	vst.idx.msk $0xffff, v10  }
0x1c: {  	[tilespmem:v63+s19+$0x0] =	vst.idx.msk $0xffff, v62  }
0x1d: {  	s0 =	rddreg [dreg:$0x6]  }
0x1e: {  	[hbm4b:s0+s3] =	stream.linear.scatter [tilespmem:s19], [sflag:$0x3], $0x2000, $0x38;
	[tilespmem:$0xA000] =	vst v63  }
0x1f: {  	_ =	swait.ge [sflag:s23], $0x2000  }
0x20: {  	[sflag:s23] =	ssyncset.done $0x0  }
0x21: {  	[sflag:s23] =	ssyncadd.s32 $0xFFFFE000  }
.LBB2_43:
0x22: {  	s0 =	simm.s32 @!p1 $0x0;
	s1 =	simm.s32 @!p1 $0x8000;
	s2 =	rddreg [dreg:$0x1]  }
0x23: {  	[tilespmem:s1], [sflag:$0x1] =	stream.linear.gather @!p1 [hbm4b:s2+s0], $0x2000, $0x38;
	[tilespmem:$0xA000] =	vst v63  }
0x24: {  	s2 =	simm.s32 @!p1 $0x1  }
0x25: {  	_ =	swait.ge @!p1 [sflag:s2], $0x2000  }
0x26: {  	s24 =	sadd.s32 $0x1, s24;
	[sflag:s2] =	ssyncset.done @!p1 $0x0  }
0x27: {  	p2 =	sne.s32 s24, s14;
	[sflag:s2] =	ssyncadd.s32 @!p1 $0xFFFFE000;
	s2 =	rddreg [dreg:$0x7]  }
0x28: {  	[hbm4b:s2+s0] =	stream.linear.scatter @!p1 [tilespmem:s1], [sflag:$0x3], $0x2000, $0x38;
	[tilespmem:$0xA000] =	vst v63  }
.Ltmp1:
0x29: {  	_ = 	snop;
	(pc) =	sbr.rel @!p2 .LBB2_44-.Ltmp1, $4  }
0x2a: {  	s0 =	simm.s32 @!p1 $0x3  }
0x2b: {  	_ =	swait.ge @!p1 [sflag:s0], $0x2000  }
0x2c: {  	[sflag:s0] =	ssyncset.done @!p1 $0x0  }
0x2d: {  	[sflag:s0] =	ssyncadd.s32 @!p1 $0xFFFFE000  }
.LBB2_1:
0x2e: {  	[tilespmem:s3], [sflag:$0x1] =	stream.strided.gather [hbm4b:s6+s15], $0x2000, s16, s15, $0x38;
	[tilespmem:$0xA000] =	vst v63  }
0x2f: {  	s0 =	rddreg [dreg:$0x4];
	s25 =	simm.s32 $0x0  }
0x30: {  	[tilespmem:s17], [sflag:$0x2] =	stream.strided.gather [hbm4b:s0+s15], $0x2000, s16, s15, $0x38;
	[tilespmem:$0xA000] =	vst v63  }
.LBB2_2:
0x31: {  	s29 =	simm.s32 $0x0  }
0x32: {  	s0 =	simm.s32 $0x1;
	s1 =	simm.s32 $0x2;
	s13 =	simm.s32 $0x3;
	v8 =	vadd.s32 s29, v0  }
0x33: {  	s2 =	simm.s32 $0x4;
	s26 =	simm.s32 $0x5;
	s30 =	simm.s32 $0xB;
	v9 =	vadd.s32 s0, v0;
	v10 =	vadd.s32 s1, v0;
	v11 =	vadd.s32 s13, v0  }
0x34: {  	s31 =	simm.s32 $0xC;
	v12 =	vadd.s32 s2, v0;
	v13 =	vadd.s32 s26, v0;
	v44 =	vadd.s32 s30, v0  }
0x35: {  	s2 =	simm.s32 $0x6;
	v45 =	vadd.s32 s31, v0;
	v8 =	vand.u32 $0xF, v8;
	v9 =	vand.u32 $0xF, v9  }
0x36: {  	s7 =	simm.s32 $0x7;
	v10 =	vand.u32 $0xF, v10;
	v14 =	vadd.s32 s2, v0;
	v16 =	vand.u32 $0xF, v11  }
0x37: {  	s1 =	simm.s32 $0xD;
	v17 =	vand.u32 $0xF, v12;
	v11 =	vadd.s32 s7, v0;
	v13 =	vand.u32 $0xF, v13  }
0x38: {  	s11 =	sand.u32 $0x70, s29;
	v43 =	vadd.s32 s1, v0;
	v18 =	vand.u32 $0xF, v14;
	v12 =	vand.u32 $0xF, v11  }
0x39: {  	v14 =	vor.u32 s11, v9;
	v11 =	vor.u32 s11, v10;
	v10 =	vor.u32 s11, v17  }
0x3a: {  	v8 =	vor.u32 s11, v8;
	v13 =	vor.u32 s11, v13;
	v15 =	vor.u32 s11, v12  }
0x3b: {  	v12 =	vor.u32 s11, v16;
	v9 =	vor.u32 s11, v18;
	v18 =	vor.u32 v1, v14  }
0x3c: {  	_ =	swait.ge [sflag:s18], $0x2000;
	v23 =	vor.u32 v1, v11;
	v16 =	vmov s11;
	v26 =	vor.u32 v1, v10  }
0x3d: {  	p2 =	seq.s32 s25, $0x0;
	[sflag:s18] =	ssyncset.done $0x0;
	v27 =	vor.u32 v1, v13;
	v41 =	vor.u32 v1, v8;
	v19 =	vshll.u32 v14, $0x7  }
0x3e: {  	s0 =	simm.s32 @!p2 $0x3;
	[sflag:s18] =	ssyncadd.s32 $0xFFFFE000;
	v21 =	vshll.u32 v11, $0x7;
	v24 =	vshll.u32 v10, $0x7;
	v20 =	vor.u32 v1, v15  }
0x3f: {  	_ =	swait.ge @!p2 [sflag:s0], $0x2000;
	v28 =	vshll.u32 v13, $0x7;
	v29 =	vshll.u32 v8, $0x7;
	v25 =	vor.u32 v1, v12  }
0x40: {  	[sflag:s0] =	ssyncset.done @!p2 $0x0;
	v16 =	vand.u32 $0x40, v16;
	v34 =	vor.u32 v1, v9;
	v17 =	vshll.u32 v15, $0x7  }
0x41: {  	v22 =	vshll.u32 v12, $0x7;
	[sflag:s0] =	ssyncadd.s32 @!p2 $0xFFFFE000;
	v19 =	vand.u32 $0x1F80, v19;
	v30 =	vshll.u32 v9, $0x7  }
0x42: {  	v21 =	vand.u32 $0x1F80, v21;
	s0 =	simm.s32 $0xE;
	v33 =	vor.u32 v0, v16;
	v17 =	vand.u32 $0x1F80, v17;
	v47 =	vld.idx.msk [tilespmem:v18+s29+$0x0], $0xffff  }
0x43: {  	v46 =	vadd.s32 s0, v0;
	v37 =	vor.u32 v33, v17;
	v48 =	vor.u32 v33, v19;
	v40 =	vld.idx.msk [tilespmem:v20+s29+$0x0], $0xffff  }
0x44: {  	s13 =	simm.s32 $0x9;
	v39 =	vor.u32 v33, v21;
	v18 =	vand.u32 $0x1F80, v29;
	v32 =	vld.idx.msk [tilespmem:v23+s29+$0x0], $0xffff;
	v23 =	vand.u32 $0x1F80, v30  }
0x45: {  	v30 =	vld.idx.msk [tilespmem:v26+s29+$0x0], $0xffff;
	v26 =	vadd.s32 s13, v0;
	v20 =	vand.u32 $0x1F80, v22;
	v22 =	vand.u32 $0x1F80, v24  }
0x46: {  	v24 =	vand.u32 $0x1F80, v28;
	v31 =	vld.idx.msk [tilespmem:v25+s29+$0x0], $0xffff;
	v28 =	vor.u32 v33, v18;
	v38 =	vor.u32 v33, v20  }
0x47: {  	s28 =	simm.s32 $0x8;
	s26 =	simm.s32 $0xA;
	v35 =	vor.u32 v33, v23;
	v36 =	vor.u32 v33, v22;
	v29 =	vor.u32 v33, v24;
	v33 =	vld.idx.msk [tilespmem:v27+s29+$0x0], $0xffff  }
0x48: {  	s12 =	sshll.u32 s25, $0x1;
	s2 =	simm.s32 $0x10;
	v25 =	vadd.s32 s28, v0;
	v27 =	vadd.s32 s26, v0;
	[tilespmem:v37+s19+$0x0] =	vst.idx.msk $0xffff, v40;
	v37 =	vld.idx.msk [tilespmem:v34+s29+$0x0], $0xffff  }
0x49: {  	s11 =	simm.s32 $0x8;
	s26 =	sadd.s32 s4, s12;
	s12 =	simm.s32 $0xF;
	v42 =	vand.u32 $0xF, v27;
	[tilespmem:v48+s19+$0x0] =	vst.idx.msk $0xffff, v47;
	v40 =	vand.u32 $0xF, v25;
	v34 =	vld.idx.msk [tilespmem:v41+s29+$0x0], $0xffff;
	v41 =	vand.u32 $0xF, v26  }
.LBB2_3:
0x4a: {  	p3 =	slt.u32 s2, $0x78;
	v44 =	vand.u32 $0xF, v44;
	v45 =	vand.u32 $0xF, v45;
	v47 =	vadd.s32 s12, v0;
	[tilespmem:v39+s19+$0x0] =	vst.idx.msk $0xffff, v32  }
0x4b: {  	s12 =	sand.u32 $0x70, s11;
	v32 =	vand.u32 $0xF, v43;
	v39 =	vand.u32 $0xF, v46;
	s11 =	smov.u32 s2;
	v43 =	vand.u32 $0xF, v47;
	[tilespmem:v38+s19+$0x0] =	vst.idx.msk $0xffff, v31  }
0x4c: {  	v31 =	vor.u32 s12, v41;
	v38 =	vor.u32 s12, v42;
	v41 =	vor.u32 s12, v43;
	[tilespmem:v36+s19+$0x0] =	vst.idx.msk $0xffff, v30  }
0x4d: {  	v30 =	vor.u32 s12, v44;
	v36 =	vor.u32 s12, v45;
	v42 =	vor.u32 v1, v41;
	[tilespmem:v29+s19+$0x0] =	vst.idx.msk $0xffff, v33  }
0x4e: {  	v32 =	vor.u32 s12, v32;
	v29 =	vor.u32 s12, v40;
	v33 =	vor.u32 s12, v39;
	[tilespmem:v35+s19+$0x0] =	vst.idx.msk $0xffff, v37  }
0x4f: {  	v39 =	vor.u32 v1, v30;
	v35 =	vor.u32 v1, v31;
	v37 =	vor.u32 v1, v38  }
0x50: {  	v44 =	vor.u32 v1, v32;
	v40 =	vmov s12;
	v43 =	vor.u32 v1, v36;
	[tilespmem:v28+s19+$0x0] =	vst.idx.msk $0xffff, v34  }
0x51: {  	v28 =	vand.u32 $0x40, v40;
	v34 =	vor.u32 v1, v33;
	v40 =	vshll.u32 v41, $0x7  }
0x52: {  	v41 =	vor.u32 v1, v29;
	v45 =	vor.u32 v0, v28;
	v40 =	vand.u32 $0x1F80, v40;
	v28 =	vld.idx.msk [tilespmem:v42+s29+$0x0], $0xffff  }
0x53: {  	v31 =	vshll.u32 v31, $0x7;
	v38 =	vshll.u32 v38, $0x7;
	v40 =	vor.u32 v45, v40  }
0x54: {  	v30 =	vshll.u32 v30, $0x7;
	v47 =	vld.idx.msk [tilespmem:v35+s29+$0x0], $0xffff;
	v35 =	vshll.u32 v36, $0x7;
	v36 =	vshll.u32 v32, $0x7  }
0x55: {  	v29 =	vshll.u32 v29, $0x7;
	v33 =	vshll.u32 v33, $0x7;
	v42 =	vand.u32 $0x1F80, v31;
	v32 =	vld.idx.msk [tilespmem:v37+s29+$0x0], $0xffff  }
0x56: {  	v37 =	vand.u32 $0x1F80, v38;
	v38 =	vand.u32 $0x1F80, v30;
	v35 =	vand.u32 $0x1F80, v35;
	v31 =	vld.idx.msk [tilespmem:v39+s29+$0x0], $0xffff  }
0x57: {  	v46 =	vand.u32 $0x1F80, v29;
	v29 =	vand.u32 $0x1F80, v36;
	v30 =	vld.idx.msk [tilespmem:v43+s29+$0x0], $0xffff;
	v43 =	vand.u32 $0x1F80, v33  }
0x58: {  	v48 =	vor.u32 v45, v42;
	v39 =	vor.u32 v45, v37;
	v33 =	vld.idx.msk [tilespmem:v44+s29+$0x0], $0xffff;
	[tilespmem:v40+s19+$0x0] =	vst.idx.msk $0xffff, v28  }
.Ltmp2:
0x59: {  	v38 =	vor.u32 v45, v38;
	v36 =	vor.u32 v45, v35;
	v29 =	vor.u32 v45, v29;
	v37 =	vld.idx.msk [tilespmem:v34+s29+$0x0], $0xffff;
	(pc) =	sbr.rel @p3 .LBB2_3-.Ltmp2, $4  }
0x5a: {  	s7 =	sadd.s32 $0x2, s2;
	s12 =	sadd.s32 $0x1, s2;
	v40 =	vadd.s32 s2, v0;
	v28 =	vor.u32 v45, v46;
	v35 =	vor.u32 v45, v43;
	v34 =	vld.idx.msk [tilespmem:v41+s29+$0x0], $0xffff  }
0x5b: {  	s13 =	sadd.s32 $0x5, s2;
	v42 =	vadd.s32 s7, v0;
	s7 =	sadd.s32 $0x3, s2;
	v40 =	vand.u32 $0xF, v40;
	v41 =	vadd.s32 s12, v0;
	s12 =	sadd.s32 $0x4, s2  }
0x5c: {  	v44 =	vadd.s32 s7, v0;
	v43 =	vadd.s32 s13, v0;
	s7 =	sadd.s32 $0x6, s2;
	v45 =	vadd.s32 s12, v0  }
0x5d: {  	v42 =	vand.u32 $0xF, v42;
	v46 =	vadd.s32 s7, v0;
	s2 =	sadd.s32 $0x8, s2;
	v41 =	vand.u32 $0xF, v41;
	s12 =	sadd.s32 $0x7, s11;
	[tilespmem:v48+s19+$0x0] =	vst.idx.msk $0xffff, v47  }
0x5e: {  	v44 =	vand.u32 $0xF, v44;
	v45 =	vand.u32 $0xF, v45;
	v47 =	vadd.s32 s12, v0  }
0x5f: {  	s2 =	sand.u32 $0x70, s11;
	v43 =	vand.u32 $0xF, v43;
	v46 =	vand.u32 $0xF, v46;
	v47 =	vand.u32 $0xF, v47  }
0x60: {  	v41 =	vor.u32 s2, v41;
	v42 =	vor.u32 s2, v42;
	v44 =	vor.u32 s2, v44  }
0x61: {  	v45 =	vor.u32 s2, v45;
	v40 =	vor.u32 s2, v40;
	v43 =	vor.u32 s2, v43  }
0x62: {  	v46 =	vor.u32 s2, v46;
	v52 =	vmov s2;
	v49 =	vor.u32 v1, v41  }
0x63: {  	v47 =	vor.u32 s2, v47;
	v50 =	vor.u32 v1, v42;
	v51 =	vor.u32 v1, v44  }
0x64: {  	v53 =	vor.u32 v1, v45;
	v54 =	vor.u32 v1, v43;
	v52 =	vand.u32 $0x40, v52  }
0x65: {  	v55 =	vor.u32 v1, v46;
	v56 =	vor.u32 v1, v40;
	v41 =	vshll.u32 v41, $0x7  }
0x66: {  	v62 =	vshll.u32 v42, $0x7;
	v44 =	vshll.u32 v44, $0x7;
	v48 =	vor.u32 v1, v47  }
0x67: {  	[tilespmem:v39+s19+$0x0] =	vst.idx.msk $0xffff, v32;
	v47 =	vshll.u32 v47, $0x7;
	v59 =	vor.u32 v0, v52;
	v41 =	vand.u32 $0x1F80, v41;
	v63 =	vld.idx.msk [tilespmem:v49+s29+$0x0], $0xffff  }
0x68: {  	[tilespmem:v38+s19+$0x0] =	vst.idx.msk $0xffff, v31;
	v38 =	vand.u32 $0x1F80, v62;
	v60 =	vand.u32 $0x1F80, v47;
	v41 =	vor.u32 v59, v41;
	v47 =	vld.idx.msk [tilespmem:v50+s29+$0x0], $0xffff  }
0x69: {  	[tilespmem:v36+s19+$0x0] =	vst.idx.msk $0xffff, v30;
	v45 =	vshll.u32 v45, $0x7;
	v36 =	vand.u32 $0x1F80, v44;
	v38 =	vor.u32 v59, v38;
	v49 =	vld.idx.msk [tilespmem:v51+s29+$0x0], $0xffff  }
0x6a: {  	[tilespmem:v29+s19+$0x0] =	vst.idx.msk $0xffff, v33;
	v29 =	vand.u32 $0x1F80, v45;
	v36 =	vor.u32 v59, v36;
	v51 =	vld.idx.msk [tilespmem:v53+s29+$0x0], $0xffff  }
0x6b: {  	[tilespmem:v35+s19+$0x0] =	vst.idx.msk $0xffff, v37;
	v40 =	vshll.u32 v40, $0x7;
	v29 =	vor.u32 v59, v29;
	v52 =	vld.idx.msk [tilespmem:v54+s29+$0x0], $0xffff  }
0x6c: {  	[tilespmem:v28+s19+$0x0] =	vst.idx.msk $0xffff, v34;
	v39 =	vor.u32 v59, v60;
	v50 =	vshll.u32 v46, $0x7;
	v54 =	vand.u32 $0x1F80, v40;
	v61 =	vld.idx.msk [tilespmem:v48+s29+$0x0], $0xffff  }
0x6d: {  	v58 =	vld.idx.msk [tilespmem:v56+s29+$0x0], $0xffff;
	v48 =	vshll.u32 v43, $0x7;
	v28 =	vand.u32 $0x1F80, v50;
	v32 =	vor.u32 v59, v54;
	[tilespmem:v41+s19+$0x0] =	vst.idx.msk $0xffff, v63  }
0x6e: {  	v57 =	vld.idx.msk [tilespmem:v55+s29+$0x0], $0xffff;
	v35 =	vand.u32 $0x1F80, v48;
	v28 =	vor.u32 v59, v28;
	[tilespmem:v38+s19+$0x0] =	vst.idx.msk $0xffff, v47  }
0x6f: {  	v53 =	vor.u32 v59, v35;
	[tilespmem:v36+s19+$0x0] =	vst.idx.msk $0xffff, v49  }
0x70: {  	v15 =	vor.u32 v2, v15;
	[tilespmem:v29+s19+$0x0] =	vst.idx.msk $0xffff, v51  }
0x71: {  	v14 =	vor.u32 v2, v14;
	[tilespmem:v39+s19+$0x0] =	vst.idx.msk $0xffff, v61  }
0x72: {  	v11 =	vor.u32 v2, v11;
	[tilespmem:v32+s19+$0x0] =	vst.idx.msk $0xffff, v58  }
0x73: {  	v12 =	vor.u32 v2, v12;
	[tilespmem:v28+s19+$0x0] =	vst.idx.msk $0xffff, v57  }
0x74: {  	v10 =	vor.u32 v2, v10;
	s29 =	simm.s32 $0x0;
	[tilespmem:v53+s19+$0x0] =	vst.idx.msk $0xffff, v52  }
0x75: {  	v60 =	vor.u32 v3, v16;
	v59 =	vor.u32 v2, v13;
	v15 =	vld.idx.msk [tilespmem:v15+s29+$0x0], $0xffff  }
0x76: {  	v9 =	vor.u32 v2, v9;
	v61 =	vor.u32 v60, v17;
	v31 =	vld.idx.msk [tilespmem:v14+s29+$0x0], $0xffff  }
0x77: {  	v62 =	vor.u32 v2, v8;
	v63 =	vor.u32 v60, v19;
	v16 =	vld.idx.msk [tilespmem:v11+s29+$0x0], $0xffff  }
0x78: {  	v21 =	vor.u32 v60, v21;
	v13 =	vld.idx.msk [tilespmem:v12+s29+$0x0], $0xffff  }
0x79: {  	v8 =	vor.u32 v60, v18;
	v18 =	vand.u32 $0xF, v25;
	v19 =	vor.u32 v60, v20;
	v11 =	vld.idx.msk [tilespmem:v10+s29+$0x0], $0xffff  }
0x7a: {  	v25 =	vadd.s32 s31, v0;
	v20 =	vand.u32 $0xF, v26;
	v17 =	vor.u32 v60, v22;
	v10 =	vld.idx.msk [tilespmem:v59+s29+$0x0], $0xffff  }
0x7b: {  	v26 =	vadd.s32 s0, v0;
	v22 =	vand.u32 $0xF, v27;
	v14 =	vor.u32 v60, v24;
	v12 =	vld.idx.msk [tilespmem:v9+s29+$0x0], $0xffff;
	[tilespmem:v61+s19+$0x0] =	vst.idx.msk $0xffff, v15  }
0x7c: {  	s0 =	simm.s32 $0x10;
	v24 =	vadd.s32 s30, v0;
	v9 =	vld.idx.msk [tilespmem:v62+s29+$0x0], $0xffff;
	v15 =	vor.u32 v60, v23;
	v23 =	vadd.s32 s1, v0;
	s1 =	simm.s32 $0xF;
	[tilespmem:v63+s19+$0x0] =	vst.idx.msk $0xffff, v31  }
.LBB2_5:
0x7d: {  	p3 =	slt.u32 s0, $0x78;
	v24 =	vand.u32 $0xF, v24;
	v25 =	vand.u32 $0xF, v25;
	v27 =	vadd.s32 s1, v0;
	[tilespmem:v21+s19+$0x0] =	vst.idx.msk $0xffff, v16  }
0x7e: {  	s1 =	sand.u32 $0x70, s28;
	v16 =	vand.u32 $0xF, v23;
	v21 =	vand.u32 $0xF, v26;
	s28 =	smov.u32 s0;
	v23 =	vand.u32 $0xF, v27;
	[tilespmem:v19+s19+$0x0] =	vst.idx.msk $0xffff, v13  }
0x7f: {  	v13 =	vor.u32 s1, v20;
	v19 =	vor.u32 s1, v22;
	v20 =	vor.u32 s1, v23;
	[tilespmem:v17+s19+$0x0] =	vst.idx.msk $0xffff, v11  }
0x80: {  	v11 =	vor.u32 s1, v24;
	v17 =	vor.u32 s1, v25;
	v22 =	vor.u32 v2, v20;
	[tilespmem:v14+s19+$0x0] =	vst.idx.msk $0xffff, v10  }
0x81: {  	v10 =	vor.u32 s1, v18;
	v14 =	vor.u32 s1, v16;
	v18 =	vor.u32 s1, v21;
	[tilespmem:v15+s19+$0x0] =	vst.idx.msk $0xffff, v12  }
0x82: {  	v21 =	vor.u32 v2, v11;
	v12 =	vor.u32 v2, v13;
	v15 =	vor.u32 v2, v19  }
0x83: {  	v16 =	vmov s1;
	v23 =	vor.u32 v2, v17;
	v24 =	vor.u32 v2, v14;
	[tilespmem:v8+s19+$0x0] =	vst.idx.msk $0xffff, v9  }
0x84: {  	v8 =	vand.u32 $0x40, v16;
	v9 =	vor.u32 v2, v18;
	v16 =	vshll.u32 v20, $0x7  }
0x85: {  	v20 =	vor.u32 v2, v10;
	v25 =	vor.u32 v3, v8;
	v16 =	vand.u32 $0x1F80, v16;
	v8 =	vld.idx.msk [tilespmem:v22+s29+$0x0], $0xffff  }
0x86: {  	v13 =	vshll.u32 v13, $0x7;
	v19 =	vshll.u32 v19, $0x7;
	v22 =	vor.u32 v25, v16  }
0x87: {  	v11 =	vshll.u32 v11, $0x7;
	v14 =	vshll.u32 v14, $0x7;
	v27 =	vld.idx.msk [tilespmem:v12+s29+$0x0], $0xffff;
	v12 =	vshll.u32 v17, $0x7  }
0x88: {  	v10 =	vshll.u32 v10, $0x7;
	v17 =	vand.u32 $0x1F80, v13;
	v16 =	vld.idx.msk [tilespmem:v15+s29+$0x0], $0xffff;
	v15 =	vshll.u32 v18, $0x7  }
0x89: {  	v18 =	vand.u32 $0x1F80, v19;
	v19 =	vand.u32 $0x1F80, v11;
	v12 =	vand.u32 $0x1F80, v12;
	v13 =	vld.idx.msk [tilespmem:v21+s29+$0x0], $0xffff  }
0x8a: {  	v14 =	vand.u32 $0x1F80, v14;
	v26 =	vand.u32 $0x1F80, v10;
	v15 =	vand.u32 $0x1F80, v15;
	v11 =	vld.idx.msk [tilespmem:v23+s29+$0x0], $0xffff  }
0x8b: {  	v28 =	vor.u32 v25, v17;
	v21 =	vor.u32 v25, v18;
	v10 =	vld.idx.msk [tilespmem:v24+s29+$0x0], $0xffff;
	[tilespmem:v22+s19+$0x0] =	vst.idx.msk $0xffff, v8  }
.Ltmp3:
0x8c: {  	v14 =	vor.u32 v25, v14;
	v19 =	vor.u32 v25, v19;
	v17 =	vor.u32 v25, v12;
	v12 =	vld.idx.msk [tilespmem:v9+s29+$0x0], $0xffff;
	(pc) =	sbr.rel @p3 .LBB2_5-.Ltmp3, $4  }
0x8d: {  	s2 =	sadd.s32 $0x2, s0;
	s1 =	sadd.s32 $0x1, s0;
	v18 =	vadd.s32 s0, v0;
	v15 =	vor.u32 v25, v15;
	v8 =	vor.u32 v25, v26;
	v9 =	vld.idx.msk [tilespmem:v20+s29+$0x0], $0xffff  }
0x8e: {  	s7 =	sadd.s32 $0x5, s0;
	v18 =	vand.u32 $0xF, v18;
	v22 =	vadd.s32 s2, v0;
	s2 =	sadd.s32 $0x4, s0;
	v20 =	vadd.s32 s1, v0;
	s1 =	sadd.s32 $0x3, s0  }
0x8f: {  	v23 =	vadd.s32 s7, v0;
	v25 =	vadd.s32 s2, v0;
	v24 =	vadd.s32 s1, v0;
	s1 =	sadd.s32 $0x6, s0  }
0x90: {  	v22 =	vand.u32 $0xF, v22;
	v20 =	vand.u32 $0xF, v20;
	s0 =	sadd.s32 $0x8, s0;
	v26 =	vadd.s32 s1, v0;
	s1 =	sadd.s32 $0x7, s28;
	[tilespmem:v28+s19+$0x0] =	vst.idx.msk $0xffff, v27  }
0x91: {  	v24 =	vand.u32 $0xF, v24  }
0x92: {  	v25 =	vand.u32 $0xF, v25;
	v27 =	vadd.s32 s1, v0;
	s0 =	sand.u32 $0x70, s28;
	v23 =	vand.u32 $0xF, v23  }
0x93: {  	v26 =	vand.u32 $0xF, v26;
	v27 =	vand.u32 $0xF, v27;
	v20 =	vor.u32 s0, v20  }
0x94: {  	v22 =	vor.u32 s0, v22;
	v24 =	vor.u32 s0, v24;
	v25 =	vor.u32 s0, v25  }
0x95: {  	v18 =	vor.u32 s0, v18;
	v23 =	vor.u32 s0, v23;
	v26 =	vor.u32 s0, v26  }
0x96: {  	v32 =	vmov s0;
	v27 =	vor.u32 s0, v27;
	v29 =	vor.u32 v2, v20  }
0x97: {  	v30 =	vor.u32 v2, v22;
	v31 =	vor.u32 v2, v24;
	v28 =	vor.u32 v2, v27  }
0x98: {  	v33 =	vor.u32 v2, v25;
	v34 =	vor.u32 v2, v23;
	v32 =	vand.u32 $0x40, v32  }
0x99: {  	[tilespmem:v21+s19+$0x0] =	vst.idx.msk $0xffff, v16;
	v35 =	vor.u32 v2, v26;
	v36 =	vor.u32 v2, v18;
	v20 =	vshll.u32 v20, $0x7  }
0x9a: {  	s29 =	simm.s32 $0x0;
	[tilespmem:v19+s19+$0x0] =	vst.idx.msk $0xffff, v13;
	v27 =	vshll.u32 v27, $0x7;
	v16 =	vor.u32 v3, v32;
	v20 =	vand.u32 $0x1F80, v20  }
0x9b: {  	[tilespmem:v17+s19+$0x0] =	vst.idx.msk $0xffff, v11;
	v19 =	vshll.u32 v22, $0x7;
	v61 =	vand.u32 $0x1F80, v27;
	v20 =	vor.u32 v16, v20;
	v11 =	vld.idx.msk [tilespmem:v29+s29+$0x0], $0xffff  }
0x9c: {  	v17 =	vshll.u32 v24, $0x7;
	v19 =	vand.u32 $0x1F80, v19;
	v21 =	vor.u32 v16, v61;
	v13 =	vld.idx.msk [tilespmem:v28+s29+$0x0], $0xffff  }
0x9d: {  	[tilespmem:v14+s19+$0x0] =	vst.idx.msk $0xffff, v10;
	v10 =	vshll.u32 v25, $0x7;
	v17 =	vand.u32 $0x1F80, v17;
	v19 =	vor.u32 v16, v19;
	v14 =	vld.idx.msk [tilespmem:v30+s29+$0x0], $0xffff  }
0x9e: {  	[tilespmem:v15+s19+$0x0] =	vst.idx.msk $0xffff, v12;
	v12 =	vshll.u32 v23, $0x7;
	v10 =	vand.u32 $0x1F80, v10;
	v17 =	vor.u32 v16, v17;
	v15 =	vld.idx.msk [tilespmem:v31+s29+$0x0], $0xffff  }
0x9f: {  	[tilespmem:v8+s19+$0x0] =	vst.idx.msk $0xffff, v9;
	v8 =	vshll.u32 v26, $0x7;
	v12 =	vand.u32 $0x1F80, v12;
	v10 =	vor.u32 v16, v10;
	v9 =	vld.idx.msk [tilespmem:v33+s29+$0x0], $0xffff  }
0xa0: {  	v18 =	vshll.u32 v18, $0x7;
	v8 =	vand.u32 $0x1F80, v8;
	v12 =	vor.u32 v16, v12;
	v62 =	vld.idx.msk [tilespmem:v34+s29+$0x0], $0xffff;
	[tilespmem:v20+s19+$0x0] =	vst.idx.msk $0xffff, v11  }
0xa1: {  	v8 =	vor.u32 v16, v8;
	[tilespmem:v21+s19+$0x0] =	vst.idx.msk $0xffff, v13;
	v13 =	vand.u32 $0x1F80, v18;
	v18 =	vld.idx.msk [tilespmem:v35+s29+$0x0], $0xffff  }
0xa2: {  	p3 =	por $0x1, $0x1;
	v11 =	vld.idx.msk [tilespmem:v36+s29+$0x0], $0xffff;
	[tilespmem:v19+s19+$0x0] =	vst.idx.msk $0xffff, v14;
	v63 =	vor.u32 v16, v13  }
.Ltmp4:
0xa3: {  	[tilespmem:v17+s19+$0x0] =	vst.idx.msk $0xffff, v15;
	(pc) =	sbr.rel @!p3 .LBB2_7-.Ltmp4, $4  }
0xa4: {  	s7 =	simm.s32 $0x1;
	s11 =	simm.s32 $0x2;
	[tilespmem:v10+s19+$0x0] =	vst.idx.msk $0xffff, v9;
	v9 =	vadd.s32 s29, v0  }
0xa5: {  	s12 =	simm.s32 $0x3;
	s13 =	simm.s32 $0x4;
	[tilespmem:v12+s19+$0x0] =	vst.idx.msk $0xffff, v62;
	v14 =	vadd.s32 s11, v0;
	v16 =	vand.u32 $0xF, v9;
	v9 =	vadd.s32 s7, v0  }
0xa6: {  	s2 =	simm.s32 $0x5;
	s31 =	simm.s32 $0x6;
	v12 =	vadd.s32 s12, v0;
	v13 =	vadd.s32 s13, v0;
	v10 =	vand.u32 $0xF, v9;
	[tilespmem:v8+s19+$0x0] =	vst.idx.msk $0xffff, v18  }
0xa7: {  	s30 =	simm.s32 $0x7;
	s28 =	simm.s32 $0x8;
	p4 =	por $0x0, $0x0;
	v9 =	vand.u32 $0xF, v14;
	v8 =	vadd.s32 s2, v0;
	[tilespmem:v63+s19+$0x0] =	vst.idx.msk $0xffff, v11;
	v11 =	vadd.s32 s31, v0  }
0xa8: {  	v14 =	vand.u32 $0xF, v12;
	v15 =	vand.u32 $0xF, v13  }
0xa9: {  	v17 =	vadd.s32 s30, v0;
	s0 =	sand.u32 $0x70, s29;
	v18 =	vand.u32 $0xF, v8;
	v19 =	vand.u32 $0xF, v11  }
0xaa: {  	v17 =	vand.u32 $0xF, v17;
	v20 =	vor.u32 s0, v10;
	v21 =	vor.u32 s0, v9  }
0xab: {  	v14 =	vor.u32 s0, v14;
	v15 =	vor.u32 s0, v15;
	v16 =	vor.u32 s0, v16  }
0xac: {  	s1 =	simm.s32 $0xA;
	v18 =	vor.u32 s0, v18;
	v19 =	vor.u32 s0, v19;
	v26 =	vmov s0  }
0xad: {  	v63 =	vadd.s32 s1, v0;
	v17 =	vor.u32 s0, v17;
	v23 =	vor.u32 v4, v20  }
0xae: {  	v24 =	vor.u32 v4, v21;
	v25 =	vor.u32 v4, v14;
	v27 =	vor.u32 v4, v15  }
0xaf: {  	v28 =	vor.u32 v4, v18;
	v26 =	vand.u32 $0x40, v26;
	v29 =	vor.u32 v4, v19  }
0xb0: {  	v30 =	vor.u32 v4, v16;
	v20 =	vshll.u32 v20, $0x7;
	v21 =	vshll.u32 v21, $0x7  }
0xb1: {  	v14 =	vshll.u32 v14, $0x7;
	v15 =	vshll.u32 v15, $0x7;
	v22 =	vor.u32 v4, v17  }
0xb2: {  	v16 =	vshll.u32 v16, $0x7;
	v19 =	vshll.u32 v19, $0x7;
	v17 =	vshll.u32 v17, $0x7  }
0xb3: {  	v31 =	vor.u32 v5, v26;
	v14 =	vand.u32 $0x1F80, v14;
	v17 =	vand.u32 $0x1F80, v17  }
0xb4: {  	v32 =	vor.u32 v31, v17;
	v17 =	vshll.u32 v18, $0x7;
	v18 =	vand.u32 $0x1F80, v20;
	v34 =	vld.idx.msk [tilespmem:v23+s29+$0x0], $0xffff  }
0xb5: {  	v20 =	vand.u32 $0x1F80, v21;
	v21 =	vand.u32 $0x1F80, v15;
	v36 =	vor.u32 v31, v18;
	v15 =	vld.idx.msk [tilespmem:v24+s29+$0x0], $0xffff  }
0xb6: {  	p5 =	por $0x1, $0x1;
	v16 =	vand.u32 $0x1F80, v16;
	v35 =	vand.u32 $0x1F80, v19;
	v26 =	vor.u32 v31, v14;
	v33 =	vld.idx.msk [tilespmem:v22+s29+$0x0], $0xffff  }
.Ltmp5:
0xb7: {  	s12 =	simm.s32 $0xB;
	v18 =	vadd.s32 s28, v0;
	v23 =	vand.u32 $0x1F80, v17;
	v24 =	vor.u32 v31, v20;
	v17 =	vld.idx.msk [tilespmem:v25+s29+$0x0], $0xffff;
	(pc) =	sbr.rel @!p5 .LBB2_9-.Ltmp5, $4  }
0xb8: {  	s13 =	simm.s32 $0xC;
	v14 =	vor.u32 v31, v16;
	v19 =	vld.idx.msk [tilespmem:v27+s29+$0x0], $0xffff;
	v16 =	vand.u32 $0xF, v18;
	v27 =	vadd.s32 s12, v0  }
0xb9: {  	s11 =	simm.s32 $0x9;
	s2 =	simm.s32 $0xD;
	v25 =	vld.idx.msk [tilespmem:v29+s29+$0x0], $0xffff;
	v29 =	vadd.s32 s13, v0;
	v22 =	vor.u32 v31, v21;
	v20 =	vor.u32 v31, v23  }
0xba: {  	s31 =	simm.s32 $0xE;
	p4 =	por $0x1, $0x1;
	v23 =	vor.u32 v31, v35;
	v21 =	vld.idx.msk [tilespmem:v28+s29+$0x0], $0xffff;
	v31 =	vadd.s32 s11, v0;
	v28 =	vadd.s32 s2, v0;
	[tilespmem:v36+s19+$0x0] =	vst.idx.msk $0xffff, v34  }
0xbb: {  	s1 =	simm.s32 $0x10;
	s0 =	simm.s32 $0x8;
	v18 =	vld.idx.msk [tilespmem:v30+s29+$0x0], $0xffff;
	s2 =	simm.s32 $0xF;
	v30 =	vand.u32 $0xF, v31;
	v31 =	vand.u32 $0xF, v63;
	[tilespmem:v32+s19+$0x0] =	vst.idx.msk $0xffff, v33;
	v32 =	vadd.s32 s31, v0  }
.LBB2_10:
0xbc: {  	p5 =	slt.u32 s1, $0x78;
	v27 =	vand.u32 $0xF, v27;
	v29 =	vand.u32 $0xF, v29;
	v33 =	vadd.s32 s2, v0;
	[tilespmem:v24+s19+$0x0] =	vst.idx.msk $0xffff, v15  }
0xbd: {  	s2 =	sand.u32 $0x70, s0;
	v15 =	vand.u32 $0xF, v28;
	v24 =	vand.u32 $0xF, v32;
	s0 =	smov.u32 s1;
	v28 =	vand.u32 $0xF, v33;
	[tilespmem:v26+s19+$0x0] =	vst.idx.msk $0xffff, v17  }
0xbe: {  	v17 =	vor.u32 s2, v30;
	v26 =	vor.u32 s2, v31;
	v28 =	vor.u32 s2, v28;
	[tilespmem:v22+s19+$0x0] =	vst.idx.msk $0xffff, v19  }
0xbf: {  	v19 =	vor.u32 s2, v27;
	v22 =	vor.u32 s2, v29;
	v27 =	vor.u32 v4, v28;
	[tilespmem:v20+s19+$0x0] =	vst.idx.msk $0xffff, v21  }
0xc0: {  	v16 =	vor.u32 s2, v16;
	v15 =	vor.u32 s2, v15;
	v20 =	vor.u32 s2, v24;
	[tilespmem:v23+s19+$0x0] =	vst.idx.msk $0xffff, v25  }
0xc1: {  	v21 =	vor.u32 v4, v17;
	v24 =	vor.u32 v4, v19;
	v23 =	vor.u32 v4, v26  }
0xc2: {  	v30 =	vor.u32 v4, v15;
	v29 =	vor.u32 v4, v22;
	v25 =	vmov s2;
	[tilespmem:v14+s19+$0x0] =	vst.idx.msk $0xffff, v18  }
0xc3: {  	v14 =	vand.u32 $0x40, v25;
	v18 =	vor.u32 v4, v20;
	v25 =	vshll.u32 v28, $0x7  }
0xc4: {  	v28 =	vor.u32 v4, v16;
	v31 =	vor.u32 v5, v14;
	v25 =	vand.u32 $0x1F80, v25;
	v14 =	vld.idx.msk [tilespmem:v27+s29+$0x0], $0xffff  }
0xc5: {  	v17 =	vshll.u32 v17, $0x7;
	v26 =	vshll.u32 v26, $0x7;
	v25 =	vor.u32 v31, v25  }
0xc6: {  	v19 =	vshll.u32 v19, $0x7;
	v33 =	vld.idx.msk [tilespmem:v21+s29+$0x0], $0xffff;
	v21 =	vshll.u32 v22, $0x7;
	v22 =	vshll.u32 v15, $0x7  }
0xc7: {  	v16 =	vshll.u32 v16, $0x7;
	v20 =	vshll.u32 v20, $0x7;
	v27 =	vand.u32 $0x1F80, v17;
	v15 =	vld.idx.msk [tilespmem:v23+s29+$0x0], $0xffff  }
0xc8: {  	v23 =	vand.u32 $0x1F80, v26;
	v26 =	vand.u32 $0x1F80, v19;
	v32 =	vand.u32 $0x1F80, v21;
	v17 =	vld.idx.msk [tilespmem:v24+s29+$0x0], $0xffff  }
0xc9: {  	v16 =	vand.u32 $0x1F80, v16;
	v34 =	vand.u32 $0x1F80, v20;
	v19 =	vld.idx.msk [tilespmem:v29+s29+$0x0], $0xffff;
	v29 =	vand.u32 $0x1F80, v22  }
0xca: {  	v35 =	vor.u32 v31, v27;
	v24 =	vor.u32 v31, v23;
	v21 =	vld.idx.msk [tilespmem:v30+s29+$0x0], $0xffff;
	[tilespmem:v25+s19+$0x0] =	vst.idx.msk $0xffff, v14  }
.Ltmp6:
0xcb: {  	v26 =	vor.u32 v31, v26;
	v22 =	vor.u32 v31, v32;
	v20 =	vor.u32 v31, v29;
	v25 =	vld.idx.msk [tilespmem:v18+s29+$0x0], $0xffff;
	(pc) =	sbr.rel @p5 .LBB2_10-.Ltmp6, $4  }
0xcc: {  	s7 =	sadd.s32 $0x2, s1;
	s2 =	sadd.s32 $0x1, s1;
	v27 =	vadd.s32 s1, v0;
	v23 =	vor.u32 v31, v34;
	v14 =	vor.u32 v31, v16;
	v18 =	vld.idx.msk [tilespmem:v28+s29+$0x0], $0xffff  }
0xcd: {  	s11 =	sadd.s32 $0x5, s1;
	v16 =	vand.u32 $0xF, v27;
	v30 =	vadd.s32 s2, v0;
	v31 =	vadd.s32 s7, v0;
	s2 =	sadd.s32 $0x3, s1;
	s7 =	sadd.s32 $0x4, s1  }
0xce: {  	v27 =	vadd.s32 s2, v0;
	v29 =	vadd.s32 s7, v0;
	s2 =	sadd.s32 $0x6, s1;
	v28 =	vadd.s32 s11, v0  }
0xcf: {  	v30 =	vand.u32 $0xF, v30;
	v31 =	vand.u32 $0xF, v31;
	s1 =	sadd.s32 $0x8, s1;
	v32 =	vadd.s32 s2, v0;
	s2 =	sadd.s32 $0x7, s0;
	[tilespmem:v35+s19+$0x0] =	vst.idx.msk $0xffff, v33  }
.LBB2_11:
0xd0: {  	v27 =	vand.u32 $0xF, v27;
	v29 =	vand.u32 $0xF, v29  }
0xd1: {  	v33 =	vadd.s32 s2, v0;
	v28 =	vand.u32 $0xF, v28;
	v32 =	vand.u32 $0xF, v32  }
0xd2: {  	s0 =	sand.u32 $0x70, s0;
	v13 =	vand.u32 $0xF, v13;
	v11 =	vand.u32 $0xF, v11;
	v8 =	vand.u32 $0xF, v8  }
0xd3: {  	v33 =	vand.u32 $0xF, v33;
	v30 =	vor.u32 s0, v30;
	v31 =	vor.u32 s0, v31  }
0xd4: {  	v27 =	vor.u32 s0, v27;
	v29 =	vor.u32 s0, v29;
	v16 =	vor.u32 s0, v16  }
0xd5: {  	s31 =	sand.u32 $0x70, s29;
	v28 =	vor.u32 s0, v28;
	v32 =	vor.u32 s0, v32;
	v38 =	vmov s0  }
0xd6: {  	[tilespmem:v14+s19+$0x0] =	vst.idx.msk @p4 $0xffff, v18;
	v18 =	vadd.s32 s30, v0;
	v13 =	vor.u32 s31, v13;
	v33 =	vor.u32 s0, v33  }
0xd7: {  	v35 =	vor.u32 v4, v30;
	v36 =	vor.u32 v4, v31;
	v37 =	vor.u32 v4, v27  }
0xd8: {  	[tilespmem:v24+s19+$0x0] =	vst.idx.msk @p4 $0xffff, v15;
	v39 =	vor.u32 v4, v29;
	v40 =	vor.u32 v4, v28;
	v38 =	vand.u32 $0x40, v38  }
0xd9: {  	v41 =	vor.u32 v4, v32;
	v42 =	vor.u32 v4, v16;
	v34 =	vor.u32 v4, v33  }
0xda: {  	[tilespmem:v26+s19+$0x0] =	vst.idx.msk @p4 $0xffff, v17;
	v24 =	vshll.u32 v30, $0x7;
	v58 =	vshll.u32 v31, $0x7;
	v17 =	vshll.u32 v27, $0x7  }
0xdb: {  	[tilespmem:v22+s19+$0x0] =	vst.idx.msk @p4 $0xffff, v19;
	v26 =	vshll.u32 v29, $0x7;
	v19 =	vshll.u32 v28, $0x7;
	v16 =	vshll.u32 v16, $0x7  }
0xdc: {  	[tilespmem:v20+s19+$0x0] =	vst.idx.msk @p4 $0xffff, v21;
	v33 =	vshll.u32 v33, $0x7;
	v38 =	vor.u32 v5, v38;
	v22 =	vand.u32 $0x1F80, v24  }
0xdd: {  	[tilespmem:v23+s19+$0x0] =	vst.idx.msk @p4 $0xffff, v25;
	v21 =	vshll.u32 v32, $0x7;
	v15 =	vand.u32 $0x1F80, v33;
	v22 =	vor.u32 v38, v22;
	v23 =	vld.idx.msk [tilespmem:v35+s29+$0x0], $0xffff  }
0xde: {  	v24 =	vand.u32 $0x1F80, v58;
	v17 =	vand.u32 $0x1F80, v17;
	v15 =	vor.u32 v38, v15;
	v20 =	vld.idx.msk [tilespmem:v34+s29+$0x0], $0xffff  }
0xdf: {  	v25 =	vand.u32 $0x1F80, v26;
	v16 =	vand.u32 $0x1F80, v16;
	v24 =	vor.u32 v38, v24;
	v26 =	vld.idx.msk [tilespmem:v36+s29+$0x0], $0xffff  }
0xe0: {  	v19 =	vand.u32 $0x1F80, v19;
	v21 =	vand.u32 $0x1F80, v21;
	v17 =	vor.u32 v38, v17;
	v27 =	vld.idx.msk [tilespmem:v37+s29+$0x0], $0xffff  }
0xe1: {  	v25 =	vor.u32 v38, v25;
	v19 =	vor.u32 v38, v19;
	v60 =	vor.u32 v38, v16;
	v59 =	vld.idx.msk [tilespmem:v39+s29+$0x0], $0xffff  }
0xe2: {  	v16 =	vor.u32 v38, v21;
	v21 =	vand.u32 $0xF, v12;
	v12 =	vadd.s32 s29, v0;
	v14 =	vld.idx.msk [tilespmem:v40+s29+$0x0], $0xffff;
	[tilespmem:v22+s19+$0x0] =	vst.idx.msk $0xffff, v23  }
0xe3: {  	v10 =	vor.u32 s31, v10;
	v8 =	vor.u32 s31, v8;
	v12 =	vand.u32 $0xF, v12;
	[tilespmem:v15+s19+$0x0] =	vst.idx.msk $0xffff, v20;
	v15 =	vld.idx.msk [tilespmem:v41+s29+$0x0], $0xffff  }
0xe4: {  	v18 =	vand.u32 $0xF, v18;
	v62 =	vor.u32 v6, v8;
	v61 =	vor.u32 s31, v12;
	[tilespmem:v24+s19+$0x0] =	vst.idx.msk $0xffff, v26;
	v20 =	vld.idx.msk [tilespmem:v42+s29+$0x0], $0xffff  }
0xe5: {  	v12 =	vor.u32 s31, v18;
	v22 =	vor.u32 v6, v13;
	v24 =	vor.u32 v6, v61;
	[tilespmem:v17+s19+$0x0] =	vst.idx.msk $0xffff, v27  }
0xe6: {  	v26 =	vor.u32 v6, v12;
	v17 =	vor.u32 s31, v11;
	[tilespmem:v25+s19+$0x0] =	vst.idx.msk $0xffff, v59;
	v25 =	vor.u32 s31, v9  }
0xe7: {  	[tilespmem:v19+s19+$0x0] =	vst.idx.msk $0xffff, v14;
	v14 =	vshll.u32 v10, $0x7;
	v11 =	vshll.u32 v13, $0x7;
	v9 =	vshll.u32 v12, $0x7  }
0xe8: {  	v12 =	vor.u32 v6, v10;
	v13 =	vshll.u32 v8, $0x7;
	v27 =	vor.u32 v6, v17;
	[tilespmem:v16+s19+$0x0] =	vst.idx.msk $0xffff, v15  }
0xe9: {  	v10 =	vand.u32 $0x1F80, v9;
	v9 =	vor.u32 s31, v7;
	v23 =	vand.u32 $0x1F80, v11;
	[tilespmem:v60+s19+$0x0] =	vst.idx.msk $0xffff, v20  }
.Ltmp7:
0xea: {  	v13 =	vand.u32 $0x1F80, v13;
	v63 =	vand.u32 $0x1F80, v14;
	v16 =	vor.u32 s31, v21;
	v8 =	vld.idx.msk [tilespmem:v22+s3+$0x0], $0xffff;
	(pc) =	sbr.rel @!p3 .LBB2_13-.Ltmp7, $4  }
0xeb: {  	v14 =	vor.u32 v9, v13;
	v15 =	vshll.u32 v61, $0x7;
	v18 =	vor.u32 v6, v16;
	v11 =	vld.idx.msk [tilespmem:v24+s3+$0x0], $0xffff  }
0xec: {  	v20 =	vor.u32 v6, v25;
	v22 =	vor.u32 v9, v10;
	v19 =	vld.idx.msk [tilespmem:v26+s3+$0x0], $0xffff;
	v10 =	vshll.u32 v25, $0x7  }
0xed: {  	v15 =	vand.u32 $0x1F80, v15;
	v24 =	vshll.u32 v17, $0x7;
	v17 =	vld.idx.msk [tilespmem:v62+s3+$0x0], $0xffff;
	v25 =	vand.u32 $0x1F80, v10  }
0xee: {  	v10 =	vld.idx.msk [tilespmem:v27+s3+$0x0], $0xffff;
	v21 =	vor.u32 v9, v15;
	v15 =	vor.u32 v9, v63;
	v13 =	vor.u32 v9, v25  }
.LBB2_12:
0xef: {  	s0 =	sadd.s32 $0x1, s28  }
0xf0: {  	s1 =	sadd.s32 $0x2, s28;
	s2 =	sadd.s32 $0x3, s28;
	v18 =	vld.idx.msk [tilespmem:v18+s3+$0x0], $0xffff;
	v16 =	vshll.u32 v16, $0x7;
	v23 =	vor.u32 v9, v23;
	v24 =	vand.u32 $0x1F80, v24;
	s7 =	smov.u32 s28  }
0xf1: {  	s11 =	sadd.s32 $0x6, s28;
	v25 =	vadd.s32 s0, v0;
	v26 =	vadd.s32 s1, v0;
	s0 =	sadd.s32 $0x4, s28;
	s1 =	sadd.s32 $0x5, s28;
	v12 =	vld.idx.msk [tilespmem:v12+s3+$0x0], $0xffff;
	v24 =	vor.u32 v9, v24;
	[tilespmem:v22+s19+$0x0] =	vst.idx.msk $0xffff, v19  }
0xf2: {  	s12 =	sand.u32 $0x70, s7;
	v19 =	vadd.s32 s2, v0;
	v22 =	vadd.s32 s0, v0;
	v27 =	vadd.s32 s1, v0;
	s1 =	sadd.s32 $0x7, s7;
	s0 =	sadd.s32 $0x8, s28;
	v20 =	vld.idx.msk [tilespmem:v20+s3+$0x0], $0xffff  }
0xf3: {  	p3 =	slt.u32 s28, $0x78;
	v16 =	vand.u32 $0x1F80, v16;
	v22 =	vand.u32 $0xF, v22;
	v28 =	vadd.s32 s1, v0  }
0xf4: {  	v25 =	vand.u32 $0xF, v25;
	v19 =	vand.u32 $0xF, v19;
	v22 =	vor.u32 s12, v22;
	[tilespmem:v21+s19+$0x0] =	vst.idx.msk $0xffff, v11  }
0xf5: {  	v9 =	vor.u32 v9, v16;
	v11 =	vadd.s32 s7, v0;
	v21 =	vor.u32 v6, v22;
	[tilespmem:v23+s19+$0x0] =	vst.idx.msk $0xffff, v8  }
0xf6: {  	v16 =	vand.u32 $0xF, v28;
	v8 =	vand.u32 $0xF, v11;
	v11 =	vand.u32 $0xF, v26;
	[tilespmem:v14+s19+$0x0] =	vst.idx.msk $0xffff, v17  }
0xf7: {  	v16 =	vor.u32 s12, v16;
	v14 =	vor.u32 s12, v8;
	v8 =	vadd.s32 s11, v0;
	[tilespmem:v15+s19+$0x0] =	vst.idx.msk $0xffff, v12  }
0xf8: {  	v17 =	vor.u32 v6, v16;
	v15 =	vor.u32 v6, v14;
	v8 =	vand.u32 $0xF, v8;
	[tilespmem:v13+s19+$0x0] =	vst.idx.msk $0xffff, v20  }
0xf9: {  	v12 =	vor.u32 s12, v25;
	v13 =	vand.u32 $0xF, v27;
	v25 =	vor.u32 s12, v8;
	[tilespmem:v24+s19+$0x0] =	vst.idx.msk $0xffff, v10  }
0xfa: {  	v10 =	vor.u32 s12, v11;
	v13 =	vor.u32 s12, v13;
	v8 =	vld.idx.msk [tilespmem:v21+s3+$0x0], $0xffff;
	v21 =	vor.u32 v6, v25;
	[tilespmem:v9+s19+$0x0] =	vst.idx.msk $0xffff, v18  }
0xfb: {  	v22 =	vshll.u32 v22, $0x7;
	v20 =	vshll.u32 v12, $0x7;
	v9 =	vshll.u32 v16, $0x7  }
0xfc: {  	v12 =	vor.u32 v6, v12;
	v16 =	vor.u32 s12, v19;
	v24 =	vand.u32 $0x1F80, v9  }
0xfd: {  	v26 =	vor.u32 v6, v13;
	v13 =	vshll.u32 v13, $0x7;
	v9 =	vor.u32 s12, v7;
	v11 =	vld.idx.msk [tilespmem:v15+s3+$0x0], $0xffff  }
.Ltmp8:
0xfe: {  	v23 =	vand.u32 $0x1F80, v22;
	v18 =	vor.u32 v6, v16;
	v13 =	vand.u32 $0x1F80, v13;
	v19 =	vld.idx.msk [tilespmem:v17+s3+$0x0], $0xffff;
	(pc) =	sbr.rel @p3 .LBB2_12-.Ltmp8, $4  }
0xff: {  	v14 =	vshll.u32 v14, $0x7;
	v22 =	vor.u32 v9, v24;
	v15 =	vand.u32 $0x1F80, v20  }
0x100: {  	v20 =	vor.u32 v6, v10;
	v10 =	vshll.u32 v10, $0x7;
	v17 =	vand.u32 $0x1F80, v14  }
0x101: {  	v24 =	vshll.u32 v25, $0x7;
	v27 =	vand.u32 $0x1F80, v10;
	v14 =	vor.u32 v9, v13;
	v10 =	vld.idx.msk [tilespmem:v21+s3+$0x0], $0xffff  }
0x102: {  	s28 =	smov.u32 s0;
	v15 =	vor.u32 v9, v15;
	v13 =	vor.u32 v9, v27;
	v21 =	vor.u32 v9, v17;
	v17 =	vld.idx.msk [tilespmem:v26+s3+$0x0], $0xffff  }
.LBB2_13:
0x103: {  	_ =	sdelay $0x2  }
0x104: {  	v23 =	vor.u32 v9, v23  }
0x105: {  	v12 =	vld.idx.msk [tilespmem:v12+s3+$0x0], $0xffff  }
0x106: {  	v16 =	vshll.u32 v16, $0x7;
	v24 =	vand.u32 $0x1F80, v24;
	v60 =	vld.idx.msk [tilespmem:v20+s3+$0x0], $0xffff;
	[tilespmem:v21+s19+$0x0] =	vst.idx.msk $0xffff, v11  }
0x107: {  	v61 =	vor.u32 v9, v24;
	v16 =	vand.u32 $0x1F80, v16;
	[tilespmem:v22+s19+$0x0] =	vst.idx.msk $0xffff, v19  }
0x108: {  	v62 =	vld.idx.msk [tilespmem:v18+s3+$0x0], $0xffff;
	v63 =	vor.u32 v9, v16;
	[tilespmem:v14+s19+$0x0] =	vst.idx.msk $0xffff, v17  }
0x109: {  	p3 =	sne.s32 s25, $0x79;
	[tilespmem:v23+s19+$0x0] =	vst.idx.msk $0xffff, v8  }
.Ltmp9:
0x10a: {  	[tilespmem:v15+s19+$0x0] =	vst.idx.msk $0xffff, v12;
	(pc) =	sbr.rel @p3 .LBB2_15-.Ltmp9, $4  }
0x10b: {  	s28 =	sshll.u32 s26, $0xA;
	[tilespmem:v13+s19+$0x0] =	vst.idx.msk $0xffff, v60  }
0x10c: {  	s0 =	sand.u32 $0x1FFFFC00, s28;
	[tilespmem:v61+s19+$0x0] =	vst.idx.msk $0xffff, v10  }
0x10d: {  	s0 =	sadd.s32 s5, s0;
	[tilespmem:v63+s19+$0x0] =	vst.idx.msk $0xffff, v62  }
0x10e: {  	[hbm4b:s0+s3] =	stream.linear.scatter [tilespmem:s19], [sflag:$0x3], $0x2000, $0x38;
	[tilespmem:$0xA000] =	vst v63  }
.Ltmp10:
0x10f: {  	(pc) =	sbr.rel .LBB2_16-.Ltmp10, $4  }
0x110: {  	_ = 	snop  }
0x111: {  	_ =	swait.ge [sflag:s20], $0x2000  }
0x112: {  	[sflag:s20] =	ssyncset.done $0x0  }
0x113: {  	[sflag:s20] =	ssyncadd.s32 $0xFFFFE000  }
.LBB2_15:
0x114: {  	s0 =	sshll.u32 s26, $0x7  }
.Ltmp11:
0x115: {  	s0 =	sadd.s32 s0, s8;
	(pc) =	sbr.rel @p2 .LBB2_17-.Ltmp11, $4  }
0x116: {  	[tilespmem:s3], [sflag:$0x1] =	stream.strided.gather [hbm4b:s0+s15], $0x2000, s16, s15, $0x38;
	[tilespmem:$0xA000] =	vst v63  }
0x117: {  	_ =	swait.ge [sflag:s20], $0x2000  }
0x118: {  	[sflag:s20] =	ssyncset.done $0x0  }
0x119: {  	[sflag:s20] =	ssyncadd.s32 $0xFFFFE000  }
.LBB2_16:
0x11a: {  	_ =	swait.ge [sflag:s21], $0x2000  }
0x11b: {  	[sflag:s21] =	ssyncset.done $0x0  }
0x11c: {  	[sflag:s21] =	ssyncadd.s32 $0xFFFFE000  }
.LBB2_17:
0x11d: {  	s0 =	simm.s32 $0x0  }
0x11e: {  	s1 =	simm.s32 $0x1;
	s2 =	simm.s32 $0x2;
	s12 =	simm.s32 $0x3;
	v8 =	vadd.s32 s0, v0  }
0x11f: {  	s7 =	simm.s32 $0x4;
	s13 =	simm.s32 $0x5;
	s30 =	simm.s32 $0xD;
	v9 =	vadd.s32 s1, v0;
	v10 =	vadd.s32 s2, v0;
	v11 =	vadd.s32 s12, v0  }
0x120: {  	s31 =	simm.s32 $0xE;
	v12 =	vadd.s32 s7, v0;
	v13 =	vadd.s32 s13, v0;
	v43 =	vadd.s32 s30, v0  }
0x121: {  	s7 =	simm.s32 $0x6;
	v46 =	vadd.s32 s31, v0;
	v8 =	vand.u32 $0xF, v8;
	v9 =	vand.u32 $0xF, v9  }
0x122: {  	s11 =	simm.s32 $0x7;
	v10 =	vand.u32 $0xF, v10;
	v14 =	vadd.s32 s7, v0;
	v16 =	vand.u32 $0xF, v11  }
0x123: {  	s1 =	simm.s32 $0xC;
	v17 =	vand.u32 $0xF, v12;
	v11 =	vadd.s32 s11, v0;
	v18 =	vand.u32 $0xF, v13  }
0x124: {  	s0 =	sand.u32 $0x70, s0;
	v45 =	vadd.s32 s1, v0;
	v19 =	vand.u32 $0xF, v14;
	v12 =	vand.u32 $0xF, v11  }
0x125: {  	v13 =	vor.u32 s0, v9;
	v11 =	vor.u32 s0, v10;
	v10 =	vor.u32 s0, v17  }
0x126: {  	v8 =	vor.u32 s0, v8;
	v14 =	vor.u32 s0, v18;
	v15 =	vor.u32 s0, v12  }
0x127: {  	v12 =	vor.u32 s0, v16;
	v9 =	vor.u32 s0, v19;
	v18 =	vor.u32 v1, v13  }
0x128: {  	v23 =	vor.u32 v1, v11;
	v16 =	vmov s0;
	v26 =	vor.u32 v1, v10  }
0x129: {  	v27 =	vor.u32 v1, v14;
	v41 =	vor.u32 v1, v8;
	v19 =	vshll.u32 v13, $0x7  }
0x12a: {  	v21 =	vshll.u32 v11, $0x7;
	v24 =	vshll.u32 v10, $0x7;
	v20 =	vor.u32 v1, v15  }
0x12b: {  	v28 =	vshll.u32 v14, $0x7;
	v29 =	vshll.u32 v8, $0x7;
	v25 =	vor.u32 v1, v12  }
0x12c: {  	v16 =	vand.u32 $0x40, v16;
	v33 =	vor.u32 v1, v9;
	v17 =	vshll.u32 v15, $0x7  }
0x12d: {  	v22 =	vshll.u32 v12, $0x7;
	v19 =	vand.u32 $0x1F80, v19;
	v30 =	vshll.u32 v9, $0x7  }
0x12e: {  	s0 =	simm.s32 $0xB;
	v21 =	vand.u32 $0x1F80, v21;
	v32 =	vor.u32 v0, v16;
	v17 =	vand.u32 $0x1F80, v17;
	v47 =	vld.idx.msk [tilespmem:v18+s17+$0x0], $0xffff  }
0x12f: {  	v44 =	vadd.s32 s0, v0;
	v36 =	vor.u32 v32, v17;
	v48 =	vor.u32 v32, v19;
	v40 =	vld.idx.msk [tilespmem:v20+s17+$0x0], $0xffff  }
0x130: {  	s12 =	simm.s32 $0x9;
	v39 =	vor.u32 v32, v21;
	v18 =	vand.u32 $0x1F80, v29;
	v34 =	vld.idx.msk [tilespmem:v23+s17+$0x0], $0xffff;
	v23 =	vand.u32 $0x1F80, v30  }
0x131: {  	v29 =	vld.idx.msk [tilespmem:v26+s17+$0x0], $0xffff;
	v26 =	vadd.s32 s12, v0;
	v20 =	vand.u32 $0x1F80, v22;
	v22 =	vand.u32 $0x1F80, v24  }
0x132: {  	v24 =	vand.u32 $0x1F80, v28;
	v31 =	vld.idx.msk [tilespmem:v25+s17+$0x0], $0xffff;
	v28 =	vor.u32 v32, v18;
	v38 =	vor.u32 v32, v20  }
0x133: {  	s29 =	simm.s32 $0x8;
	s13 =	simm.s32 $0xA;
	v35 =	vor.u32 v32, v23;
	v37 =	vor.u32 v32, v22;
	v30 =	vor.u32 v32, v24;
	v32 =	vld.idx.msk [tilespmem:v27+s17+$0x0], $0xffff  }
0x134: {  	v25 =	vadd.s32 s29, v0;
	v27 =	vadd.s32 s13, v0;
	[tilespmem:v36+s22+$0x0] =	vst.idx.msk $0xffff, v40;
	v36 =	vld.idx.msk [tilespmem:v33+s17+$0x0], $0xffff  }
0x135: {  	s2 =	simm.s32 $0x10;
	s11 =	simm.s32 $0x8;
	s12 =	simm.s32 $0xF;
	v42 =	vand.u32 $0xF, v27;
	[tilespmem:v48+s22+$0x0] =	vst.idx.msk $0xffff, v47;
	v40 =	vand.u32 $0xF, v25;
	v33 =	vld.idx.msk [tilespmem:v41+s17+$0x0], $0xffff;
	v41 =	vand.u32 $0xF, v26  }
.LBB2_18:
0x136: {  	p2 =	slt.u32 s2, $0x78;
	v44 =	vand.u32 $0xF, v44;
	v45 =	vand.u32 $0xF, v45;
	v47 =	vadd.s32 s12, v0;
	[tilespmem:v39+s22+$0x0] =	vst.idx.msk $0xffff, v34  }
0x137: {  	s7 =	sand.u32 $0x70, s11;
	v34 =	vand.u32 $0xF, v43;
	v39 =	vand.u32 $0xF, v46;
	s11 =	smov.u32 s2;
	v43 =	vand.u32 $0xF, v47;
	[tilespmem:v38+s22+$0x0] =	vst.idx.msk $0xffff, v31  }
0x138: {  	v31 =	vor.u32 s7, v41;
	v38 =	vor.u32 s7, v42;
	v41 =	vor.u32 s7, v43;
	[tilespmem:v37+s22+$0x0] =	vst.idx.msk $0xffff, v29  }
0x139: {  	v29 =	vor.u32 s7, v44;
	v37 =	vor.u32 s7, v45;
	v42 =	vor.u32 v1, v41;
	[tilespmem:v30+s22+$0x0] =	vst.idx.msk $0xffff, v32  }
0x13a: {  	v39 =	vor.u32 s7, v39;
	v30 =	vor.u32 s7, v40;
	v32 =	vor.u32 s7, v34;
	[tilespmem:v35+s22+$0x0] =	vst.idx.msk $0xffff, v36  }
0x13b: {  	v34 =	vor.u32 v1, v31;
	v35 =	vor.u32 v1, v38;
	v36 =	vor.u32 v1, v29  }
0x13c: {  	v40 =	vmov s7;
	v43 =	vor.u32 v1, v37;
	v44 =	vor.u32 v1, v32;
	[tilespmem:v28+s22+$0x0] =	vst.idx.msk $0xffff, v33  }
0x13d: {  	v28 =	vand.u32 $0x40, v40;
	v33 =	vor.u32 v1, v39;
	v40 =	vshll.u32 v41, $0x7  }
0x13e: {  	v41 =	vor.u32 v1, v30;
	v45 =	vor.u32 v0, v28;
	v40 =	vand.u32 $0x1F80, v40;
	v28 =	vld.idx.msk [tilespmem:v42+s17+$0x0], $0xffff  }
0x13f: {  	v31 =	vshll.u32 v31, $0x7;
	v38 =	vshll.u32 v38, $0x7;
	v40 =	vor.u32 v45, v40  }
0x140: {  	v37 =	vshll.u32 v37, $0x7;
	v29 =	vshll.u32 v29, $0x7;
	v32 =	vshll.u32 v32, $0x7;
	v47 =	vld.idx.msk [tilespmem:v34+s17+$0x0], $0xffff  }
0x141: {  	v30 =	vshll.u32 v30, $0x7;
	v42 =	vand.u32 $0x1F80, v31;
	v34 =	vld.idx.msk [tilespmem:v35+s17+$0x0], $0xffff;
	v35 =	vshll.u32 v39, $0x7  }
0x142: {  	v37 =	vand.u32 $0x1F80, v37;
	v38 =	vand.u32 $0x1F80, v38;
	v31 =	vld.idx.msk [tilespmem:v36+s17+$0x0], $0xffff;
	v36 =	vand.u32 $0x1F80, v29  }
0x143: {  	v46 =	vand.u32 $0x1F80, v30;
	v30 =	vand.u32 $0x1F80, v32;
	v35 =	vand.u32 $0x1F80, v35;
	v29 =	vld.idx.msk [tilespmem:v43+s17+$0x0], $0xffff  }
0x144: {  	v48 =	vor.u32 v45, v42;
	v39 =	vor.u32 v45, v38;
	v32 =	vld.idx.msk [tilespmem:v44+s17+$0x0], $0xffff;
	[tilespmem:v40+s22+$0x0] =	vst.idx.msk $0xffff, v28  }
.Ltmp12:
0x145: {  	v37 =	vor.u32 v45, v37;
	v30 =	vor.u32 v45, v30;
	v38 =	vor.u32 v45, v36;
	v36 =	vld.idx.msk [tilespmem:v33+s17+$0x0], $0xffff;
	(pc) =	sbr.rel @p2 .LBB2_18-.Ltmp12, $4  }
0x146: {  	s12 =	sadd.s32 $0x2, s2;
	s7 =	sadd.s32 $0x1, s2;
	v35 =	vor.u32 v45, v35;
	v40 =	vadd.s32 s2, v0;
	v28 =	vor.u32 v45, v46;
	v33 =	vld.idx.msk [tilespmem:v41+s17+$0x0], $0xffff  }
0x147: {  	s13 =	sadd.s32 $0x5, s2;
	v42 =	vadd.s32 s12, v0;
	s12 =	sadd.s32 $0x4, s2;
	v40 =	vand.u32 $0xF, v40;
	v41 =	vadd.s32 s7, v0;
	s7 =	sadd.s32 $0x3, s2  }
0x148: {  	v43 =	vadd.s32 s13, v0;
	v45 =	vadd.s32 s12, v0;
	v44 =	vadd.s32 s7, v0;
	s7 =	sadd.s32 $0x6, s2  }
0x149: {  	v42 =	vand.u32 $0xF, v42;
	s12 =	sadd.s32 $0x7, s11;
	v41 =	vand.u32 $0xF, v41;
	s2 =	sadd.s32 $0x8, s2;
	v46 =	vadd.s32 s7, v0;
	[tilespmem:v48+s22+$0x0] =	vst.idx.msk $0xffff, v47  }
0x14a: {  	v44 =	vand.u32 $0xF, v44  }
0x14b: {  	v45 =	vand.u32 $0xF, v45;
	v47 =	vadd.s32 s12, v0;
	s2 =	sand.u32 $0x70, s11;
	v43 =	vand.u32 $0xF, v43  }
0x14c: {  	v46 =	vand.u32 $0xF, v46;
	v47 =	vand.u32 $0xF, v47;
	v41 =	vor.u32 s2, v41  }
0x14d: {  	v42 =	vor.u32 s2, v42;
	v44 =	vor.u32 s2, v44;
	v45 =	vor.u32 s2, v45  }
0x14e: {  	v40 =	vor.u32 s2, v40;
	v43 =	vor.u32 s2, v43;
	v46 =	vor.u32 s2, v46  }
0x14f: {  	v52 =	vmov s2;
	v47 =	vor.u32 s2, v47;
	v49 =	vor.u32 v1, v41  }
0x150: {  	v50 =	vor.u32 v1, v42;
	v51 =	vor.u32 v1, v44;
	v53 =	vor.u32 v1, v45  }
0x151: {  	[tilespmem:v39+s22+$0x0] =	vst.idx.msk $0xffff, v34;
	v54 =	vor.u32 v1, v43;
	v52 =	vand.u32 $0x40, v52;
	v48 =	vor.u32 v1, v47  }
0x152: {  	[tilespmem:v38+s22+$0x0] =	vst.idx.msk $0xffff, v31;
	v41 =	vshll.u32 v41, $0x7;
	v47 =	vshll.u32 v47, $0x7;
	v34 =	vor.u32 v0, v52  }
0x153: {  	[tilespmem:v30+s22+$0x0] =	vst.idx.msk $0xffff, v32;
	v41 =	vand.u32 $0x1F80, v41;
	v60 =	vand.u32 $0x1F80, v47;
	v47 =	vshll.u32 v45, $0x7  }
0x154: {  	v55 =	vor.u32 v1, v46;
	v41 =	vor.u32 v34, v41;
	v30 =	vand.u32 $0x1F80, v47;
	v63 =	vld.idx.msk [tilespmem:v49+s17+$0x0], $0xffff  }
0x155: {  	v56 =	vor.u32 v1, v40;
	v62 =	vshll.u32 v42, $0x7;
	v30 =	vor.u32 v34, v30;
	v52 =	vld.idx.msk [tilespmem:v53+s17+$0x0], $0xffff  }
0x156: {  	[tilespmem:v37+s22+$0x0] =	vst.idx.msk $0xffff, v29;
	v44 =	vshll.u32 v44, $0x7;
	v38 =	vand.u32 $0x1F80, v62;
	v39 =	vor.u32 v34, v60;
	v61 =	vld.idx.msk [tilespmem:v48+s17+$0x0], $0xffff  }
0x157: {  	[tilespmem:v35+s22+$0x0] =	vst.idx.msk $0xffff, v36;
	v37 =	vand.u32 $0x1F80, v44;
	v38 =	vor.u32 v34, v38;
	v49 =	vshll.u32 v43, $0x7;
	v48 =	vld.idx.msk [tilespmem:v50+s17+$0x0], $0xffff  }
0x158: {  	[tilespmem:v28+s22+$0x0] =	vst.idx.msk $0xffff, v33;
	v37 =	vor.u32 v34, v37;
	v50 =	vld.idx.msk [tilespmem:v51+s17+$0x0], $0xffff;
	v51 =	vshll.u32 v46, $0x7;
	v35 =	vand.u32 $0x1F80, v49  }
0x159: {  	v40 =	vshll.u32 v40, $0x7;
	v53 =	vld.idx.msk [tilespmem:v54+s17+$0x0], $0xffff;
	v28 =	vand.u32 $0x1F80, v51;
	v54 =	vor.u32 v34, v35;
	[tilespmem:v41+s22+$0x0] =	vst.idx.msk $0xffff, v63  }
0x15a: {  	v57 =	vand.u32 $0x1F80, v40;
	v58 =	vld.idx.msk [tilespmem:v55+s17+$0x0], $0xffff;
	v28 =	vor.u32 v34, v28;
	[tilespmem:v30+s22+$0x0] =	vst.idx.msk $0xffff, v52  }
0x15b: {  	v59 =	vld.idx.msk [tilespmem:v56+s17+$0x0], $0xffff;
	v34 =	vor.u32 v34, v57;
	[tilespmem:v39+s22+$0x0] =	vst.idx.msk $0xffff, v61  }
0x15c: {  	v15 =	vor.u32 v2, v15;
	[tilespmem:v38+s22+$0x0] =	vst.idx.msk $0xffff, v48  }
0x15d: {  	v13 =	vor.u32 v2, v13;
	[tilespmem:v37+s22+$0x0] =	vst.idx.msk $0xffff, v50  }
0x15e: {  	v11 =	vor.u32 v2, v11;
	[tilespmem:v54+s22+$0x0] =	vst.idx.msk $0xffff, v53  }
0x15f: {  	v12 =	vor.u32 v2, v12;
	[tilespmem:v28+s22+$0x0] =	vst.idx.msk $0xffff, v58  }
0x160: {  	v10 =	vor.u32 v2, v10;
	[tilespmem:v34+s22+$0x0] =	vst.idx.msk $0xffff, v59  }
0x161: {  	v14 =	vor.u32 v2, v14;
	v60 =	vor.u32 v3, v16;
	v15 =	vld.idx.msk [tilespmem:v15+s17+$0x0], $0xffff  }
0x162: {  	v9 =	vor.u32 v2, v9;
	v61 =	vor.u32 v60, v17;
	v30 =	vld.idx.msk [tilespmem:v13+s17+$0x0], $0xffff  }
0x163: {  	v62 =	vor.u32 v2, v8;
	v63 =	vor.u32 v60, v19;
	v16 =	vld.idx.msk [tilespmem:v11+s17+$0x0], $0xffff  }
0x164: {  	v21 =	vor.u32 v60, v21;
	v13 =	vld.idx.msk [tilespmem:v12+s17+$0x0], $0xffff  }
0x165: {  	v8 =	vor.u32 v60, v18;
	v18 =	vand.u32 $0xF, v25;
	v19 =	vor.u32 v60, v20;
	v11 =	vld.idx.msk [tilespmem:v10+s17+$0x0], $0xffff  }
0x166: {  	v25 =	vadd.s32 s1, v0;
	v20 =	vand.u32 $0xF, v26;
	v17 =	vor.u32 v60, v22;
	v10 =	vld.idx.msk [tilespmem:v14+s17+$0x0], $0xffff  }
0x167: {  	v26 =	vadd.s32 s31, v0;
	v22 =	vand.u32 $0xF, v27;
	v14 =	vor.u32 v60, v24;
	v12 =	vld.idx.msk [tilespmem:v9+s17+$0x0], $0xffff;
	[tilespmem:v61+s22+$0x0] =	vst.idx.msk $0xffff, v15  }
0x168: {  	s1 =	simm.s32 $0xF;
	v24 =	vadd.s32 s0, v0;
	v9 =	vld.idx.msk [tilespmem:v62+s17+$0x0], $0xffff;
	s0 =	simm.s32 $0x10;
	v15 =	vor.u32 v60, v23;
	v23 =	vadd.s32 s30, v0;
	[tilespmem:v63+s22+$0x0] =	vst.idx.msk $0xffff, v30  }
.LBB2_20:
0x169: {  	p2 =	slt.u32 s0, $0x78;
	v24 =	vand.u32 $0xF, v24;
	v25 =	vand.u32 $0xF, v25;
	v27 =	vadd.s32 s1, v0;
	[tilespmem:v21+s22+$0x0] =	vst.idx.msk $0xffff, v16  }
0x16a: {  	s1 =	sand.u32 $0x70, s29;
	v16 =	vand.u32 $0xF, v23;
	v21 =	vand.u32 $0xF, v26;
	s29 =	smov.u32 s0;
	v23 =	vand.u32 $0xF, v27;
	[tilespmem:v19+s22+$0x0] =	vst.idx.msk $0xffff, v13  }
0x16b: {  	v13 =	vor.u32 s1, v20;
	v19 =	vor.u32 s1, v22;
	v20 =	vor.u32 s1, v23;
	[tilespmem:v17+s22+$0x0] =	vst.idx.msk $0xffff, v11  }
0x16c: {  	v11 =	vor.u32 s1, v24;
	v17 =	vor.u32 s1, v25;
	v22 =	vor.u32 v2, v20;
	[tilespmem:v14+s22+$0x0] =	vst.idx.msk $0xffff, v10  }
0x16d: {  	v10 =	vor.u32 s1, v18;
	v14 =	vor.u32 s1, v16;
	v18 =	vor.u32 s1, v21;
	[tilespmem:v15+s22+$0x0] =	vst.idx.msk $0xffff, v12  }
0x16e: {  	v21 =	vor.u32 v2, v11;
	v12 =	vor.u32 v2, v13;
	v15 =	vor.u32 v2, v19  }
0x16f: {  	v16 =	vmov s1;
	v23 =	vor.u32 v2, v17;
	v24 =	vor.u32 v2, v14;
	[tilespmem:v8+s22+$0x0] =	vst.idx.msk $0xffff, v9  }
0x170: {  	v8 =	vand.u32 $0x40, v16;
	v9 =	vor.u32 v2, v18;
	v16 =	vshll.u32 v20, $0x7  }
0x171: {  	v20 =	vor.u32 v2, v10;
	v25 =	vor.u32 v3, v8;
	v16 =	vand.u32 $0x1F80, v16;
	v8 =	vld.idx.msk [tilespmem:v22+s17+$0x0], $0xffff  }
0x172: {  	v13 =	vshll.u32 v13, $0x7;
	v19 =	vshll.u32 v19, $0x7;
	v22 =	vor.u32 v25, v16  }
0x173: {  	v11 =	vshll.u32 v11, $0x7;
	v14 =	vshll.u32 v14, $0x7;
	v27 =	vld.idx.msk [tilespmem:v12+s17+$0x0], $0xffff;
	v12 =	vshll.u32 v17, $0x7  }
0x174: {  	v10 =	vshll.u32 v10, $0x7;
	v17 =	vand.u32 $0x1F80, v13;
	v16 =	vld.idx.msk [tilespmem:v15+s17+$0x0], $0xffff;
	v15 =	vshll.u32 v18, $0x7  }
0x175: {  	v18 =	vand.u32 $0x1F80, v19;
	v19 =	vand.u32 $0x1F80, v11;
	v12 =	vand.u32 $0x1F80, v12;
	v13 =	vld.idx.msk [tilespmem:v21+s17+$0x0], $0xffff  }
0x176: {  	v14 =	vand.u32 $0x1F80, v14;
	v26 =	vand.u32 $0x1F80, v10;
	v15 =	vand.u32 $0x1F80, v15;
	v11 =	vld.idx.msk [tilespmem:v23+s17+$0x0], $0xffff  }
0x177: {  	v28 =	vor.u32 v25, v17;
	v21 =	vor.u32 v25, v18;
	v10 =	vld.idx.msk [tilespmem:v24+s17+$0x0], $0xffff;
	[tilespmem:v22+s22+$0x0] =	vst.idx.msk $0xffff, v8  }
.Ltmp13:
0x178: {  	v14 =	vor.u32 v25, v14;
	v19 =	vor.u32 v25, v19;
	v17 =	vor.u32 v25, v12;
	v12 =	vld.idx.msk [tilespmem:v9+s17+$0x0], $0xffff;
	(pc) =	sbr.rel @p2 .LBB2_20-.Ltmp13, $4  }
0x179: {  	s2 =	sadd.s32 $0x2, s0;
	s1 =	sadd.s32 $0x1, s0;
	v18 =	vadd.s32 s0, v0;
	v15 =	vor.u32 v25, v15;
	v8 =	vor.u32 v25, v26;
	v9 =	vld.idx.msk [tilespmem:v20+s17+$0x0], $0xffff  }
0x17a: {  	s7 =	sadd.s32 $0x5, s0;
	v18 =	vand.u32 $0xF, v18;
	v22 =	vadd.s32 s2, v0;
	s2 =	sadd.s32 $0x4, s0;
	v20 =	vadd.s32 s1, v0;
	s1 =	sadd.s32 $0x3, s0  }
0x17b: {  	v23 =	vadd.s32 s7, v0;
	v25 =	vadd.s32 s2, v0;
	v24 =	vadd.s32 s1, v0;
	s1 =	sadd.s32 $0x6, s0  }
0x17c: {  	v22 =	vand.u32 $0xF, v22;
	v20 =	vand.u32 $0xF, v20;
	s0 =	sadd.s32 $0x8, s0;
	v26 =	vadd.s32 s1, v0;
	s1 =	sadd.s32 $0x7, s29;
	[tilespmem:v28+s22+$0x0] =	vst.idx.msk $0xffff, v27  }
0x17d: {  	v24 =	vand.u32 $0xF, v24  }
0x17e: {  	v25 =	vand.u32 $0xF, v25;
	v27 =	vadd.s32 s1, v0;
	s0 =	sand.u32 $0x70, s29;
	v23 =	vand.u32 $0xF, v23  }
0x17f: {  	v26 =	vand.u32 $0xF, v26;
	v27 =	vand.u32 $0xF, v27;
	v20 =	vor.u32 s0, v20  }
0x180: {  	v22 =	vor.u32 s0, v22;
	v24 =	vor.u32 s0, v24;
	v25 =	vor.u32 s0, v25  }
0x181: {  	v18 =	vor.u32 s0, v18;
	v23 =	vor.u32 s0, v23;
	v26 =	vor.u32 s0, v26  }
0x182: {  	v32 =	vmov s0;
	v27 =	vor.u32 s0, v27;
	v29 =	vor.u32 v2, v20  }
0x183: {  	v30 =	vor.u32 v2, v22;
	v31 =	vor.u32 v2, v24;
	v28 =	vor.u32 v2, v27  }
0x184: {  	v33 =	vor.u32 v2, v25;
	v34 =	vor.u32 v2, v23;
	v32 =	vand.u32 $0x40, v32  }
0x185: {  	[tilespmem:v21+s22+$0x0] =	vst.idx.msk $0xffff, v16;
	v35 =	vor.u32 v2, v26;
	v36 =	vor.u32 v2, v18;
	v20 =	vshll.u32 v20, $0x7  }
0x186: {  	[tilespmem:v19+s22+$0x0] =	vst.idx.msk $0xffff, v13;
	v27 =	vshll.u32 v27, $0x7;
	v16 =	vor.u32 v3, v32;
	v20 =	vand.u32 $0x1F80, v20  }
0x187: {  	[tilespmem:v17+s22+$0x0] =	vst.idx.msk $0xffff, v11;
	v19 =	vshll.u32 v22, $0x7;
	v61 =	vand.u32 $0x1F80, v27;
	v20 =	vor.u32 v16, v20;
	v11 =	vld.idx.msk [tilespmem:v29+s17+$0x0], $0xffff  }
0x188: {  	v17 =	vshll.u32 v24, $0x7;
	v19 =	vand.u32 $0x1F80, v19;
	v21 =	vor.u32 v16, v61;
	v13 =	vld.idx.msk [tilespmem:v28+s17+$0x0], $0xffff  }
0x189: {  	[tilespmem:v14+s22+$0x0] =	vst.idx.msk $0xffff, v10;
	v10 =	vshll.u32 v25, $0x7;
	v17 =	vand.u32 $0x1F80, v17;
	v19 =	vor.u32 v16, v19;
	v14 =	vld.idx.msk [tilespmem:v30+s17+$0x0], $0xffff  }
0x18a: {  	[tilespmem:v15+s22+$0x0] =	vst.idx.msk $0xffff, v12;
	v12 =	vshll.u32 v23, $0x7;
	v10 =	vand.u32 $0x1F80, v10;
	v17 =	vor.u32 v16, v17;
	v15 =	vld.idx.msk [tilespmem:v31+s17+$0x0], $0xffff  }
0x18b: {  	[tilespmem:v8+s22+$0x0] =	vst.idx.msk $0xffff, v9;
	v8 =	vshll.u32 v26, $0x7;
	v12 =	vand.u32 $0x1F80, v12;
	v10 =	vor.u32 v16, v10;
	v9 =	vld.idx.msk [tilespmem:v33+s17+$0x0], $0xffff  }
0x18c: {  	v18 =	vshll.u32 v18, $0x7;
	v8 =	vand.u32 $0x1F80, v8;
	v12 =	vor.u32 v16, v12;
	v62 =	vld.idx.msk [tilespmem:v34+s17+$0x0], $0xffff;
	[tilespmem:v20+s22+$0x0] =	vst.idx.msk $0xffff, v11  }
0x18d: {  	v8 =	vor.u32 v16, v8;
	[tilespmem:v21+s22+$0x0] =	vst.idx.msk $0xffff, v13;
	v13 =	vand.u32 $0x1F80, v18;
	v18 =	vld.idx.msk [tilespmem:v35+s17+$0x0], $0xffff  }
0x18e: {  	p2 =	por $0x1, $0x1;
	v11 =	vld.idx.msk [tilespmem:v36+s17+$0x0], $0xffff;
	[tilespmem:v19+s22+$0x0] =	vst.idx.msk $0xffff, v14;
	v63 =	vor.u32 v16, v13  }
.Ltmp14:
0x18f: {  	s30 =	simm.s32 $0x0;
	[tilespmem:v17+s22+$0x0] =	vst.idx.msk $0xffff, v15;
	(pc) =	sbr.rel @!p2 .LBB2_22-.Ltmp14, $4  }
0x190: {  	s2 =	simm.s32 $0x1;
	s7 =	simm.s32 $0x2;
	[tilespmem:v10+s22+$0x0] =	vst.idx.msk $0xffff, v9;
	v9 =	vadd.s32 s30, v0  }
0x191: {  	s11 =	simm.s32 $0x3;
	s12 =	simm.s32 $0x4;
	[tilespmem:v12+s22+$0x0] =	vst.idx.msk $0xffff, v62;
	v14 =	vadd.s32 s7, v0;
	v16 =	vand.u32 $0xF, v9;
	v9 =	vadd.s32 s2, v0  }
0x192: {  	s13 =	simm.s32 $0x6;
	v12 =	vadd.s32 s11, v0;
	s2 =	simm.s32 $0x5;
	v13 =	vadd.s32 s12, v0;
	v10 =	vand.u32 $0xF, v9;
	[tilespmem:v8+s22+$0x0] =	vst.idx.msk $0xffff, v18  }
0x193: {  	s31 =	simm.s32 $0x7;
	s29 =	simm.s32 $0x8;
	p3 =	por $0x0, $0x0;
	v9 =	vand.u32 $0xF, v14;
	v8 =	vadd.s32 s2, v0;
	[tilespmem:v63+s22+$0x0] =	vst.idx.msk $0xffff, v11;
	v11 =	vadd.s32 s13, v0  }
0x194: {  	v14 =	vand.u32 $0xF, v12;
	v15 =	vand.u32 $0xF, v13  }
0x195: {  	v17 =	vadd.s32 s31, v0;
	s0 =	sand.u32 $0x70, s30;
	v18 =	vand.u32 $0xF, v8;
	v19 =	vand.u32 $0xF, v11  }
0x196: {  	v17 =	vand.u32 $0xF, v17;
	v20 =	vor.u32 s0, v10;
	v21 =	vor.u32 s0, v9  }
0x197: {  	v14 =	vor.u32 s0, v14;
	v15 =	vor.u32 s0, v15;
	v16 =	vor.u32 s0, v16  }
0x198: {  	s1 =	simm.s32 $0xA;
	v18 =	vor.u32 s0, v18;
	v19 =	vor.u32 s0, v19;
	v26 =	vmov s0  }
0x199: {  	v63 =	vadd.s32 s1, v0;
	v17 =	vor.u32 s0, v17;
	v23 =	vor.u32 v4, v20  }
0x19a: {  	v24 =	vor.u32 v4, v21;
	v25 =	vor.u32 v4, v14;
	v27 =	vor.u32 v4, v15  }
0x19b: {  	v28 =	vor.u32 v4, v18;
	v26 =	vand.u32 $0x40, v26;
	v29 =	vor.u32 v4, v19  }
0x19c: {  	v30 =	vor.u32 v4, v16;
	v20 =	vshll.u32 v20, $0x7;
	v21 =	vshll.u32 v21, $0x7  }
0x19d: {  	v14 =	vshll.u32 v14, $0x7;
	v15 =	vshll.u32 v15, $0x7;
	v22 =	vor.u32 v4, v17  }
0x19e: {  	v16 =	vshll.u32 v16, $0x7;
	v19 =	vshll.u32 v19, $0x7;
	v17 =	vshll.u32 v17, $0x7  }
0x19f: {  	v31 =	vor.u32 v5, v26;
	v14 =	vand.u32 $0x1F80, v14;
	v17 =	vand.u32 $0x1F80, v17  }
0x1a0: {  	v32 =	vor.u32 v31, v17;
	v17 =	vshll.u32 v18, $0x7;
	v18 =	vand.u32 $0x1F80, v20;
	v34 =	vld.idx.msk [tilespmem:v23+s17+$0x0], $0xffff  }
0x1a1: {  	v20 =	vand.u32 $0x1F80, v21;
	v21 =	vand.u32 $0x1F80, v15;
	v36 =	vor.u32 v31, v18;
	v15 =	vld.idx.msk [tilespmem:v24+s17+$0x0], $0xffff  }
0x1a2: {  	p4 =	por $0x1, $0x1;
	v16 =	vand.u32 $0x1F80, v16;
	v35 =	vand.u32 $0x1F80, v19;
	v26 =	vor.u32 v31, v14;
	v33 =	vld.idx.msk [tilespmem:v22+s17+$0x0], $0xffff  }
.Ltmp15:
0x1a3: {  	s11 =	simm.s32 $0xB;
	v18 =	vadd.s32 s29, v0;
	v23 =	vand.u32 $0x1F80, v17;
	v24 =	vor.u32 v31, v20;
	v17 =	vld.idx.msk [tilespmem:v25+s17+$0x0], $0xffff;
	(pc) =	sbr.rel @!p4 .LBB2_24-.Ltmp15, $4  }
0x1a4: {  	s12 =	simm.s32 $0xC;
	v14 =	vor.u32 v31, v16;
	v19 =	vld.idx.msk [tilespmem:v27+s17+$0x0], $0xffff;
	v16 =	vand.u32 $0xF, v18;
	v27 =	vadd.s32 s11, v0  }
0x1a5: {  	s7 =	simm.s32 $0x9;
	s2 =	simm.s32 $0xD;
	v25 =	vld.idx.msk [tilespmem:v29+s17+$0x0], $0xffff;
	v29 =	vadd.s32 s12, v0;
	v22 =	vor.u32 v31, v21;
	v20 =	vor.u32 v31, v23  }
0x1a6: {  	s13 =	simm.s32 $0xE;
	p3 =	por $0x1, $0x1;
	v23 =	vor.u32 v31, v35;
	v21 =	vld.idx.msk [tilespmem:v28+s17+$0x0], $0xffff;
	v31 =	vadd.s32 s7, v0;
	v28 =	vadd.s32 s2, v0;
	[tilespmem:v36+s22+$0x0] =	vst.idx.msk $0xffff, v34  }
0x1a7: {  	s1 =	simm.s32 $0x10;
	s0 =	simm.s32 $0x8;
	v18 =	vld.idx.msk [tilespmem:v30+s17+$0x0], $0xffff;
	s2 =	simm.s32 $0xF;
	v30 =	vand.u32 $0xF, v31;
	v31 =	vand.u32 $0xF, v63;
	[tilespmem:v32+s22+$0x0] =	vst.idx.msk $0xffff, v33;
	v32 =	vadd.s32 s13, v0  }
.LBB2_25:
0x1a8: {  	p4 =	slt.u32 s1, $0x78;
	v27 =	vand.u32 $0xF, v27;
	v29 =	vand.u32 $0xF, v29;
	v33 =	vadd.s32 s2, v0;
	[tilespmem:v24+s22+$0x0] =	vst.idx.msk $0xffff, v15  }
0x1a9: {  	s2 =	sand.u32 $0x70, s0;
	v15 =	vand.u32 $0xF, v28;
	v24 =	vand.u32 $0xF, v32;
	s0 =	smov.u32 s1;
	v28 =	vand.u32 $0xF, v33;
	[tilespmem:v26+s22+$0x0] =	vst.idx.msk $0xffff, v17  }
0x1aa: {  	v17 =	vor.u32 s2, v30;
	v26 =	vor.u32 s2, v31;
	v28 =	vor.u32 s2, v28;
	[tilespmem:v22+s22+$0x0] =	vst.idx.msk $0xffff, v19  }
0x1ab: {  	v19 =	vor.u32 s2, v27;
	v22 =	vor.u32 s2, v29;
	v27 =	vor.u32 v4, v28;
	[tilespmem:v20+s22+$0x0] =	vst.idx.msk $0xffff, v21  }
0x1ac: {  	v16 =	vor.u32 s2, v16;
	v15 =	vor.u32 s2, v15;
	v20 =	vor.u32 s2, v24;
	[tilespmem:v23+s22+$0x0] =	vst.idx.msk $0xffff, v25  }
0x1ad: {  	v21 =	vor.u32 v4, v17;
	v24 =	vor.u32 v4, v19;
	v23 =	vor.u32 v4, v26  }
0x1ae: {  	v30 =	vor.u32 v4, v15;
	v29 =	vor.u32 v4, v22;
	v25 =	vmov s2;
	[tilespmem:v14+s22+$0x0] =	vst.idx.msk $0xffff, v18  }
0x1af: {  	v14 =	vand.u32 $0x40, v25;
	v18 =	vor.u32 v4, v20;
	v25 =	vshll.u32 v28, $0x7  }
0x1b0: {  	v28 =	vor.u32 v4, v16;
	v31 =	vor.u32 v5, v14;
	v25 =	vand.u32 $0x1F80, v25;
	v14 =	vld.idx.msk [tilespmem:v27+s17+$0x0], $0xffff  }
0x1b1: {  	v17 =	vshll.u32 v17, $0x7;
	v26 =	vshll.u32 v26, $0x7;
	v25 =	vor.u32 v31, v25  }
0x1b2: {  	v19 =	vshll.u32 v19, $0x7;
	v33 =	vld.idx.msk [tilespmem:v21+s17+$0x0], $0xffff;
	v21 =	vshll.u32 v22, $0x7;
	v22 =	vshll.u32 v15, $0x7  }
0x1b3: {  	v16 =	vshll.u32 v16, $0x7;
	v20 =	vshll.u32 v20, $0x7;
	v27 =	vand.u32 $0x1F80, v17;
	v15 =	vld.idx.msk [tilespmem:v23+s17+$0x0], $0xffff  }
0x1b4: {  	v23 =	vand.u32 $0x1F80, v26;
	v26 =	vand.u32 $0x1F80, v19;
	v32 =	vand.u32 $0x1F80, v21;
	v17 =	vld.idx.msk [tilespmem:v24+s17+$0x0], $0xffff  }
0x1b5: {  	v16 =	vand.u32 $0x1F80, v16;
	v34 =	vand.u32 $0x1F80, v20;
	v19 =	vld.idx.msk [tilespmem:v29+s17+$0x0], $0xffff;
	v29 =	vand.u32 $0x1F80, v22  }
0x1b6: {  	v35 =	vor.u32 v31, v27;
	v24 =	vor.u32 v31, v23;
	v21 =	vld.idx.msk [tilespmem:v30+s17+$0x0], $0xffff;
	[tilespmem:v25+s22+$0x0] =	vst.idx.msk $0xffff, v14  }
.Ltmp16:
0x1b7: {  	v26 =	vor.u32 v31, v26;
	v22 =	vor.u32 v31, v32;
	v20 =	vor.u32 v31, v29;
	v25 =	vld.idx.msk [tilespmem:v18+s17+$0x0], $0xffff;
	(pc) =	sbr.rel @p4 .LBB2_25-.Ltmp16, $4  }
0x1b8: {  	s7 =	sadd.s32 $0x2, s1;
	s2 =	sadd.s32 $0x1, s1;
	v27 =	vadd.s32 s1, v0;
	v23 =	vor.u32 v31, v34;
	v14 =	vor.u32 v31, v16;
	v18 =	vld.idx.msk [tilespmem:v28+s17+$0x0], $0xffff  }
0x1b9: {  	s11 =	sadd.s32 $0x5, s1;
	v16 =	vand.u32 $0xF, v27;
	v30 =	vadd.s32 s2, v0;
	v31 =	vadd.s32 s7, v0;
	s2 =	sadd.s32 $0x3, s1;
	s7 =	sadd.s32 $0x4, s1  }
0x1ba: {  	v27 =	vadd.s32 s2, v0;
	v29 =	vadd.s32 s7, v0;
	s2 =	sadd.s32 $0x6, s1;
	v28 =	vadd.s32 s11, v0  }
0x1bb: {  	v30 =	vand.u32 $0xF, v30;
	v31 =	vand.u32 $0xF, v31;
	s1 =	sadd.s32 $0x8, s1;
	v32 =	vadd.s32 s2, v0;
	s2 =	sadd.s32 $0x7, s0;
	[tilespmem:v35+s22+$0x0] =	vst.idx.msk $0xffff, v33  }
.LBB2_26:
0x1bc: {  	v27 =	vand.u32 $0xF, v27;
	v29 =	vand.u32 $0xF, v29  }
0x1bd: {  	v33 =	vadd.s32 s2, v0;
	v28 =	vand.u32 $0xF, v28;
	v32 =	vand.u32 $0xF, v32  }
0x1be: {  	s0 =	sand.u32 $0x70, s0;
	v13 =	vand.u32 $0xF, v13;
	v11 =	vand.u32 $0xF, v11;
	v8 =	vand.u32 $0xF, v8  }
0x1bf: {  	v33 =	vand.u32 $0xF, v33;
	v30 =	vor.u32 s0, v30;
	v31 =	vor.u32 s0, v31  }
0x1c0: {  	v27 =	vor.u32 s0, v27;
	v29 =	vor.u32 s0, v29;
	v16 =	vor.u32 s0, v16  }
0x1c1: {  	s13 =	sand.u32 $0x70, s30;
	v28 =	vor.u32 s0, v28;
	v32 =	vor.u32 s0, v32;
	v38 =	vmov s0  }
0x1c2: {  	[tilespmem:v14+s22+$0x0] =	vst.idx.msk @p3 $0xffff, v18;
	v18 =	vadd.s32 s31, v0;
	v13 =	vor.u32 s13, v13;
	v33 =	vor.u32 s0, v33  }
0x1c3: {  	v35 =	vor.u32 v4, v30;
	v36 =	vor.u32 v4, v31;
	v37 =	vor.u32 v4, v27  }
0x1c4: {  	[tilespmem:v24+s22+$0x0] =	vst.idx.msk @p3 $0xffff, v15;
	v39 =	vor.u32 v4, v29;
	v40 =	vor.u32 v4, v28;
	v38 =	vand.u32 $0x40, v38  }
0x1c5: {  	v41 =	vor.u32 v4, v32;
	v42 =	vor.u32 v4, v16;
	v34 =	vor.u32 v4, v33  }
0x1c6: {  	[tilespmem:v26+s22+$0x0] =	vst.idx.msk @p3 $0xffff, v17;
	v24 =	vshll.u32 v30, $0x7;
	v58 =	vshll.u32 v31, $0x7;
	v17 =	vshll.u32 v27, $0x7  }
0x1c7: {  	[tilespmem:v22+s22+$0x0] =	vst.idx.msk @p3 $0xffff, v19;
	v26 =	vshll.u32 v29, $0x7;
	v19 =	vshll.u32 v28, $0x7;
	v16 =	vshll.u32 v16, $0x7  }
0x1c8: {  	[tilespmem:v20+s22+$0x0] =	vst.idx.msk @p3 $0xffff, v21;
	v33 =	vshll.u32 v33, $0x7;
	v38 =	vor.u32 v5, v38;
	v22 =	vand.u32 $0x1F80, v24  }
0x1c9: {  	[tilespmem:v23+s22+$0x0] =	vst.idx.msk @p3 $0xffff, v25;
	v21 =	vshll.u32 v32, $0x7;
	v15 =	vand.u32 $0x1F80, v33;
	v22 =	vor.u32 v38, v22;
	v23 =	vld.idx.msk [tilespmem:v35+s17+$0x0], $0xffff  }
0x1ca: {  	v24 =	vand.u32 $0x1F80, v58;
	v17 =	vand.u32 $0x1F80, v17;
	v15 =	vor.u32 v38, v15;
	v20 =	vld.idx.msk [tilespmem:v34+s17+$0x0], $0xffff  }
0x1cb: {  	v25 =	vand.u32 $0x1F80, v26;
	v16 =	vand.u32 $0x1F80, v16;
	v24 =	vor.u32 v38, v24;
	v26 =	vld.idx.msk [tilespmem:v36+s17+$0x0], $0xffff  }
0x1cc: {  	v19 =	vand.u32 $0x1F80, v19;
	v21 =	vand.u32 $0x1F80, v21;
	v17 =	vor.u32 v38, v17;
	v27 =	vld.idx.msk [tilespmem:v37+s17+$0x0], $0xffff  }
0x1cd: {  	v25 =	vor.u32 v38, v25;
	v19 =	vor.u32 v38, v19;
	v60 =	vor.u32 v38, v16;
	v59 =	vld.idx.msk [tilespmem:v39+s17+$0x0], $0xffff  }
0x1ce: {  	v16 =	vor.u32 v38, v21;
	v21 =	vand.u32 $0xF, v12;
	v12 =	vadd.s32 s30, v0;
	v14 =	vld.idx.msk [tilespmem:v40+s17+$0x0], $0xffff;
	[tilespmem:v22+s22+$0x0] =	vst.idx.msk $0xffff, v23  }
0x1cf: {  	v10 =	vor.u32 s13, v10;
	v8 =	vor.u32 s13, v8;
	v12 =	vand.u32 $0xF, v12;
	[tilespmem:v15+s22+$0x0] =	vst.idx.msk $0xffff, v20;
	v15 =	vld.idx.msk [tilespmem:v41+s17+$0x0], $0xffff  }
0x1d0: {  	v18 =	vand.u32 $0xF, v18;
	v62 =	vor.u32 v6, v8;
	v61 =	vor.u32 s13, v12;
	[tilespmem:v24+s22+$0x0] =	vst.idx.msk $0xffff, v26;
	v20 =	vld.idx.msk [tilespmem:v42+s17+$0x0], $0xffff  }
0x1d1: {  	v12 =	vor.u32 s13, v18;
	v22 =	vor.u32 v6, v13;
	v24 =	vor.u32 v6, v61;
	[tilespmem:v17+s22+$0x0] =	vst.idx.msk $0xffff, v27  }
0x1d2: {  	v26 =	vor.u32 v6, v12;
	v17 =	vor.u32 s13, v11;
	[tilespmem:v25+s22+$0x0] =	vst.idx.msk $0xffff, v59;
	v25 =	vor.u32 s13, v9  }
0x1d3: {  	[tilespmem:v19+s22+$0x0] =	vst.idx.msk $0xffff, v14;
	v14 =	vshll.u32 v10, $0x7;
	v11 =	vshll.u32 v13, $0x7;
	v9 =	vshll.u32 v12, $0x7  }
0x1d4: {  	v12 =	vor.u32 v6, v10;
	v13 =	vshll.u32 v8, $0x7;
	v27 =	vor.u32 v6, v17;
	[tilespmem:v16+s22+$0x0] =	vst.idx.msk $0xffff, v15  }
0x1d5: {  	v10 =	vand.u32 $0x1F80, v9;
	v9 =	vor.u32 s13, v7;
	v23 =	vand.u32 $0x1F80, v11;
	[tilespmem:v60+s22+$0x0] =	vst.idx.msk $0xffff, v20  }
.Ltmp17:
0x1d6: {  	v13 =	vand.u32 $0x1F80, v13;
	v63 =	vand.u32 $0x1F80, v14;
	v16 =	vor.u32 s13, v21;
	v8 =	vld.idx.msk [tilespmem:v22+s17+$0x0], $0xffff;
	(pc) =	sbr.rel @!p2 .LBB2_28-.Ltmp17, $4  }
0x1d7: {  	v14 =	vor.u32 v9, v13;
	v15 =	vshll.u32 v61, $0x7;
	v18 =	vor.u32 v6, v16;
	v11 =	vld.idx.msk [tilespmem:v24+s17+$0x0], $0xffff  }
0x1d8: {  	v20 =	vor.u32 v6, v25;
	v22 =	vor.u32 v9, v10;
	v19 =	vld.idx.msk [tilespmem:v26+s17+$0x0], $0xffff;
	v10 =	vshll.u32 v25, $0x7  }
0x1d9: {  	v15 =	vand.u32 $0x1F80, v15;
	v24 =	vshll.u32 v17, $0x7;
	v17 =	vld.idx.msk [tilespmem:v62+s17+$0x0], $0xffff;
	v25 =	vand.u32 $0x1F80, v10  }
0x1da: {  	v10 =	vld.idx.msk [tilespmem:v27+s17+$0x0], $0xffff;
	v21 =	vor.u32 v9, v15;
	v15 =	vor.u32 v9, v63;
	v13 =	vor.u32 v9, v25  }
.LBB2_27:
0x1db: {  	s0 =	sadd.s32 $0x1, s29  }
0x1dc: {  	s1 =	sadd.s32 $0x2, s29;
	s2 =	sadd.s32 $0x3, s29;
	v18 =	vld.idx.msk [tilespmem:v18+s17+$0x0], $0xffff;
	v16 =	vshll.u32 v16, $0x7;
	v23 =	vor.u32 v9, v23;
	v24 =	vand.u32 $0x1F80, v24;
	s7 =	smov.u32 s29  }
0x1dd: {  	s11 =	sadd.s32 $0x6, s29;
	v25 =	vadd.s32 s0, v0;
	v26 =	vadd.s32 s1, v0;
	s0 =	sadd.s32 $0x4, s29;
	s1 =	sadd.s32 $0x5, s29;
	v12 =	vld.idx.msk [tilespmem:v12+s17+$0x0], $0xffff;
	v24 =	vor.u32 v9, v24;
	[tilespmem:v22+s22+$0x0] =	vst.idx.msk $0xffff, v19  }
0x1de: {  	s12 =	sand.u32 $0x70, s7;
	v19 =	vadd.s32 s2, v0;
	v22 =	vadd.s32 s0, v0;
	v27 =	vadd.s32 s1, v0;
	s1 =	sadd.s32 $0x7, s7;
	s0 =	sadd.s32 $0x8, s29;
	v20 =	vld.idx.msk [tilespmem:v20+s17+$0x0], $0xffff  }
0x1df: {  	p2 =	slt.u32 s29, $0x78;
	v16 =	vand.u32 $0x1F80, v16;
	v22 =	vand.u32 $0xF, v22;
	v28 =	vadd.s32 s1, v0  }
0x1e0: {  	v25 =	vand.u32 $0xF, v25;
	v19 =	vand.u32 $0xF, v19;
	v22 =	vor.u32 s12, v22;
	[tilespmem:v21+s22+$0x0] =	vst.idx.msk $0xffff, v11  }
0x1e1: {  	v9 =	vor.u32 v9, v16;
	v11 =	vadd.s32 s7, v0;
	v21 =	vor.u32 v6, v22;
	[tilespmem:v23+s22+$0x0] =	vst.idx.msk $0xffff, v8  }
0x1e2: {  	v16 =	vand.u32 $0xF, v28;
	v8 =	vand.u32 $0xF, v11;
	v11 =	vand.u32 $0xF, v26;
	[tilespmem:v14+s22+$0x0] =	vst.idx.msk $0xffff, v17  }
0x1e3: {  	v16 =	vor.u32 s12, v16;
	v14 =	vor.u32 s12, v8;
	v8 =	vadd.s32 s11, v0;
	[tilespmem:v15+s22+$0x0] =	vst.idx.msk $0xffff, v12  }
0x1e4: {  	v17 =	vor.u32 v6, v16;
	v15 =	vor.u32 v6, v14;
	v8 =	vand.u32 $0xF, v8;
	[tilespmem:v13+s22+$0x0] =	vst.idx.msk $0xffff, v20  }
0x1e5: {  	v12 =	vor.u32 s12, v25;
	v13 =	vand.u32 $0xF, v27;
	v25 =	vor.u32 s12, v8;
	[tilespmem:v24+s22+$0x0] =	vst.idx.msk $0xffff, v10  }
0x1e6: {  	v10 =	vor.u32 s12, v11;
	v13 =	vor.u32 s12, v13;
	v8 =	vld.idx.msk [tilespmem:v21+s17+$0x0], $0xffff;
	v21 =	vor.u32 v6, v25;
	[tilespmem:v9+s22+$0x0] =	vst.idx.msk $0xffff, v18  }
0x1e7: {  	v22 =	vshll.u32 v22, $0x7;
	v20 =	vshll.u32 v12, $0x7;
	v9 =	vshll.u32 v16, $0x7  }
0x1e8: {  	v12 =	vor.u32 v6, v12;
	v16 =	vor.u32 s12, v19;
	v24 =	vand.u32 $0x1F80, v9  }
0x1e9: {  	v26 =	vor.u32 v6, v13;
	v13 =	vshll.u32 v13, $0x7;
	v9 =	vor.u32 s12, v7;
	v11 =	vld.idx.msk [tilespmem:v15+s17+$0x0], $0xffff  }
.Ltmp18:
0x1ea: {  	v23 =	vand.u32 $0x1F80, v22;
	v18 =	vor.u32 v6, v16;
	v13 =	vand.u32 $0x1F80, v13;
	v19 =	vld.idx.msk [tilespmem:v17+s17+$0x0], $0xffff;
	(pc) =	sbr.rel @p2 .LBB2_27-.Ltmp18, $4  }
0x1eb: {  	v14 =	vshll.u32 v14, $0x7;
	v22 =	vor.u32 v9, v24;
	v15 =	vand.u32 $0x1F80, v20  }
0x1ec: {  	v20 =	vor.u32 v6, v10;
	v10 =	vshll.u32 v10, $0x7;
	v17 =	vand.u32 $0x1F80, v14  }
0x1ed: {  	v24 =	vshll.u32 v25, $0x7;
	v27 =	vand.u32 $0x1F80, v10;
	v14 =	vor.u32 v9, v13;
	v10 =	vld.idx.msk [tilespmem:v21+s17+$0x0], $0xffff  }
0x1ee: {  	s29 =	smov.u32 s0;
	v15 =	vor.u32 v9, v15;
	v13 =	vor.u32 v9, v27;
	v21 =	vor.u32 v9, v17;
	v17 =	vld.idx.msk [tilespmem:v26+s17+$0x0], $0xffff  }
.LBB2_28:
0x1ef: {  	_ =	sdelay $0x2  }
0x1f0: {  	v23 =	vor.u32 v9, v23  }
0x1f1: {  	v12 =	vld.idx.msk [tilespmem:v12+s17+$0x0], $0xffff  }
0x1f2: {  	v16 =	vshll.u32 v16, $0x7;
	v24 =	vand.u32 $0x1F80, v24;
	v60 =	vld.idx.msk [tilespmem:v20+s17+$0x0], $0xffff;
	[tilespmem:v21+s22+$0x0] =	vst.idx.msk $0xffff, v11  }
0x1f3: {  	v61 =	vor.u32 v9, v24;
	v16 =	vand.u32 $0x1F80, v16;
	[tilespmem:v22+s22+$0x0] =	vst.idx.msk $0xffff, v19  }
0x1f4: {  	v62 =	vld.idx.msk [tilespmem:v18+s17+$0x0], $0xffff;
	v63 =	vor.u32 v9, v16;
	[tilespmem:v14+s22+$0x0] =	vst.idx.msk $0xffff, v17  }
0x1f5: {  	p2 =	seq.s32 s25, $0x79;
	[tilespmem:v23+s22+$0x0] =	vst.idx.msk $0xffff, v8  }
.Ltmp19:
0x1f6: {  	[tilespmem:v15+s22+$0x0] =	vst.idx.msk $0xffff, v12;
	(pc) =	sbr.rel @p2 .LBB2_30-.Ltmp19, $4  }
0x1f7: {  	[tilespmem:v13+s22+$0x0] =	vst.idx.msk $0xffff, v60  }
0x1f8: {  	[tilespmem:v61+s22+$0x0] =	vst.idx.msk $0xffff, v10  }
0x1f9: {  	s0 =	sadd.s32 s28, s9;
	[tilespmem:v63+s22+$0x0] =	vst.idx.msk $0xffff, v62  }
0x1fa: {  	[hbm4b:s0+s3] =	stream.linear.scatter [tilespmem:s22], [sflag:$0x4], $0x2000, $0x38;
	[tilespmem:$0xA000] =	vst v63  }
.Ltmp20:
0x1fb: {  	(pc) =	sbr.rel .LBB2_2-.Ltmp20, $4  }
0x1fc: {  	_ = 	snop  }
0x1fd: {  	s0 =	sshll.u32 s26, $0x7  }
0x1fe: {  	s25 =	sadd.s32 $0x1, s25;
	s0 =	sadd.s32 s0, s10  }
0x1ff: {  	[tilespmem:s17], [sflag:$0x2] =	stream.strided.gather [hbm4b:s0+s15], $0x2000, s16, s15, $0x38;
	[tilespmem:$0xA000] =	vst v63  }
.LBB2_7:
.Ltmp21:
0x200: {  	(pc) =	sbr.rel .LBB2_11-.Ltmp21, $3  }
0x201: {  	_ =	sdelay $0x1  }
0x202: {  	v27 =	vmov v12  }
0x203: {  	v29 =	vmovc v13;
	s2 =	simm.s32 $0x7;
	s0 =	simm.s32 $0x0;
	v28 =	vmovc v8;
	v32 =	vmov v11;
	v30 =	vmov v10;
	v31 =	vmov v9  }
.LBB2_22:
.Ltmp22:
0x204: {  	(pc) =	sbr.rel .LBB2_26-.Ltmp22, $3  }
0x205: {  	_ =	sdelay $0x1  }
0x206: {  	v27 =	vmov v12  }
0x207: {  	v29 =	vmovc v13;
	s2 =	simm.s32 $0x7;
	s0 =	simm.s32 $0x0;
	v28 =	vmovc v8;
	v32 =	vmov v11;
	v30 =	vmov v10;
	v31 =	vmov v9  }
.LBB2_9:
.Ltmp23:
0x208: {  	(pc) =	sbr.rel .LBB2_11-.Ltmp23, $2  }
0x209: {  	_ =	sdelay $0x2  }
0x20a: {  	s0 =	simm.s32 $0x8  }
.LBB2_24:
.Ltmp24:
0x20b: {  	(pc) =	sbr.rel .LBB2_26-.Ltmp24, $2  }
0x20c: {  	_ =	sdelay $0x2  }
0x20d: {  	s0 =	simm.s32 $0x8  }
.LBB2_30:
0x20e: {  	_ =	swait.ge [sflag:s23], $0x2000  }
.Ltmp25:
0x20f: {  	[sflag:s23] =	ssyncset.done $0x0;
	(pc) =	sbr.rel @p0 .LBB2_43-.Ltmp25, $4  }
0x210: {  	[sflag:s23] =	ssyncadd.s32 $0xFFFFE000  }
0x211: {  	_ =	swait.ge [sflag:s21], $0x2000  }
0x212: {  	[sflag:s21] =	ssyncset.done $0x0  }
0x213: {  	[sflag:s21] =	ssyncadd.s32 $0xFFFFE000  }
0x214: {  	s26 =	simm.s32 $0x0  }
0x215: {  	s0 =	simm.s32 $0x1;
	s1 =	simm.s32 $0x2;
	s31 =	simm.s32 $0x3;
	v8 =	vadd.s32 s26, v0  }
0x216: {  	s2 =	simm.s32 $0x4;
	s7 =	simm.s32 $0x5;
	s11 =	simm.s32 $0x6;
	v9 =	vadd.s32 s0, v0;
	v10 =	vadd.s32 s1, v0;
	v11 =	vadd.s32 s31, v0  }
0x217: {  	s28 =	simm.s32 $0xC;
	s29 =	simm.s32 $0xD;
	v12 =	vadd.s32 s2, v0;
	v13 =	vadd.s32 s7, v0;
	v14 =	vadd.s32 s11, v0  }
0x218: {  	v45 =	vadd.s32 s28, v0;
	v43 =	vadd.s32 s29, v0;
	v8 =	vand.u32 $0xF, v8  }
0x219: {  	s12 =	simm.s32 $0x7;
	v9 =	vand.u32 $0xF, v9;
	v10 =	vand.u32 $0xF, v10;
	v16 =	vand.u32 $0xF, v11  }
0x21a: {  	s1 =	simm.s32 $0xB;
	s0 =	simm.s32 $0xE;
	v17 =	vand.u32 $0xF, v12;
	v11 =	vadd.s32 s12, v0;
	v13 =	vand.u32 $0xF, v13  }
0x21b: {  	s13 =	sand.u32 $0x70, s26;
	v18 =	vand.u32 $0xF, v14;
	v44 =	vadd.s32 s1, v0;
	v46 =	vadd.s32 s0, v0  }
0x21c: {  	v12 =	vand.u32 $0xF, v11;
	v14 =	vor.u32 s13, v9;
	v11 =	vor.u32 s13, v10  }
0x21d: {  	v10 =	vor.u32 s13, v17;
	v8 =	vor.u32 s13, v8;
	v13 =	vor.u32 s13, v13  }
0x21e: {  	v9 =	vor.u32 s13, v18;
	v15 =	vor.u32 s13, v12;
	v12 =	vor.u32 s13, v16  }
0x21f: {  	v18 =	vor.u32 v1, v14;
	v23 =	vor.u32 v1, v11;
	v16 =	vmov s13  }
0x220: {  	s25 =	rddreg [dreg:$0x5];
	v26 =	vor.u32 v1, v10;
	v27 =	vor.u32 v1, v13;
	v33 =	vor.u32 v1, v9  }
0x221: {  	[tilespmem:s26], [sflag:$0x1] =	stream.strided.gather [hbm4b:s25+s15], $0x2000, s16, s15, $0x38;
	v41 =	vor.u32 v1, v8;
	v19 =	vshll.u32 v14, $0x7;
	v20 =	vor.u32 v1, v15;
	[tilespmem:$0xA000] =	vst v63  }
0x222: {  	_ =	swait.ge [sflag:s18], $0x2000;
	v21 =	vshll.u32 v11, $0x7;
	v24 =	vshll.u32 v10, $0x7;
	v28 =	vshll.u32 v13, $0x7  }
0x223: {  	[sflag:s18] =	ssyncset.done $0x0;
	v29 =	vshll.u32 v8, $0x7;
	v30 =	vshll.u32 v9, $0x7;
	v25 =	vor.u32 v1, v12  }
0x224: {  	[sflag:s18] =	ssyncadd.s32 $0xFFFFE000;
	v16 =	vand.u32 $0x40, v16;
	v17 =	vshll.u32 v15, $0x7;
	v22 =	vshll.u32 v12, $0x7  }
0x225: {  	v19 =	vand.u32 $0x1F80, v19;
	v32 =	vor.u32 v0, v16;
	v17 =	vand.u32 $0x1F80, v17;
	v47 =	vld.idx.msk [tilespmem:v18+s26+$0x0], $0xffff  }
0x226: {  	v21 =	vand.u32 $0x1F80, v21;
	v36 =	vor.u32 v32, v17;
	v48 =	vor.u32 v32, v19;
	v40 =	vld.idx.msk [tilespmem:v20+s26+$0x0], $0xffff  }
0x227: {  	s30 =	simm.s32 $0x9;
	v39 =	vor.u32 v32, v21;
	v18 =	vand.u32 $0x1F80, v29;
	v34 =	vld.idx.msk [tilespmem:v23+s26+$0x0], $0xffff;
	v23 =	vand.u32 $0x1F80, v30  }
0x228: {  	v29 =	vld.idx.msk [tilespmem:v26+s26+$0x0], $0xffff;
	v26 =	vadd.s32 s30, v0;
	v20 =	vand.u32 $0x1F80, v22;
	v22 =	vand.u32 $0x1F80, v24  }
0x229: {  	v24 =	vand.u32 $0x1F80, v28;
	v31 =	vld.idx.msk [tilespmem:v25+s26+$0x0], $0xffff;
	v28 =	vor.u32 v32, v18;
	v38 =	vor.u32 v32, v20  }
0x22a: {  	s25 =	simm.s32 $0x8;
	s31 =	simm.s32 $0xA;
	v35 =	vor.u32 v32, v23;
	v37 =	vor.u32 v32, v22;
	v30 =	vor.u32 v32, v24;
	v32 =	vld.idx.msk [tilespmem:v27+s26+$0x0], $0xffff  }
0x22b: {  	v25 =	vadd.s32 s25, v0;
	v27 =	vadd.s32 s31, v0;
	[tilespmem:v36+s19+$0x0] =	vst.idx.msk $0xffff, v40;
	v36 =	vld.idx.msk [tilespmem:v33+s26+$0x0], $0xffff  }
0x22c: {  	s2 =	simm.s32 $0x10;
	s11 =	simm.s32 $0x8;
	s12 =	simm.s32 $0xF;
	v42 =	vand.u32 $0xF, v27;
	[tilespmem:v48+s19+$0x0] =	vst.idx.msk $0xffff, v47;
	v40 =	vand.u32 $0xF, v25;
	v33 =	vld.idx.msk [tilespmem:v41+s26+$0x0], $0xffff;
	v41 =	vand.u32 $0xF, v26  }
.LBB2_32:
0x22d: {  	p2 =	slt.u32 s2, $0x78;
	v44 =	vand.u32 $0xF, v44;
	v45 =	vand.u32 $0xF, v45;
	v47 =	vadd.s32 s12, v0;
	[tilespmem:v39+s19+$0x0] =	vst.idx.msk $0xffff, v34  }
0x22e: {  	s7 =	sand.u32 $0x70, s11;
	v34 =	vand.u32 $0xF, v43;
	v39 =	vand.u32 $0xF, v46;
	s11 =	smov.u32 s2;
	v43 =	vand.u32 $0xF, v47;
	[tilespmem:v38+s19+$0x0] =	vst.idx.msk $0xffff, v31  }
0x22f: {  	v31 =	vor.u32 s7, v41;
	v38 =	vor.u32 s7, v42;
	v41 =	vor.u32 s7, v43;
	[tilespmem:v37+s19+$0x0] =	vst.idx.msk $0xffff, v29  }
0x230: {  	v29 =	vor.u32 s7, v44;
	v37 =	vor.u32 s7, v45;
	v42 =	vor.u32 v1, v41;
	[tilespmem:v30+s19+$0x0] =	vst.idx.msk $0xffff, v32  }
0x231: {  	v39 =	vor.u32 s7, v39;
	v30 =	vor.u32 s7, v40;
	v32 =	vor.u32 s7, v34;
	[tilespmem:v35+s19+$0x0] =	vst.idx.msk $0xffff, v36  }
0x232: {  	v34 =	vor.u32 v1, v31;
	v35 =	vor.u32 v1, v38;
	v36 =	vor.u32 v1, v29  }
0x233: {  	v40 =	vmov s7;
	v43 =	vor.u32 v1, v37;
	v44 =	vor.u32 v1, v32;
	[tilespmem:v28+s19+$0x0] =	vst.idx.msk $0xffff, v33  }
0x234: {  	v28 =	vand.u32 $0x40, v40;
	v33 =	vor.u32 v1, v39;
	v40 =	vshll.u32 v41, $0x7  }
0x235: {  	v41 =	vor.u32 v1, v30;
	v45 =	vor.u32 v0, v28;
	v40 =	vand.u32 $0x1F80, v40;
	v28 =	vld.idx.msk [tilespmem:v42+s26+$0x0], $0xffff  }
0x236: {  	v31 =	vshll.u32 v31, $0x7;
	v38 =	vshll.u32 v38, $0x7;
	v40 =	vor.u32 v45, v40  }
0x237: {  	v37 =	vshll.u32 v37, $0x7;
	v29 =	vshll.u32 v29, $0x7;
	v32 =	vshll.u32 v32, $0x7;
	v47 =	vld.idx.msk [tilespmem:v34+s26+$0x0], $0xffff  }
0x238: {  	v30 =	vshll.u32 v30, $0x7;
	v42 =	vand.u32 $0x1F80, v31;
	v34 =	vld.idx.msk [tilespmem:v35+s26+$0x0], $0xffff;
	v35 =	vshll.u32 v39, $0x7  }
0x239: {  	v37 =	vand.u32 $0x1F80, v37;
	v38 =	vand.u32 $0x1F80, v38;
	v31 =	vld.idx.msk [tilespmem:v36+s26+$0x0], $0xffff;
	v36 =	vand.u32 $0x1F80, v29  }
0x23a: {  	v46 =	vand.u32 $0x1F80, v30;
	v30 =	vand.u32 $0x1F80, v32;
	v35 =	vand.u32 $0x1F80, v35;
	v29 =	vld.idx.msk [tilespmem:v43+s26+$0x0], $0xffff  }
0x23b: {  	v48 =	vor.u32 v45, v42;
	v39 =	vor.u32 v45, v38;
	v32 =	vld.idx.msk [tilespmem:v44+s26+$0x0], $0xffff;
	[tilespmem:v40+s19+$0x0] =	vst.idx.msk $0xffff, v28  }
.Ltmp26:
0x23c: {  	v37 =	vor.u32 v45, v37;
	v30 =	vor.u32 v45, v30;
	v38 =	vor.u32 v45, v36;
	v36 =	vld.idx.msk [tilespmem:v33+s26+$0x0], $0xffff;
	(pc) =	sbr.rel @p2 .LBB2_32-.Ltmp26, $4  }
0x23d: {  	s12 =	sadd.s32 $0x2, s2;
	s7 =	sadd.s32 $0x1, s2;
	v35 =	vor.u32 v45, v35;
	v40 =	vadd.s32 s2, v0;
	v28 =	vor.u32 v45, v46;
	v33 =	vld.idx.msk [tilespmem:v41+s26+$0x0], $0xffff  }
0x23e: {  	s13 =	sadd.s32 $0x5, s2;
	v42 =	vadd.s32 s12, v0;
	s12 =	sadd.s32 $0x4, s2;
	v40 =	vand.u32 $0xF, v40;
	v41 =	vadd.s32 s7, v0;
	s7 =	sadd.s32 $0x3, s2  }
0x23f: {  	v43 =	vadd.s32 s13, v0;
	v45 =	vadd.s32 s12, v0;
	v44 =	vadd.s32 s7, v0;
	s7 =	sadd.s32 $0x6, s2  }
0x240: {  	v42 =	vand.u32 $0xF, v42;
	s12 =	sadd.s32 $0x7, s11;
	v41 =	vand.u32 $0xF, v41;
	s2 =	sadd.s32 $0x8, s2;
	v46 =	vadd.s32 s7, v0;
	[tilespmem:v48+s19+$0x0] =	vst.idx.msk $0xffff, v47  }
0x241: {  	v44 =	vand.u32 $0xF, v44;
	v45 =	vand.u32 $0xF, v45;
	v47 =	vadd.s32 s12, v0  }
0x242: {  	s2 =	sand.u32 $0x70, s11;
	v43 =	vand.u32 $0xF, v43;
	v46 =	vand.u32 $0xF, v46;
	v47 =	vand.u32 $0xF, v47  }
0x243: {  	v41 =	vor.u32 s2, v41;
	v42 =	vor.u32 s2, v42;
	v44 =	vor.u32 s2, v44  }
0x244: {  	v45 =	vor.u32 s2, v45;
	v40 =	vor.u32 s2, v40;
	v43 =	vor.u32 s2, v43  }
0x245: {  	v46 =	vor.u32 s2, v46;
	v52 =	vmov s2;
	v49 =	vor.u32 v1, v41  }
0x246: {  	v47 =	vor.u32 s2, v47;
	v50 =	vor.u32 v1, v42;
	v51 =	vor.u32 v1, v44  }
0x247: {  	v53 =	vor.u32 v1, v45;
	v54 =	vor.u32 v1, v43;
	v52 =	vand.u32 $0x40, v52  }
0x248: {  	v55 =	vor.u32 v1, v46;
	v56 =	vor.u32 v1, v40;
	v41 =	vshll.u32 v41, $0x7  }
0x249: {  	v62 =	vshll.u32 v42, $0x7;
	v44 =	vshll.u32 v44, $0x7;
	v48 =	vor.u32 v1, v47  }
0x24a: {  	[tilespmem:v39+s19+$0x0] =	vst.idx.msk $0xffff, v34;
	v47 =	vshll.u32 v47, $0x7;
	v59 =	vor.u32 v0, v52;
	v41 =	vand.u32 $0x1F80, v41;
	v63 =	vld.idx.msk [tilespmem:v49+s26+$0x0], $0xffff  }
0x24b: {  	[tilespmem:v38+s19+$0x0] =	vst.idx.msk $0xffff, v31;
	v38 =	vand.u32 $0x1F80, v62;
	v60 =	vand.u32 $0x1F80, v47;
	v41 =	vor.u32 v59, v41;
	v47 =	vld.idx.msk [tilespmem:v50+s26+$0x0], $0xffff  }
0x24c: {  	[tilespmem:v37+s19+$0x0] =	vst.idx.msk $0xffff, v29;
	v45 =	vshll.u32 v45, $0x7;
	v37 =	vand.u32 $0x1F80, v44;
	v38 =	vor.u32 v59, v38;
	v49 =	vld.idx.msk [tilespmem:v51+s26+$0x0], $0xffff  }
0x24d: {  	[tilespmem:v30+s19+$0x0] =	vst.idx.msk $0xffff, v32;
	v30 =	vand.u32 $0x1F80, v45;
	v37 =	vor.u32 v59, v37;
	v51 =	vld.idx.msk [tilespmem:v53+s26+$0x0], $0xffff  }
0x24e: {  	[tilespmem:v35+s19+$0x0] =	vst.idx.msk $0xffff, v36;
	v40 =	vshll.u32 v40, $0x7;
	v30 =	vor.u32 v59, v30;
	v52 =	vld.idx.msk [tilespmem:v54+s26+$0x0], $0xffff  }
0x24f: {  	[tilespmem:v28+s19+$0x0] =	vst.idx.msk $0xffff, v33;
	v39 =	vor.u32 v59, v60;
	v50 =	vshll.u32 v46, $0x7;
	v54 =	vand.u32 $0x1F80, v40;
	v61 =	vld.idx.msk [tilespmem:v48+s26+$0x0], $0xffff  }
0x250: {  	v58 =	vld.idx.msk [tilespmem:v56+s26+$0x0], $0xffff;
	v48 =	vshll.u32 v43, $0x7;
	v28 =	vand.u32 $0x1F80, v50;
	v34 =	vor.u32 v59, v54;
	[tilespmem:v41+s19+$0x0] =	vst.idx.msk $0xffff, v63  }
0x251: {  	v57 =	vld.idx.msk [tilespmem:v55+s26+$0x0], $0xffff;
	v35 =	vand.u32 $0x1F80, v48;
	v28 =	vor.u32 v59, v28;
	[tilespmem:v38+s19+$0x0] =	vst.idx.msk $0xffff, v47  }
0x252: {  	v53 =	vor.u32 v59, v35;
	[tilespmem:v37+s19+$0x0] =	vst.idx.msk $0xffff, v49  }
0x253: {  	v15 =	vor.u32 v2, v15;
	[tilespmem:v30+s19+$0x0] =	vst.idx.msk $0xffff, v51  }
0x254: {  	v14 =	vor.u32 v2, v14;
	[tilespmem:v39+s19+$0x0] =	vst.idx.msk $0xffff, v61  }
0x255: {  	v11 =	vor.u32 v2, v11;
	[tilespmem:v34+s19+$0x0] =	vst.idx.msk $0xffff, v58  }
0x256: {  	v12 =	vor.u32 v2, v12;
	[tilespmem:v28+s19+$0x0] =	vst.idx.msk $0xffff, v57  }
0x257: {  	v10 =	vor.u32 v2, v10;
	s26 =	simm.s32 $0x0;
	[tilespmem:v53+s19+$0x0] =	vst.idx.msk $0xffff, v52  }
0x258: {  	v60 =	vor.u32 v3, v16;
	v59 =	vor.u32 v2, v13;
	v15 =	vld.idx.msk [tilespmem:v15+s26+$0x0], $0xffff  }
0x259: {  	v9 =	vor.u32 v2, v9;
	v61 =	vor.u32 v60, v17;
	v31 =	vld.idx.msk [tilespmem:v14+s26+$0x0], $0xffff  }
0x25a: {  	v62 =	vor.u32 v2, v8;
	v63 =	vor.u32 v60, v19;
	v16 =	vld.idx.msk [tilespmem:v11+s26+$0x0], $0xffff  }
0x25b: {  	v21 =	vor.u32 v60, v21;
	v13 =	vld.idx.msk [tilespmem:v12+s26+$0x0], $0xffff  }
0x25c: {  	v8 =	vor.u32 v60, v18;
	v18 =	vand.u32 $0xF, v25;
	v19 =	vor.u32 v60, v20;
	v11 =	vld.idx.msk [tilespmem:v10+s26+$0x0], $0xffff  }
0x25d: {  	v25 =	vadd.s32 s28, v0;
	v20 =	vand.u32 $0xF, v26;
	v17 =	vor.u32 v60, v22;
	v10 =	vld.idx.msk [tilespmem:v59+s26+$0x0], $0xffff  }
0x25e: {  	v26 =	vadd.s32 s0, v0;
	v22 =	vand.u32 $0xF, v27;
	v14 =	vor.u32 v60, v24;
	v12 =	vld.idx.msk [tilespmem:v9+s26+$0x0], $0xffff;
	[tilespmem:v61+s19+$0x0] =	vst.idx.msk $0xffff, v15  }
0x25f: {  	s0 =	simm.s32 $0x10;
	v24 =	vadd.s32 s1, v0;
	v9 =	vld.idx.msk [tilespmem:v62+s26+$0x0], $0xffff;
	s1 =	simm.s32 $0xF;
	v15 =	vor.u32 v60, v23;
	v23 =	vadd.s32 s29, v0;
	[tilespmem:v63+s19+$0x0] =	vst.idx.msk $0xffff, v31  }
.LBB2_34:
0x260: {  	p2 =	slt.u32 s0, $0x78;
	v24 =	vand.u32 $0xF, v24;
	v25 =	vand.u32 $0xF, v25;
	v27 =	vadd.s32 s1, v0;
	[tilespmem:v21+s19+$0x0] =	vst.idx.msk $0xffff, v16  }
0x261: {  	s1 =	sand.u32 $0x70, s25;
	v16 =	vand.u32 $0xF, v23;
	v21 =	vand.u32 $0xF, v26;
	s25 =	smov.u32 s0;
	v23 =	vand.u32 $0xF, v27;
	[tilespmem:v19+s19+$0x0] =	vst.idx.msk $0xffff, v13  }
0x262: {  	v13 =	vor.u32 s1, v20;
	v19 =	vor.u32 s1, v22;
	v20 =	vor.u32 s1, v23;
	[tilespmem:v17+s19+$0x0] =	vst.idx.msk $0xffff, v11  }
0x263: {  	v11 =	vor.u32 s1, v24;
	v17 =	vor.u32 s1, v25;
	v22 =	vor.u32 v2, v20;
	[tilespmem:v14+s19+$0x0] =	vst.idx.msk $0xffff, v10  }
0x264: {  	v10 =	vor.u32 s1, v18;
	v14 =	vor.u32 s1, v16;
	v18 =	vor.u32 s1, v21;
	[tilespmem:v15+s19+$0x0] =	vst.idx.msk $0xffff, v12  }
0x265: {  	v21 =	vor.u32 v2, v11;
	v12 =	vor.u32 v2, v13;
	v15 =	vor.u32 v2, v19  }
0x266: {  	v16 =	vmov s1;
	v23 =	vor.u32 v2, v17;
	v24 =	vor.u32 v2, v14;
	[tilespmem:v8+s19+$0x0] =	vst.idx.msk $0xffff, v9  }
0x267: {  	v8 =	vand.u32 $0x40, v16;
	v9 =	vor.u32 v2, v18;
	v16 =	vshll.u32 v20, $0x7  }
0x268: {  	v20 =	vor.u32 v2, v10;
	v25 =	vor.u32 v3, v8;
	v16 =	vand.u32 $0x1F80, v16;
	v8 =	vld.idx.msk [tilespmem:v22+s26+$0x0], $0xffff  }
0x269: {  	v13 =	vshll.u32 v13, $0x7;
	v19 =	vshll.u32 v19, $0x7;
	v22 =	vor.u32 v25, v16  }
0x26a: {  	v11 =	vshll.u32 v11, $0x7;
	v14 =	vshll.u32 v14, $0x7;
	v27 =	vld.idx.msk [tilespmem:v12+s26+$0x0], $0xffff;
	v12 =	vshll.u32 v17, $0x7  }
0x26b: {  	v10 =	vshll.u32 v10, $0x7;
	v17 =	vand.u32 $0x1F80, v13;
	v16 =	vld.idx.msk [tilespmem:v15+s26+$0x0], $0xffff;
	v15 =	vshll.u32 v18, $0x7  }
0x26c: {  	v18 =	vand.u32 $0x1F80, v19;
	v19 =	vand.u32 $0x1F80, v11;
	v12 =	vand.u32 $0x1F80, v12;
	v13 =	vld.idx.msk [tilespmem:v21+s26+$0x0], $0xffff  }
0x26d: {  	v14 =	vand.u32 $0x1F80, v14;
	v26 =	vand.u32 $0x1F80, v10;
	v15 =	vand.u32 $0x1F80, v15;
	v11 =	vld.idx.msk [tilespmem:v23+s26+$0x0], $0xffff  }
0x26e: {  	v28 =	vor.u32 v25, v17;
	v21 =	vor.u32 v25, v18;
	v10 =	vld.idx.msk [tilespmem:v24+s26+$0x0], $0xffff;
	[tilespmem:v22+s19+$0x0] =	vst.idx.msk $0xffff, v8  }
.Ltmp27:
0x26f: {  	v14 =	vor.u32 v25, v14;
	v19 =	vor.u32 v25, v19;
	v17 =	vor.u32 v25, v12;
	v12 =	vld.idx.msk [tilespmem:v9+s26+$0x0], $0xffff;
	(pc) =	sbr.rel @p2 .LBB2_34-.Ltmp27, $4  }
0x270: {  	s2 =	sadd.s32 $0x2, s0;
	s1 =	sadd.s32 $0x1, s0;
	v18 =	vadd.s32 s0, v0;
	v15 =	vor.u32 v25, v15;
	v8 =	vor.u32 v25, v26;
	v9 =	vld.idx.msk [tilespmem:v20+s26+$0x0], $0xffff  }
0x271: {  	s7 =	sadd.s32 $0x5, s0;
	v18 =	vand.u32 $0xF, v18;
	v22 =	vadd.s32 s2, v0;
	s2 =	sadd.s32 $0x4, s0;
	v20 =	vadd.s32 s1, v0;
	s1 =	sadd.s32 $0x3, s0  }
0x272: {  	v23 =	vadd.s32 s7, v0;
	v25 =	vadd.s32 s2, v0;
	v24 =	vadd.s32 s1, v0;
	s1 =	sadd.s32 $0x6, s0  }
0x273: {  	v22 =	vand.u32 $0xF, v22;
	v20 =	vand.u32 $0xF, v20;
	s0 =	sadd.s32 $0x8, s0;
	v26 =	vadd.s32 s1, v0;
	s1 =	sadd.s32 $0x7, s25;
	[tilespmem:v28+s19+$0x0] =	vst.idx.msk $0xffff, v27  }
0x274: {  	v24 =	vand.u32 $0xF, v24  }
0x275: {  	v25 =	vand.u32 $0xF, v25;
	v27 =	vadd.s32 s1, v0;
	s0 =	sand.u32 $0x70, s25;
	v23 =	vand.u32 $0xF, v23  }
0x276: {  	v26 =	vand.u32 $0xF, v26;
	v27 =	vand.u32 $0xF, v27;
	v20 =	vor.u32 s0, v20  }
0x277: {  	v22 =	vor.u32 s0, v22;
	v24 =	vor.u32 s0, v24;
	v25 =	vor.u32 s0, v25  }
0x278: {  	v18 =	vor.u32 s0, v18;
	v23 =	vor.u32 s0, v23;
	v26 =	vor.u32 s0, v26  }
0x279: {  	v32 =	vmov s0;
	v27 =	vor.u32 s0, v27;
	v29 =	vor.u32 v2, v20  }
0x27a: {  	v30 =	vor.u32 v2, v22;
	v31 =	vor.u32 v2, v24;
	v28 =	vor.u32 v2, v27  }
0x27b: {  	v33 =	vor.u32 v2, v25;
	v34 =	vor.u32 v2, v23;
	v32 =	vand.u32 $0x40, v32  }
0x27c: {  	[tilespmem:v21+s19+$0x0] =	vst.idx.msk $0xffff, v16;
	v35 =	vor.u32 v2, v26;
	v36 =	vor.u32 v2, v18;
	v20 =	vshll.u32 v20, $0x7  }
0x27d: {  	s26 =	simm.s32 $0x0;
	[tilespmem:v19+s19+$0x0] =	vst.idx.msk $0xffff, v13;
	v27 =	vshll.u32 v27, $0x7;
	v16 =	vor.u32 v3, v32;
	v20 =	vand.u32 $0x1F80, v20  }
0x27e: {  	[tilespmem:v17+s19+$0x0] =	vst.idx.msk $0xffff, v11;
	v19 =	vshll.u32 v22, $0x7;
	v61 =	vand.u32 $0x1F80, v27;
	v20 =	vor.u32 v16, v20;
	v11 =	vld.idx.msk [tilespmem:v29+s26+$0x0], $0xffff  }
0x27f: {  	v17 =	vshll.u32 v24, $0x7;
	v19 =	vand.u32 $0x1F80, v19;
	v21 =	vor.u32 v16, v61;
	v13 =	vld.idx.msk [tilespmem:v28+s26+$0x0], $0xffff  }
0x280: {  	[tilespmem:v14+s19+$0x0] =	vst.idx.msk $0xffff, v10;
	v10 =	vshll.u32 v25, $0x7;
	v17 =	vand.u32 $0x1F80, v17;
	v19 =	vor.u32 v16, v19;
	v14 =	vld.idx.msk [tilespmem:v30+s26+$0x0], $0xffff  }
0x281: {  	[tilespmem:v15+s19+$0x0] =	vst.idx.msk $0xffff, v12;
	v12 =	vshll.u32 v23, $0x7;
	v10 =	vand.u32 $0x1F80, v10;
	v17 =	vor.u32 v16, v17;
	v15 =	vld.idx.msk [tilespmem:v31+s26+$0x0], $0xffff  }
0x282: {  	[tilespmem:v8+s19+$0x0] =	vst.idx.msk $0xffff, v9;
	v8 =	vshll.u32 v26, $0x7;
	v12 =	vand.u32 $0x1F80, v12;
	v10 =	vor.u32 v16, v10;
	v9 =	vld.idx.msk [tilespmem:v33+s26+$0x0], $0xffff  }
0x283: {  	v18 =	vshll.u32 v18, $0x7;
	v8 =	vand.u32 $0x1F80, v8;
	v12 =	vor.u32 v16, v12;
	v62 =	vld.idx.msk [tilespmem:v34+s26+$0x0], $0xffff;
	[tilespmem:v20+s19+$0x0] =	vst.idx.msk $0xffff, v11  }
0x284: {  	v8 =	vor.u32 v16, v8;
	[tilespmem:v21+s19+$0x0] =	vst.idx.msk $0xffff, v13;
	v13 =	vand.u32 $0x1F80, v18;
	v18 =	vld.idx.msk [tilespmem:v35+s26+$0x0], $0xffff  }
0x285: {  	p2 =	por $0x1, $0x1;
	v11 =	vld.idx.msk [tilespmem:v36+s26+$0x0], $0xffff;
	[tilespmem:v19+s19+$0x0] =	vst.idx.msk $0xffff, v14;
	v63 =	vor.u32 v16, v13  }
.Ltmp28:
0x286: {  	[tilespmem:v17+s19+$0x0] =	vst.idx.msk $0xffff, v15;
	(pc) =	sbr.rel @!p2 .LBB2_36-.Ltmp28, $4  }
0x287: {  	s13 =	simm.s32 $0x1;
	s25 =	simm.s32 $0x2;
	[tilespmem:v10+s19+$0x0] =	vst.idx.msk $0xffff, v9;
	v9 =	vadd.s32 s26, v0  }
0x288: {  	s29 =	simm.s32 $0x3;
	s30 =	simm.s32 $0x4;
	[tilespmem:v12+s19+$0x0] =	vst.idx.msk $0xffff, v62;
	v14 =	vadd.s32 s25, v0;
	v16 =	vand.u32 $0xF, v9;
	v9 =	vadd.s32 s13, v0  }
0x289: {  	s2 =	simm.s32 $0x5;
	s31 =	simm.s32 $0x6;
	v12 =	vadd.s32 s29, v0;
	v13 =	vadd.s32 s30, v0;
	v10 =	vand.u32 $0xF, v9;
	[tilespmem:v8+s19+$0x0] =	vst.idx.msk $0xffff, v18  }
0x28a: {  	s28 =	simm.s32 $0x7;
	p3 =	por $0x0, $0x0;
	s25 =	simm.s32 $0x8;
	v9 =	vand.u32 $0xF, v14;
	v8 =	vadd.s32 s2, v0;
	[tilespmem:v63+s19+$0x0] =	vst.idx.msk $0xffff, v11;
	v11 =	vadd.s32 s31, v0  }
0x28b: {  	v14 =	vand.u32 $0xF, v12;
	v15 =	vand.u32 $0xF, v13  }
0x28c: {  	v17 =	vadd.s32 s28, v0;
	s0 =	sand.u32 $0x70, s26;
	v18 =	vand.u32 $0xF, v8;
	v19 =	vand.u32 $0xF, v11  }
0x28d: {  	v17 =	vand.u32 $0xF, v17;
	v20 =	vor.u32 s0, v10;
	v21 =	vor.u32 s0, v9  }
0x28e: {  	v14 =	vor.u32 s0, v14;
	v15 =	vor.u32 s0, v15;
	v16 =	vor.u32 s0, v16  }
0x28f: {  	s1 =	simm.s32 $0xA;
	v18 =	vor.u32 s0, v18;
	v19 =	vor.u32 s0, v19;
	v26 =	vmov s0  }
0x290: {  	v63 =	vadd.s32 s1, v0;
	v17 =	vor.u32 s0, v17;
	v23 =	vor.u32 v4, v20  }
0x291: {  	v24 =	vor.u32 v4, v21;
	v25 =	vor.u32 v4, v14;
	v27 =	vor.u32 v4, v15  }
0x292: {  	v28 =	vor.u32 v4, v18;
	v26 =	vand.u32 $0x40, v26;
	v29 =	vor.u32 v4, v19  }
0x293: {  	v30 =	vor.u32 v4, v16;
	v20 =	vshll.u32 v20, $0x7;
	v21 =	vshll.u32 v21, $0x7  }
0x294: {  	v14 =	vshll.u32 v14, $0x7;
	v15 =	vshll.u32 v15, $0x7;
	v22 =	vor.u32 v4, v17  }
0x295: {  	v16 =	vshll.u32 v16, $0x7;
	v19 =	vshll.u32 v19, $0x7;
	v17 =	vshll.u32 v17, $0x7  }
0x296: {  	v31 =	vor.u32 v5, v26;
	v14 =	vand.u32 $0x1F80, v14;
	v17 =	vand.u32 $0x1F80, v17  }
0x297: {  	v32 =	vor.u32 v31, v17;
	v17 =	vshll.u32 v18, $0x7;
	v18 =	vand.u32 $0x1F80, v20;
	v34 =	vld.idx.msk [tilespmem:v23+s26+$0x0], $0xffff  }
0x298: {  	v20 =	vand.u32 $0x1F80, v21;
	v21 =	vand.u32 $0x1F80, v15;
	v36 =	vor.u32 v31, v18;
	v15 =	vld.idx.msk [tilespmem:v24+s26+$0x0], $0xffff  }
0x299: {  	p4 =	por $0x1, $0x1;
	v16 =	vand.u32 $0x1F80, v16;
	v35 =	vand.u32 $0x1F80, v19;
	v26 =	vor.u32 v31, v14;
	v33 =	vld.idx.msk [tilespmem:v22+s26+$0x0], $0xffff  }
.Ltmp29:
0x29a: {  	s29 =	simm.s32 $0xB;
	v18 =	vadd.s32 s25, v0;
	v23 =	vand.u32 $0x1F80, v17;
	v24 =	vor.u32 v31, v20;
	v17 =	vld.idx.msk [tilespmem:v25+s26+$0x0], $0xffff;
	(pc) =	sbr.rel @!p4 .LBB2_38-.Ltmp29, $4  }
0x29b: {  	s30 =	simm.s32 $0xC;
	v14 =	vor.u32 v31, v16;
	v19 =	vld.idx.msk [tilespmem:v27+s26+$0x0], $0xffff;
	v16 =	vand.u32 $0xF, v18;
	v27 =	vadd.s32 s29, v0  }
0x29c: {  	s13 =	simm.s32 $0x9;
	s2 =	simm.s32 $0xD;
	v25 =	vld.idx.msk [tilespmem:v29+s26+$0x0], $0xffff;
	v29 =	vadd.s32 s30, v0;
	v22 =	vor.u32 v31, v21;
	v20 =	vor.u32 v31, v23  }
0x29d: {  	s31 =	simm.s32 $0xE;
	p3 =	por $0x1, $0x1;
	v23 =	vor.u32 v31, v35;
	v21 =	vld.idx.msk [tilespmem:v28+s26+$0x0], $0xffff;
	v31 =	vadd.s32 s13, v0;
	v28 =	vadd.s32 s2, v0;
	[tilespmem:v36+s19+$0x0] =	vst.idx.msk $0xffff, v34  }
0x29e: {  	s1 =	simm.s32 $0x10;
	s0 =	simm.s32 $0x8;
	v18 =	vld.idx.msk [tilespmem:v30+s26+$0x0], $0xffff;
	s2 =	simm.s32 $0xF;
	v30 =	vand.u32 $0xF, v31;
	v31 =	vand.u32 $0xF, v63;
	[tilespmem:v32+s19+$0x0] =	vst.idx.msk $0xffff, v33;
	v32 =	vadd.s32 s31, v0  }
.LBB2_39:
0x29f: {  	p4 =	slt.u32 s1, $0x78;
	v27 =	vand.u32 $0xF, v27;
	v29 =	vand.u32 $0xF, v29;
	v33 =	vadd.s32 s2, v0;
	[tilespmem:v24+s19+$0x0] =	vst.idx.msk $0xffff, v15  }
0x2a0: {  	s2 =	sand.u32 $0x70, s0;
	v15 =	vand.u32 $0xF, v28;
	v24 =	vand.u32 $0xF, v32;
	s0 =	smov.u32 s1;
	v28 =	vand.u32 $0xF, v33;
	[tilespmem:v26+s19+$0x0] =	vst.idx.msk $0xffff, v17  }
0x2a1: {  	v17 =	vor.u32 s2, v30;
	v26 =	vor.u32 s2, v31;
	v28 =	vor.u32 s2, v28;
	[tilespmem:v22+s19+$0x0] =	vst.idx.msk $0xffff, v19  }
0x2a2: {  	v19 =	vor.u32 s2, v27;
	v22 =	vor.u32 s2, v29;
	v27 =	vor.u32 v4, v28;
	[tilespmem:v20+s19+$0x0] =	vst.idx.msk $0xffff, v21  }
0x2a3: {  	v16 =	vor.u32 s2, v16;
	v15 =	vor.u32 s2, v15;
	v20 =	vor.u32 s2, v24;
	[tilespmem:v23+s19+$0x0] =	vst.idx.msk $0xffff, v25  }
0x2a4: {  	v21 =	vor.u32 v4, v17;
	v24 =	vor.u32 v4, v19;
	v23 =	vor.u32 v4, v26  }
0x2a5: {  	v30 =	vor.u32 v4, v15;
	v29 =	vor.u32 v4, v22;
	v25 =	vmov s2;
	[tilespmem:v14+s19+$0x0] =	vst.idx.msk $0xffff, v18  }
0x2a6: {  	v14 =	vand.u32 $0x40, v25;
	v18 =	vor.u32 v4, v20;
	v25 =	vshll.u32 v28, $0x7  }
0x2a7: {  	v28 =	vor.u32 v4, v16;
	v31 =	vor.u32 v5, v14;
	v25 =	vand.u32 $0x1F80, v25;
	v14 =	vld.idx.msk [tilespmem:v27+s26+$0x0], $0xffff  }
0x2a8: {  	v17 =	vshll.u32 v17, $0x7;
	v26 =	vshll.u32 v26, $0x7;
	v25 =	vor.u32 v31, v25  }
0x2a9: {  	v19 =	vshll.u32 v19, $0x7;
	v33 =	vld.idx.msk [tilespmem:v21+s26+$0x0], $0xffff;
	v21 =	vshll.u32 v22, $0x7;
	v22 =	vshll.u32 v15, $0x7  }
0x2aa: {  	v16 =	vshll.u32 v16, $0x7;
	v20 =	vshll.u32 v20, $0x7;
	v27 =	vand.u32 $0x1F80, v17;
	v15 =	vld.idx.msk [tilespmem:v23+s26+$0x0], $0xffff  }
0x2ab: {  	v23 =	vand.u32 $0x1F80, v26;
	v26 =	vand.u32 $0x1F80, v19;
	v32 =	vand.u32 $0x1F80, v21;
	v17 =	vld.idx.msk [tilespmem:v24+s26+$0x0], $0xffff  }
0x2ac: {  	v16 =	vand.u32 $0x1F80, v16;
	v34 =	vand.u32 $0x1F80, v20;
	v19 =	vld.idx.msk [tilespmem:v29+s26+$0x0], $0xffff;
	v29 =	vand.u32 $0x1F80, v22  }
0x2ad: {  	v35 =	vor.u32 v31, v27;
	v24 =	vor.u32 v31, v23;
	v21 =	vld.idx.msk [tilespmem:v30+s26+$0x0], $0xffff;
	[tilespmem:v25+s19+$0x0] =	vst.idx.msk $0xffff, v14  }
.Ltmp30:
0x2ae: {  	v26 =	vor.u32 v31, v26;
	v22 =	vor.u32 v31, v32;
	v20 =	vor.u32 v31, v29;
	v25 =	vld.idx.msk [tilespmem:v18+s26+$0x0], $0xffff;
	(pc) =	sbr.rel @p4 .LBB2_39-.Ltmp30, $4  }
0x2af: {  	s7 =	sadd.s32 $0x2, s1;
	s2 =	sadd.s32 $0x1, s1;
	v27 =	vadd.s32 s1, v0;
	v23 =	vor.u32 v31, v34;
	v14 =	vor.u32 v31, v16;
	v18 =	vld.idx.msk [tilespmem:v28+s26+$0x0], $0xffff  }
0x2b0: {  	s11 =	sadd.s32 $0x5, s1;
	v16 =	vand.u32 $0xF, v27;
	v30 =	vadd.s32 s2, v0;
	v31 =	vadd.s32 s7, v0;
	s2 =	sadd.s32 $0x3, s1;
	s7 =	sadd.s32 $0x4, s1  }
0x2b1: {  	v27 =	vadd.s32 s2, v0;
	v29 =	vadd.s32 s7, v0;
	s2 =	sadd.s32 $0x6, s1;
	v28 =	vadd.s32 s11, v0  }
0x2b2: {  	v30 =	vand.u32 $0xF, v30;
	v31 =	vand.u32 $0xF, v31;
	s1 =	sadd.s32 $0x8, s1;
	v32 =	vadd.s32 s2, v0;
	s2 =	sadd.s32 $0x7, s0;
	[tilespmem:v35+s19+$0x0] =	vst.idx.msk $0xffff, v33  }
.LBB2_40:
0x2b3: {  	v27 =	vand.u32 $0xF, v27;
	v29 =	vand.u32 $0xF, v29  }
0x2b4: {  	v33 =	vadd.s32 s2, v0;
	v28 =	vand.u32 $0xF, v28;
	v32 =	vand.u32 $0xF, v32  }
0x2b5: {  	s0 =	sand.u32 $0x70, s0;
	v13 =	vand.u32 $0xF, v13;
	v11 =	vand.u32 $0xF, v11;
	v8 =	vand.u32 $0xF, v8  }
0x2b6: {  	v33 =	vand.u32 $0xF, v33;
	v30 =	vor.u32 s0, v30;
	v31 =	vor.u32 s0, v31  }
0x2b7: {  	v27 =	vor.u32 s0, v27;
	v29 =	vor.u32 s0, v29;
	v16 =	vor.u32 s0, v16  }
0x2b8: {  	s31 =	sand.u32 $0x70, s26;
	v28 =	vor.u32 s0, v28;
	v32 =	vor.u32 s0, v32;
	v38 =	vmov s0  }
0x2b9: {  	[tilespmem:v14+s19+$0x0] =	vst.idx.msk @p3 $0xffff, v18;
	v18 =	vadd.s32 s28, v0;
	v13 =	vor.u32 s31, v13;
	v33 =	vor.u32 s0, v33  }
0x2ba: {  	v35 =	vor.u32 v4, v30;
	v36 =	vor.u32 v4, v31;
	v37 =	vor.u32 v4, v27  }
0x2bb: {  	[tilespmem:v24+s19+$0x0] =	vst.idx.msk @p3 $0xffff, v15;
	v39 =	vor.u32 v4, v29;
	v40 =	vor.u32 v4, v28;
	v38 =	vand.u32 $0x40, v38  }
0x2bc: {  	v41 =	vor.u32 v4, v32;
	v42 =	vor.u32 v4, v16;
	v34 =	vor.u32 v4, v33  }
0x2bd: {  	[tilespmem:v26+s19+$0x0] =	vst.idx.msk @p3 $0xffff, v17;
	v24 =	vshll.u32 v30, $0x7;
	v58 =	vshll.u32 v31, $0x7;
	v17 =	vshll.u32 v27, $0x7  }
0x2be: {  	[tilespmem:v22+s19+$0x0] =	vst.idx.msk @p3 $0xffff, v19;
	v26 =	vshll.u32 v29, $0x7;
	v19 =	vshll.u32 v28, $0x7;
	v16 =	vshll.u32 v16, $0x7  }
0x2bf: {  	[tilespmem:v20+s19+$0x0] =	vst.idx.msk @p3 $0xffff, v21;
	v33 =	vshll.u32 v33, $0x7;
	v38 =	vor.u32 v5, v38;
	v22 =	vand.u32 $0x1F80, v24  }
0x2c0: {  	[tilespmem:v23+s19+$0x0] =	vst.idx.msk @p3 $0xffff, v25;
	v21 =	vshll.u32 v32, $0x7;
	v15 =	vand.u32 $0x1F80, v33;
	v22 =	vor.u32 v38, v22;
	v23 =	vld.idx.msk [tilespmem:v35+s26+$0x0], $0xffff  }
0x2c1: {  	v24 =	vand.u32 $0x1F80, v58;
	v17 =	vand.u32 $0x1F80, v17;
	v15 =	vor.u32 v38, v15;
	v20 =	vld.idx.msk [tilespmem:v34+s26+$0x0], $0xffff  }
0x2c2: {  	v25 =	vand.u32 $0x1F80, v26;
	v16 =	vand.u32 $0x1F80, v16;
	v24 =	vor.u32 v38, v24;
	v26 =	vld.idx.msk [tilespmem:v36+s26+$0x0], $0xffff  }
0x2c3: {  	v19 =	vand.u32 $0x1F80, v19;
	v21 =	vand.u32 $0x1F80, v21;
	v17 =	vor.u32 v38, v17;
	v27 =	vld.idx.msk [tilespmem:v37+s26+$0x0], $0xffff  }
0x2c4: {  	v25 =	vor.u32 v38, v25;
	v19 =	vor.u32 v38, v19;
	v60 =	vor.u32 v38, v16;
	v59 =	vld.idx.msk [tilespmem:v39+s26+$0x0], $0xffff  }
0x2c5: {  	v16 =	vor.u32 v38, v21;
	v21 =	vand.u32 $0xF, v12;
	v12 =	vadd.s32 s26, v0;
	v14 =	vld.idx.msk [tilespmem:v40+s26+$0x0], $0xffff;
	[tilespmem:v22+s19+$0x0] =	vst.idx.msk $0xffff, v23  }
0x2c6: {  	v10 =	vor.u32 s31, v10;
	v8 =	vor.u32 s31, v8;
	v12 =	vand.u32 $0xF, v12;
	[tilespmem:v15+s19+$0x0] =	vst.idx.msk $0xffff, v20;
	v15 =	vld.idx.msk [tilespmem:v41+s26+$0x0], $0xffff  }
0x2c7: {  	v18 =	vand.u32 $0xF, v18;
	v62 =	vor.u32 v6, v8;
	v61 =	vor.u32 s31, v12;
	[tilespmem:v24+s19+$0x0] =	vst.idx.msk $0xffff, v26;
	v20 =	vld.idx.msk [tilespmem:v42+s26+$0x0], $0xffff  }
0x2c8: {  	v12 =	vor.u32 s31, v18;
	v22 =	vor.u32 v6, v13;
	v24 =	vor.u32 v6, v61;
	[tilespmem:v17+s19+$0x0] =	vst.idx.msk $0xffff, v27  }
0x2c9: {  	v26 =	vor.u32 v6, v12;
	v17 =	vor.u32 s31, v11;
	[tilespmem:v25+s19+$0x0] =	vst.idx.msk $0xffff, v59;
	v25 =	vor.u32 s31, v9  }
0x2ca: {  	[tilespmem:v19+s19+$0x0] =	vst.idx.msk $0xffff, v14;
	v14 =	vshll.u32 v10, $0x7;
	v11 =	vshll.u32 v13, $0x7;
	v9 =	vshll.u32 v12, $0x7  }
0x2cb: {  	v12 =	vor.u32 v6, v10;
	v13 =	vshll.u32 v8, $0x7;
	v27 =	vor.u32 v6, v17;
	[tilespmem:v16+s19+$0x0] =	vst.idx.msk $0xffff, v15  }
0x2cc: {  	v10 =	vand.u32 $0x1F80, v9;
	v9 =	vor.u32 s31, v7;
	v23 =	vand.u32 $0x1F80, v11;
	[tilespmem:v60+s19+$0x0] =	vst.idx.msk $0xffff, v20  }
.Ltmp31:
0x2cd: {  	v13 =	vand.u32 $0x1F80, v13;
	v63 =	vand.u32 $0x1F80, v14;
	v16 =	vor.u32 s31, v21;
	v8 =	vld.idx.msk [tilespmem:v22+s3+$0x0], $0xffff;
	(pc) =	sbr.rel @!p2 .LBB2_42-.Ltmp31, $4  }
0x2ce: {  	v14 =	vor.u32 v9, v13;
	v15 =	vshll.u32 v61, $0x7;
	v18 =	vor.u32 v6, v16;
	v11 =	vld.idx.msk [tilespmem:v24+s3+$0x0], $0xffff  }
0x2cf: {  	v20 =	vor.u32 v6, v25;
	v22 =	vor.u32 v9, v10;
	v19 =	vld.idx.msk [tilespmem:v26+s3+$0x0], $0xffff;
	v10 =	vshll.u32 v25, $0x7  }
0x2d0: {  	v15 =	vand.u32 $0x1F80, v15;
	v24 =	vshll.u32 v17, $0x7;
	v17 =	vld.idx.msk [tilespmem:v62+s3+$0x0], $0xffff;
	v25 =	vand.u32 $0x1F80, v10  }
0x2d1: {  	v10 =	vld.idx.msk [tilespmem:v27+s3+$0x0], $0xffff;
	v21 =	vor.u32 v9, v15;
	v15 =	vor.u32 v9, v63;
	v13 =	vor.u32 v9, v25  }
.LBB2_41:
0x2d2: {  	s0 =	sadd.s32 $0x1, s25  }
0x2d3: {  	s1 =	sadd.s32 $0x2, s25;
	s2 =	sadd.s32 $0x3, s25;
	v18 =	vld.idx.msk [tilespmem:v18+s3+$0x0], $0xffff;
	v16 =	vshll.u32 v16, $0x7;
	v23 =	vor.u32 v9, v23;
	v24 =	vand.u32 $0x1F80, v24;
	s7 =	smov.u32 s25  }
0x2d4: {  	s11 =	sadd.s32 $0x6, s25;
	v25 =	vadd.s32 s0, v0;
	v26 =	vadd.s32 s1, v0;
	s0 =	sadd.s32 $0x4, s25;
	s1 =	sadd.s32 $0x5, s25;
	v12 =	vld.idx.msk [tilespmem:v12+s3+$0x0], $0xffff;
	v24 =	vor.u32 v9, v24;
	[tilespmem:v22+s19+$0x0] =	vst.idx.msk $0xffff, v19  }
0x2d5: {  	s12 =	sand.u32 $0x70, s7;
	v19 =	vadd.s32 s2, v0;
	v22 =	vadd.s32 s0, v0;
	v27 =	vadd.s32 s1, v0;
	s1 =	sadd.s32 $0x7, s7;
	s0 =	sadd.s32 $0x8, s25;
	v20 =	vld.idx.msk [tilespmem:v20+s3+$0x0], $0xffff  }
0x2d6: {  	p2 =	slt.u32 s25, $0x78;
	v16 =	vand.u32 $0x1F80, v16;
	v22 =	vand.u32 $0xF, v22;
	v28 =	vadd.s32 s1, v0  }
0x2d7: {  	v25 =	vand.u32 $0xF, v25;
	v19 =	vand.u32 $0xF, v19;
	v22 =	vor.u32 s12, v22;
	[tilespmem:v21+s19+$0x0] =	vst.idx.msk $0xffff, v11  }
0x2d8: {  	v9 =	vor.u32 v9, v16;
	v11 =	vadd.s32 s7, v0;
	v21 =	vor.u32 v6, v22;
	[tilespmem:v23+s19+$0x0] =	vst.idx.msk $0xffff, v8  }
0x2d9: {  	v16 =	vand.u32 $0xF, v28;
	v8 =	vand.u32 $0xF, v11;
	v11 =	vand.u32 $0xF, v26;
	[tilespmem:v14+s19+$0x0] =	vst.idx.msk $0xffff, v17  }
0x2da: {  	v16 =	vor.u32 s12, v16;
	v14 =	vor.u32 s12, v8;
	v8 =	vadd.s32 s11, v0;
	[tilespmem:v15+s19+$0x0] =	vst.idx.msk $0xffff, v12  }
0x2db: {  	v17 =	vor.u32 v6, v16;
	v15 =	vor.u32 v6, v14;
	v8 =	vand.u32 $0xF, v8;
	[tilespmem:v13+s19+$0x0] =	vst.idx.msk $0xffff, v20  }
0x2dc: {  	v12 =	vor.u32 s12, v25;
	v13 =	vand.u32 $0xF, v27;
	v25 =	vor.u32 s12, v8;
	[tilespmem:v24+s19+$0x0] =	vst.idx.msk $0xffff, v10  }
0x2dd: {  	v10 =	vor.u32 s12, v11;
	v13 =	vor.u32 s12, v13;
	v8 =	vld.idx.msk [tilespmem:v21+s3+$0x0], $0xffff;
	v21 =	vor.u32 v6, v25;
	[tilespmem:v9+s19+$0x0] =	vst.idx.msk $0xffff, v18  }
0x2de: {  	v22 =	vshll.u32 v22, $0x7;
	v20 =	vshll.u32 v12, $0x7;
	v9 =	vshll.u32 v16, $0x7  }
0x2df: {  	v12 =	vor.u32 v6, v12;
	v16 =	vor.u32 s12, v19;
	v24 =	vand.u32 $0x1F80, v9  }
0x2e0: {  	v26 =	vor.u32 v6, v13;
	v13 =	vshll.u32 v13, $0x7;
	v9 =	vor.u32 s12, v7;
	v11 =	vld.idx.msk [tilespmem:v15+s3+$0x0], $0xffff  }
.Ltmp32:
0x2e1: {  	v23 =	vand.u32 $0x1F80, v22;
	v18 =	vor.u32 v6, v16;
	v13 =	vand.u32 $0x1F80, v13;
	v19 =	vld.idx.msk [tilespmem:v17+s3+$0x0], $0xffff;
	(pc) =	sbr.rel @p2 .LBB2_41-.Ltmp32, $4  }
0x2e2: {  	v14 =	vshll.u32 v14, $0x7;
	v22 =	vor.u32 v9, v24;
	v15 =	vand.u32 $0x1F80, v20  }
0x2e3: {  	v20 =	vor.u32 v6, v10;
	v10 =	vshll.u32 v10, $0x7;
	v17 =	vand.u32 $0x1F80, v14  }
0x2e4: {  	v24 =	vshll.u32 v25, $0x7;
	v27 =	vand.u32 $0x1F80, v10;
	v14 =	vor.u32 v9, v13;
	v10 =	vld.idx.msk [tilespmem:v21+s3+$0x0], $0xffff  }
0x2e5: {  	s25 =	smov.u32 s0;
	v15 =	vor.u32 v9, v15;
	v13 =	vor.u32 v9, v27;
	v21 =	vor.u32 v9, v17;
	v17 =	vld.idx.msk [tilespmem:v26+s3+$0x0], $0xffff  }
.Ltmp33:
0x2e6: {  	_ = 	snop;
	(pc) =	sbr.rel .LBB2_42-.Ltmp33, $1  }
0x2e7: {  	_ =	sdelay $0x3  }
.LBB2_36:
.Ltmp34:
0x2e8: {  	(pc) =	sbr.rel .LBB2_40-.Ltmp34, $3  }
0x2e9: {  	_ =	sdelay $0x1  }
0x2ea: {  	v27 =	vmov v12  }
0x2eb: {  	v29 =	vmovc v13;
	s2 =	simm.s32 $0x7;
	s0 =	simm.s32 $0x0;
	v28 =	vmovc v8;
	v32 =	vmov v11;
	v30 =	vmov v10;
	v31 =	vmov v9  }
.LBB2_38:
.Ltmp35:
0x2ec: {  	(pc) =	sbr.rel .LBB2_40-.Ltmp35, $2  }
0x2ed: {  	_ =	sdelay $0x2  }
0x2ee: {  	s0 =	simm.s32 $0x8  }
.LBB2_44:
0x2ef: {  	_ =	sfence.sel $0x180000  }
0x2f0: {  	[bflag:$0x0] =	sbarrier.arrive $0xFFFF  }
0x2f1: {  	_ =	strace $0x90000047  }
0x2f2: {  	s0 =	stileid.u32;
	[bflag:$0x2] =	sbarrier.arrive $0xFFFF  }
0x2f3: {  	p0 =	sne.s32 s0, $0x0;
	s0 =	rddreg [dreg:$0x3]  }
0x2f4: {  	s0 =	sadd.s32 @!p0 $0x100000, s0  }
0x2f5: {  	[sflag:s0] =	ssyncadd.tile.s32 @!p0 $0x1;
	_ =	shalt  }
.Lfunc_end2:
_tile_overlayer_lowered:
.L_overlay_start_2:
0x2f6: {  	(tag) =	ssettag $0x2  }
0x2f7: {  	s0 =	rddreg [dreg:$0x0];
	s2 =	stileid.u32  }
0x2f8: {  	s1 =	rddreg [dreg:$0x1];
	p0 =	sne.s32 s2, $0x0  }
0x2f9: {  	s3 =	rddreg [dreg:$0x2];
	[bflag:$0x3] =	sbarrier.arrive $0xFFFF;
	s2 =	simm.s32 @!p0 $0x1C05  }
0x2fa: {  	[timem:s3], [sflag:s2] =	dma.local @!p0 [hbm:s0], s1  }
0x2fb: {  	s0 =	simm.s32 @!p0 $0x5  }
0x2fc: {  	_ =	swait.ge @!p0 [sflag:s0], s1  }
0x2fd: {  	s1 =	ssub.s32 @!p0 $0x0, s1;
	[sflag:s0] =	ssyncset.done @!p0 $0x0  }
0x2fe: {  	[sflag:s0] =	ssyncadd.s32 @!p0 s1  }
0x2ff: {  	[bflag:$0x3] =	sbarrier.arrive $0xFFFF  }
0x300: {  	_ =	shalt  }

// kernel: kernel.7.cloned.1.call-start
scs
__scs_entry_jumppad:
0x0: {  	(pc) =	sbr.rel $0x88, $3  }
0x1: {  	(tag) =	ssettag $0x0;
	lr =	simm.s32 $0x1  }
0x2: {  	[smem:$0x3F9F] =	sst lr;
	_ =	strace $0xD0000000  }
0x3: {  	_ = 	snop  }
0x4: {  	_ = 	snop  }
0x5: {  	_ = 	snop  }
0x6: {  	_ = 	snop  }
0x7: {  	_ = 	snop  }
__scs_overlays_trampoline_lowered:
0x8: {  	[smem:$0x3FAE] =	sst s0  }
0x9: {  	[smem:$0x3FAF] =	sst s1  }
0xa: {  	[smem:$0x3FB0] =	sst s2  }
0xb: {  	[smem:$0x3FB1] =	sst s3  }
0xc: {  	[smem:$0x3FB2] =	sst s4  }
0xd: {  	[smem:$0x3FB3] =	sst s5  }
0xe: {  	[smem:$0x3FB4] =	sst s6  }
0xf: {  	[smem:$0x3FB5] =	sst s7  }
0x10: {  	[smem:$0x3FB6] =	sst s8  }
0x11: {  	[smem:$0x3FB7] =	sst s9;
	s0 =	simm.s32 @!p0 $0x0  }
0x12: {  	s1 =	sld [smem:$0x3F9D];
	s0 =	simm.s32 @p0 $0x1  }
0x13: {  	[smem:$0x3FB8] =	sst s0;
	s0 =	simm.s32 @!p1 $0x0  }
0x14: {  	s2 =	sld [smem:$0x3F9C];
	s0 =	simm.s32 @p1 $0x1  }
0x15: {  	[smem:$0x3FB9] =	sst s0;
	s0 =	simm.s32 @!p2 $0x0  }
0x16: {  	s3 =	sld [smem:$0x3FDB];
	s0 =	simm.s32 @p2 $0x1  }
0x17: {  	s4 =	simm.s32 $0x1BF5;
	[smem:$0x3FBB] =	sst s0  }
0x18: {  	s0 =	sld [smem:$0x3F9E];
	_ =	swait.ge [sflag:s4], $0x0  }
0x19: {  	s7 =	sld [smem:$0x3F9F]  }
0x1a: {  	s8 =	sadd.s32 $0xFFFFE003, lr  }
0x1b: {  	s9 =	sadd.s32 $0xFFFFFEF7, lr;
	s5 =	simm.s32 $0xFFFFFFFF;
	p2 =	slt.u32 s8, $0xFFFFF086  }
0x1c: {  	p1 =	slt.u32 s9, $0xF7A;
	s5 =	simm.s32 @!p2 $0x0  }
0x1d: {  	s5 =	simm.s32 @p1 $0x1;
	p0 =	seq.s32 s7, s2  }
0x1e: {  	s7 =	smul.u32 @!p0 $0xF7A, s2;
	p2 =	seq.s32 @!p0 s5, $0x0  }
0x1f: {  	s9 =	smul.u32 $0xF7A, s1;
	s8 =	simm.s32 @!p0 $0x1BF5;
	p2 =	por !p2, p0  }
0x20: {  	[sflag:s8] =	ssyncset.s32 @!p0 $0xFFFFF086;
	s6 =	sadd.s32 @!p0 s3, s7;
	s7 =	simm.s32 @!p0 $0x108  }
0x21: {  	s3 =	sadd.s32 s3, s9;
	s6 =	sadd.s32 @!p0 $0x88, s6;
	s7 =	simm.s32 @p2 $0x1082  }
0x22: {  	[simem:s7], [sflag:s8] =	dma.local @!p0 [hbm:s6], $0xF7A  }
0x23: {  	s9 =	sor.u32 $0xD0000000, s2;
	s6 =	simm.s32 $0x108;
	_ =	swait.ge @!p0 [sflag:s8], $0x0  }
0x24: {  	s3 =	sadd.s32 $0x88, s3;
	s6 =	simm.s32 @!p1 $0x1082;
	[sflag:s4] =	ssyncset.s32 $0xFFFFF086  }
0x25: {  	[simem:s6], [sflag:s4] =	dma.local [hbm:s3], $0xF7A  }
0x26: {  	[smem:$0x3F9F] =	sst s1;
	(tag) =	ssettag s2;
	_ =	strace s9  }
0x27: {  	s1 =	sld [smem:$0x3FAF]  }
0x28: {  	s2 =	sld [smem:$0x3FB0]  }
0x29: {  	s4 =	sld [smem:$0x3FB2]  }
0x2a: {  	p0 =	seq.s32 s5, $0x0;
	s5 =	sld [smem:$0x3FB3]  }
0x2b: {  	s6 =	sld [smem:$0x3FB4]  }
0x2c: {  	s7 =	sld [smem:$0x3FB5]  }
0x2d: {  	s3 =	simm.s32 $0x108;
	s8 =	sld [smem:$0x3FB6]  }
0x2e: {  	s3 =	simm.s32 @!p0 $0x1082;
	s9 =	sld [smem:$0x3FB7]  }
0x2f: {  	lr =	sadd.s32 s0, s3;
	s0 =	sld [smem:$0x3FAE]  }
0x30: {  	s3 =	sld [smem:$0x3FB1]  }
0x31: {  	[smem:$0x3FBA] =	sst s10  }
0x32: {  	s10 =	sld [smem:$0x3FB8];
	_ =	sdelay $0x3  }
0x33: {  	p0 =	seq.s32 s10, $0x1;
	s10 =	sld [smem:$0x3FBA];
	_ =	sdelay $0x3  }
0x34: {  	[smem:$0x3FBA] =	sst s10  }
0x35: {  	s10 =	sld [smem:$0x3FB9];
	_ =	sdelay $0x3  }
0x36: {  	p1 =	seq.s32 s10, $0x1;
	s10 =	sld [smem:$0x3FBA];
	_ =	sdelay $0x3  }
0x37: {  	[smem:$0x3FBA] =	sst s10  }
0x38: {  	s10 =	sld [smem:$0x3FBB]  }
0x39: {  	_ = 	snop;
	(pc) =	sbr.ind lr, $3  }
0x3a: {  	_ = 	snop  }
0x3b: {  	_ = 	snop  }
0x3c: {  	p2 =	seq.s32 s10, $0x1;
	s10 =	sld [smem:$0x3FBA]  }
0x3d: {  	_ =	shalt  }
0x3e: {  	_ =	shalt  }
0x3f: {  	_ =	shalt  }
0x40: {  	_ =	shalt  }
0x41: {  	_ =	shalt  }
0x42: {  	_ =	shalt  }
0x43: {  	_ =	shalt  }
0x44: {  	_ =	shalt  }
0x45: {  	_ =	shalt  }
0x46: {  	_ =	shalt  }
0x47: {  	_ =	shalt  }
0x48: {  	_ =	shalt  }
0x49: {  	_ =	shalt  }
0x4a: {  	_ =	shalt  }
0x4b: {  	_ =	shalt  }
0x4c: {  	_ =	shalt  }
0x4d: {  	_ =	shalt  }
0x4e: {  	_ =	shalt  }
0x4f: {  	_ =	shalt  }
0x50: {  	_ =	shalt  }
0x51: {  	_ =	shalt  }
0x52: {  	_ =	shalt  }
0x53: {  	_ =	shalt  }
0x54: {  	_ =	shalt  }
0x55: {  	_ =	shalt  }
0x56: {  	_ =	shalt  }
0x57: {  	_ =	shalt  }
0x58: {  	_ =	shalt  }
0x59: {  	_ =	shalt  }
0x5a: {  	_ =	shalt  }
0x5b: {  	_ =	shalt  }
0x5c: {  	_ =	shalt  }
0x5d: {  	_ =	shalt  }
0x5e: {  	_ =	shalt  }
0x5f: {  	_ =	shalt  }
0x60: {  	_ =	shalt  }
0x61: {  	_ =	shalt  }
0x62: {  	_ =	shalt  }
0x63: {  	_ =	shalt  }
0x64: {  	_ =	shalt  }
0x65: {  	_ =	shalt  }
0x66: {  	_ =	shalt  }
0x67: {  	_ =	shalt  }
0x68: {  	_ =	shalt  }
0x69: {  	_ =	shalt  }
0x6a: {  	_ =	shalt  }
0x6b: {  	_ =	shalt  }
0x6c: {  	_ =	shalt  }
0x6d: {  	_ =	shalt  }
0x6e: {  	_ =	shalt  }
0x6f: {  	_ =	shalt  }
0x70: {  	_ =	shalt  }
0x71: {  	_ =	shalt  }
0x72: {  	_ =	shalt  }
0x73: {  	_ =	shalt  }
0x74: {  	_ =	shalt  }
0x75: {  	_ =	shalt  }
0x76: {  	_ =	shalt  }
0x77: {  	_ =	shalt  }
0x78: {  	_ =	shalt  }
0x79: {  	_ =	shalt  }
0x7a: {  	_ =	shalt  }
0x7b: {  	_ =	shalt  }
0x7c: {  	_ =	shalt  }
0x7d: {  	_ =	shalt  }
0x7e: {  	_ =	shalt  }
0x7f: {  	_ =	shalt  }
0x80: {  	_ =	shalt  }
0x81: {  	_ =	shalt  }
0x82: {  	_ =	shalt  }
0x83: {  	_ =	shalt  }
0x84: {  	_ =	shalt  }
0x85: {  	_ =	shalt  }
0x86: {  	_ =	shalt  }
0x87: {  	_ =	shalt  }
.Lfunc_end0:
.L_simem_size_0:
called_computation.1_lowered:
.L_overlay_start_0:
0x88: {  	s2 =	sld [smem:$0x3FD9]  }
0x89: {  	s3 =	sld [smem:$0x3FFE];
	_ =	sdelay $0x1  }
0x8a: {  	s1 =	srdreg.scid  }
0x8b: {  	s0 =	sand.u32 $0x1, s1  }
0x8c: {  	s17 =	sshll.u32 s0, $0xA;
	s2 =	sadd.s32 s3, s2  }
0x8d: {  	s2 =	sadd.s32 s2, s17  }
0x8e: {  	[smem:$0x3FC6] =	sst s2  }
0x8f: {  	_ = 	snop  }
0x90: {  	s2 =	sld [smem:$0x3FD0];
	(tm) =	ssettm $0x1  }
0x91: {  	s18 =	sld [smem:$0x3FFB];
	_ =	sdelay $0x3  }
0x92: {  	_ =	strace s18  }
0x93: {  	s3 =	sld [smem:$0x3FFC];
	_ =	sdelay $0x3  }
0x94: {  	_ =	strace s3  }
0x95: {  	s3 =	sld [smem:$0x3FFD];
	_ =	sdelay $0x3  }
0x96: {  	_ =	strace s3  }
0x97: {  	_ =	strace $0x8FFFFFFF  }
0x98: {  	s19 =	sld [smem:$0x3FDB];
	_ =	sdelay $0x1  }
0x99: {  	s4 =	simm.s32 $_scs_section_size  }
0x9a: {  	s5 =	simm.s32 $_size__tile_overlayer_lowered;
	s6 =	simm.s32 $_tile_overlayer_lowered  }
0x9b: {  	s22 =	simm.s32 $0x1BFF;
	s21 =	sshll.u32 s6, $0x1;
	s3 =	sadd.s32 s4, s19  }
0x9c: {  	s7 =	simm.s32 $0x0;
	s20 =	sshll.u32 s5, $0x1;
	s5 =	sadd.s32 s21, s3  }
0x9d: {  	[timem:s7], [sflag:s22] =	dma.local [hbm:s5], s20  }
0x9e: {  	_ =	swait.ge [sflag:s22], s20  }
0x9f: {  	s4 =	ssub.s32 $0x0, s20;
	[sflag:s22] =	ssyncset.done $0x0  }
0xa0: {  	[sflag:s22] =	ssyncadd.s32 s4;
	_ =	sdelay $0x1  }
0xa1: {  	s23 =	simm.s32 $0x1B8B  }
0xa2: {  	_ =	swait.ge [sflag:s23], $0x1  }
0xa3: {  	[sflag:s23] =	ssyncset.done $0x0  }
0xa4: {  	s25 =	simm.s32 $0x1B8E;
	s24 =	sld [smem:$0x3FFE];
	[sflag:s23] =	ssyncadd.s32 $0xFFFFFFFF  }
0xa5: {  	s26 =	simm.s32 $execute0_lowered;
	[smem:$0x3FD2] =	sst s25  }
0xa6: {  	s5 =	sshll.u32 s26, $0x1;
	_ =	strace $0x80000049;
	[dreg:$0x1] =	wrdreg $0xFFFFFFFF  }
0xa7: {  	s28 =	simm.s32 $_size_execute0_lowered;
	s3 =	sadd.s32 s3, s5;
	[dreg:$0x0] =	wrdreg $0x0  }
0xa8: {  	s5 =	sshll.u32 s28, $0x1;
	[dreg:$0x2] =	wrdreg s3  }
0xa9: {  	[dreg:$0x3] =	wrdreg s5  }
0xaa: {  	[dreg:$0x4] =	wrdreg $0xC0  }
0xab: {  	_ =	task [dreg:s7], $0x5FFFF  }
0xac: {  	[dreg:$0x1] =	wrdreg $0xFFFFFFFF  }
0xad: {  	[dreg:$0x0] =	wrdreg $0x60  }
0xae: {  	[dreg:$0x2] =	wrdreg s24  }
0xaf: {  	[dreg:$0x3] =	wrdreg s2  }
0xb0: {  	[dreg:$0x4] =	wrdreg $0x9  }
0xb1: {  	_ =	task.clear_ibuf [dreg:s7], $0x5FFFF;
	_ =	strace $0x90000049  }
0xb2: {  	s29 =	simm.s32 $0x9;
	_ =	strace $0x8000004B  }
0xb3: {  	_ =	swait.ge [sflag:s29], $0x1  }
0xb4: {  	[sflag:s29] =	ssyncadd.s32 $0xFFFFFFFF  }
0xb5: {  	_ =	strace $0x9000004B  }
0xb6: {  	_ =	sfence  }
0xb7: {  	s30 =	sld [smem:$0x0];
	_ =	sdelay $0x2  }
0xb8: {  	s31 =	sshll.u32 s1, $0xD;
	s1 =	sshrl.u32 s1, $0x2  }
0xb9: {  	s3 =	sand.u32 $0x4000, s31;
	s1 =	sadd.s32 s1, s30  }
0xba: {  	s0 =	sor.u32 s3, s0;
	s1 =	sshll.u32 s1, $0x11  }
0xbb: {  	s0 =	sor.u32 s1, s0  }
0xbc: {  	s0 =	sadd.s32 $0x8F2B, s0  }
0xbd: {  	[sflag:s0] =	ssyncadd.remote.s32 $0x1  }
0xbe: {  	_ =	sfence.sel $0xFFFF  }
0xbf: {  	[dreg:$0x0] =	wrdreg $0xFFFFFFFF;
	(pc) =	sbr.abs _section_cstart, $3  }
0xc0: {  	[dreg:$0x1] =	wrdreg $0xFFFFFFFF  }
0xc1: {  	_ =	task.clear_ibuf [dreg:s7], $0x2FFFF;
	_ =	strace $0x9FFFFFFF  }
0xc2: {  	(tm) =	ssettm $0x7FFFFFFF  }
0xc3: {  	_ =	shalt  }
tec
execute0_lowered:
.L_overlay_start_1:
0x0: {  	(tag) =	ssettag $0x1  }
0x1: {  	s5 =	rddreg [dreg:$0x0];
	s0 =	srdreg.scid  }
0x2: {  	s2 =	rddreg [dreg:$0x1];
	s1 =	stileid.u32;
	s3 =	simm.s32 $0x0  }
0x3: {  	s9 =	simm.s32 $0x8000;
	s10 =	simm.s32 $0x5;
	s11 =	simm.s32 $0x80  }
0x4: {  	s12 =	simm.s32 $0x1C00;
	s13 =	simm.s32 $0x3800;
	s14 =	simm.s32 $0x1C80  }
0x5: {  	s15 =	simm.s32 $0x7800;
	s16 =	simm.s32 $0x1;
	s17 =	simm.s32 $0xB800  }
0x6: {  	s18 =	simm.s32 $0x2;
	s19 =	simm.s32 $0xD800;
	s20 =	simm.s32 $0x3  }
0x7: {  	s21 =	simm.s32 $0x4;
	s22 =	simm.s32 $0x0;
	s6 =	sand.u32 $0x1, s0  }
.Ltmp0:
0x8: {  	v0 =	vlaneseq.u32;
	s4 =	sshll.u32 s1, $0xB;
	s7 =	sshll.u32 s6, $0xA;
	(pc) =	sbr.rel .LBB2_1-.Ltmp0, $4  }
0x9: {  	[smem:$0x7FF] =	sst s3;
	v1 =	vmul.u32 $0x80, v0;
	v3 =	vor.u32 $0x10, v0;
	s6 =	ssub.s32 $0x2, s6;
	s4 =	sor.u32 s7, s4  }
0xa: {  	v5 =	vor.u32 $0x20, v0;
	v7 =	vor.u32 $0x30, v0;
	v9 =	vor.u32 $0x40, v0;
	_ =	strace $0x8000004A;
	s8 =	sshrl.u32 s6, $0x1;
	s7 =	sshrl.u32 s4, $0x3  }
0xb: {  	v11 =	vor.u32 $0x50, v0;
	v2 =	vor.u32 $0x800, v1;
	v4 =	vor.u32 $0x1000, v1;
	s8 =	ssub.s32 s6, s8;
	s7 =	sadd.s32 s7, s5;
	s5 =	sadd.s32 $0xA00, s5  }
0xc: {  	v6 =	vor.u32 $0x1800, v1;
	v8 =	vor.u32 $0x2000, v1;
	v10 =	vor.u32 $0x2800, v1;
	s6 =	sadd.s32 $0x7A1E00, s7;
	s7 =	smax.u32 s8, $0x1;
	s8 =	simm.s32 $0x400  }
.LBB2_38:
0xd: {  	s22 =	sadd.s32 $0x1, s22  }
0xe: {  	_ =	swait.ge [sflag:s20], $0x2000;
	p0 =	sne.s32 s22, s7  }
.Ltmp1:
0xf: {  	[sflag:s20] =	ssyncset.done $0x0;
	(pc) =	sbr.rel @!p0 .LBB2_39-.Ltmp1, $4  }
0x10: {  	[sflag:s20] =	ssyncadd.s32 $0xFFFFE000  }
0x11: {  	_ =	swait.ge [sflag:s21], $0x2000  }
0x12: {  	[sflag:s21] =	ssyncset.done $0x0  }
0x13: {  	[sflag:s21] =	ssyncadd.s32 $0xFFFFE000  }
.LBB2_1:
0x14: {  	[tilespmem:s3], [sflag:$0x5] =	stream.strided.gather [hbm4b:s6+s8], $0x1C00, s9, s8, $0x38;
	[tilespmem:$0xF800] =	vst v63  }
0x15: {  	_ =	swait.ge [sflag:s10], $0x1C00  }
0x16: {  	[sflag:s10] =	ssyncset.done $0x0  }
0x17: {  	s23 =	simm.s32 $0x40;
	[sflag:s10] =	ssyncadd.s32 $0xFFFFE400  }
0x18: {  	v12 =	vld [tilespmem:s23+$0x30]  }
0x19: {  	v13 =	vld [tilespmem:s23+$0xFFFFFFD0]  }
0x1a: {  	v14 =	vld [tilespmem:s23+$0xFFFFFFE0]  }
0x1b: {  	v16 =	vld [tilespmem:s23+$0x0]  }
0x1c: {  	v17 =	vld [tilespmem:s23+$0x10]  }
0x1d: {  	v20 =	vld [tilespmem:s23+$0x20]  }
0x1e: {  	v21 =	vld [tilespmem:s23+$0xFFFFFFC0];
	_ =	sdelay $0x1  }
0x1f: {  	v18 =	vshra.s32 v12, $0x1;
	v19 =	vshra.s32 v13, $0x1;
	v12 =	vand.u32 $0x3F, v12  }
0x20: {  	v22 =	vshra.s32 v14, $0x1;
	v13 =	vand.u32 $0x3F, v13;
	v14 =	vand.u32 $0x3F, v14  }
0x21: {  	s26 =	simm.s32 $0xC0;
	v15 =	vld [tilespmem:s23+$0xFFFFFFF0];
	v23 =	vshra.s32 v16, $0x1;
	v24 =	vshra.s32 v17, $0x1;
	v16 =	vand.u32 $0x3F, v16  }
0x22: {  	v25 =	vld [tilespmem:s26+$0x30];
	v26 =	vshra.s32 v20, $0x1;
	v28 =	vshra.s32 v21, $0x1;
	v21 =	vand.u32 $0x3F, v21  }
0x23: {  	v27 =	vld [tilespmem:s26+$0xFFFFFFD0];
	v17 =	vand.u32 $0x3F, v17;
	v20 =	vand.u32 $0x3F, v20;
	v18 =	vand.u32 $0xFFFFFFC0, v18  }
0x24: {  	v29 =	vld [tilespmem:s26+$0xFFFFFFE0];
	v19 =	vand.u32 $0xFFFFFFC0, v19;
	v22 =	vand.u32 $0xFFFFFFC0, v22;
	v23 =	vand.u32 $0xFFFFFFC0, v23  }
0x25: {  	v24 =	vand.u32 $0xFFFFFFC0, v24;
	v26 =	vand.u32 $0xFFFFFFC0, v26;
	v28 =	vand.u32 $0xFFFFFFC0, v28  }
0x26: {  	s23 =	simm.s32 $0x1C40;
	v12 =	vor.u32 v12, v18;
	v18 =	vshra.s32 v15, $0x1;
	v15 =	vand.u32 $0x3F, v15  }
0x27: {  	v30 =	vld [tilespmem:s26+$0xFFFFFFF0];
	v19 =	vor.u32 v13, v19;
	v14 =	vor.u32 v14, v22;
	v63 =	vor.u32 v17, v24;
	[tilespmem:s23+$0x30] =	vst v12  }
0x28: {  	v13 =	vld [tilespmem:s26+$0x0];
	v17 =	vshra.s32 v27, $0x1;
	v18 =	vand.u32 $0xFFFFFFC0, v18;
	v12 =	vor.u32 v21, v28;
	[tilespmem:s23+$0xFFFFFFE0] =	vst v14  }
0x29: {  	v14 =	vshra.s32 v29, $0x1;
	[tilespmem:s23+$0xFFFFFFC0] =	vst v12;
	v18 =	vor.u32 v15, v18;
	v12 =	vld [tilespmem:s26+$0x10];
	v15 =	vshra.s32 v25, $0x1  }
0x2a: {  	[tilespmem:s23+$0xFFFFFFD0] =	vst v19;
	v19 =	vand.u32 $0xFFFFFFC0, v15;
	v15 =	vand.u32 $0xFFFFFFC0, v17;
	v17 =	vand.u32 $0xFFFFFFC0, v14;
	v14 =	vld [tilespmem:s26+$0x20]  }
0x2b: {  	v21 =	vor.u32 v16, v23;
	v16 =	vor.u32 v20, v26;
	v20 =	vand.u32 $0x3F, v25;
	v23 =	vld [tilespmem:s26+$0xFFFFFFC0];
	[tilespmem:s23+$0x10] =	vst v63  }
0x2c: {  	s24 =	simm.s32 $0x1CC0;
	v22 =	vshra.s32 v30, $0x1;
	[tilespmem:s23+$0xFFFFFFF0] =	vst v18;
	v18 =	vand.u32 $0x3F, v27;
	v19 =	vor.u32 v20, v19  }
0x2d: {  	v20 =	vand.u32 $0x3F, v29;
	[tilespmem:s24+$0x30] =	vst v19;
	v19 =	vand.u32 $0xFFFFFFC0, v22;
	v24 =	vshra.s32 v13, $0x1  }
0x2e: {  	s25 =	simm.s32 $0x8;
	[tilespmem:s23+$0x0] =	vst v21;
	s26 =	simm.s32 $0x140;
	v22 =	vand.u32 $0x3F, v30;
	v21 =	vand.u32 $0xFFFFFFC0, v24;
	v24 =	vshra.s32 v12, $0x1  }
.LBB2_2:
0x2f: {  	v25 =	vld [tilespmem:s26+$0x30];
	s25 =	sadd.s32 $0x8, s25;
	v26 =	vand.u32 $0x3F, v13;
	v24 =	vand.u32 $0xFFFFFFC0, v24;
	v13 =	vshra.s32 v14, $0x1;
	[tilespmem:s23+$0x20] =	vst v16;
	s23 =	smov.u32 s24  }
0x30: {  	v27 =	vld [tilespmem:s26+$0xFFFFFFD0];
	p0 =	slt.u32 s25, $0x1B8;
	v16 =	vshra.s32 v23, $0x1;
	v23 =	vand.u32 $0x3F, v23;
	v28 =	vand.u32 $0xFFFFFFC0, v13  }
0x31: {  	v12 =	vand.u32 $0x3F, v12;
	v14 =	vand.u32 $0x3F, v14;
	v29 =	vld [tilespmem:s26+$0xFFFFFFE0];
	v13 =	vand.u32 $0xFFFFFFC0, v16  }
0x32: {  	v15 =	vor.u32 v18, v15;
	v17 =	vor.u32 v20, v17;
	v30 =	vld [tilespmem:s26+$0xFFFFFFF0];
	v16 =	vor.u32 v23, v13  }
0x33: {  	v18 =	vor.u32 v22, v19;
	v21 =	vor.u32 v26, v21;
	v26 =	vor.u32 v12, v24;
	v13 =	vld [tilespmem:s26+$0x0];
	[tilespmem:s24+$0xFFFFFFC0] =	vst v16  }
0x34: {  	v16 =	vor.u32 v14, v28;
	v12 =	vld [tilespmem:s26+$0x10];
	v19 =	vshra.s32 v25, $0x1;
	[tilespmem:s24+$0xFFFFFFD0] =	vst v15  }
.Ltmp2:
0x35: {  	v20 =	vand.u32 $0x3F, v25;
	v15 =	vshra.s32 v27, $0x1;
	v14 =	vld [tilespmem:s26+$0x20];
	v19 =	vand.u32 $0xFFFFFFC0, v19;
	[tilespmem:s24+$0xFFFFFFE0] =	vst v17;
	(pc) =	sbr.rel @p0 .LBB2_2-.Ltmp2, $4  }
0x36: {  	s24 =	sadd.s32 $0x80, s24;
	v23 =	vld [tilespmem:s26+$0xFFFFFFC0];
	v15 =	vand.u32 $0xFFFFFFC0, v15;
	v17 =	vshra.s32 v29, $0x1;
	v19 =	vor.u32 v20, v19;
	[tilespmem:s23+$0xFFFFFFF0] =	vst v18  }
0x37: {  	v18 =	vand.u32 $0x3F, v27;
	v17 =	vand.u32 $0xFFFFFFC0, v17;
	v22 =	vshra.s32 v30, $0x1;
	[tilespmem:s24+$0x30] =	vst v19  }
0x38: {  	v20 =	vand.u32 $0x3F, v29;
	v19 =	vand.u32 $0xFFFFFFC0, v22;
	v24 =	vshra.s32 v13, $0x1;
	[tilespmem:s23+$0x0] =	vst v21  }
0x39: {  	s26 =	sadd.s32 $0x80, s26;
	v22 =	vand.u32 $0x3F, v30;
	v21 =	vand.u32 $0xFFFFFFC0, v24;
	v24 =	vshra.s32 v12, $0x1;
	[tilespmem:s23+$0x10] =	vst v26  }
0x3a: {  	[tilespmem:s23+$0x20] =	vst v16;
	v15 =	vor.u32 v18, v15  }
0x3b: {  	v58 =	vor.u32 v20, v17;
	v13 =	vand.u32 $0x3F, v13;
	[tilespmem:s24+$0xFFFFFFD0] =	vst v15  }
0x3c: {  	v59 =	vand.u32 $0xFFFFFFC0, v24;
	v60 =	vor.u32 v22, v19;
	v61 =	vshra.s32 v14, $0x1;
	[tilespmem:s24+$0xFFFFFFE0] =	vst v58  }
0x3d: {  	v12 =	vand.u32 $0x3F, v12;
	v62 =	vand.u32 $0x3F, v14;
	v13 =	vor.u32 v13, v21;
	[tilespmem:s24+$0xFFFFFFF0] =	vst v60  }
0x3e: {  	v25 =	vshra.s32 v23, $0x1;
	v16 =	vand.u32 $0xFFFFFFC0, v61;
	v12 =	vor.u32 v12, v59;
	[tilespmem:s24+$0x0] =	vst v13  }
0x3f: {  	v56 =	vand.u32 $0x3F, v23;
	v25 =	vand.u32 $0xFFFFFFC0, v25;
	v63 =	vor.u32 v62, v16;
	[tilespmem:s24+$0x10] =	vst v12  }
0x40: {  	v57 =	vor.u32 v56, v25;
	[tilespmem:s24+$0x20] =	vst v63  }
0x41: {  	[tilespmem:s24+$0xFFFFFFC0] =	vst v57  }
0x42: {  	[tilespmem:s13], [sflag:$0x1] =	stream.indirect.gather [hbm4b:s5+s11], $0x80, s12, s11, $0xb8;
	[tilespmem:$0xF800] =	vst v63  }
0x43: {  	s23 =	simm.s32 $0x0  }
0x44: {  	[tilespmem:s15], [sflag:$0x2] =	stream.indirect.gather [hbm4b:s5+s11], $0x80, s14, s11, $0xb8;
	[tilespmem:$0xF800] =	vst v63  }
.LBB2_4:
0x45: {  	_ =	swait.ge [sflag:s16], $0x4000;
	p0 =	seq.s32 s23, $0x0;
	s26 =	simm.s32 $0x0  }
0x46: {  	[sflag:s16] =	ssyncset.done $0x0;
	s24 =	simm.s32 @!p0 $0x3;
	s28 =	sand.u32 $0x8, s26  }
0x47: {  	[sflag:s16] =	ssyncadd.s32 $0xFFFFC000;
	s29 =	sor.u32 $0x7, s28;
	s30 =	sor.u32 $0x1, s28  }
0x48: {  	v13 =	vadd.s32 s28, v0;
	s31 =	sor.u32 $0x2, s28;
	s1 =	sor.u32 $0x4, s28;
	s0 =	sor.u32 $0x5, s28;
	v14 =	vadd.s32 s29, v0;
	v15 =	vadd.s32 s30, v0  }
0x49: {  	_ =	swait.ge @!p0 [sflag:s24], $0x2000;
	v16 =	vadd.s32 s31, v0;
	s29 =	sor.u32 $0x3, s28;
	v18 =	vadd.s32 s1, v0;
	v19 =	vadd.s32 s0, v0  }
0x4a: {  	s25 =	sshll.u32 s23, $0xA;
	s28 =	sor.u32 $0x6, s28;
	v13 =	vand.u32 $0xF, v13;
	[sflag:s24] =	ssyncset.done @!p0 $0x0;
	v14 =	vand.u32 $0xF, v14;
	v17 =	vadd.s32 s29, v0  }
0x4b: {  	s26 =	sand.u32 $0x30, s26;
	v20 =	vadd.s32 s28, v0;
	v15 =	vand.u32 $0xF, v15;
	v16 =	vand.u32 $0xF, v16;
	[sflag:s24] =	ssyncadd.s32 @!p0 $0xFFFFE000;
	s24 =	sshrl.u32 s25, $0x2  }
0x4c: {  	v18 =	vand.u32 $0xF, v18;
	v19 =	vand.u32 $0xF, v19;
	v13 =	vor.u32 s26, v13;
	v12 =	vld [tilespmem:s24+$0x0]  }
0x4d: {  	v14 =	vor.u32 s26, v14;
	v17 =	vand.u32 $0xF, v17;
	v15 =	vor.u32 s26, v15  }
0x4e: {  	s28 =	simm.s32 $0x8;
	v20 =	vand.u32 $0xF, v20;
	v16 =	vor.u32 s26, v16;
	v18 =	vor.u32 s26, v18  }
0x4f: {  	v19 =	vor.u32 s26, v19;
	v17 =	vor.u32 s26, v17;
	v20 =	vor.u32 s26, v20;
	s26 =	sand.u32 $0x8, s28  }
0x50: {  	s30 =	sor.u32 $0x4, s26  }
0x51: {  	v32 =	vadd.s32 s30, v0;
	v12 =	vand.u32 $0x40, v12  }
0x52: {  	v32 =	vand.u32 $0xF, v32;
	v12 =	vor.u32 v1, v12  }
0x53: {  	v21 =	vor.u32 v14, v12;
	v22 =	vor.u32 v15, v12;
	v23 =	vor.u32 v16, v12  }
0x54: {  	v24 =	vor.u32 v17, v12;
	v25 =	vor.u32 v18, v12;
	v26 =	vor.u32 v19, v12  }
0x55: {  	v27 =	vor.u32 v20, v12;
	v14 =	vshll.u32 v14, $0x7;
	v28 =	vor.u32 v13, v12  }
0x56: {  	v13 =	vshll.u32 v13, $0x7;
	v19 =	vshll.u32 v19, $0x7;
	v20 =	vshll.u32 v20, $0x7  }
0x57: {  	v29 =	vor.u32 v0, v14;
	v14 =	vshll.u32 v15, $0x7;
	v15 =	vshll.u32 v16, $0x7  }
0x58: {  	v16 =	vshll.u32 v17, $0x7;
	v17 =	vshll.u32 v18, $0x7;
	v30 =	vor.u32 v0, v14  }
0x59: {  	v31 =	vor.u32 v0, v15;
	v33 =	vor.u32 v0, v16;
	v35 =	vor.u32 v0, v17  }
0x5a: {  	s29 =	sor.u32 $0x1, s26;
	s1 =	sor.u32 $0x2, s26;
	s0 =	sor.u32 $0x7, s26;
	v14 =	vor.u32 v0, v19;
	v16 =	vadd.s32 s26, v0;
	v15 =	vor.u32 v0, v20  }
0x5b: {  	v17 =	vadd.s32 s29, v0;
	v19 =	vadd.s32 s1, v0;
	s29 =	sor.u32 $0x3, s26;
	v20 =	vadd.s32 s0, v0;
	s1 =	sor.u32 $0x5, s26;
	s26 =	sor.u32 $0x6, s26  }
0x5c: {  	v13 =	vor.u32 v0, v13;
	v20 =	vand.u32 $0xF, v20;
	v36 =	vadd.s32 s26, v0;
	v21 =	vld.idx.msk [tilespmem:v21+s13+$0x0], $0xffff  }
0x5d: {  	s0 =	sand.u32 $0x30, s28;
	v17 =	vand.u32 $0xF, v17;
	v19 =	vand.u32 $0xF, v19;
	v16 =	vand.u32 $0xF, v16;
	v34 =	vld.idx.msk [tilespmem:v22+s13+$0x0], $0xffff  }
0x5e: {  	v41 =	vor.u32 s0, v32;
	v20 =	vor.u32 s0, v20;
	v17 =	vor.u32 s0, v17;
	v23 =	vld.idx.msk [tilespmem:v23+s13+$0x0], $0xffff  }
0x5f: {  	v39 =	vor.u32 s0, v19;
	v42 =	vor.u32 s0, v16;
	v37 =	vor.u32 v20, v12;
	v24 =	vld.idx.msk [tilespmem:v24+s13+$0x0], $0xffff  }
0x60: {  	v22 =	vadd.s32 s1, v0;
	v38 =	vld.idx.msk [tilespmem:v25+s13+$0x0], $0xffff;
	v25 =	vand.u32 $0xF, v36;
	v16 =	vor.u32 v17, v12  }
0x61: {  	v63 =	vld.idx.msk [tilespmem:v28+s13+$0x0], $0xffff;
	v45 =	vor.u32 v39, v12;
	v19 =	vor.u32 v42, v12;
	v20 =	vshll.u32 v20, $0x7  }
0x62: {  	v62 =	vld.idx.msk [tilespmem:v26+s13+$0x0], $0xffff;
	v28 =	vshll.u32 v17, $0x7;
	v18 =	vmul.f32 $8.000000000e+00, v21;
	v21 =	vadd.s32 s29, v0  }
0x63: {  	v27 =	vld.idx.msk [tilespmem:v27+s13+$0x0], $0xffff;
	v22 =	vand.u32 $0xF, v22;
	v44 =	vor.u32 s0, v25;
	v21 =	vand.u32 $0xF, v21  }
0x64: {  	v25 =	vor.u32 v41, v12;
	v26 =	vor.u32 v0, v20;
	v37 =	vld.idx.msk [tilespmem:v37+s13+$0x0], $0xffff;
	v40 =	vor.u32 s0, v21  }
0x65: {  	v43 =	vor.u32 s0, v22;
	v34 =	vmul.f32 $8.000000000e+00, v34;
	v46 =	vor.u32 v40, v12  }
0x66: {  	v22 =	vor.u32 v43, v12;
	v38 =	vmul.f32 $8.000000000e+00, v38;
	v20 =	vmul.f32 $8.000000000e+00, v63;
	[tilespmem:v29+s17+$0x0] =	vst.idx.msk $0xffff, v18  }
0x67: {  	v21 =	vor.u32 v44, v12;
	v18 =	vmul.f32 $8.000000000e+00, v23;
	v29 =	vmul.f32 $8.000000000e+00, v24;
	[tilespmem:v30+s17+$0x0] =	vst.idx.msk $0xffff, v34  }
0x68: {  	v16 =	vld.idx.msk [tilespmem:v16+s13+$0x0], $0xffff;
	v23 =	vmul.f32 $8.000000000e+00, v62;
	v30 =	vshll.u32 v39, $0x7;
	v24 =	vmul.f32 $8.000000000e+00, v27;
	[tilespmem:v35+s17+$0x0] =	vst.idx.msk $0xffff, v38  }
0x69: {  	v17 =	vld.idx.msk [tilespmem:v45+s13+$0x0], $0xffff;
	v27 =	vshll.u32 v42, $0x7;
	v32 =	vshll.u32 v40, $0x7;
	[tilespmem:v31+s17+$0x0] =	vst.idx.msk $0xffff, v18;
	v34 =	vmul.f32 $8.000000000e+00, v37  }
0x6a: {  	s26 =	sshll.u32 s23, $0x1;
	v31 =	vshll.u32 v41, $0x7;
	[tilespmem:v33+s17+$0x0] =	vst.idx.msk $0xffff, v29;
	v33 =	vshll.u32 v43, $0x7;
	v29 =	vshll.u32 v44, $0x7;
	v18 =	vld.idx.msk [tilespmem:v46+s13+$0x0], $0xffff  }
.LBB2_5:
0x6b: {  	s28 =	sadd.s32 $0x8, s28;
	v35 =	vor.u32 v0, v28;
	v36 =	vor.u32 v0, v30;
	v30 =	vld.idx.msk [tilespmem:v25+s13+$0x0], $0xffff;
	[tilespmem:v26+s17+$0x0] =	vst.idx.msk $0xffff, v34  }
0x6c: {  	v37 =	vor.u32 v0, v32;
	v38 =	vor.u32 v0, v31;
	s0 =	sand.u32 $0x8, s28;
	p1 =	slt.u32 s28, $0x38;
	v31 =	vld.idx.msk [tilespmem:v22+s13+$0x0], $0xffff;
	v22 =	vor.u32 v0, v33  }
0x6d: {  	v26 =	vor.u32 v0, v27;
	v25 =	vadd.s32 s0, v0;
	s29 =	sor.u32 $0x1, s0;
	s30 =	sor.u32 $0x2, s0;
	s31 =	sor.u32 $0x7, s0;
	v27 =	vld.idx.msk [tilespmem:v21+s13+$0x0], $0xffff;
	v21 =	vor.u32 v0, v29  }
0x6e: {  	s1 =	sor.u32 $0x5, s0;
	v28 =	vadd.s32 s29, v0;
	v29 =	vadd.s32 s30, v0;
	s29 =	sor.u32 $0x3, s0;
	s30 =	sor.u32 $0x4, s0;
	v32 =	vadd.s32 s31, v0;
	v33 =	vld.idx.msk [tilespmem:v19+s13+$0x0], $0xffff  }
0x6f: {  	s31 =	sand.u32 $0x30, s28;
	s0 =	sor.u32 $0x6, s0;
	v19 =	vadd.s32 s29, v0;
	v34 =	vadd.s32 s30, v0;
	v32 =	vand.u32 $0xF, v32;
	[tilespmem:v14+s17+$0x0] =	vst.idx.msk $0xffff, v23;
	v14 =	vmovc v22  }
0x70: {  	v22 =	vadd.s32 s1, v0;
	v23 =	vadd.s32 s0, v0;
	v32 =	vor.u32 s31, v32;
	[tilespmem:v15+s17+$0x0] =	vst.idx.msk $0xffff, v24;
	v15 =	vmovc v21  }
0x71: {  	v21 =	vand.u32 $0xF, v28;
	v24 =	vand.u32 $0xF, v29;
	v28 =	vor.u32 v32, v12;
	[tilespmem:v13+s17+$0x0] =	vst.idx.msk $0xffff, v20;
	v13 =	vmovc v26  }
0x72: {  	v19 =	vand.u32 $0xF, v19;
	v22 =	vand.u32 $0xF, v22;
	v20 =	vand.u32 $0xF, v34  }
0x73: {  	v25 =	vand.u32 $0xF, v25;
	v29 =	vor.u32 s31, v21;
	v21 =	vand.u32 $0xF, v23  }
0x74: {  	v24 =	vor.u32 s31, v24;
	v34 =	vor.u32 s31, v19;
	v39 =	vor.u32 s31, v20  }
0x75: {  	v40 =	vor.u32 s31, v25;
	v41 =	vor.u32 s31, v22;
	v42 =	vor.u32 s31, v21  }
0x76: {  	v20 =	vor.u32 v29, v12;
	v43 =	vor.u32 v24, v12;
	v44 =	vor.u32 v34, v12;
	v45 =	vld.idx.msk [tilespmem:v28+s13+$0x0], $0xffff  }
0x77: {  	v22 =	vor.u32 v41, v12;
	v25 =	vor.u32 v39, v12;
	v21 =	vor.u32 v42, v12  }
0x78: {  	v16 =	vmul.f32 $8.000000000e+00, v16;
	v19 =	vor.u32 v40, v12;
	v23 =	vshll.u32 v32, $0x7  }
.Ltmp3:
0x79: {  	v17 =	vmul.f32 $8.000000000e+00, v17;
	v18 =	vmul.f32 $8.000000000e+00, v18;
	v26 =	vor.u32 v0, v23;
	(pc) =	sbr.rel @p1 .LBB2_5-.Ltmp3, $4  }
0x7a: {  	v23 =	vmul.f32 $8.000000000e+00, v31;
	v28 =	vshll.u32 v29, $0x7;
	[tilespmem:v35+s17+$0x0] =	vst.idx.msk $0xffff, v16;
	v35 =	vmul.f32 $8.000000000e+00, v30  }
0x7b: {  	v30 =	vshll.u32 v24, $0x7;
	v24 =	vmul.f32 $8.000000000e+00, v27;
	v16 =	vld.idx.msk [tilespmem:v20+s13+$0x0], $0xffff;
	v20 =	vmul.f32 $8.000000000e+00, v33;
	[tilespmem:v36+s17+$0x0] =	vst.idx.msk $0xffff, v17  }
0x7c: {  	v32 =	vshll.u32 v34, $0x7;
	v31 =	vshll.u32 v39, $0x7;
	v34 =	vmul.f32 $8.000000000e+00, v45;
	v17 =	vld.idx.msk [tilespmem:v43+s13+$0x0], $0xffff;
	[tilespmem:v37+s17+$0x0] =	vst.idx.msk $0xffff, v18  }
0x7d: {  	v29 =	vshll.u32 v42, $0x7;
	v27 =	vshll.u32 v40, $0x7;
	v33 =	vshll.u32 v41, $0x7;
	v18 =	vld.idx.msk [tilespmem:v44+s13+$0x0], $0xffff;
	[tilespmem:v38+s17+$0x0] =	vst.idx.msk $0xffff, v35  }
0x7e: {  	_ =	sdelay $0x2  }
0x7f: {  	v12 =	vor.u32 v0, v28  }
0x80: {  	v28 =	vor.u32 v0, v30;
	v25 =	vld.idx.msk [tilespmem:v25+s13+$0x0], $0xffff;
	[tilespmem:v26+s17+$0x0] =	vst.idx.msk $0xffff, v34  }
0x81: {  	v26 =	vor.u32 v0, v32;
	v22 =	vld.idx.msk [tilespmem:v22+s13+$0x0], $0xffff;
	[tilespmem:v14+s17+$0x0] =	vst.idx.msk $0xffff, v23  }
0x82: {  	v14 =	vor.u32 v0, v31;
	v21 =	vld.idx.msk [tilespmem:v21+s13+$0x0], $0xffff;
	[tilespmem:v15+s17+$0x0] =	vst.idx.msk $0xffff, v24;
	v15 =	vmul.f32 $8.000000000e+00, v16  }
0x83: {  	v19 =	vld.idx.msk [tilespmem:v19+s13+$0x0], $0xffff;
	[tilespmem:v13+s17+$0x0] =	vst.idx.msk $0xffff, v20;
	v16 =	vor.u32 v0, v33;
	v13 =	vmul.f32 $8.000000000e+00, v17  }
0x84: {  	v17 =	vor.u32 v0, v29;
	v18 =	vmul.f32 $8.000000000e+00, v18;
	[tilespmem:v12+s17+$0x0] =	vst.idx.msk $0xffff, v15  }
0x85: {  	v12 =	vor.u32 v0, v27;
	v15 =	vmul.f32 $8.000000000e+00, v25;
	[tilespmem:v28+s17+$0x0] =	vst.idx.msk $0xffff, v13  }
0x86: {  	v13 =	vmul.f32 $8.000000000e+00, v22;
	[tilespmem:v26+s17+$0x0] =	vst.idx.msk $0xffff, v18  }
0x87: {  	s0 =	simm.s32 $0x0;
	v18 =	vmul.f32 $8.000000000e+00, v21;
	[tilespmem:v14+s17+$0x0] =	vst.idx.msk $0xffff, v15  }
0x88: {  	s1 =	sand.u32 $0x8, s0;
	v14 =	vmul.f32 $8.000000000e+00, v19;
	[tilespmem:v16+s17+$0x0] =	vst.idx.msk $0xffff, v13  }
0x89: {  	s29 =	sor.u32 $0x1, s1;
	s30 =	sor.u32 $0x2, s1;
	s31 =	sor.u32 $0x5, s1;
	v13 =	vadd.s32 s1, v0;
	[tilespmem:v17+s17+$0x0] =	vst.idx.msk $0xffff, v18  }
0x8a: {  	v15 =	vadd.s32 s29, v0;
	v16 =	vadd.s32 s30, v0;
	s29 =	sor.u32 $0x4, s1;
	v19 =	vadd.s32 s31, v0;
	[tilespmem:v12+s17+$0x0] =	vst.idx.msk $0xffff, v14  }
0x8b: {  	v18 =	vadd.s32 s29, v0;
	v15 =	vand.u32 $0xF, v15;
	v16 =	vand.u32 $0xF, v16;
	v12 =	vld [tilespmem:s24+$0x10]  }
0x8c: {  	s0 =	sand.u32 $0x30, s0;
	v19 =	vand.u32 $0xF, v19;
	v13 =	vand.u32 $0xF, v13;
	v18 =	vand.u32 $0xF, v18  }
0x8d: {  	s28 =	sor.u32 $0x7, s1;
	v15 =	vor.u32 s0, v15;
	v16 =	vor.u32 s0, v16;
	v13 =	vor.u32 s0, v13  }
0x8e: {  	v19 =	vor.u32 s0, v19;
	v14 =	vadd.s32 s28, v0;
	s28 =	sor.u32 $0x3, s1;
	s1 =	sor.u32 $0x6, s1;
	v18 =	vor.u32 s0, v18  }
0x8f: {  	v14 =	vand.u32 $0xF, v14;
	v17 =	vadd.s32 s28, v0;
	v20 =	vadd.s32 s1, v0  }
0x90: {  	v14 =	vor.u32 s0, v14;
	v17 =	vand.u32 $0xF, v17;
	v12 =	vand.u32 $0x40, v12  }
0x91: {  	v20 =	vand.u32 $0xF, v20;
	v17 =	vor.u32 s0, v17;
	v12 =	vor.u32 v2, v12  }
0x92: {  	v20 =	vor.u32 s0, v20;
	v21 =	vor.u32 v14, v12;
	v22 =	vor.u32 v15, v12  }
0x93: {  	v23 =	vor.u32 v16, v12;
	v24 =	vor.u32 v17, v12;
	v25 =	vor.u32 v18, v12  }
0x94: {  	v26 =	vor.u32 v19, v12;
	v27 =	vor.u32 v20, v12;
	v14 =	vshll.u32 v14, $0x7  }
0x95: {  	v28 =	vor.u32 v13, v12;
	v13 =	vshll.u32 v13, $0x7;
	v19 =	vshll.u32 v19, $0x7  }
0x96: {  	v20 =	vshll.u32 v20, $0x7;
	v29 =	vor.u32 v3, v14;
	v14 =	vshll.u32 v15, $0x7  }
0x97: {  	s28 =	simm.s32 $0x8;
	v15 =	vshll.u32 v16, $0x7;
	v16 =	vshll.u32 v17, $0x7;
	v17 =	vshll.u32 v18, $0x7  }
0x98: {  	s0 =	sand.u32 $0x8, s28;
	v13 =	vor.u32 v3, v13;
	v30 =	vor.u32 v3, v14;
	v31 =	vor.u32 v3, v15  }
0x99: {  	s29 =	sor.u32 $0x2, s0;
	v60 =	vor.u32 v3, v16;
	v35 =	vor.u32 v3, v17;
	v14 =	vor.u32 v3, v19  }
0x9a: {  	s1 =	sor.u32 $0x1, s0;
	s31 =	sor.u32 $0x7, s0;
	v16 =	vadd.s32 s0, v0;
	v15 =	vor.u32 v3, v20;
	v19 =	vadd.s32 s29, v0;
	s29 =	sor.u32 $0x4, s0  }
0x9b: {  	s30 =	sor.u32 $0x5, s0;
	v17 =	vadd.s32 s1, v0;
	s1 =	sor.u32 $0x3, s0;
	v20 =	vadd.s32 s31, v0;
	s0 =	sor.u32 $0x6, s0;
	v61 =	vadd.s32 s29, v0  }
0x9c: {  	s31 =	sand.u32 $0x30, s28;
	v20 =	vand.u32 $0xF, v20;
	v36 =	vadd.s32 s0, v0;
	v17 =	vand.u32 $0xF, v17;
	v21 =	vld.idx.msk [tilespmem:v21+s13+$0x0], $0xffff  }
0x9d: {  	v19 =	vand.u32 $0xF, v19;
	v16 =	vand.u32 $0xF, v16;
	v20 =	vor.u32 s31, v20;
	v34 =	vld.idx.msk [tilespmem:v22+s13+$0x0], $0xffff  }
0x9e: {  	v32 =	vand.u32 $0xF, v61;
	v17 =	vor.u32 s31, v17;
	v39 =	vor.u32 s31, v19;
	v23 =	vld.idx.msk [tilespmem:v23+s13+$0x0], $0xffff  }
0x9f: {  	v42 =	vor.u32 s31, v16;
	v22 =	vadd.s32 s30, v0;
	v37 =	vor.u32 v20, v12;
	v24 =	vld.idx.msk [tilespmem:v24+s13+$0x0], $0xffff  }
0xa0: {  	v38 =	vld.idx.msk [tilespmem:v25+s13+$0x0], $0xffff;
	v25 =	vand.u32 $0xF, v36;
	v41 =	vor.u32 s31, v32;
	v16 =	vor.u32 v17, v12  }
0xa1: {  	v62 =	vld.idx.msk [tilespmem:v26+s13+$0x0], $0xffff;
	v45 =	vor.u32 v39, v12;
	v19 =	vor.u32 v42, v12;
	v20 =	vshll.u32 v20, $0x7  }
0xa2: {  	v63 =	vld.idx.msk [tilespmem:v28+s13+$0x0], $0xffff;
	v28 =	vshll.u32 v17, $0x7;
	v18 =	vmul.f32 $8.000000000e+00, v21;
	v21 =	vadd.s32 s1, v0  }
0xa3: {  	v27 =	vld.idx.msk [tilespmem:v27+s13+$0x0], $0xffff;
	v22 =	vand.u32 $0xF, v22;
	v44 =	vor.u32 s31, v25;
	v21 =	vand.u32 $0xF, v21  }
0xa4: {  	v25 =	vor.u32 v41, v12;
	v26 =	vor.u32 v3, v20;
	v37 =	vld.idx.msk [tilespmem:v37+s13+$0x0], $0xffff;
	v40 =	vor.u32 s31, v21  }
0xa5: {  	v43 =	vor.u32 s31, v22;
	v34 =	vmul.f32 $8.000000000e+00, v34;
	v46 =	vor.u32 v40, v12  }
0xa6: {  	v22 =	vor.u32 v43, v12;
	v33 =	vshll.u32 v43, $0x7;
	v38 =	vmul.f32 $8.000000000e+00, v38;
	[tilespmem:v29+s17+$0x0] =	vst.idx.msk $0xffff, v18  }
0xa7: {  	v20 =	vmul.f32 $8.000000000e+00, v63;
	v21 =	vor.u32 v44, v12;
	v18 =	vmul.f32 $8.000000000e+00, v23;
	[tilespmem:v30+s17+$0x0] =	vst.idx.msk $0xffff, v34  }
0xa8: {  	v16 =	vld.idx.msk [tilespmem:v16+s13+$0x0], $0xffff;
	v29 =	vmul.f32 $8.000000000e+00, v24;
	v23 =	vmul.f32 $8.000000000e+00, v62;
	v30 =	vshll.u32 v39, $0x7;
	[tilespmem:v35+s17+$0x0] =	vst.idx.msk $0xffff, v38  }
0xa9: {  	v17 =	vld.idx.msk [tilespmem:v45+s13+$0x0], $0xffff;
	v24 =	vmul.f32 $8.000000000e+00, v27;
	v27 =	vshll.u32 v42, $0x7;
	[tilespmem:v31+s17+$0x0] =	vst.idx.msk $0xffff, v18;
	v34 =	vmul.f32 $8.000000000e+00, v37  }
0xaa: {  	v32 =	vshll.u32 v40, $0x7;
	v31 =	vshll.u32 v41, $0x7;
	[tilespmem:v60+s17+$0x0] =	vst.idx.msk $0xffff, v29;
	v29 =	vshll.u32 v44, $0x7;
	v18 =	vld.idx.msk [tilespmem:v46+s13+$0x0], $0xffff  }
.LBB2_7:
0xab: {  	s28 =	sadd.s32 $0x8, s28;
	v35 =	vor.u32 v3, v28;
	v36 =	vor.u32 v3, v30;
	v30 =	vld.idx.msk [tilespmem:v25+s13+$0x0], $0xffff;
	[tilespmem:v26+s17+$0x0] =	vst.idx.msk $0xffff, v34  }
0xac: {  	v37 =	vor.u32 v3, v32;
	v38 =	vor.u32 v3, v31;
	s0 =	sand.u32 $0x8, s28;
	p1 =	slt.u32 s28, $0x38;
	v31 =	vld.idx.msk [tilespmem:v22+s13+$0x0], $0xffff;
	v22 =	vor.u32 v3, v33  }
0xad: {  	v26 =	vor.u32 v3, v27;
	v25 =	vadd.s32 s0, v0;
	s1 =	sor.u32 $0x1, s0;
	s29 =	sor.u32 $0x2, s0;
	s30 =	sor.u32 $0x7, s0;
	v27 =	vld.idx.msk [tilespmem:v21+s13+$0x0], $0xffff;
	v21 =	vor.u32 v3, v29  }
0xae: {  	s31 =	sor.u32 $0x5, s0;
	v28 =	vadd.s32 s1, v0;
	v29 =	vadd.s32 s29, v0;
	s1 =	sor.u32 $0x3, s0;
	s29 =	sor.u32 $0x4, s0;
	v32 =	vadd.s32 s30, v0;
	v33 =	vld.idx.msk [tilespmem:v19+s13+$0x0], $0xffff  }
0xaf: {  	s30 =	sand.u32 $0x30, s28;
	s0 =	sor.u32 $0x6, s0;
	v19 =	vadd.s32 s1, v0;
	v34 =	vadd.s32 s29, v0;
	v32 =	vand.u32 $0xF, v32;
	[tilespmem:v14+s17+$0x0] =	vst.idx.msk $0xffff, v23;
	v14 =	vmovc v22  }
0xb0: {  	v22 =	vadd.s32 s31, v0;
	v23 =	vadd.s32 s0, v0;
	v32 =	vor.u32 s30, v32;
	[tilespmem:v15+s17+$0x0] =	vst.idx.msk $0xffff, v24;
	v15 =	vmovc v21  }
0xb1: {  	v21 =	vand.u32 $0xF, v28;
	v24 =	vand.u32 $0xF, v29;
	v28 =	vor.u32 v32, v12;
	[tilespmem:v13+s17+$0x0] =	vst.idx.msk $0xffff, v20;
	v13 =	vmovc v26  }
0xb2: {  	v19 =	vand.u32 $0xF, v19;
	v22 =	vand.u32 $0xF, v22;
	v20 =	vand.u32 $0xF, v34  }
0xb3: {  	v25 =	vand.u32 $0xF, v25;
	v29 =	vor.u32 s30, v21;
	v21 =	vand.u32 $0xF, v23  }
0xb4: {  	v24 =	vor.u32 s30, v24;
	v34 =	vor.u32 s30, v19;
	v39 =	vor.u32 s30, v20  }
0xb5: {  	v40 =	vor.u32 s30, v25;
	v41 =	vor.u32 s30, v22;
	v42 =	vor.u32 s30, v21  }
0xb6: {  	v20 =	vor.u32 v29, v12;
	v43 =	vor.u32 v24, v12;
	v44 =	vor.u32 v34, v12;
	v45 =	vld.idx.msk [tilespmem:v28+s13+$0x0], $0xffff  }
0xb7: {  	v22 =	vor.u32 v41, v12;
	v25 =	vor.u32 v39, v12;
	v21 =	vor.u32 v42, v12  }
0xb8: {  	v16 =	vmul.f32 $8.000000000e+00, v16;
	v19 =	vor.u32 v40, v12;
	v23 =	vshll.u32 v32, $0x7  }
.Ltmp4:
0xb9: {  	v17 =	vmul.f32 $8.000000000e+00, v17;
	v18 =	vmul.f32 $8.000000000e+00, v18;
	v26 =	vor.u32 v3, v23;
	(pc) =	sbr.rel @p1 .LBB2_7-.Ltmp4, $4  }
0xba: {  	v23 =	vmul.f32 $8.000000000e+00, v31;
	v28 =	vshll.u32 v29, $0x7;
	[tilespmem:v35+s17+$0x0] =	vst.idx.msk $0xffff, v16;
	v35 =	vmul.f32 $8.000000000e+00, v30  }
0xbb: {  	v30 =	vshll.u32 v24, $0x7;
	v24 =	vmul.f32 $8.000000000e+00, v27;
	v16 =	vld.idx.msk [tilespmem:v20+s13+$0x0], $0xffff;
	v20 =	vmul.f32 $8.000000000e+00, v33;
	[tilespmem:v36+s17+$0x0] =	vst.idx.msk $0xffff, v17  }
0xbc: {  	v32 =	vshll.u32 v34, $0x7;
	v31 =	vshll.u32 v39, $0x7;
	v34 =	vmul.f32 $8.000000000e+00, v45;
	v17 =	vld.idx.msk [tilespmem:v43+s13+$0x0], $0xffff;
	[tilespmem:v37+s17+$0x0] =	vst.idx.msk $0xffff, v18  }
0xbd: {  	v29 =	vshll.u32 v42, $0x7;
	v27 =	vshll.u32 v40, $0x7;
	v33 =	vshll.u32 v41, $0x7;
	v18 =	vld.idx.msk [tilespmem:v44+s13+$0x0], $0xffff;
	[tilespmem:v38+s17+$0x0] =	vst.idx.msk $0xffff, v35  }
0xbe: {  	_ =	sdelay $0x2  }
0xbf: {  	v12 =	vor.u32 v3, v28  }
0xc0: {  	v28 =	vor.u32 v3, v30;
	v25 =	vld.idx.msk [tilespmem:v25+s13+$0x0], $0xffff;
	[tilespmem:v26+s17+$0x0] =	vst.idx.msk $0xffff, v34  }
0xc1: {  	v26 =	vor.u32 v3, v32;
	v22 =	vld.idx.msk [tilespmem:v22+s13+$0x0], $0xffff;
	[tilespmem:v14+s17+$0x0] =	vst.idx.msk $0xffff, v23  }
0xc2: {  	v14 =	vor.u32 v3, v31;
	v21 =	vld.idx.msk [tilespmem:v21+s13+$0x0], $0xffff;
	[tilespmem:v15+s17+$0x0] =	vst.idx.msk $0xffff, v24;
	v15 =	vmul.f32 $8.000000000e+00, v16  }
0xc3: {  	v19 =	vld.idx.msk [tilespmem:v19+s13+$0x0], $0xffff;
	[tilespmem:v13+s17+$0x0] =	vst.idx.msk $0xffff, v20;
	v16 =	vor.u32 v3, v33;
	v13 =	vmul.f32 $8.000000000e+00, v17  }
0xc4: {  	v17 =	vor.u32 v3, v29;
	v18 =	vmul.f32 $8.000000000e+00, v18;
	[tilespmem:v12+s17+$0x0] =	vst.idx.msk $0xffff, v15  }
0xc5: {  	v12 =	vor.u32 v3, v27;
	v15 =	vmul.f32 $8.000000000e+00, v25;
	[tilespmem:v28+s17+$0x0] =	vst.idx.msk $0xffff, v13  }
0xc6: {  	v13 =	vmul.f32 $8.000000000e+00, v22;
	[tilespmem:v26+s17+$0x0] =	vst.idx.msk $0xffff, v18  }
0xc7: {  	s0 =	simm.s32 $0x0;
	v18 =	vmul.f32 $8.000000000e+00, v21;
	[tilespmem:v14+s17+$0x0] =	vst.idx.msk $0xffff, v15  }
0xc8: {  	s1 =	sand.u32 $0x8, s0;
	v14 =	vmul.f32 $8.000000000e+00, v19;
	[tilespmem:v16+s17+$0x0] =	vst.idx.msk $0xffff, v13  }
0xc9: {  	s29 =	sor.u32 $0x1, s1;
	s30 =	sor.u32 $0x2, s1;
	s31 =	sor.u32 $0x5, s1;
	v13 =	vadd.s32 s1, v0;
	[tilespmem:v17+s17+$0x0] =	vst.idx.msk $0xffff, v18  }
0xca: {  	v15 =	vadd.s32 s29, v0;
	v16 =	vadd.s32 s30, v0;
	s29 =	sor.u32 $0x4, s1;
	v19 =	vadd.s32 s31, v0;
	[tilespmem:v12+s17+$0x0] =	vst.idx.msk $0xffff, v14  }
0xcb: {  	v18 =	vadd.s32 s29, v0;
	v15 =	vand.u32 $0xF, v15;
	v16 =	vand.u32 $0xF, v16;
	v12 =	vld [tilespmem:s24+$0x20]  }
0xcc: {  	s0 =	sand.u32 $0x30, s0;
	v19 =	vand.u32 $0xF, v19;
	v13 =	vand.u32 $0xF, v13;
	v18 =	vand.u32 $0xF, v18  }
0xcd: {  	s28 =	sor.u32 $0x7, s1;
	v15 =	vor.u32 s0, v15;
	v16 =	vor.u32 s0, v16;
	v13 =	vor.u32 s0, v13  }
0xce: {  	v19 =	vor.u32 s0, v19;
	v14 =	vadd.s32 s28, v0;
	s28 =	sor.u32 $0x3, s1;
	s1 =	sor.u32 $0x6, s1;
	v18 =	vor.u32 s0, v18  }
0xcf: {  	v14 =	vand.u32 $0xF, v14;
	v17 =	vadd.s32 s28, v0;
	v20 =	vadd.s32 s1, v0  }
0xd0: {  	v14 =	vor.u32 s0, v14;
	v17 =	vand.u32 $0xF, v17;
	v12 =	vand.u32 $0x40, v12  }
0xd1: {  	v20 =	vand.u32 $0xF, v20;
	v17 =	vor.u32 s0, v17;
	v12 =	vor.u32 v4, v12  }
0xd2: {  	v20 =	vor.u32 s0, v20;
	v21 =	vor.u32 v14, v12;
	v22 =	vor.u32 v15, v12  }
0xd3: {  	v23 =	vor.u32 v16, v12;
	v24 =	vor.u32 v17, v12;
	v25 =	vor.u32 v18, v12  }
0xd4: {  	v26 =	vor.u32 v19, v12;
	v27 =	vor.u32 v20, v12;
	v14 =	vshll.u32 v14, $0x7  }
0xd5: {  	v28 =	vor.u32 v13, v12;
	v13 =	vshll.u32 v13, $0x7;
	v19 =	vshll.u32 v19, $0x7  }
0xd6: {  	v20 =	vshll.u32 v20, $0x7;
	v29 =	vor.u32 v5, v14;
	v14 =	vshll.u32 v15, $0x7  }
0xd7: {  	s28 =	simm.s32 $0x8;
	v15 =	vshll.u32 v16, $0x7;
	v16 =	vshll.u32 v17, $0x7;
	v17 =	vshll.u32 v18, $0x7  }
0xd8: {  	s0 =	sand.u32 $0x8, s28;
	v13 =	vor.u32 v5, v13;
	v30 =	vor.u32 v5, v14;
	v31 =	vor.u32 v5, v15  }
0xd9: {  	s29 =	sor.u32 $0x2, s0;
	v60 =	vor.u32 v5, v16;
	v35 =	vor.u32 v5, v17;
	v14 =	vor.u32 v5, v19  }
0xda: {  	s1 =	sor.u32 $0x1, s0;
	s31 =	sor.u32 $0x7, s0;
	v16 =	vadd.s32 s0, v0;
	v15 =	vor.u32 v5, v20;
	v19 =	vadd.s32 s29, v0;
	s29 =	sor.u32 $0x4, s0  }
0xdb: {  	s30 =	sor.u32 $0x5, s0;
	v17 =	vadd.s32 s1, v0;
	s1 =	sor.u32 $0x3, s0;
	v20 =	vadd.s32 s31, v0;
	s0 =	sor.u32 $0x6, s0;
	v61 =	vadd.s32 s29, v0  }
0xdc: {  	s31 =	sand.u32 $0x30, s28;
	v20 =	vand.u32 $0xF, v20;
	v36 =	vadd.s32 s0, v0;
	v17 =	vand.u32 $0xF, v17;
	v21 =	vld.idx.msk [tilespmem:v21+s13+$0x0], $0xffff  }
0xdd: {  	v19 =	vand.u32 $0xF, v19;
	v16 =	vand.u32 $0xF, v16;
	v20 =	vor.u32 s31, v20;
	v34 =	vld.idx.msk [tilespmem:v22+s13+$0x0], $0xffff  }
0xde: {  	v32 =	vand.u32 $0xF, v61;
	v17 =	vor.u32 s31, v17;
	v39 =	vor.u32 s31, v19;
	v23 =	vld.idx.msk [tilespmem:v23+s13+$0x0], $0xffff  }
0xdf: {  	v42 =	vor.u32 s31, v16;
	v22 =	vadd.s32 s30, v0;
	v37 =	vor.u32 v20, v12;
	v24 =	vld.idx.msk [tilespmem:v24+s13+$0x0], $0xffff  }
0xe0: {  	v38 =	vld.idx.msk [tilespmem:v25+s13+$0x0], $0xffff;
	v25 =	vand.u32 $0xF, v36;
	v41 =	vor.u32 s31, v32;
	v16 =	vor.u32 v17, v12  }
0xe1: {  	v62 =	vld.idx.msk [tilespmem:v26+s13+$0x0], $0xffff;
	v45 =	vor.u32 v39, v12;
	v19 =	vor.u32 v42, v12;
	v20 =	vshll.u32 v20, $0x7  }
0xe2: {  	v63 =	vld.idx.msk [tilespmem:v28+s13+$0x0], $0xffff;
	v28 =	vshll.u32 v17, $0x7;
	v18 =	vmul.f32 $8.000000000e+00, v21;
	v21 =	vadd.s32 s1, v0  }
0xe3: {  	v27 =	vld.idx.msk [tilespmem:v27+s13+$0x0], $0xffff;
	v22 =	vand.u32 $0xF, v22;
	v44 =	vor.u32 s31, v25;
	v21 =	vand.u32 $0xF, v21  }
0xe4: {  	v25 =	vor.u32 v41, v12;
	v26 =	vor.u32 v5, v20;
	v37 =	vld.idx.msk [tilespmem:v37+s13+$0x0], $0xffff;
	v40 =	vor.u32 s31, v21  }
0xe5: {  	v43 =	vor.u32 s31, v22;
	v34 =	vmul.f32 $8.000000000e+00, v34;
	v46 =	vor.u32 v40, v12  }
0xe6: {  	v22 =	vor.u32 v43, v12;
	v33 =	vshll.u32 v43, $0x7;
	v38 =	vmul.f32 $8.000000000e+00, v38;
	[tilespmem:v29+s17+$0x0] =	vst.idx.msk $0xffff, v18  }
0xe7: {  	v20 =	vmul.f32 $8.000000000e+00, v63;
	v21 =	vor.u32 v44, v12;
	v18 =	vmul.f32 $8.000000000e+00, v23;
	[tilespmem:v30+s17+$0x0] =	vst.idx.msk $0xffff, v34  }
0xe8: {  	v16 =	vld.idx.msk [tilespmem:v16+s13+$0x0], $0xffff;
	v29 =	vmul.f32 $8.000000000e+00, v24;
	v23 =	vmul.f32 $8.000000000e+00, v62;
	v30 =	vshll.u32 v39, $0x7;
	[tilespmem:v35+s17+$0x0] =	vst.idx.msk $0xffff, v38  }
0xe9: {  	v17 =	vld.idx.msk [tilespmem:v45+s13+$0x0], $0xffff;
	v24 =	vmul.f32 $8.000000000e+00, v27;
	v27 =	vshll.u32 v42, $0x7;
	[tilespmem:v31+s17+$0x0] =	vst.idx.msk $0xffff, v18;
	v34 =	vmul.f32 $8.000000000e+00, v37  }
0xea: {  	v32 =	vshll.u32 v40, $0x7;
	v31 =	vshll.u32 v41, $0x7;
	[tilespmem:v60+s17+$0x0] =	vst.idx.msk $0xffff, v29;
	v29 =	vshll.u32 v44, $0x7;
	v18 =	vld.idx.msk [tilespmem:v46+s13+$0x0], $0xffff  }
.LBB2_9:
0xeb: {  	s28 =	sadd.s32 $0x8, s28;
	v35 =	vor.u32 v5, v28;
	v36 =	vor.u32 v5, v30;
	v30 =	vld.idx.msk [tilespmem:v25+s13+$0x0], $0xffff;
	[tilespmem:v26+s17+$0x0] =	vst.idx.msk $0xffff, v34  }
0xec: {  	v37 =	vor.u32 v5, v32;
	v38 =	vor.u32 v5, v31;
	s0 =	sand.u32 $0x8, s28;
	p1 =	slt.u32 s28, $0x38;
	v31 =	vld.idx.msk [tilespmem:v22+s13+$0x0], $0xffff;
	v22 =	vor.u32 v5, v33  }
0xed: {  	v26 =	vor.u32 v5, v27;
	v25 =	vadd.s32 s0, v0;
	s1 =	sor.u32 $0x1, s0;
	s29 =	sor.u32 $0x2, s0;
	s30 =	sor.u32 $0x7, s0;
	v27 =	vld.idx.msk [tilespmem:v21+s13+$0x0], $0xffff;
	v21 =	vor.u32 v5, v29  }
0xee: {  	s31 =	sor.u32 $0x5, s0;
	v28 =	vadd.s32 s1, v0;
	v29 =	vadd.s32 s29, v0;
	s1 =	sor.u32 $0x3, s0;
	s29 =	sor.u32 $0x4, s0;
	v32 =	vadd.s32 s30, v0;
	v33 =	vld.idx.msk [tilespmem:v19+s13+$0x0], $0xffff  }
0xef: {  	s30 =	sand.u32 $0x30, s28;
	s0 =	sor.u32 $0x6, s0;
	v19 =	vadd.s32 s1, v0;
	v34 =	vadd.s32 s29, v0;
	v32 =	vand.u32 $0xF, v32;
	[tilespmem:v14+s17+$0x0] =	vst.idx.msk $0xffff, v23;
	v14 =	vmovc v22  }
0xf0: {  	v22 =	vadd.s32 s31, v0;
	v23 =	vadd.s32 s0, v0;
	v32 =	vor.u32 s30, v32;
	[tilespmem:v15+s17+$0x0] =	vst.idx.msk $0xffff, v24;
	v15 =	vmovc v21  }
0xf1: {  	v21 =	vand.u32 $0xF, v28;
	v24 =	vand.u32 $0xF, v29;
	v28 =	vor.u32 v32, v12;
	[tilespmem:v13+s17+$0x0] =	vst.idx.msk $0xffff, v20;
	v13 =	vmovc v26  }
0xf2: {  	v19 =	vand.u32 $0xF, v19;
	v22 =	vand.u32 $0xF, v22;
	v20 =	vand.u32 $0xF, v34  }
0xf3: {  	v25 =	vand.u32 $0xF, v25;
	v29 =	vor.u32 s30, v21;
	v21 =	vand.u32 $0xF, v23  }
0xf4: {  	v24 =	vor.u32 s30, v24;
	v34 =	vor.u32 s30, v19;
	v39 =	vor.u32 s30, v20  }
0xf5: {  	v40 =	vor.u32 s30, v25;
	v41 =	vor.u32 s30, v22;
	v42 =	vor.u32 s30, v21  }
0xf6: {  	v20 =	vor.u32 v29, v12;
	v43 =	vor.u32 v24, v12;
	v44 =	vor.u32 v34, v12;
	v45 =	vld.idx.msk [tilespmem:v28+s13+$0x0], $0xffff  }
0xf7: {  	v22 =	vor.u32 v41, v12;
	v25 =	vor.u32 v39, v12;
	v21 =	vor.u32 v42, v12  }
0xf8: {  	v16 =	vmul.f32 $8.000000000e+00, v16;
	v19 =	vor.u32 v40, v12;
	v23 =	vshll.u32 v32, $0x7  }
.Ltmp5:
0xf9: {  	v17 =	vmul.f32 $8.000000000e+00, v17;
	v18 =	vmul.f32 $8.000000000e+00, v18;
	v26 =	vor.u32 v5, v23;
	(pc) =	sbr.rel @p1 .LBB2_9-.Ltmp5, $4  }
0xfa: {  	v23 =	vmul.f32 $8.000000000e+00, v31;
	v28 =	vshll.u32 v29, $0x7;
	[tilespmem:v35+s17+$0x0] =	vst.idx.msk $0xffff, v16;
	v35 =	vmul.f32 $8.000000000e+00, v30  }
0xfb: {  	v30 =	vshll.u32 v24, $0x7;
	v24 =	vmul.f32 $8.000000000e+00, v27;
	v16 =	vld.idx.msk [tilespmem:v20+s13+$0x0], $0xffff;
	v20 =	vmul.f32 $8.000000000e+00, v33;
	[tilespmem:v36+s17+$0x0] =	vst.idx.msk $0xffff, v17  }
0xfc: {  	v32 =	vshll.u32 v34, $0x7;
	v31 =	vshll.u32 v39, $0x7;
	v34 =	vmul.f32 $8.000000000e+00, v45;
	v17 =	vld.idx.msk [tilespmem:v43+s13+$0x0], $0xffff;
	[tilespmem:v37+s17+$0x0] =	vst.idx.msk $0xffff, v18  }
0xfd: {  	v29 =	vshll.u32 v42, $0x7;
	v27 =	vshll.u32 v40, $0x7;
	v33 =	vshll.u32 v41, $0x7;
	v18 =	vld.idx.msk [tilespmem:v44+s13+$0x0], $0xffff;
	[tilespmem:v38+s17+$0x0] =	vst.idx.msk $0xffff, v35  }
0xfe: {  	_ =	sdelay $0x2  }
0xff: {  	v12 =	vor.u32 v5, v28  }
0x100: {  	v28 =	vor.u32 v5, v30;
	v25 =	vld.idx.msk [tilespmem:v25+s13+$0x0], $0xffff;
	[tilespmem:v26+s17+$0x0] =	vst.idx.msk $0xffff, v34  }
0x101: {  	v26 =	vor.u32 v5, v32;
	v22 =	vld.idx.msk [tilespmem:v22+s13+$0x0], $0xffff;
	[tilespmem:v14+s17+$0x0] =	vst.idx.msk $0xffff, v23  }
0x102: {  	v14 =	vor.u32 v5, v31;
	v21 =	vld.idx.msk [tilespmem:v21+s13+$0x0], $0xffff;
	[tilespmem:v15+s17+$0x0] =	vst.idx.msk $0xffff, v24;
	v15 =	vmul.f32 $8.000000000e+00, v16  }
0x103: {  	v19 =	vld.idx.msk [tilespmem:v19+s13+$0x0], $0xffff;
	[tilespmem:v13+s17+$0x0] =	vst.idx.msk $0xffff, v20;
	v16 =	vor.u32 v5, v33;
	v13 =	vmul.f32 $8.000000000e+00, v17  }
0x104: {  	v17 =	vor.u32 v5, v29;
	v18 =	vmul.f32 $8.000000000e+00, v18;
	[tilespmem:v12+s17+$0x0] =	vst.idx.msk $0xffff, v15  }
0x105: {  	v12 =	vor.u32 v5, v27;
	v15 =	vmul.f32 $8.000000000e+00, v25;
	[tilespmem:v28+s17+$0x0] =	vst.idx.msk $0xffff, v13  }
0x106: {  	v13 =	vmul.f32 $8.000000000e+00, v22;
	[tilespmem:v26+s17+$0x0] =	vst.idx.msk $0xffff, v18  }
0x107: {  	s0 =	simm.s32 $0x0;
	v18 =	vmul.f32 $8.000000000e+00, v21;
	[tilespmem:v14+s17+$0x0] =	vst.idx.msk $0xffff, v15  }
0x108: {  	s1 =	sand.u32 $0x8, s0;
	v14 =	vmul.f32 $8.000000000e+00, v19;
	[tilespmem:v16+s17+$0x0] =	vst.idx.msk $0xffff, v13  }
0x109: {  	s29 =	sor.u32 $0x1, s1;
	s30 =	sor.u32 $0x2, s1;
	s31 =	sor.u32 $0x5, s1;
	v13 =	vadd.s32 s1, v0;
	[tilespmem:v17+s17+$0x0] =	vst.idx.msk $0xffff, v18  }
0x10a: {  	v15 =	vadd.s32 s29, v0;
	v16 =	vadd.s32 s30, v0;
	s29 =	sor.u32 $0x4, s1;
	v19 =	vadd.s32 s31, v0;
	[tilespmem:v12+s17+$0x0] =	vst.idx.msk $0xffff, v14  }
0x10b: {  	v18 =	vadd.s32 s29, v0;
	v15 =	vand.u32 $0xF, v15;
	v16 =	vand.u32 $0xF, v16;
	v12 =	vld [tilespmem:s24+$0x30]  }
0x10c: {  	s0 =	sand.u32 $0x30, s0;
	v19 =	vand.u32 $0xF, v19;
	v13 =	vand.u32 $0xF, v13;
	v18 =	vand.u32 $0xF, v18  }
0x10d: {  	s28 =	sor.u32 $0x7, s1;
	v15 =	vor.u32 s0, v15;
	v16 =	vor.u32 s0, v16;
	v13 =	vor.u32 s0, v13  }
0x10e: {  	v19 =	vor.u32 s0, v19;
	v14 =	vadd.s32 s28, v0;
	s28 =	sor.u32 $0x3, s1;
	s1 =	sor.u32 $0x6, s1;
	v18 =	vor.u32 s0, v18  }
0x10f: {  	v14 =	vand.u32 $0xF, v14;
	v17 =	vadd.s32 s28, v0;
	v20 =	vadd.s32 s1, v0  }
0x110: {  	v14 =	vor.u32 s0, v14;
	v17 =	vand.u32 $0xF, v17;
	v12 =	vand.u32 $0x40, v12  }
0x111: {  	v20 =	vand.u32 $0xF, v20;
	v17 =	vor.u32 s0, v17;
	v12 =	vor.u32 v6, v12  }
0x112: {  	v20 =	vor.u32 s0, v20;
	v21 =	vor.u32 v14, v12;
	v22 =	vor.u32 v15, v12  }
0x113: {  	v23 =	vor.u32 v16, v12;
	v24 =	vor.u32 v17, v12;
	v25 =	vor.u32 v18, v12  }
0x114: {  	v26 =	vor.u32 v19, v12;
	v27 =	vor.u32 v20, v12;
	v14 =	vshll.u32 v14, $0x7  }
0x115: {  	v28 =	vor.u32 v13, v12;
	v13 =	vshll.u32 v13, $0x7;
	v19 =	vshll.u32 v19, $0x7  }
0x116: {  	v20 =	vshll.u32 v20, $0x7;
	v29 =	vor.u32 v7, v14;
	v14 =	vshll.u32 v15, $0x7  }
0x117: {  	s28 =	simm.s32 $0x8;
	v15 =	vshll.u32 v16, $0x7;
	v16 =	vshll.u32 v17, $0x7;
	v17 =	vshll.u32 v18, $0x7  }
0x118: {  	s0 =	sand.u32 $0x8, s28;
	v13 =	vor.u32 v7, v13;
	v30 =	vor.u32 v7, v14;
	v31 =	vor.u32 v7, v15  }
0x119: {  	s29 =	sor.u32 $0x2, s0;
	v60 =	vor.u32 v7, v16;
	v35 =	vor.u32 v7, v17;
	v14 =	vor.u32 v7, v19  }
0x11a: {  	s1 =	sor.u32 $0x1, s0;
	s31 =	sor.u32 $0x7, s0;
	v16 =	vadd.s32 s0, v0;
	v15 =	vor.u32 v7, v20;
	v19 =	vadd.s32 s29, v0;
	s29 =	sor.u32 $0x4, s0  }
0x11b: {  	s30 =	sor.u32 $0x5, s0;
	v17 =	vadd.s32 s1, v0;
	s1 =	sor.u32 $0x3, s0;
	v20 =	vadd.s32 s31, v0;
	s0 =	sor.u32 $0x6, s0;
	v61 =	vadd.s32 s29, v0  }
0x11c: {  	s31 =	sand.u32 $0x30, s28;
	v20 =	vand.u32 $0xF, v20;
	v36 =	vadd.s32 s0, v0;
	v17 =	vand.u32 $0xF, v17;
	v21 =	vld.idx.msk [tilespmem:v21+s13+$0x0], $0xffff  }
0x11d: {  	v19 =	vand.u32 $0xF, v19;
	v16 =	vand.u32 $0xF, v16;
	v20 =	vor.u32 s31, v20;
	v34 =	vld.idx.msk [tilespmem:v22+s13+$0x0], $0xffff  }
0x11e: {  	v32 =	vand.u32 $0xF, v61;
	v17 =	vor.u32 s31, v17;
	v39 =	vor.u32 s31, v19;
	v23 =	vld.idx.msk [tilespmem:v23+s13+$0x0], $0xffff  }
0x11f: {  	v42 =	vor.u32 s31, v16;
	v22 =	vadd.s32 s30, v0;
	v37 =	vor.u32 v20, v12;
	v24 =	vld.idx.msk [tilespmem:v24+s13+$0x0], $0xffff  }
0x120: {  	v38 =	vld.idx.msk [tilespmem:v25+s13+$0x0], $0xffff;
	v25 =	vand.u32 $0xF, v36;
	v41 =	vor.u32 s31, v32;
	v16 =	vor.u32 v17, v12  }
0x121: {  	v62 =	vld.idx.msk [tilespmem:v26+s13+$0x0], $0xffff;
	v45 =	vor.u32 v39, v12;
	v19 =	vor.u32 v42, v12;
	v20 =	vshll.u32 v20, $0x7  }
0x122: {  	v63 =	vld.idx.msk [tilespmem:v28+s13+$0x0], $0xffff;
	v28 =	vshll.u32 v17, $0x7;
	v18 =	vmul.f32 $8.000000000e+00, v21;
	v21 =	vadd.s32 s1, v0  }
0x123: {  	v27 =	vld.idx.msk [tilespmem:v27+s13+$0x0], $0xffff;
	v22 =	vand.u32 $0xF, v22;
	v44 =	vor.u32 s31, v25;
	v21 =	vand.u32 $0xF, v21  }
0x124: {  	v25 =	vor.u32 v41, v12;
	v26 =	vor.u32 v7, v20;
	v37 =	vld.idx.msk [tilespmem:v37+s13+$0x0], $0xffff;
	v40 =	vor.u32 s31, v21  }
0x125: {  	v43 =	vor.u32 s31, v22;
	v34 =	vmul.f32 $8.000000000e+00, v34;
	v46 =	vor.u32 v40, v12  }
0x126: {  	v22 =	vor.u32 v43, v12;
	v33 =	vshll.u32 v43, $0x7;
	v38 =	vmul.f32 $8.000000000e+00, v38;
	[tilespmem:v29+s17+$0x0] =	vst.idx.msk $0xffff, v18  }
0x127: {  	v20 =	vmul.f32 $8.000000000e+00, v63;
	v21 =	vor.u32 v44, v12;
	v18 =	vmul.f32 $8.000000000e+00, v23;
	[tilespmem:v30+s17+$0x0] =	vst.idx.msk $0xffff, v34  }
0x128: {  	v16 =	vld.idx.msk [tilespmem:v16+s13+$0x0], $0xffff;
	v29 =	vmul.f32 $8.000000000e+00, v24;
	v23 =	vmul.f32 $8.000000000e+00, v62;
	v30 =	vshll.u32 v39, $0x7;
	[tilespmem:v35+s17+$0x0] =	vst.idx.msk $0xffff, v38  }
0x129: {  	v17 =	vld.idx.msk [tilespmem:v45+s13+$0x0], $0xffff;
	v24 =	vmul.f32 $8.000000000e+00, v27;
	v27 =	vshll.u32 v42, $0x7;
	[tilespmem:v31+s17+$0x0] =	vst.idx.msk $0xffff, v18;
	v34 =	vmul.f32 $8.000000000e+00, v37  }
0x12a: {  	v32 =	vshll.u32 v40, $0x7;
	v31 =	vshll.u32 v41, $0x7;
	[tilespmem:v60+s17+$0x0] =	vst.idx.msk $0xffff, v29;
	v29 =	vshll.u32 v44, $0x7;
	v18 =	vld.idx.msk [tilespmem:v46+s13+$0x0], $0xffff  }
.LBB2_11:
0x12b: {  	s28 =	sadd.s32 $0x8, s28;
	v35 =	vor.u32 v7, v28;
	v36 =	vor.u32 v7, v30;
	v30 =	vld.idx.msk [tilespmem:v25+s13+$0x0], $0xffff;
	[tilespmem:v26+s17+$0x0] =	vst.idx.msk $0xffff, v34  }
0x12c: {  	v37 =	vor.u32 v7, v32;
	v38 =	vor.u32 v7, v31;
	s0 =	sand.u32 $0x8, s28;
	p1 =	slt.u32 s28, $0x38;
	v31 =	vld.idx.msk [tilespmem:v22+s13+$0x0], $0xffff;
	v22 =	vor.u32 v7, v33  }
0x12d: {  	v26 =	vor.u32 v7, v27;
	v25 =	vadd.s32 s0, v0;
	s1 =	sor.u32 $0x1, s0;
	s29 =	sor.u32 $0x2, s0;
	s30 =	sor.u32 $0x7, s0;
	v27 =	vld.idx.msk [tilespmem:v21+s13+$0x0], $0xffff;
	v21 =	vor.u32 v7, v29  }
0x12e: {  	s31 =	sor.u32 $0x5, s0;
	v28 =	vadd.s32 s1, v0;
	v29 =	vadd.s32 s29, v0;
	s1 =	sor.u32 $0x3, s0;
	s29 =	sor.u32 $0x4, s0;
	v32 =	vadd.s32 s30, v0;
	v33 =	vld.idx.msk [tilespmem:v19+s13+$0x0], $0xffff  }
0x12f: {  	s30 =	sand.u32 $0x30, s28;
	s0 =	sor.u32 $0x6, s0;
	v19 =	vadd.s32 s1, v0;
	v34 =	vadd.s32 s29, v0;
	v32 =	vand.u32 $0xF, v32;
	[tilespmem:v14+s17+$0x0] =	vst.idx.msk $0xffff, v23;
	v14 =	vmovc v22  }
0x130: {  	v22 =	vadd.s32 s31, v0;
	v23 =	vadd.s32 s0, v0;
	v32 =	vor.u32 s30, v32;
	[tilespmem:v15+s17+$0x0] =	vst.idx.msk $0xffff, v24;
	v15 =	vmovc v21  }
0x131: {  	v21 =	vand.u32 $0xF, v28;
	v24 =	vand.u32 $0xF, v29;
	v28 =	vor.u32 v32, v12;
	[tilespmem:v13+s17+$0x0] =	vst.idx.msk $0xffff, v20;
	v13 =	vmovc v26  }
0x132: {  	v19 =	vand.u32 $0xF, v19;
	v22 =	vand.u32 $0xF, v22;
	v20 =	vand.u32 $0xF, v34  }
0x133: {  	v25 =	vand.u32 $0xF, v25;
	v29 =	vor.u32 s30, v21;
	v21 =	vand.u32 $0xF, v23  }
0x134: {  	v24 =	vor.u32 s30, v24;
	v34 =	vor.u32 s30, v19;
	v39 =	vor.u32 s30, v20  }
0x135: {  	v40 =	vor.u32 s30, v25;
	v41 =	vor.u32 s30, v22;
	v42 =	vor.u32 s30, v21  }
0x136: {  	v20 =	vor.u32 v29, v12;
	v43 =	vor.u32 v24, v12;
	v44 =	vor.u32 v34, v12;
	v45 =	vld.idx.msk [tilespmem:v28+s13+$0x0], $0xffff  }
0x137: {  	v22 =	vor.u32 v41, v12;
	v25 =	vor.u32 v39, v12;
	v21 =	vor.u32 v42, v12  }
0x138: {  	v16 =	vmul.f32 $8.000000000e+00, v16;
	v19 =	vor.u32 v40, v12;
	v23 =	vshll.u32 v32, $0x7  }
.Ltmp6:
0x139: {  	v17 =	vmul.f32 $8.000000000e+00, v17;
	v18 =	vmul.f32 $8.000000000e+00, v18;
	v26 =	vor.u32 v7, v23;
	(pc) =	sbr.rel @p1 .LBB2_11-.Ltmp6, $4  }
0x13a: {  	v23 =	vmul.f32 $8.000000000e+00, v31;
	v28 =	vshll.u32 v29, $0x7;
	[tilespmem:v35+s17+$0x0] =	vst.idx.msk $0xffff, v16;
	v35 =	vmul.f32 $8.000000000e+00, v30  }
0x13b: {  	v30 =	vshll.u32 v24, $0x7;
	v24 =	vmul.f32 $8.000000000e+00, v27;
	v16 =	vld.idx.msk [tilespmem:v20+s13+$0x0], $0xffff;
	v20 =	vmul.f32 $8.000000000e+00, v33;
	[tilespmem:v36+s17+$0x0] =	vst.idx.msk $0xffff, v17  }
0x13c: {  	v32 =	vshll.u32 v34, $0x7;
	v31 =	vshll.u32 v39, $0x7;
	v34 =	vmul.f32 $8.000000000e+00, v45;
	v17 =	vld.idx.msk [tilespmem:v43+s13+$0x0], $0xffff;
	[tilespmem:v37+s17+$0x0] =	vst.idx.msk $0xffff, v18  }
0x13d: {  	v29 =	vshll.u32 v42, $0x7;
	v27 =	vshll.u32 v40, $0x7;
	v33 =	vshll.u32 v41, $0x7;
	v18 =	vld.idx.msk [tilespmem:v44+s13+$0x0], $0xffff;
	[tilespmem:v38+s17+$0x0] =	vst.idx.msk $0xffff, v35  }
0x13e: {  	_ =	sdelay $0x2  }
0x13f: {  	v12 =	vor.u32 v7, v28  }
0x140: {  	v28 =	vor.u32 v7, v30;
	v25 =	vld.idx.msk [tilespmem:v25+s13+$0x0], $0xffff;
	[tilespmem:v26+s17+$0x0] =	vst.idx.msk $0xffff, v34  }
0x141: {  	v26 =	vor.u32 v7, v32;
	v22 =	vld.idx.msk [tilespmem:v22+s13+$0x0], $0xffff;
	[tilespmem:v14+s17+$0x0] =	vst.idx.msk $0xffff, v23  }
0x142: {  	v14 =	vor.u32 v7, v31;
	v21 =	vld.idx.msk [tilespmem:v21+s13+$0x0], $0xffff;
	[tilespmem:v15+s17+$0x0] =	vst.idx.msk $0xffff, v24;
	v15 =	vmul.f32 $8.000000000e+00, v16  }
0x143: {  	v19 =	vld.idx.msk [tilespmem:v19+s13+$0x0], $0xffff;
	[tilespmem:v13+s17+$0x0] =	vst.idx.msk $0xffff, v20;
	v16 =	vor.u32 v7, v33;
	v13 =	vmul.f32 $8.000000000e+00, v17  }
0x144: {  	v17 =	vor.u32 v7, v29;
	v18 =	vmul.f32 $8.000000000e+00, v18;
	[tilespmem:v12+s17+$0x0] =	vst.idx.msk $0xffff, v15  }
0x145: {  	v12 =	vor.u32 v7, v27;
	v15 =	vmul.f32 $8.000000000e+00, v25;
	[tilespmem:v28+s17+$0x0] =	vst.idx.msk $0xffff, v13  }
0x146: {  	v13 =	vmul.f32 $8.000000000e+00, v22;
	[tilespmem:v26+s17+$0x0] =	vst.idx.msk $0xffff, v18  }
0x147: {  	s0 =	simm.s32 $0x0;
	v18 =	vmul.f32 $8.000000000e+00, v21;
	[tilespmem:v14+s17+$0x0] =	vst.idx.msk $0xffff, v15  }
0x148: {  	s1 =	sand.u32 $0x8, s0;
	v14 =	vmul.f32 $8.000000000e+00, v19;
	[tilespmem:v16+s17+$0x0] =	vst.idx.msk $0xffff, v13  }
0x149: {  	s29 =	sor.u32 $0x1, s1;
	s30 =	sor.u32 $0x2, s1;
	s31 =	sor.u32 $0x5, s1;
	v13 =	vadd.s32 s1, v0;
	[tilespmem:v17+s17+$0x0] =	vst.idx.msk $0xffff, v18  }
0x14a: {  	v15 =	vadd.s32 s29, v0;
	v16 =	vadd.s32 s30, v0;
	s29 =	sor.u32 $0x4, s1;
	v19 =	vadd.s32 s31, v0;
	[tilespmem:v12+s17+$0x0] =	vst.idx.msk $0xffff, v14  }
0x14b: {  	v18 =	vadd.s32 s29, v0;
	v15 =	vand.u32 $0xF, v15;
	v16 =	vand.u32 $0xF, v16;
	v12 =	vld [tilespmem:s24+$0x40]  }
0x14c: {  	s0 =	sand.u32 $0x30, s0;
	v19 =	vand.u32 $0xF, v19;
	v13 =	vand.u32 $0xF, v13;
	v18 =	vand.u32 $0xF, v18  }
0x14d: {  	s28 =	sor.u32 $0x7, s1;
	v15 =	vor.u32 s0, v15;
	v16 =	vor.u32 s0, v16;
	v13 =	vor.u32 s0, v13  }
0x14e: {  	v19 =	vor.u32 s0, v19;
	v14 =	vadd.s32 s28, v0;
	s28 =	sor.u32 $0x3, s1;
	s1 =	sor.u32 $0x6, s1;
	v18 =	vor.u32 s0, v18  }
0x14f: {  	v14 =	vand.u32 $0xF, v14;
	v17 =	vadd.s32 s28, v0;
	v20 =	vadd.s32 s1, v0  }
0x150: {  	v14 =	vor.u32 s0, v14;
	v17 =	vand.u32 $0xF, v17;
	v12 =	vand.u32 $0x40, v12  }
0x151: {  	v20 =	vand.u32 $0xF, v20;
	v17 =	vor.u32 s0, v17;
	v12 =	vor.u32 v8, v12  }
0x152: {  	v20 =	vor.u32 s0, v20;
	v21 =	vor.u32 v14, v12;
	v22 =	vor.u32 v15, v12  }
0x153: {  	v23 =	vor.u32 v16, v12;
	v24 =	vor.u32 v17, v12;
	v25 =	vor.u32 v18, v12  }
0x154: {  	v26 =	vor.u32 v19, v12;
	v27 =	vor.u32 v20, v12;
	v14 =	vshll.u32 v14, $0x7  }
0x155: {  	v28 =	vor.u32 v13, v12;
	v13 =	vshll.u32 v13, $0x7;
	v19 =	vshll.u32 v19, $0x7  }
0x156: {  	v20 =	vshll.u32 v20, $0x7;
	v29 =	vor.u32 v9, v14;
	v14 =	vshll.u32 v15, $0x7  }
0x157: {  	s28 =	simm.s32 $0x8;
	v15 =	vshll.u32 v16, $0x7;
	v16 =	vshll.u32 v17, $0x7;
	v17 =	vshll.u32 v18, $0x7  }
0x158: {  	s0 =	sand.u32 $0x8, s28;
	v13 =	vor.u32 v9, v13;
	v30 =	vor.u32 v9, v14;
	v31 =	vor.u32 v9, v15  }
0x159: {  	s29 =	sor.u32 $0x2, s0;
	v60 =	vor.u32 v9, v16;
	v35 =	vor.u32 v9, v17;
	v14 =	vor.u32 v9, v19  }
0x15a: {  	s1 =	sor.u32 $0x1, s0;
	s31 =	sor.u32 $0x7, s0;
	v16 =	vadd.s32 s0, v0;
	v15 =	vor.u32 v9, v20;
	v19 =	vadd.s32 s29, v0;
	s29 =	sor.u32 $0x4, s0  }
0x15b: {  	s30 =	sor.u32 $0x5, s0;
	v17 =	vadd.s32 s1, v0;
	s1 =	sor.u32 $0x3, s0;
	v20 =	vadd.s32 s31, v0;
	s0 =	sor.u32 $0x6, s0;
	v61 =	vadd.s32 s29, v0  }
0x15c: {  	s31 =	sand.u32 $0x30, s28;
	v20 =	vand.u32 $0xF, v20;
	v36 =	vadd.s32 s0, v0;
	v17 =	vand.u32 $0xF, v17;
	v21 =	vld.idx.msk [tilespmem:v21+s13+$0x0], $0xffff  }
0x15d: {  	v19 =	vand.u32 $0xF, v19;
	v16 =	vand.u32 $0xF, v16;
	v20 =	vor.u32 s31, v20;
	v34 =	vld.idx.msk [tilespmem:v22+s13+$0x0], $0xffff  }
0x15e: {  	v32 =	vand.u32 $0xF, v61;
	v17 =	vor.u32 s31, v17;
	v39 =	vor.u32 s31, v19;
	v23 =	vld.idx.msk [tilespmem:v23+s13+$0x0], $0xffff  }
0x15f: {  	v42 =	vor.u32 s31, v16;
	v22 =	vadd.s32 s30, v0;
	v37 =	vor.u32 v20, v12;
	v24 =	vld.idx.msk [tilespmem:v24+s13+$0x0], $0xffff  }
0x160: {  	v38 =	vld.idx.msk [tilespmem:v25+s13+$0x0], $0xffff;
	v25 =	vand.u32 $0xF, v36;
	v41 =	vor.u32 s31, v32;
	v16 =	vor.u32 v17, v12  }
0x161: {  	v62 =	vld.idx.msk [tilespmem:v26+s13+$0x0], $0xffff;
	v45 =	vor.u32 v39, v12;
	v19 =	vor.u32 v42, v12;
	v20 =	vshll.u32 v20, $0x7  }
0x162: {  	v63 =	vld.idx.msk [tilespmem:v28+s13+$0x0], $0xffff;
	v28 =	vshll.u32 v17, $0x7;
	v18 =	vmul.f32 $8.000000000e+00, v21;
	v21 =	vadd.s32 s1, v0  }
0x163: {  	v27 =	vld.idx.msk [tilespmem:v27+s13+$0x0], $0xffff;
	v22 =	vand.u32 $0xF, v22;
	v44 =	vor.u32 s31, v25;
	v21 =	vand.u32 $0xF, v21  }
0x164: {  	v25 =	vor.u32 v41, v12;
	v26 =	vor.u32 v9, v20;
	v37 =	vld.idx.msk [tilespmem:v37+s13+$0x0], $0xffff;
	v40 =	vor.u32 s31, v21  }
0x165: {  	v43 =	vor.u32 s31, v22;
	v34 =	vmul.f32 $8.000000000e+00, v34;
	v46 =	vor.u32 v40, v12  }
0x166: {  	v22 =	vor.u32 v43, v12;
	v33 =	vshll.u32 v43, $0x7;
	v38 =	vmul.f32 $8.000000000e+00, v38;
	[tilespmem:v29+s17+$0x0] =	vst.idx.msk $0xffff, v18  }
0x167: {  	v20 =	vmul.f32 $8.000000000e+00, v63;
	v21 =	vor.u32 v44, v12;
	v18 =	vmul.f32 $8.000000000e+00, v23;
	[tilespmem:v30+s17+$0x0] =	vst.idx.msk $0xffff, v34  }
0x168: {  	v16 =	vld.idx.msk [tilespmem:v16+s13+$0x0], $0xffff;
	v29 =	vmul.f32 $8.000000000e+00, v24;
	v23 =	vmul.f32 $8.000000000e+00, v62;
	v30 =	vshll.u32 v39, $0x7;
	[tilespmem:v35+s17+$0x0] =	vst.idx.msk $0xffff, v38  }
0x169: {  	v17 =	vld.idx.msk [tilespmem:v45+s13+$0x0], $0xffff;
	v24 =	vmul.f32 $8.000000000e+00, v27;
	v27 =	vshll.u32 v42, $0x7;
	[tilespmem:v31+s17+$0x0] =	vst.idx.msk $0xffff, v18;
	v34 =	vmul.f32 $8.000000000e+00, v37  }
0x16a: {  	v32 =	vshll.u32 v40, $0x7;
	v31 =	vshll.u32 v41, $0x7;
	[tilespmem:v60+s17+$0x0] =	vst.idx.msk $0xffff, v29;
	v29 =	vshll.u32 v44, $0x7;
	v18 =	vld.idx.msk [tilespmem:v46+s13+$0x0], $0xffff  }
.LBB2_13:
0x16b: {  	s28 =	sadd.s32 $0x8, s28;
	v35 =	vor.u32 v9, v28;
	v36 =	vor.u32 v9, v30;
	v30 =	vld.idx.msk [tilespmem:v25+s13+$0x0], $0xffff;
	[tilespmem:v26+s17+$0x0] =	vst.idx.msk $0xffff, v34  }
0x16c: {  	v37 =	vor.u32 v9, v32;
	v38 =	vor.u32 v9, v31;
	s0 =	sand.u32 $0x8, s28;
	p1 =	slt.u32 s28, $0x38;
	v31 =	vld.idx.msk [tilespmem:v22+s13+$0x0], $0xffff;
	v22 =	vor.u32 v9, v33  }
0x16d: {  	v26 =	vor.u32 v9, v27;
	v25 =	vadd.s32 s0, v0;
	s1 =	sor.u32 $0x1, s0;
	s29 =	sor.u32 $0x2, s0;
	s30 =	sor.u32 $0x7, s0;
	v27 =	vld.idx.msk [tilespmem:v21+s13+$0x0], $0xffff;
	v21 =	vor.u32 v9, v29  }
0x16e: {  	s31 =	sor.u32 $0x5, s0;
	v28 =	vadd.s32 s1, v0;
	v29 =	vadd.s32 s29, v0;
	s1 =	sor.u32 $0x3, s0;
	s29 =	sor.u32 $0x4, s0;
	v32 =	vadd.s32 s30, v0;
	v33 =	vld.idx.msk [tilespmem:v19+s13+$0x0], $0xffff  }
0x16f: {  	s30 =	sand.u32 $0x30, s28;
	s0 =	sor.u32 $0x6, s0;
	v19 =	vadd.s32 s1, v0;
	v34 =	vadd.s32 s29, v0;
	v32 =	vand.u32 $0xF, v32;
	[tilespmem:v14+s17+$0x0] =	vst.idx.msk $0xffff, v23;
	v14 =	vmovc v22  }
0x170: {  	v22 =	vadd.s32 s31, v0;
	v23 =	vadd.s32 s0, v0;
	v32 =	vor.u32 s30, v32;
	[tilespmem:v15+s17+$0x0] =	vst.idx.msk $0xffff, v24;
	v15 =	vmovc v21  }
0x171: {  	v21 =	vand.u32 $0xF, v28;
	v24 =	vand.u32 $0xF, v29;
	v28 =	vor.u32 v32, v12;
	[tilespmem:v13+s17+$0x0] =	vst.idx.msk $0xffff, v20;
	v13 =	vmovc v26  }
0x172: {  	v19 =	vand.u32 $0xF, v19;
	v22 =	vand.u32 $0xF, v22;
	v20 =	vand.u32 $0xF, v34  }
0x173: {  	v25 =	vand.u32 $0xF, v25;
	v29 =	vor.u32 s30, v21;
	v21 =	vand.u32 $0xF, v23  }
0x174: {  	v24 =	vor.u32 s30, v24;
	v34 =	vor.u32 s30, v19;
	v39 =	vor.u32 s30, v20  }
0x175: {  	v40 =	vor.u32 s30, v25;
	v41 =	vor.u32 s30, v22;
	v42 =	vor.u32 s30, v21  }
0x176: {  	v20 =	vor.u32 v29, v12;
	v43 =	vor.u32 v24, v12;
	v44 =	vor.u32 v34, v12;
	v45 =	vld.idx.msk [tilespmem:v28+s13+$0x0], $0xffff  }
0x177: {  	v22 =	vor.u32 v41, v12;
	v25 =	vor.u32 v39, v12;
	v21 =	vor.u32 v42, v12  }
0x178: {  	v16 =	vmul.f32 $8.000000000e+00, v16;
	v19 =	vor.u32 v40, v12;
	v23 =	vshll.u32 v32, $0x7  }
.Ltmp7:
0x179: {  	v17 =	vmul.f32 $8.000000000e+00, v17;
	v18 =	vmul.f32 $8.000000000e+00, v18;
	v26 =	vor.u32 v9, v23;
	(pc) =	sbr.rel @p1 .LBB2_13-.Ltmp7, $4  }
0x17a: {  	v23 =	vmul.f32 $8.000000000e+00, v31;
	v28 =	vshll.u32 v29, $0x7;
	[tilespmem:v35+s17+$0x0] =	vst.idx.msk $0xffff, v16;
	v35 =	vmul.f32 $8.000000000e+00, v30  }
0x17b: {  	v30 =	vshll.u32 v24, $0x7;
	v24 =	vmul.f32 $8.000000000e+00, v27;
	v16 =	vld.idx.msk [tilespmem:v20+s13+$0x0], $0xffff;
	v20 =	vmul.f32 $8.000000000e+00, v33;
	[tilespmem:v36+s17+$0x0] =	vst.idx.msk $0xffff, v17  }
0x17c: {  	v32 =	vshll.u32 v34, $0x7;
	v31 =	vshll.u32 v39, $0x7;
	v34 =	vmul.f32 $8.000000000e+00, v45;
	v17 =	vld.idx.msk [tilespmem:v43+s13+$0x0], $0xffff;
	[tilespmem:v37+s17+$0x0] =	vst.idx.msk $0xffff, v18  }
0x17d: {  	v29 =	vshll.u32 v42, $0x7;
	v27 =	vshll.u32 v40, $0x7;
	v33 =	vshll.u32 v41, $0x7;
	v18 =	vld.idx.msk [tilespmem:v44+s13+$0x0], $0xffff;
	[tilespmem:v38+s17+$0x0] =	vst.idx.msk $0xffff, v35  }
0x17e: {  	_ =	sdelay $0x2  }
0x17f: {  	v12 =	vor.u32 v9, v28  }
0x180: {  	v28 =	vor.u32 v9, v30;
	v25 =	vld.idx.msk [tilespmem:v25+s13+$0x0], $0xffff;
	[tilespmem:v26+s17+$0x0] =	vst.idx.msk $0xffff, v34  }
0x181: {  	v26 =	vor.u32 v9, v32;
	v22 =	vld.idx.msk [tilespmem:v22+s13+$0x0], $0xffff;
	[tilespmem:v14+s17+$0x0] =	vst.idx.msk $0xffff, v23  }
0x182: {  	v14 =	vor.u32 v9, v31;
	v21 =	vld.idx.msk [tilespmem:v21+s13+$0x0], $0xffff;
	[tilespmem:v15+s17+$0x0] =	vst.idx.msk $0xffff, v24;
	v15 =	vmul.f32 $8.000000000e+00, v16  }
0x183: {  	v19 =	vld.idx.msk [tilespmem:v19+s13+$0x0], $0xffff;
	[tilespmem:v13+s17+$0x0] =	vst.idx.msk $0xffff, v20;
	v16 =	vor.u32 v9, v33;
	v13 =	vmul.f32 $8.000000000e+00, v17  }
0x184: {  	v17 =	vor.u32 v9, v29;
	v18 =	vmul.f32 $8.000000000e+00, v18;
	[tilespmem:v12+s17+$0x0] =	vst.idx.msk $0xffff, v15  }
0x185: {  	v12 =	vor.u32 v9, v27;
	v15 =	vmul.f32 $8.000000000e+00, v25;
	[tilespmem:v28+s17+$0x0] =	vst.idx.msk $0xffff, v13  }
0x186: {  	v13 =	vmul.f32 $8.000000000e+00, v22;
	[tilespmem:v26+s17+$0x0] =	vst.idx.msk $0xffff, v18  }
0x187: {  	s0 =	simm.s32 $0x0;
	v18 =	vmul.f32 $8.000000000e+00, v21;
	[tilespmem:v14+s17+$0x0] =	vst.idx.msk $0xffff, v15  }
0x188: {  	s1 =	sand.u32 $0x8, s0;
	v14 =	vmul.f32 $8.000000000e+00, v19;
	[tilespmem:v16+s17+$0x0] =	vst.idx.msk $0xffff, v13  }
0x189: {  	s29 =	sor.u32 $0x1, s1;
	s30 =	sor.u32 $0x2, s1;
	s31 =	sor.u32 $0x5, s1;
	v13 =	vadd.s32 s1, v0;
	[tilespmem:v17+s17+$0x0] =	vst.idx.msk $0xffff, v18  }
0x18a: {  	v15 =	vadd.s32 s29, v0;
	v16 =	vadd.s32 s30, v0;
	s29 =	sor.u32 $0x4, s1;
	v19 =	vadd.s32 s31, v0;
	[tilespmem:v12+s17+$0x0] =	vst.idx.msk $0xffff, v14  }
0x18b: {  	v18 =	vadd.s32 s29, v0;
	v15 =	vand.u32 $0xF, v15;
	v16 =	vand.u32 $0xF, v16;
	v12 =	vld [tilespmem:s24+$0x50]  }
0x18c: {  	s0 =	sand.u32 $0x30, s0;
	v19 =	vand.u32 $0xF, v19;
	v13 =	vand.u32 $0xF, v13;
	v18 =	vand.u32 $0xF, v18  }
0x18d: {  	s28 =	sor.u32 $0x7, s1;
	v15 =	vor.u32 s0, v15;
	v16 =	vor.u32 s0, v16;
	v13 =	vor.u32 s0, v13  }
0x18e: {  	v19 =	vor.u32 s0, v19;
	v14 =	vadd.s32 s28, v0;
	s28 =	sor.u32 $0x3, s1;
	s1 =	sor.u32 $0x6, s1;
	v18 =	vor.u32 s0, v18  }
0x18f: {  	v14 =	vand.u32 $0xF, v14;
	v17 =	vadd.s32 s28, v0;
	v20 =	vadd.s32 s1, v0  }
0x190: {  	v14 =	vor.u32 s0, v14;
	v17 =	vand.u32 $0xF, v17;
	v12 =	vand.u32 $0x40, v12  }
0x191: {  	v20 =	vand.u32 $0xF, v20;
	v17 =	vor.u32 s0, v17;
	v12 =	vor.u32 v10, v12  }
0x192: {  	v20 =	vor.u32 s0, v20;
	v21 =	vor.u32 v14, v12;
	v22 =	vor.u32 v15, v12  }
0x193: {  	v23 =	vor.u32 v16, v12;
	v24 =	vor.u32 v17, v12;
	v25 =	vor.u32 v18, v12  }
0x194: {  	v26 =	vor.u32 v19, v12;
	v27 =	vor.u32 v20, v12;
	v14 =	vshll.u32 v14, $0x7  }
0x195: {  	v28 =	vor.u32 v13, v12;
	v13 =	vshll.u32 v13, $0x7;
	v19 =	vshll.u32 v19, $0x7  }
0x196: {  	v20 =	vshll.u32 v20, $0x7;
	v29 =	vor.u32 v11, v14;
	v14 =	vshll.u32 v15, $0x7  }
0x197: {  	s28 =	simm.s32 $0x8;
	v15 =	vshll.u32 v16, $0x7;
	v16 =	vshll.u32 v17, $0x7;
	v17 =	vshll.u32 v18, $0x7  }
0x198: {  	s0 =	sand.u32 $0x8, s28;
	v13 =	vor.u32 v11, v13;
	v30 =	vor.u32 v11, v14;
	v31 =	vor.u32 v11, v15  }
0x199: {  	s29 =	sor.u32 $0x2, s0;
	v60 =	vor.u32 v11, v16;
	v35 =	vor.u32 v11, v17;
	v14 =	vor.u32 v11, v19  }
0x19a: {  	s1 =	sor.u32 $0x1, s0;
	s31 =	sor.u32 $0x7, s0;
	v16 =	vadd.s32 s0, v0;
	v15 =	vor.u32 v11, v20;
	v19 =	vadd.s32 s29, v0;
	s29 =	sor.u32 $0x4, s0  }
0x19b: {  	s30 =	sor.u32 $0x5, s0;
	v17 =	vadd.s32 s1, v0;
	s1 =	sor.u32 $0x3, s0;
	v20 =	vadd.s32 s31, v0;
	s0 =	sor.u32 $0x6, s0;
	v61 =	vadd.s32 s29, v0  }
0x19c: {  	s31 =	sand.u32 $0x30, s28;
	v20 =	vand.u32 $0xF, v20;
	v36 =	vadd.s32 s0, v0;
	v17 =	vand.u32 $0xF, v17;
	v21 =	vld.idx.msk [tilespmem:v21+s13+$0x0], $0xffff  }
0x19d: {  	v19 =	vand.u32 $0xF, v19;
	v16 =	vand.u32 $0xF, v16;
	v20 =	vor.u32 s31, v20;
	v34 =	vld.idx.msk [tilespmem:v22+s13+$0x0], $0xffff  }
0x19e: {  	v32 =	vand.u32 $0xF, v61;
	v17 =	vor.u32 s31, v17;
	v39 =	vor.u32 s31, v19;
	v23 =	vld.idx.msk [tilespmem:v23+s13+$0x0], $0xffff  }
0x19f: {  	v42 =	vor.u32 s31, v16;
	v22 =	vadd.s32 s30, v0;
	v37 =	vor.u32 v20, v12;
	v24 =	vld.idx.msk [tilespmem:v24+s13+$0x0], $0xffff  }
0x1a0: {  	v38 =	vld.idx.msk [tilespmem:v25+s13+$0x0], $0xffff;
	v25 =	vand.u32 $0xF, v36;
	v41 =	vor.u32 s31, v32;
	v16 =	vor.u32 v17, v12  }
0x1a1: {  	v62 =	vld.idx.msk [tilespmem:v26+s13+$0x0], $0xffff;
	v45 =	vor.u32 v39, v12;
	v19 =	vor.u32 v42, v12;
	v20 =	vshll.u32 v20, $0x7  }
0x1a2: {  	v63 =	vld.idx.msk [tilespmem:v28+s13+$0x0], $0xffff;
	v28 =	vshll.u32 v17, $0x7;
	v18 =	vmul.f32 $8.000000000e+00, v21;
	v21 =	vadd.s32 s1, v0  }
0x1a3: {  	v27 =	vld.idx.msk [tilespmem:v27+s13+$0x0], $0xffff;
	v22 =	vand.u32 $0xF, v22;
	v44 =	vor.u32 s31, v25;
	v21 =	vand.u32 $0xF, v21  }
0x1a4: {  	v25 =	vor.u32 v41, v12;
	v26 =	vor.u32 v11, v20;
	v37 =	vld.idx.msk [tilespmem:v37+s13+$0x0], $0xffff;
	v40 =	vor.u32 s31, v21  }
0x1a5: {  	v43 =	vor.u32 s31, v22;
	v34 =	vmul.f32 $8.000000000e+00, v34;
	v46 =	vor.u32 v40, v12  }
0x1a6: {  	v22 =	vor.u32 v43, v12;
	v33 =	vshll.u32 v43, $0x7;
	v38 =	vmul.f32 $8.000000000e+00, v38;
	[tilespmem:v29+s17+$0x0] =	vst.idx.msk $0xffff, v18  }
0x1a7: {  	v20 =	vmul.f32 $8.000000000e+00, v63;
	v21 =	vor.u32 v44, v12;
	v18 =	vmul.f32 $8.000000000e+00, v23;
	[tilespmem:v30+s17+$0x0] =	vst.idx.msk $0xffff, v34  }
0x1a8: {  	v16 =	vld.idx.msk [tilespmem:v16+s13+$0x0], $0xffff;
	v29 =	vmul.f32 $8.000000000e+00, v24;
	v23 =	vmul.f32 $8.000000000e+00, v62;
	v30 =	vshll.u32 v39, $0x7;
	[tilespmem:v35+s17+$0x0] =	vst.idx.msk $0xffff, v38  }
0x1a9: {  	v17 =	vld.idx.msk [tilespmem:v45+s13+$0x0], $0xffff;
	v24 =	vmul.f32 $8.000000000e+00, v27;
	v27 =	vshll.u32 v42, $0x7;
	[tilespmem:v31+s17+$0x0] =	vst.idx.msk $0xffff, v18;
	v34 =	vmul.f32 $8.000000000e+00, v37  }
0x1aa: {  	v32 =	vshll.u32 v40, $0x7;
	v31 =	vshll.u32 v41, $0x7;
	[tilespmem:v60+s17+$0x0] =	vst.idx.msk $0xffff, v29;
	v29 =	vshll.u32 v44, $0x7;
	v18 =	vld.idx.msk [tilespmem:v46+s13+$0x0], $0xffff  }
.LBB2_15:
0x1ab: {  	s28 =	sadd.s32 $0x8, s28;
	v35 =	vor.u32 v11, v28;
	v36 =	vor.u32 v11, v30;
	v30 =	vld.idx.msk [tilespmem:v25+s13+$0x0], $0xffff;
	[tilespmem:v26+s17+$0x0] =	vst.idx.msk $0xffff, v34  }
0x1ac: {  	v37 =	vor.u32 v11, v32;
	v38 =	vor.u32 v11, v31;
	s0 =	sand.u32 $0x8, s28;
	p1 =	slt.u32 s28, $0x38;
	v31 =	vld.idx.msk [tilespmem:v22+s13+$0x0], $0xffff;
	v22 =	vor.u32 v11, v33  }
0x1ad: {  	v26 =	vor.u32 v11, v27;
	v25 =	vadd.s32 s0, v0;
	s1 =	sor.u32 $0x1, s0;
	s29 =	sor.u32 $0x2, s0;
	s30 =	sor.u32 $0x7, s0;
	v27 =	vld.idx.msk [tilespmem:v21+s13+$0x0], $0xffff;
	v21 =	vor.u32 v11, v29  }
0x1ae: {  	s31 =	sor.u32 $0x5, s0;
	v28 =	vadd.s32 s1, v0;
	v29 =	vadd.s32 s29, v0;
	s1 =	sor.u32 $0x3, s0;
	s29 =	sor.u32 $0x4, s0;
	v32 =	vadd.s32 s30, v0;
	v33 =	vld.idx.msk [tilespmem:v19+s13+$0x0], $0xffff  }
0x1af: {  	s30 =	sand.u32 $0x30, s28;
	s0 =	sor.u32 $0x6, s0;
	v19 =	vadd.s32 s1, v0;
	v34 =	vadd.s32 s29, v0;
	v32 =	vand.u32 $0xF, v32;
	[tilespmem:v14+s17+$0x0] =	vst.idx.msk $0xffff, v23;
	v14 =	vmovc v22  }
0x1b0: {  	v22 =	vadd.s32 s31, v0;
	v23 =	vadd.s32 s0, v0;
	v32 =	vor.u32 s30, v32;
	[tilespmem:v15+s17+$0x0] =	vst.idx.msk $0xffff, v24;
	v15 =	vmovc v21  }
0x1b1: {  	v21 =	vand.u32 $0xF, v28;
	v24 =	vand.u32 $0xF, v29;
	v28 =	vor.u32 v32, v12;
	[tilespmem:v13+s17+$0x0] =	vst.idx.msk $0xffff, v20;
	v13 =	vmovc v26  }
0x1b2: {  	v19 =	vand.u32 $0xF, v19;
	v22 =	vand.u32 $0xF, v22;
	v20 =	vand.u32 $0xF, v34  }
0x1b3: {  	v25 =	vand.u32 $0xF, v25;
	v29 =	vor.u32 s30, v21;
	v21 =	vand.u32 $0xF, v23  }
0x1b4: {  	v24 =	vor.u32 s30, v24;
	v34 =	vor.u32 s30, v19;
	v39 =	vor.u32 s30, v20  }
0x1b5: {  	v40 =	vor.u32 s30, v25;
	v41 =	vor.u32 s30, v22;
	v42 =	vor.u32 s30, v21  }
0x1b6: {  	v20 =	vor.u32 v29, v12;
	v43 =	vor.u32 v24, v12;
	v44 =	vor.u32 v34, v12;
	v45 =	vld.idx.msk [tilespmem:v28+s13+$0x0], $0xffff  }
0x1b7: {  	v22 =	vor.u32 v41, v12;
	v25 =	vor.u32 v39, v12;
	v21 =	vor.u32 v42, v12  }
0x1b8: {  	v16 =	vmul.f32 $8.000000000e+00, v16;
	v19 =	vor.u32 v40, v12;
	v23 =	vshll.u32 v32, $0x7  }
.Ltmp8:
0x1b9: {  	v17 =	vmul.f32 $8.000000000e+00, v17;
	v18 =	vmul.f32 $8.000000000e+00, v18;
	v26 =	vor.u32 v11, v23;
	(pc) =	sbr.rel @p1 .LBB2_15-.Ltmp8, $4  }
0x1ba: {  	v23 =	vmul.f32 $8.000000000e+00, v31;
	v28 =	vshll.u32 v29, $0x7;
	[tilespmem:v35+s17+$0x0] =	vst.idx.msk $0xffff, v16;
	v35 =	vmul.f32 $8.000000000e+00, v30  }
0x1bb: {  	v30 =	vshll.u32 v24, $0x7;
	v24 =	vmul.f32 $8.000000000e+00, v27;
	v16 =	vld.idx.msk [tilespmem:v20+s13+$0x0], $0xffff;
	v20 =	vmul.f32 $8.000000000e+00, v33;
	[tilespmem:v36+s17+$0x0] =	vst.idx.msk $0xffff, v17  }
0x1bc: {  	v32 =	vshll.u32 v34, $0x7;
	v31 =	vshll.u32 v39, $0x7;
	v34 =	vmul.f32 $8.000000000e+00, v45;
	v17 =	vld.idx.msk [tilespmem:v43+s13+$0x0], $0xffff;
	[tilespmem:v37+s17+$0x0] =	vst.idx.msk $0xffff, v18  }
0x1bd: {  	v29 =	vshll.u32 v42, $0x7;
	v27 =	vshll.u32 v40, $0x7;
	v33 =	vshll.u32 v41, $0x7;
	v18 =	vld.idx.msk [tilespmem:v44+s13+$0x0], $0xffff;
	[tilespmem:v38+s17+$0x0] =	vst.idx.msk $0xffff, v35  }
0x1be: {  	_ =	sdelay $0x2  }
0x1bf: {  	v12 =	vor.u32 v11, v28  }
0x1c0: {  	v28 =	vor.u32 v11, v30;
	v25 =	vld.idx.msk [tilespmem:v25+s13+$0x0], $0xffff;
	[tilespmem:v26+s17+$0x0] =	vst.idx.msk $0xffff, v34  }
0x1c1: {  	v26 =	vor.u32 v11, v32;
	v22 =	vld.idx.msk [tilespmem:v22+s13+$0x0], $0xffff;
	[tilespmem:v14+s17+$0x0] =	vst.idx.msk $0xffff, v23  }
0x1c2: {  	v14 =	vor.u32 v11, v31;
	v21 =	vld.idx.msk [tilespmem:v21+s13+$0x0], $0xffff;
	[tilespmem:v15+s17+$0x0] =	vst.idx.msk $0xffff, v24;
	v15 =	vmul.f32 $8.000000000e+00, v16  }
0x1c3: {  	v19 =	vld.idx.msk [tilespmem:v19+s13+$0x0], $0xffff;
	[tilespmem:v13+s17+$0x0] =	vst.idx.msk $0xffff, v20;
	v16 =	vor.u32 v11, v33;
	v13 =	vmul.f32 $8.000000000e+00, v17  }
0x1c4: {  	v17 =	vor.u32 v11, v29;
	v18 =	vmul.f32 $8.000000000e+00, v18;
	[tilespmem:v12+s17+$0x0] =	vst.idx.msk $0xffff, v15  }
0x1c5: {  	v12 =	vor.u32 v11, v27;
	v15 =	vmul.f32 $8.000000000e+00, v25;
	[tilespmem:v28+s17+$0x0] =	vst.idx.msk $0xffff, v13  }
0x1c6: {  	s0 =	simm.s32 $0x0;
	v13 =	vmul.f32 $8.000000000e+00, v22;
	[tilespmem:v26+s17+$0x0] =	vst.idx.msk $0xffff, v18  }
0x1c7: {  	s1 =	sand.u32 $0x8, s0;
	v18 =	vmul.f32 $8.000000000e+00, v21;
	[tilespmem:v14+s17+$0x0] =	vst.idx.msk $0xffff, v15  }
0x1c8: {  	s28 =	sor.u32 $0x1, s1;
	s31 =	sor.u32 $0x6, s1;
	v14 =	vmul.f32 $8.000000000e+00, v19;
	[tilespmem:v16+s17+$0x0] =	vst.idx.msk $0xffff, v13  }
0x1c9: {  	s29 =	sor.u32 $0x2, s1;
	s30 =	sor.u32 $0x3, s1;
	v21 =	vadd.s32 s31, v0;
	v15 =	vadd.s32 s1, v0;
	v16 =	vadd.s32 s28, v0;
	[tilespmem:v17+s17+$0x0] =	vst.idx.msk $0xffff, v18  }
0x1ca: {  	s0 =	sand.u32 $0x30, s0;
	s28 =	sor.u32 $0x4, s1;
	v21 =	vand.u32 $0xF, v21;
	v17 =	vadd.s32 s29, v0;
	v18 =	vadd.s32 s30, v0;
	[tilespmem:v12+s17+$0x0] =	vst.idx.msk $0xffff, v14  }
0x1cb: {  	s29 =	sor.u32 $0x5, s1;
	v19 =	vadd.s32 s28, v0;
	v16 =	vand.u32 $0xF, v16;
	v21 =	vor.u32 s0, v21;
	v12 =	vld [tilespmem:s24+$0x60]  }
0x1cc: {  	s1 =	sor.u32 $0x7, s1;
	v15 =	vand.u32 $0xF, v15;
	v20 =	vadd.s32 s29, v0;
	v17 =	vand.u32 $0xF, v17  }
0x1cd: {  	v22 =	vadd.s32 s1, v0;
	v18 =	vand.u32 $0xF, v18;
	v19 =	vand.u32 $0xF, v19  }
0x1ce: {  	v16 =	vor.u32 s0, v16;
	v15 =	vor.u32 s0, v15;
	v14 =	vor.u32 $0x3000, v1  }
0x1cf: {  	v22 =	vand.u32 $0xF, v22;
	v18 =	vor.u32 s0, v18;
	v19 =	vor.u32 s0, v19  }
0x1d0: {  	s28 =	simm.s32 $0x8;
	v20 =	vand.u32 $0xF, v20;
	v17 =	vor.u32 s0, v17;
	v12 =	vand.u32 $0x40, v12  }
0x1d1: {  	v22 =	vor.u32 s0, v22;
	v20 =	vor.u32 s0, v20;
	s0 =	sand.u32 $0x8, s28;
	v13 =	vor.u32 v14, v12  }
0x1d2: {  	v58 =	vadd.s32 s0, v0;
	v12 =	vor.u32 $0x60, v0;
	v23 =	vor.u32 v18, v13  }
0x1d3: {  	v24 =	vor.u32 v16, v13;
	v25 =	vor.u32 v22, v13;
	v26 =	vor.u32 v17, v13  }
0x1d4: {  	v27 =	vor.u32 v21, v13;
	v28 =	vor.u32 v20, v13;
	v29 =	vor.u32 v19, v13  }
0x1d5: {  	v17 =	vshll.u32 v17, $0x7;
	v30 =	vor.u32 v15, v13;
	v15 =	vshll.u32 v15, $0x7  }
0x1d6: {  	v20 =	vshll.u32 v20, $0x7;
	v16 =	vshll.u32 v16, $0x7;
	v18 =	vshll.u32 v18, $0x7  }
0x1d7: {  	v57 =	vor.u32 v12, v15;
	v31 =	vor.u32 v12, v17;
	v17 =	vshll.u32 v21, $0x7  }
0x1d8: {  	s31 =	sor.u32 $0x3, s0;
	v15 =	vshll.u32 v19, $0x7;
	v19 =	vor.u32 v12, v16;
	v16 =	vshll.u32 v22, $0x7  }
0x1d9: {  	v20 =	vor.u32 v12, v20;
	v22 =	vadd.s32 s31, v0;
	v21 =	vor.u32 v12, v15;
	v24 =	vld.idx.msk [tilespmem:v24+s13+$0x0], $0xffff  }
0x1da: {  	s1 =	sor.u32 $0x1, s0;
	s29 =	sor.u32 $0x2, s0;
	s31 =	sor.u32 $0x6, s0;
	v15 =	vor.u32 v12, v18;
	v16 =	vor.u32 v12, v16;
	v35 =	vor.u32 v12, v17;
	v26 =	vld.idx.msk [tilespmem:v26+s13+$0x0], $0xffff  }
0x1db: {  	v17 =	vadd.s32 s1, v0;
	v18 =	vadd.s32 s29, v0;
	s29 =	sor.u32 $0x5, s0;
	v37 =	vadd.s32 s31, v0;
	v29 =	vld.idx.msk [tilespmem:v29+s13+$0x0], $0xffff  }
0x1dc: {  	s1 =	sor.u32 $0x4, s0;
	s0 =	sor.u32 $0x7, s0;
	v36 =	vadd.s32 s29, v0;
	v38 =	vand.u32 $0xF, v17;
	v39 =	vand.u32 $0xF, v18;
	v30 =	vld.idx.msk [tilespmem:v30+s13+$0x0], $0xffff  }
0x1dd: {  	s31 =	sand.u32 $0x30, s28;
	v17 =	vadd.s32 s0, v0;
	v18 =	vand.u32 $0xF, v22;
	v37 =	vand.u32 $0xF, v37;
	v43 =	vld.idx.msk [tilespmem:v25+s13+$0x0], $0xffff  }
0x1de: {  	v17 =	vand.u32 $0xF, v17;
	v40 =	vor.u32 s31, v18;
	v60 =	vor.u32 s31, v38;
	v23 =	vld.idx.msk [tilespmem:v23+s13+$0x0], $0xffff  }
0x1df: {  	v39 =	vor.u32 s31, v39;
	v37 =	vor.u32 s31, v37;
	v18 =	vor.u32 v40, v13  }
0x1e0: {  	v42 =	vor.u32 v60, v13;
	v62 =	vshll.u32 v39, $0x7;
	v33 =	vshll.u32 v40, $0x7  }
0x1e1: {  	v59 =	vmul.f32 $8.000000000e+00, v24;
	v24 =	vld.idx.msk [tilespmem:v27+s13+$0x0], $0xffff;
	v27 =	vadd.s32 s1, v0;
	v45 =	vmul.f32 $8.000000000e+00, v26  }
0x1e2: {  	v29 =	vmul.f32 $8.000000000e+00, v29;
	v63 =	vmul.f32 $8.000000000e+00, v30;
	v22 =	vand.u32 $0xF, v27;
	v27 =	vld.idx.msk [tilespmem:v28+s13+$0x0], $0xffff  }
0x1e3: {  	v34 =	vmul.f32 $8.000000000e+00, v23;
	v32 =	vmul.f32 $8.000000000e+00, v43;
	v28 =	vand.u32 $0xF, v36  }
0x1e4: {  	v41 =	vor.u32 s31, v22;
	v22 =	vor.u32 s31, v17;
	v44 =	vor.u32 s31, v28;
	[tilespmem:v19+s17+$0x0] =	vst.idx.msk $0xffff, v59  }
0x1e5: {  	v28 =	vor.u32 v37, v13;
	v19 =	vand.u32 $0xF, v58;
	[tilespmem:v31+s17+$0x0] =	vst.idx.msk $0xffff, v45;
	v31 =	vshll.u32 v37, $0x7  }
0x1e6: {  	[tilespmem:v21+s17+$0x0] =	vst.idx.msk $0xffff, v29;
	v17 =	vor.u32 v22, v13;
	v25 =	vor.u32 v44, v13;
	v21 =	vshll.u32 v41, $0x7  }
0x1e7: {  	v29 =	vld.idx.msk [tilespmem:v42+s13+$0x0], $0xffff;
	v26 =	vor.u32 v41, v13;
	v19 =	vor.u32 s31, v19;
	v27 =	vmul.f32 $8.000000000e+00, v27  }
0x1e8: {  	[tilespmem:v57+s17+$0x0] =	vst.idx.msk $0xffff, v63;
	v23 =	vor.u32 v12, v21;
	v61 =	vmul.f32 $8.000000000e+00, v24;
	v24 =	vor.u32 v39, v13  }
0x1e9: {  	v30 =	vshll.u32 v44, $0x7;
	v21 =	vmovc v12;
	[tilespmem:v20+s17+$0x0] =	vst.idx.msk $0xffff, v27;
	v27 =	vor.u32 v19, v13;
	v19 =	vshll.u32 v19, $0x7  }
0x1ea: {  	[tilespmem:v35+s17+$0x0] =	vst.idx.msk $0xffff, v61;
	v35 =	vshll.u32 v60, $0x7;
	v20 =	vor.u32 v12, v62;
	v19 =	vor.u32 v12, v19  }
.LBB2_17:
0x1eb: {  	s28 =	sadd.s32 $0x8, s28;
	v35 =	vor.u32 v21, v35;
	v22 =	vshll.u32 v22, $0x7;
	[tilespmem:v15+s17+$0x0] =	vst.idx.msk $0xffff, v34;
	v15 =	vor.u32 v21, v33  }
0x1ec: {  	v30 =	vor.u32 v21, v30;
	s0 =	sand.u32 $0x8, s28;
	p1 =	slt.u32 s28, $0x38;
	[tilespmem:v16+s17+$0x0] =	vst.idx.msk $0xffff, v32;
	v16 =	vor.u32 v21, v22  }
0x1ed: {  	v22 =	vmul.f32 $8.000000000e+00, v29;
	v29 =	vor.u32 v21, v31;
	v21 =	vmovc v12;
	v32 =	vadd.s32 s0, v0;
	s1 =	sor.u32 $0x1, s0;
	s29 =	sor.u32 $0x2, s0;
	s30 =	sor.u32 $0x3, s0  }
0x1ee: {  	v31 =	vadd.s32 s1, v0;
	v33 =	vadd.s32 s29, v0;
	v34 =	vadd.s32 s30, v0;
	s1 =	sor.u32 $0x4, s0;
	s29 =	sor.u32 $0x5, s0;
	s30 =	sor.u32 $0x6, s0;
	v28 =	vld.idx.msk [tilespmem:v28+s13+$0x0], $0xffff  }
0x1ef: {  	s0 =	sor.u32 $0x7, s0;
	v36 =	vadd.s32 s1, v0;
	v37 =	vadd.s32 s29, v0;
	v38 =	vadd.s32 s30, v0  }
0x1f0: {  	v31 =	vand.u32 $0xF, v31;
	v33 =	vand.u32 $0xF, v33;
	v39 =	vadd.s32 s0, v0;
	[tilespmem:v35+s17+$0x0] =	vst.idx.msk $0xffff, v22;
	v35 =	vld.idx.msk [tilespmem:v24+s13+$0x0], $0xffff  }
0x1f1: {  	s0 =	sand.u32 $0x30, s28;
	v22 =	vand.u32 $0xF, v34;
	v24 =	vand.u32 $0xF, v36;
	v34 =	vand.u32 $0xF, v39;
	v36 =	vld.idx.msk [tilespmem:v25+s13+$0x0], $0xffff  }
0x1f2: {  	v39 =	vor.u32 s0, v22;
	v40 =	vor.u32 s0, v24;
	v22 =	vor.u32 s0, v34;
	v34 =	vld.idx.msk [tilespmem:v26+s13+$0x0], $0xffff  }
0x1f3: {  	v25 =	vand.u32 $0xF, v37;
	v24 =	vor.u32 v39, v13;
	v26 =	vor.u32 v22, v13;
	v27 =	vld.idx.msk [tilespmem:v27+s13+$0x0], $0xffff  }
0x1f4: {  	v37 =	vor.u32 s0, v31;
	v31 =	vand.u32 $0xF, v38;
	v38 =	vmul.f32 $8.000000000e+00, v28;
	v41 =	vld.idx.msk [tilespmem:v17+s13+$0x0], $0xffff;
	v17 =	vmovc v26  }
0x1f5: {  	v33 =	vor.u32 s0, v33;
	v42 =	vor.u32 v37, v13;
	v31 =	vor.u32 s0, v31;
	v43 =	vld.idx.msk [tilespmem:v18+s13+$0x0], $0xffff;
	v18 =	vmovc v24  }
0x1f6: {  	v44 =	vor.u32 s0, v25;
	v28 =	vor.u32 v31, v13;
	v24 =	vor.u32 v33, v13;
	[tilespmem:v29+s17+$0x0] =	vst.idx.msk $0xffff, v38  }
0x1f7: {  	v25 =	vor.u32 v44, v13;
	v35 =	vmul.f32 $8.000000000e+00, v35;
	v29 =	vmul.f32 $8.000000000e+00, v36  }
0x1f8: {  	v32 =	vand.u32 $0xF, v32;
	v26 =	vor.u32 v40, v13;
	v34 =	vmul.f32 $8.000000000e+00, v34  }
.Ltmp9:
0x1f9: {  	v32 =	vor.u32 s0, v32;
	v33 =	vshll.u32 v33, $0x7;
	v36 =	vmul.f32 $8.000000000e+00, v27;
	[tilespmem:v30+s17+$0x0] =	vst.idx.msk $0xffff, v29;
	(pc) =	sbr.rel @p1 .LBB2_17-.Ltmp9, $4  }
0x1fa: {  	v27 =	vor.u32 v32, v13;
	v32 =	vshll.u32 v32, $0x7;
	v30 =	vshll.u32 v44, $0x7;
	v29 =	vld.idx.msk [tilespmem:v42+s13+$0x0], $0xffff;
	[tilespmem:v20+s17+$0x0] =	vst.idx.msk $0xffff, v35  }
0x1fb: {  	v31 =	vshll.u32 v31, $0x7;
	v35 =	vor.u32 v21, v32;
	v20 =	vor.u32 v21, v33;
	[tilespmem:v23+s17+$0x0] =	vst.idx.msk $0xffff, v34  }
0x1fc: {  	v32 =	vmul.f32 $8.000000000e+00, v41;
	v23 =	vshll.u32 v40, $0x7;
	v34 =	vmul.f32 $8.000000000e+00, v43;
	[tilespmem:v19+s17+$0x0] =	vst.idx.msk $0xffff, v36;
	v19 =	vmovc v35  }
0x1fd: {  	v33 =	vshll.u32 v39, $0x7;
	v35 =	vshll.u32 v37, $0x7;
	v23 =	vor.u32 v21, v23  }
0x1fe: {  	_ =	sdelay $0x3  }
0x1ff: {  	v13 =	vld.idx.msk [tilespmem:v28+s13+$0x0], $0xffff  }
0x200: {  	v28 =	vor.u32 v21, v35;
	v25 =	vld.idx.msk [tilespmem:v25+s13+$0x0], $0xffff  }
0x201: {  	v31 =	vor.u32 v21, v31;
	v26 =	vld.idx.msk [tilespmem:v26+s13+$0x0], $0xffff  }
0x202: {  	v24 =	vld.idx.msk [tilespmem:v24+s13+$0x0], $0xffff;
	v30 =	vor.u32 v21, v30  }
0x203: {  	[tilespmem:v15+s17+$0x0] =	vst.idx.msk $0xffff, v34;
	v27 =	vld.idx.msk [tilespmem:v27+s13+$0x0], $0xffff;
	v15 =	vmul.f32 $8.000000000e+00, v29  }
0x204: {  	[tilespmem:v16+s17+$0x0] =	vst.idx.msk $0xffff, v32;
	v16 =	vld.idx.msk [tilespmem:v18+s13+$0x0], $0xffff;
	v13 =	vmul.f32 $8.000000000e+00, v13  }
0x205: {  	v22 =	vshll.u32 v22, $0x7;
	[tilespmem:v28+s17+$0x0] =	vst.idx.msk $0xffff, v15;
	v15 =	vld.idx.msk [tilespmem:v17+s13+$0x0], $0xffff;
	v17 =	vmul.f32 $8.000000000e+00, v25  }
0x206: {  	v18 =	vor.u32 v21, v33;
	v21 =	vor.u32 v21, v22;
	v22 =	vmul.f32 $8.000000000e+00, v26;
	[tilespmem:v31+s17+$0x0] =	vst.idx.msk $0xffff, v13  }
0x207: {  	s0 =	simm.s32 $0x0;
	v13 =	vmul.f32 $8.000000000e+00, v24;
	[tilespmem:v30+s17+$0x0] =	vst.idx.msk $0xffff, v17  }
0x208: {  	s1 =	sand.u32 $0x8, s0;
	v17 =	vmul.f32 $8.000000000e+00, v27;
	[tilespmem:v23+s17+$0x0] =	vst.idx.msk $0xffff, v22  }
0x209: {  	s31 =	sor.u32 $0x6, s1;
	[tilespmem:v20+s17+$0x0] =	vst.idx.msk $0xffff, v13;
	v13 =	vmul.f32 $8.000000000e+00, v16  }
0x20a: {  	v23 =	vadd.s32 s31, v0;
	[tilespmem:v19+s17+$0x0] =	vst.idx.msk $0xffff, v17;
	v15 =	vmul.f32 $8.000000000e+00, v15  }
0x20b: {  	s0 =	sand.u32 $0x30, s0;
	s29 =	sor.u32 $0x2, s1;
	s30 =	sor.u32 $0x3, s1;
	v23 =	vand.u32 $0xF, v23;
	v17 =	vadd.s32 s1, v0;
	[tilespmem:v18+s17+$0x0] =	vst.idx.msk $0xffff, v13  }
0x20c: {  	v19 =	vadd.s32 s29, v0;
	v20 =	vadd.s32 s30, v0;
	s29 =	sor.u32 $0x5, s1;
	v23 =	vor.u32 s0, v23;
	[tilespmem:v21+s17+$0x0] =	vst.idx.msk $0xffff, v15  }
0x20d: {  	s28 =	sor.u32 $0x1, s1;
	v22 =	vadd.s32 s29, v0;
	v19 =	vand.u32 $0xF, v19;
	v20 =	vand.u32 $0xF, v20;
	v13 =	vld [tilespmem:s24+$0x70]  }
0x20e: {  	v17 =	vand.u32 $0xF, v17;
	v18 =	vadd.s32 s28, v0;
	v20 =	vor.u32 s0, v20  }
0x20f: {  	s28 =	sor.u32 $0x4, s1;
	v22 =	vand.u32 $0xF, v22;
	v19 =	vor.u32 s0, v19;
	v17 =	vor.u32 s0, v17  }
0x210: {  	s1 =	sor.u32 $0x7, s1;
	v15 =	vor.u32 $0x3800, v1;
	v21 =	vadd.s32 s28, v0;
	v18 =	vand.u32 $0xF, v18  }
0x211: {  	v24 =	vadd.s32 s1, v0;
	v22 =	vor.u32 s0, v22;
	v21 =	vand.u32 $0xF, v21  }
0x212: {  	s28 =	simm.s32 $0x8;
	v24 =	vand.u32 $0xF, v24;
	v18 =	vor.u32 s0, v18;
	v13 =	vand.u32 $0x40, v13  }
0x213: {  	v21 =	vor.u32 s0, v21;
	v24 =	vor.u32 s0, v24;
	s0 =	sand.u32 $0x8, s28;
	v16 =	vor.u32 v15, v13  }
0x214: {  	v59 =	vadd.s32 s0, v0;
	v13 =	vor.u32 $0x70, v0;
	v25 =	vor.u32 v20, v16  }
0x215: {  	v26 =	vor.u32 v18, v16;
	v27 =	vor.u32 v24, v16;
	v28 =	vor.u32 v19, v16  }
0x216: {  	v29 =	vor.u32 v23, v16;
	v30 =	vor.u32 v22, v16;
	v31 =	vor.u32 v21, v16  }
0x217: {  	v19 =	vshll.u32 v19, $0x7;
	v56 =	vor.u32 v17, v16;
	v17 =	vshll.u32 v17, $0x7  }
0x218: {  	v22 =	vshll.u32 v22, $0x7;
	v18 =	vshll.u32 v18, $0x7;
	v20 =	vshll.u32 v20, $0x7  }
0x219: {  	v57 =	vor.u32 v13, v17;
	v58 =	vor.u32 v13, v19;
	v19 =	vshll.u32 v23, $0x7  }
0x21a: {  	s31 =	sor.u32 $0x3, s0;
	v17 =	vshll.u32 v21, $0x7;
	v21 =	vor.u32 v13, v18;
	v18 =	vshll.u32 v24, $0x7  }
0x21b: {  	v22 =	vor.u32 v13, v22;
	v24 =	vadd.s32 s31, v0;
	v23 =	vor.u32 v13, v17  }
0x21c: {  	s1 =	sor.u32 $0x1, s0;
	s29 =	sor.u32 $0x2, s0;
	s31 =	sor.u32 $0x6, s0;
	v17 =	vor.u32 v13, v20;
	v18 =	vor.u32 v13, v18;
	v37 =	vor.u32 v13, v19;
	v26 =	vld.idx.msk [tilespmem:v26+s13+$0x0], $0xffff  }
0x21d: {  	v19 =	vadd.s32 s1, v0;
	v20 =	vadd.s32 s29, v0;
	s29 =	sor.u32 $0x5, s0;
	v39 =	vadd.s32 s31, v0;
	v28 =	vld.idx.msk [tilespmem:v28+s13+$0x0], $0xffff  }
0x21e: {  	s1 =	sor.u32 $0x4, s0;
	s0 =	sor.u32 $0x7, s0;
	v38 =	vadd.s32 s29, v0;
	v40 =	vand.u32 $0xF, v19;
	v41 =	vand.u32 $0xF, v20;
	v31 =	vld.idx.msk [tilespmem:v31+s13+$0x0], $0xffff  }
0x21f: {  	s31 =	sand.u32 $0x30, s28;
	v19 =	vadd.s32 s0, v0;
	v20 =	vand.u32 $0xF, v24;
	v39 =	vand.u32 $0xF, v39;
	v32 =	vld.idx.msk [tilespmem:v56+s13+$0x0], $0xffff  }
0x220: {  	v19 =	vand.u32 $0xF, v19;
	v42 =	vor.u32 s31, v20;
	v60 =	vor.u32 s31, v40;
	v45 =	vld.idx.msk [tilespmem:v27+s13+$0x0], $0xffff  }
0x221: {  	v41 =	vor.u32 s31, v41;
	v39 =	vor.u32 s31, v39;
	v20 =	vor.u32 v42, v16  }
0x222: {  	v44 =	vor.u32 v60, v16;
	v25 =	vld.idx.msk [tilespmem:v25+s13+$0x0], $0xffff;
	v62 =	vshll.u32 v41, $0x7;
	v33 =	vshll.u32 v39, $0x7  }
0x223: {  	v35 =	vshll.u32 v42, $0x7;
	v36 =	vmul.f32 $8.000000000e+00, v26;
	v26 =	vld.idx.msk [tilespmem:v29+s13+$0x0], $0xffff;
	v29 =	vadd.s32 s1, v0  }
0x224: {  	v47 =	vmul.f32 $8.000000000e+00, v28;
	v31 =	vmul.f32 $8.000000000e+00, v31;
	v24 =	vand.u32 $0xF, v29;
	v29 =	vld.idx.msk [tilespmem:v30+s13+$0x0], $0xffff  }
0x225: {  	v63 =	vmul.f32 $8.000000000e+00, v32;
	v34 =	vmul.f32 $8.000000000e+00, v45;
	v30 =	vand.u32 $0xF, v38  }
0x226: {  	v43 =	vor.u32 s31, v24;
	v24 =	vor.u32 s31, v19;
	v46 =	vor.u32 s31, v30  }
0x227: {  	v30 =	vor.u32 v39, v16;
	[tilespmem:v21+s17+$0x0] =	vst.idx.msk $0xffff, v36;
	v21 =	vand.u32 $0xF, v59;
	v36 =	vmul.f32 $8.000000000e+00, v25  }
0x228: {  	[tilespmem:v23+s17+$0x0] =	vst.idx.msk $0xffff, v31;
	v19 =	vor.u32 v24, v16;
	v27 =	vor.u32 v46, v16;
	v23 =	vshll.u32 v43, $0x7  }
0x229: {  	[tilespmem:v58+s17+$0x0] =	vst.idx.msk $0xffff, v47;
	v31 =	vld.idx.msk [tilespmem:v44+s13+$0x0], $0xffff;
	v28 =	vor.u32 v43, v16;
	v21 =	vor.u32 s31, v21;
	v29 =	vmul.f32 $8.000000000e+00, v29  }
0x22a: {  	[tilespmem:v57+s17+$0x0] =	vst.idx.msk $0xffff, v63;
	v25 =	vor.u32 v13, v23;
	v61 =	vmul.f32 $8.000000000e+00, v26;
	v26 =	vor.u32 v41, v16  }
0x22b: {  	v32 =	vshll.u32 v46, $0x7;
	v23 =	vmovc v13;
	[tilespmem:v22+s17+$0x0] =	vst.idx.msk $0xffff, v29;
	v29 =	vor.u32 v21, v16;
	v21 =	vshll.u32 v21, $0x7  }
0x22c: {  	[tilespmem:v37+s17+$0x0] =	vst.idx.msk $0xffff, v61;
	v37 =	vshll.u32 v60, $0x7;
	v22 =	vor.u32 v13, v62;
	v21 =	vor.u32 v13, v21  }
.LBB2_19:
0x22d: {  	s28 =	sadd.s32 $0x8, s28;
	v37 =	vor.u32 v23, v37;
	v24 =	vshll.u32 v24, $0x7;
	[tilespmem:v17+s17+$0x0] =	vst.idx.msk $0xffff, v36;
	v17 =	vor.u32 v23, v35  }
0x22e: {  	v32 =	vor.u32 v23, v32;
	s0 =	sand.u32 $0x8, s28;
	p1 =	slt.u32 s28, $0x38;
	[tilespmem:v18+s17+$0x0] =	vst.idx.msk $0xffff, v34;
	v18 =	vor.u32 v23, v24  }
0x22f: {  	v24 =	vmul.f32 $8.000000000e+00, v31;
	v31 =	vor.u32 v23, v33;
	v23 =	vmovc v13;
	v34 =	vadd.s32 s0, v0;
	s1 =	sor.u32 $0x1, s0;
	s29 =	sor.u32 $0x2, s0;
	s30 =	sor.u32 $0x3, s0  }
0x230: {  	v33 =	vadd.s32 s1, v0;
	v35 =	vadd.s32 s29, v0;
	v36 =	vadd.s32 s30, v0;
	s1 =	sor.u32 $0x4, s0;
	s29 =	sor.u32 $0x5, s0;
	s30 =	sor.u32 $0x6, s0;
	v30 =	vld.idx.msk [tilespmem:v30+s13+$0x0], $0xffff  }
0x231: {  	s0 =	sor.u32 $0x7, s0;
	v38 =	vadd.s32 s1, v0;
	v39 =	vadd.s32 s29, v0;
	v40 =	vadd.s32 s30, v0  }
0x232: {  	v33 =	vand.u32 $0xF, v33;
	v35 =	vand.u32 $0xF, v35;
	v41 =	vadd.s32 s0, v0;
	[tilespmem:v37+s17+$0x0] =	vst.idx.msk $0xffff, v24;
	v37 =	vld.idx.msk [tilespmem:v26+s13+$0x0], $0xffff  }
0x233: {  	s0 =	sand.u32 $0x30, s28;
	v24 =	vand.u32 $0xF, v36;
	v26 =	vand.u32 $0xF, v38;
	v36 =	vand.u32 $0xF, v41;
	v38 =	vld.idx.msk [tilespmem:v27+s13+$0x0], $0xffff  }
0x234: {  	v41 =	vor.u32 s0, v24;
	v42 =	vor.u32 s0, v26;
	v24 =	vor.u32 s0, v36;
	v36 =	vld.idx.msk [tilespmem:v28+s13+$0x0], $0xffff  }
0x235: {  	v27 =	vand.u32 $0xF, v39;
	v26 =	vor.u32 v41, v16;
	v28 =	vor.u32 v24, v16;
	v29 =	vld.idx.msk [tilespmem:v29+s13+$0x0], $0xffff  }
0x236: {  	v39 =	vor.u32 s0, v33;
	v33 =	vand.u32 $0xF, v40;
	v40 =	vmul.f32 $8.000000000e+00, v30;
	v43 =	vld.idx.msk [tilespmem:v19+s13+$0x0], $0xffff;
	v19 =	vmovc v28  }
0x237: {  	v35 =	vor.u32 s0, v35;
	v44 =	vor.u32 v39, v16;
	v33 =	vor.u32 s0, v33;
	v45 =	vld.idx.msk [tilespmem:v20+s13+$0x0], $0xffff;
	v20 =	vmovc v26  }
0x238: {  	v46 =	vor.u32 s0, v27;
	v30 =	vor.u32 v33, v16;
	v26 =	vor.u32 v35, v16;
	[tilespmem:v31+s17+$0x0] =	vst.idx.msk $0xffff, v40  }
0x239: {  	v27 =	vor.u32 v46, v16;
	v37 =	vmul.f32 $8.000000000e+00, v37;
	v31 =	vmul.f32 $8.000000000e+00, v38  }
0x23a: {  	v34 =	vand.u32 $0xF, v34;
	v28 =	vor.u32 v42, v16;
	v36 =	vmul.f32 $8.000000000e+00, v36  }
.Ltmp10:
0x23b: {  	v34 =	vor.u32 s0, v34;
	v35 =	vshll.u32 v35, $0x7;
	v38 =	vmul.f32 $8.000000000e+00, v29;
	[tilespmem:v32+s17+$0x0] =	vst.idx.msk $0xffff, v31;
	(pc) =	sbr.rel @p1 .LBB2_19-.Ltmp10, $4  }
0x23c: {  	v29 =	vor.u32 v34, v16;
	v34 =	vshll.u32 v34, $0x7;
	v32 =	vshll.u32 v46, $0x7;
	v31 =	vld.idx.msk [tilespmem:v44+s13+$0x0], $0xffff;
	[tilespmem:v22+s17+$0x0] =	vst.idx.msk $0xffff, v37  }
0x23d: {  	v33 =	vshll.u32 v33, $0x7;
	v37 =	vor.u32 v23, v34;
	v22 =	vor.u32 v23, v35;
	[tilespmem:v25+s17+$0x0] =	vst.idx.msk $0xffff, v36  }
0x23e: {  	v34 =	vmul.f32 $8.000000000e+00, v43;
	v25 =	vshll.u32 v42, $0x7;
	v36 =	vmul.f32 $8.000000000e+00, v45;
	[tilespmem:v21+s17+$0x0] =	vst.idx.msk $0xffff, v38;
	v21 =	vmovc v37  }
0x23f: {  	v35 =	vshll.u32 v41, $0x7;
	v37 =	vshll.u32 v39, $0x7;
	v25 =	vor.u32 v23, v25  }
0x240: {  	_ =	sdelay $0x3  }
0x241: {  	v16 =	vld.idx.msk [tilespmem:v30+s13+$0x0], $0xffff  }
0x242: {  	v30 =	vor.u32 v23, v37;
	v27 =	vld.idx.msk [tilespmem:v27+s13+$0x0], $0xffff  }
0x243: {  	v33 =	vor.u32 v23, v33;
	v28 =	vld.idx.msk [tilespmem:v28+s13+$0x0], $0xffff  }
0x244: {  	v26 =	vld.idx.msk [tilespmem:v26+s13+$0x0], $0xffff;
	v32 =	vor.u32 v23, v32  }
0x245: {  	[tilespmem:v17+s17+$0x0] =	vst.idx.msk $0xffff, v36;
	v29 =	vld.idx.msk [tilespmem:v29+s13+$0x0], $0xffff;
	v17 =	vmul.f32 $8.000000000e+00, v31  }
0x246: {  	[tilespmem:v18+s17+$0x0] =	vst.idx.msk $0xffff, v34;
	v18 =	vld.idx.msk [tilespmem:v20+s13+$0x0], $0xffff;
	v16 =	vmul.f32 $8.000000000e+00, v16  }
0x247: {  	v24 =	vshll.u32 v24, $0x7;
	[tilespmem:v30+s17+$0x0] =	vst.idx.msk $0xffff, v17;
	v17 =	vld.idx.msk [tilespmem:v19+s13+$0x0], $0xffff;
	v19 =	vmul.f32 $8.000000000e+00, v27  }
0x248: {  	v20 =	vor.u32 v23, v35;
	v23 =	vor.u32 v23, v24;
	v24 =	vmul.f32 $8.000000000e+00, v28;
	[tilespmem:v33+s17+$0x0] =	vst.idx.msk $0xffff, v16  }
0x249: {  	v16 =	vmul.f32 $8.000000000e+00, v26;
	[tilespmem:v32+s17+$0x0] =	vst.idx.msk $0xffff, v19  }
0x24a: {  	v19 =	vmul.f32 $8.000000000e+00, v29;
	[tilespmem:v25+s17+$0x0] =	vst.idx.msk $0xffff, v24  }
0x24b: {  	s0 =	sshll.u32 s23, $0x13;
	[tilespmem:v22+s17+$0x0] =	vst.idx.msk $0xffff, v16;
	v16 =	vmul.f32 $8.000000000e+00, v18  }
0x24c: {  	s0 =	sor.u32 s4, s0;
	[tilespmem:v21+s17+$0x0] =	vst.idx.msk $0xffff, v19;
	v17 =	vmul.f32 $8.000000000e+00, v17  }
0x24d: {  	s0 =	sshrl.u32 s0, $0x3;
	[tilespmem:v20+s17+$0x0] =	vst.idx.msk $0xffff, v16  }
0x24e: {  	p1 =	seq.s32 s23, $0x18;
	s0 =	sadd.s32 s2, s0;
	[tilespmem:v23+s17+$0x0] =	vst.idx.msk $0xffff, v17  }
0x24f: {  	[hbm4b:s0+s8] =	stream.strided.scatter [tilespmem:s17], [sflag:$0x3], $0x2000, s9, s8, $0x38;
	[tilespmem:$0xF800] =	vst v63  }
0x250: {  	s0 =	sshrl.u32 @!p1 s25, $0x2  }
0x251: {  	s1 =	simm.s32 @!p1 $0x80;
	s25 =	simm.s32 @!p1 $0x3800;
	s0 =	sadd.s32 @!p1 $0x1D00, s0  }
0x252: {  	[tilespmem:s25], [sflag:$0x1] =	stream.indirect.gather @!p1 [hbm4b:s5+s1], $0x80, s0, s1, $0xb8;
	[tilespmem:$0xF800] =	vst v63  }
0x253: {  	_ =	swait.ge [sflag:s18], $0x4000  }
0x254: {  	s31 =	simm.s32 $0x0;
	s0 =	simm.s32 @!p0 $0x4;
	[sflag:s18] =	ssyncset.done $0x0  }
0x255: {  	s25 =	sor.u32 $0x1, s26;
	s1 =	sand.u32 $0x8, s31;
	[sflag:s18] =	ssyncadd.s32 $0xFFFFC000  }
0x256: {  	s30 =	sshll.u32 s25, $0x7;
	s28 =	sor.u32 $0x7, s1;
	_ =	swait.ge @!p0 [sflag:s0], $0x2000  }
0x257: {  	v17 =	vadd.s32 s1, v0;
	s29 =	sor.u32 $0x1, s1;
	s26 =	sand.u32 $0x3FFFFF80, s30;
	[sflag:s0] =	ssyncset.done @!p0 $0x0  }
0x258: {  	s30 =	sor.u32 $0x2, s1;
	v18 =	vadd.s32 s28, v0;
	v19 =	vadd.s32 s29, v0;
	s28 =	sor.u32 $0x3, s1;
	v17 =	vand.u32 $0xF, v17;
	[sflag:s0] =	ssyncadd.s32 @!p0 $0xFFFFE000  }
0x259: {  	s29 =	sor.u32 $0x4, s1;
	v20 =	vadd.s32 s30, v0;
	v18 =	vand.u32 $0xF, v18;
	v21 =	vadd.s32 s28, v0;
	v16 =	vld [tilespmem:s26+$0x0]  }
0x25a: {  	v22 =	vadd.s32 s29, v0;
	v19 =	vand.u32 $0xF, v19;
	v20 =	vand.u32 $0xF, v20;
	s0 =	sand.u32 $0x30, s31  }
0x25b: {  	v21 =	vand.u32 $0xF, v21;
	v22 =	vand.u32 $0xF, v22;
	s31 =	sor.u32 $0x5, s1;
	s1 =	sor.u32 $0x6, s1;
	v18 =	vor.u32 s0, v18  }
0x25c: {  	v23 =	vadd.s32 s31, v0;
	v24 =	vadd.s32 s1, v0;
	v19 =	vor.u32 s0, v19  }
0x25d: {  	v20 =	vor.u32 s0, v20;
	v21 =	vor.u32 s0, v21;
	v22 =	vor.u32 s0, v22  }
0x25e: {  	v17 =	vor.u32 s0, v17;
	v23 =	vand.u32 $0xF, v23;
	v16 =	vand.u32 $0x40, v16  }
0x25f: {  	v24 =	vand.u32 $0xF, v24;
	v23 =	vor.u32 s0, v23;
	v16 =	vor.u32 v1, v16  }
0x260: {  	v24 =	vor.u32 s0, v24;
	v25 =	vor.u32 v18, v16;
	v26 =	vor.u32 v19, v16  }
0x261: {  	v27 =	vor.u32 v20, v16;
	v28 =	vor.u32 v21, v16;
	v29 =	vor.u32 v22, v16  }
0x262: {  	v30 =	vor.u32 v23, v16;
	v31 =	vor.u32 v24, v16;
	v18 =	vshll.u32 v18, $0x7  }
0x263: {  	v55 =	vor.u32 v17, v16;
	v17 =	vshll.u32 v17, $0x7;
	v23 =	vshll.u32 v23, $0x7  }
0x264: {  	v24 =	vshll.u32 v24, $0x7;
	v56 =	vor.u32 v0, v18;
	v18 =	vshll.u32 v19, $0x7  }
0x265: {  	s28 =	simm.s32 $0x8;
	v19 =	vshll.u32 v20, $0x7;
	v20 =	vshll.u32 v21, $0x7;
	v21 =	vshll.u32 v22, $0x7  }
0x266: {  	s0 =	sand.u32 $0x8, s28;
	v17 =	vor.u32 v0, v17;
	v57 =	vor.u32 v0, v18;
	v58 =	vor.u32 v0, v19  }
0x267: {  	s29 =	sor.u32 $0x2, s0;
	v59 =	vor.u32 v0, v20;
	v39 =	vor.u32 v0, v21;
	v18 =	vor.u32 v0, v23  }
0x268: {  	s1 =	sor.u32 $0x1, s0;
	s31 =	sor.u32 $0x7, s0;
	v20 =	vadd.s32 s0, v0;
	v19 =	vor.u32 v0, v24;
	v23 =	vadd.s32 s29, v0;
	s29 =	sor.u32 $0x4, s0  }
0x269: {  	s30 =	sor.u32 $0x5, s0;
	v21 =	vadd.s32 s1, v0;
	s1 =	sor.u32 $0x3, s0;
	v24 =	vadd.s32 s31, v0;
	s0 =	sor.u32 $0x6, s0;
	v60 =	vadd.s32 s29, v0  }
0x26a: {  	s31 =	sand.u32 $0x30, s28;
	v24 =	vand.u32 $0xF, v24;
	v40 =	vadd.s32 s0, v0;
	v21 =	vand.u32 $0xF, v21  }
0x26b: {  	v23 =	vand.u32 $0xF, v23;
	v20 =	vand.u32 $0xF, v20;
	v24 =	vor.u32 s31, v24;
	v25 =	vld.idx.msk [tilespmem:v25+s15+$0x0], $0xffff  }
0x26c: {  	v36 =	vand.u32 $0xF, v60;
	v21 =	vor.u32 s31, v21;
	v43 =	vor.u32 s31, v23;
	v38 =	vld.idx.msk [tilespmem:v26+s15+$0x0], $0xffff  }
0x26d: {  	v46 =	vor.u32 s31, v20;
	v26 =	vadd.s32 s30, v0;
	v27 =	vld.idx.msk [tilespmem:v27+s15+$0x0], $0xffff;
	v41 =	vor.u32 v24, v16  }
0x26e: {  	v42 =	vld.idx.msk [tilespmem:v29+s15+$0x0], $0xffff;
	v29 =	vand.u32 $0xF, v40;
	v45 =	vor.u32 s31, v36;
	v20 =	vor.u32 v21, v16  }
0x26f: {  	v28 =	vld.idx.msk [tilespmem:v28+s15+$0x0], $0xffff;
	v49 =	vor.u32 v43, v16;
	v23 =	vor.u32 v46, v16;
	v24 =	vshll.u32 v24, $0x7  }
0x270: {  	v31 =	vld.idx.msk [tilespmem:v31+s15+$0x0], $0xffff;
	v32 =	vshll.u32 v21, $0x7;
	v22 =	vmul.f32 $8.000000000e+00, v25;
	v25 =	vadd.s32 s1, v0  }
0x271: {  	v62 =	vld.idx.msk [tilespmem:v55+s15+$0x0], $0xffff;
	v34 =	vshll.u32 v43, $0x7;
	v26 =	vand.u32 $0xF, v26;
	v25 =	vand.u32 $0xF, v25  }
0x272: {  	v48 =	vor.u32 s31, v29;
	v29 =	vor.u32 v45, v16;
	v41 =	vld.idx.msk [tilespmem:v41+s15+$0x0], $0xffff;
	v44 =	vor.u32 s31, v25  }
0x273: {  	v61 =	vld.idx.msk [tilespmem:v30+s15+$0x0], $0xffff;
	v30 =	vor.u32 v0, v24;
	v38 =	vmul.f32 $8.000000000e+00, v38;
	v50 =	vor.u32 v44, v16  }
0x274: {  	v35 =	vshll.u32 v45, $0x7;
	v47 =	vor.u32 s31, v26;
	v63 =	vmul.f32 $8.000000000e+00, v28;
	[tilespmem:v56+s19+$0x0] =	vst.idx.msk $0xffff, v22  }
0x275: {  	v33 =	vshll.u32 v48, $0x7;
	v26 =	vor.u32 v47, v16;
	v42 =	vmul.f32 $8.000000000e+00, v42;
	[tilespmem:v57+s19+$0x0] =	vst.idx.msk $0xffff, v38  }
0x276: {  	v20 =	vld.idx.msk [tilespmem:v20+s15+$0x0], $0xffff;
	v24 =	vmul.f32 $8.000000000e+00, v62;
	v25 =	vor.u32 v48, v16;
	v22 =	vmul.f32 $8.000000000e+00, v27;
	[tilespmem:v59+s19+$0x0] =	vst.idx.msk $0xffff, v63  }
0x277: {  	v37 =	vshll.u32 v47, $0x7;
	v28 =	vmul.f32 $8.000000000e+00, v31;
	v21 =	vld.idx.msk [tilespmem:v49+s15+$0x0], $0xffff;
	[tilespmem:v39+s19+$0x0] =	vst.idx.msk $0xffff, v42;
	v38 =	vmul.f32 $8.000000000e+00, v41  }
0x278: {  	v31 =	vshll.u32 v46, $0x7;
	v27 =	vmul.f32 $8.000000000e+00, v61;
	v36 =	vshll.u32 v44, $0x7;
	[tilespmem:v58+s19+$0x0] =	vst.idx.msk $0xffff, v22;
	v22 =	vld.idx.msk [tilespmem:v50+s15+$0x0], $0xffff  }
.LBB2_21:
0x279: {  	s28 =	sadd.s32 $0x8, s28;
	v39 =	vor.u32 v0, v32;
	v40 =	vor.u32 v0, v34;
	v34 =	vld.idx.msk [tilespmem:v29+s15+$0x0], $0xffff;
	[tilespmem:v30+s19+$0x0] =	vst.idx.msk $0xffff, v38  }
0x27a: {  	v41 =	vor.u32 v0, v36;
	v42 =	vor.u32 v0, v35;
	s0 =	sand.u32 $0x8, s28;
	p0 =	slt.u32 s28, $0x38;
	v35 =	vld.idx.msk [tilespmem:v26+s15+$0x0], $0xffff;
	v26 =	vor.u32 v0, v37  }
0x27b: {  	v30 =	vor.u32 v0, v31;
	v29 =	vadd.s32 s0, v0;
	s1 =	sor.u32 $0x1, s0;
	s29 =	sor.u32 $0x2, s0;
	s30 =	sor.u32 $0x7, s0;
	v31 =	vld.idx.msk [tilespmem:v25+s15+$0x0], $0xffff;
	v25 =	vor.u32 v0, v33  }
0x27c: {  	s31 =	sor.u32 $0x5, s0;
	v32 =	vadd.s32 s1, v0;
	v33 =	vadd.s32 s29, v0;
	s1 =	sor.u32 $0x3, s0;
	s29 =	sor.u32 $0x4, s0;
	v36 =	vadd.s32 s30, v0;
	v37 =	vld.idx.msk [tilespmem:v23+s15+$0x0], $0xffff  }
0x27d: {  	s30 =	sand.u32 $0x30, s28;
	s0 =	sor.u32 $0x6, s0;
	v23 =	vadd.s32 s1, v0;
	v38 =	vadd.s32 s29, v0;
	v36 =	vand.u32 $0xF, v36;
	[tilespmem:v18+s19+$0x0] =	vst.idx.msk $0xffff, v27;
	v18 =	vmovc v26  }
0x27e: {  	v26 =	vadd.s32 s31, v0;
	v27 =	vadd.s32 s0, v0;
	v36 =	vor.u32 s30, v36;
	[tilespmem:v19+s19+$0x0] =	vst.idx.msk $0xffff, v28;
	v19 =	vmovc v25  }
0x27f: {  	v25 =	vand.u32 $0xF, v32;
	v28 =	vand.u32 $0xF, v33;
	v32 =	vor.u32 v36, v16;
	[tilespmem:v17+s19+$0x0] =	vst.idx.msk $0xffff, v24;
	v17 =	vmovc v30  }
0x280: {  	v23 =	vand.u32 $0xF, v23;
	v26 =	vand.u32 $0xF, v26;
	v24 =	vand.u32 $0xF, v38  }
0x281: {  	v29 =	vand.u32 $0xF, v29;
	v33 =	vor.u32 s30, v25;
	v25 =	vand.u32 $0xF, v27  }
0x282: {  	v28 =	vor.u32 s30, v28;
	v38 =	vor.u32 s30, v23;
	v43 =	vor.u32 s30, v24  }
0x283: {  	v44 =	vor.u32 s30, v29;
	v45 =	vor.u32 s30, v26;
	v46 =	vor.u32 s30, v25  }
0x284: {  	v24 =	vor.u32 v33, v16;
	v47 =	vor.u32 v28, v16;
	v48 =	vor.u32 v38, v16;
	v49 =	vld.idx.msk [tilespmem:v32+s15+$0x0], $0xffff  }
0x285: {  	v26 =	vor.u32 v45, v16;
	v29 =	vor.u32 v43, v16;
	v25 =	vor.u32 v46, v16  }
0x286: {  	v20 =	vmul.f32 $8.000000000e+00, v20;
	v23 =	vor.u32 v44, v16;
	v27 =	vshll.u32 v36, $0x7  }
.Ltmp11:
0x287: {  	v21 =	vmul.f32 $8.000000000e+00, v21;
	v22 =	vmul.f32 $8.000000000e+00, v22;
	v30 =	vor.u32 v0, v27;
	(pc) =	sbr.rel @p0 .LBB2_21-.Ltmp11, $4  }
0x288: {  	v27 =	vmul.f32 $8.000000000e+00, v35;
	v32 =	vshll.u32 v33, $0x7;
	[tilespmem:v39+s19+$0x0] =	vst.idx.msk $0xffff, v20;
	v39 =	vmul.f32 $8.000000000e+00, v34  }
0x289: {  	v34 =	vshll.u32 v28, $0x7;
	v28 =	vmul.f32 $8.000000000e+00, v31;
	v20 =	vld.idx.msk [tilespmem:v24+s15+$0x0], $0xffff;
	v24 =	vmul.f32 $8.000000000e+00, v37;
	[tilespmem:v40+s19+$0x0] =	vst.idx.msk $0xffff, v21  }
0x28a: {  	v36 =	vshll.u32 v38, $0x7;
	v35 =	vshll.u32 v43, $0x7;
	v38 =	vmul.f32 $8.000000000e+00, v49;
	v21 =	vld.idx.msk [tilespmem:v47+s15+$0x0], $0xffff;
	[tilespmem:v41+s19+$0x0] =	vst.idx.msk $0xffff, v22  }
0x28b: {  	v33 =	vshll.u32 v46, $0x7;
	v31 =	vshll.u32 v44, $0x7;
	v37 =	vshll.u32 v45, $0x7;
	v22 =	vld.idx.msk [tilespmem:v48+s15+$0x0], $0xffff;
	[tilespmem:v42+s19+$0x0] =	vst.idx.msk $0xffff, v39  }
0x28c: {  	_ =	sdelay $0x2  }
0x28d: {  	v16 =	vor.u32 v0, v32  }
0x28e: {  	v54 =	vor.u32 v0, v34;
	v29 =	vld.idx.msk [tilespmem:v29+s15+$0x0], $0xffff;
	[tilespmem:v30+s19+$0x0] =	vst.idx.msk $0xffff, v38  }
0x28f: {  	v30 =	vor.u32 v0, v36;
	v26 =	vld.idx.msk [tilespmem:v26+s15+$0x0], $0xffff;
	[tilespmem:v18+s19+$0x0] =	vst.idx.msk $0xffff, v27  }
0x290: {  	v18 =	vor.u32 v0, v35;
	v25 =	vld.idx.msk [tilespmem:v25+s15+$0x0], $0xffff;
	[tilespmem:v19+s19+$0x0] =	vst.idx.msk $0xffff, v28;
	v19 =	vmul.f32 $8.000000000e+00, v20  }
0x291: {  	v23 =	vld.idx.msk [tilespmem:v23+s15+$0x0], $0xffff;
	[tilespmem:v17+s19+$0x0] =	vst.idx.msk $0xffff, v24;
	v20 =	vor.u32 v0, v37;
	v17 =	vmul.f32 $8.000000000e+00, v21  }
0x292: {  	v21 =	vor.u32 v0, v33;
	v22 =	vmul.f32 $8.000000000e+00, v22;
	[tilespmem:v16+s19+$0x0] =	vst.idx.msk $0xffff, v19  }
0x293: {  	v16 =	vor.u32 v0, v31;
	v19 =	vmul.f32 $8.000000000e+00, v29;
	[tilespmem:v54+s19+$0x0] =	vst.idx.msk $0xffff, v17  }
0x294: {  	v17 =	vmul.f32 $8.000000000e+00, v26;
	[tilespmem:v30+s19+$0x0] =	vst.idx.msk $0xffff, v22  }
0x295: {  	s0 =	simm.s32 $0x0;
	v22 =	vmul.f32 $8.000000000e+00, v25;
	[tilespmem:v18+s19+$0x0] =	vst.idx.msk $0xffff, v19  }
0x296: {  	s1 =	sand.u32 $0x8, s0;
	v18 =	vmul.f32 $8.000000000e+00, v23;
	[tilespmem:v20+s19+$0x0] =	vst.idx.msk $0xffff, v17  }
0x297: {  	s29 =	sor.u32 $0x1, s1;
	s30 =	sor.u32 $0x2, s1;
	s31 =	sor.u32 $0x5, s1;
	v17 =	vadd.s32 s1, v0;
	[tilespmem:v21+s19+$0x0] =	vst.idx.msk $0xffff, v22  }
0x298: {  	v19 =	vadd.s32 s29, v0;
	v20 =	vadd.s32 s30, v0;
	s29 =	sor.u32 $0x4, s1;
	v23 =	vadd.s32 s31, v0;
	[tilespmem:v16+s19+$0x0] =	vst.idx.msk $0xffff, v18  }
0x299: {  	v22 =	vadd.s32 s29, v0;
	v19 =	vand.u32 $0xF, v19;
	v20 =	vand.u32 $0xF, v20;
	v16 =	vld [tilespmem:s26+$0x10]  }
0x29a: {  	s0 =	sand.u32 $0x30, s0;
	v23 =	vand.u32 $0xF, v23;
	v17 =	vand.u32 $0xF, v17;
	v22 =	vand.u32 $0xF, v22  }
0x29b: {  	s28 =	sor.u32 $0x7, s1;
	v19 =	vor.u32 s0, v19;
	v20 =	vor.u32 s0, v20;
	v17 =	vor.u32 s0, v17  }
0x29c: {  	v23 =	vor.u32 s0, v23;
	v18 =	vadd.s32 s28, v0;
	s28 =	sor.u32 $0x3, s1;
	s1 =	sor.u32 $0x6, s1;
	v22 =	vor.u32 s0, v22  }
0x29d: {  	v18 =	vand.u32 $0xF, v18;
	v21 =	vadd.s32 s28, v0;
	v24 =	vadd.s32 s1, v0  }
0x29e: {  	v18 =	vor.u32 s0, v18;
	v21 =	vand.u32 $0xF, v21;
	v16 =	vand.u32 $0x40, v16  }
0x29f: {  	v24 =	vand.u32 $0xF, v24;
	v21 =	vor.u32 s0, v21;
	v16 =	vor.u32 v2, v16  }
0x2a0: {  	v24 =	vor.u32 s0, v24;
	v25 =	vor.u32 v18, v16;
	v26 =	vor.u32 v19, v16  }
0x2a1: {  	v27 =	vor.u32 v20, v16;
	v28 =	vor.u32 v21, v16;
	v29 =	vor.u32 v22, v16  }
0x2a2: {  	v30 =	vor.u32 v23, v16;
	v31 =	vor.u32 v24, v16;
	v18 =	vshll.u32 v18, $0x7  }
0x2a3: {  	v55 =	vor.u32 v17, v16;
	v17 =	vshll.u32 v17, $0x7;
	v23 =	vshll.u32 v23, $0x7  }
0x2a4: {  	v24 =	vshll.u32 v24, $0x7;
	v56 =	vor.u32 v3, v18;
	v18 =	vshll.u32 v19, $0x7  }
0x2a5: {  	s28 =	simm.s32 $0x8;
	v19 =	vshll.u32 v20, $0x7;
	v20 =	vshll.u32 v21, $0x7;
	v21 =	vshll.u32 v22, $0x7  }
0x2a6: {  	s0 =	sand.u32 $0x8, s28;
	v17 =	vor.u32 v3, v17;
	v57 =	vor.u32 v3, v18;
	v58 =	vor.u32 v3, v19  }
0x2a7: {  	s29 =	sor.u32 $0x2, s0;
	v59 =	vor.u32 v3, v20;
	v39 =	vor.u32 v3, v21;
	v18 =	vor.u32 v3, v23  }
0x2a8: {  	s1 =	sor.u32 $0x1, s0;
	s31 =	sor.u32 $0x7, s0;
	v20 =	vadd.s32 s0, v0;
	v19 =	vor.u32 v3, v24;
	v23 =	vadd.s32 s29, v0;
	s29 =	sor.u32 $0x4, s0  }
0x2a9: {  	s30 =	sor.u32 $0x5, s0;
	v21 =	vadd.s32 s1, v0;
	s1 =	sor.u32 $0x3, s0;
	v24 =	vadd.s32 s31, v0;
	s0 =	sor.u32 $0x6, s0;
	v60 =	vadd.s32 s29, v0  }
0x2aa: {  	s31 =	sand.u32 $0x30, s28;
	v24 =	vand.u32 $0xF, v24;
	v40 =	vadd.s32 s0, v0;
	v21 =	vand.u32 $0xF, v21  }
0x2ab: {  	v23 =	vand.u32 $0xF, v23;
	v20 =	vand.u32 $0xF, v20;
	v24 =	vor.u32 s31, v24;
	v25 =	vld.idx.msk [tilespmem:v25+s15+$0x0], $0xffff  }
0x2ac: {  	v36 =	vand.u32 $0xF, v60;
	v21 =	vor.u32 s31, v21;
	v43 =	vor.u32 s31, v23;
	v38 =	vld.idx.msk [tilespmem:v26+s15+$0x0], $0xffff  }
0x2ad: {  	v46 =	vor.u32 s31, v20;
	v26 =	vadd.s32 s30, v0;
	v27 =	vld.idx.msk [tilespmem:v27+s15+$0x0], $0xffff;
	v41 =	vor.u32 v24, v16  }
0x2ae: {  	v42 =	vld.idx.msk [tilespmem:v29+s15+$0x0], $0xffff;
	v29 =	vand.u32 $0xF, v40;
	v45 =	vor.u32 s31, v36;
	v20 =	vor.u32 v21, v16  }
0x2af: {  	v28 =	vld.idx.msk [tilespmem:v28+s15+$0x0], $0xffff;
	v49 =	vor.u32 v43, v16;
	v23 =	vor.u32 v46, v16;
	v24 =	vshll.u32 v24, $0x7  }
0x2b0: {  	v31 =	vld.idx.msk [tilespmem:v31+s15+$0x0], $0xffff;
	v32 =	vshll.u32 v21, $0x7;
	v22 =	vmul.f32 $8.000000000e+00, v25;
	v25 =	vadd.s32 s1, v0  }
0x2b1: {  	v62 =	vld.idx.msk [tilespmem:v55+s15+$0x0], $0xffff;
	v34 =	vshll.u32 v43, $0x7;
	v26 =	vand.u32 $0xF, v26;
	v25 =	vand.u32 $0xF, v25  }
0x2b2: {  	v48 =	vor.u32 s31, v29;
	v29 =	vor.u32 v45, v16;
	v41 =	vld.idx.msk [tilespmem:v41+s15+$0x0], $0xffff;
	v44 =	vor.u32 s31, v25  }
0x2b3: {  	v61 =	vld.idx.msk [tilespmem:v30+s15+$0x0], $0xffff;
	v30 =	vor.u32 v3, v24;
	v38 =	vmul.f32 $8.000000000e+00, v38;
	v50 =	vor.u32 v44, v16  }
0x2b4: {  	v35 =	vshll.u32 v45, $0x7;
	v47 =	vor.u32 s31, v26;
	v63 =	vmul.f32 $8.000000000e+00, v28;
	[tilespmem:v56+s19+$0x0] =	vst.idx.msk $0xffff, v22  }
0x2b5: {  	v33 =	vshll.u32 v48, $0x7;
	v26 =	vor.u32 v47, v16;
	v42 =	vmul.f32 $8.000000000e+00, v42;
	[tilespmem:v57+s19+$0x0] =	vst.idx.msk $0xffff, v38  }
0x2b6: {  	v20 =	vld.idx.msk [tilespmem:v20+s15+$0x0], $0xffff;
	v24 =	vmul.f32 $8.000000000e+00, v62;
	v25 =	vor.u32 v48, v16;
	v22 =	vmul.f32 $8.000000000e+00, v27;
	[tilespmem:v59+s19+$0x0] =	vst.idx.msk $0xffff, v63  }
0x2b7: {  	v37 =	vshll.u32 v47, $0x7;
	v28 =	vmul.f32 $8.000000000e+00, v31;
	v21 =	vld.idx.msk [tilespmem:v49+s15+$0x0], $0xffff;
	[tilespmem:v39+s19+$0x0] =	vst.idx.msk $0xffff, v42;
	v38 =	vmul.f32 $8.000000000e+00, v41  }
0x2b8: {  	v31 =	vshll.u32 v46, $0x7;
	v27 =	vmul.f32 $8.000000000e+00, v61;
	v36 =	vshll.u32 v44, $0x7;
	[tilespmem:v58+s19+$0x0] =	vst.idx.msk $0xffff, v22;
	v22 =	vld.idx.msk [tilespmem:v50+s15+$0x0], $0xffff  }
.LBB2_23:
0x2b9: {  	s28 =	sadd.s32 $0x8, s28;
	v39 =	vor.u32 v3, v32;
	v40 =	vor.u32 v3, v34;
	v34 =	vld.idx.msk [tilespmem:v29+s15+$0x0], $0xffff;
	[tilespmem:v30+s19+$0x0] =	vst.idx.msk $0xffff, v38  }
0x2ba: {  	v41 =	vor.u32 v3, v36;
	v42 =	vor.u32 v3, v35;
	s0 =	sand.u32 $0x8, s28;
	p0 =	slt.u32 s28, $0x38;
	v35 =	vld.idx.msk [tilespmem:v26+s15+$0x0], $0xffff;
	v26 =	vor.u32 v3, v37  }
0x2bb: {  	v30 =	vor.u32 v3, v31;
	v29 =	vadd.s32 s0, v0;
	s1 =	sor.u32 $0x1, s0;
	s29 =	sor.u32 $0x2, s0;
	s30 =	sor.u32 $0x7, s0;
	v31 =	vld.idx.msk [tilespmem:v25+s15+$0x0], $0xffff;
	v25 =	vor.u32 v3, v33  }
0x2bc: {  	s31 =	sor.u32 $0x5, s0;
	v32 =	vadd.s32 s1, v0;
	v33 =	vadd.s32 s29, v0;
	s1 =	sor.u32 $0x3, s0;
	s29 =	sor.u32 $0x4, s0;
	v36 =	vadd.s32 s30, v0;
	v37 =	vld.idx.msk [tilespmem:v23+s15+$0x0], $0xffff  }
0x2bd: {  	s30 =	sand.u32 $0x30, s28;
	s0 =	sor.u32 $0x6, s0;
	v23 =	vadd.s32 s1, v0;
	v38 =	vadd.s32 s29, v0;
	v36 =	vand.u32 $0xF, v36;
	[tilespmem:v18+s19+$0x0] =	vst.idx.msk $0xffff, v27;
	v18 =	vmovc v26  }
0x2be: {  	v26 =	vadd.s32 s31, v0;
	v27 =	vadd.s32 s0, v0;
	v36 =	vor.u32 s30, v36;
	[tilespmem:v19+s19+$0x0] =	vst.idx.msk $0xffff, v28;
	v19 =	vmovc v25  }
0x2bf: {  	v25 =	vand.u32 $0xF, v32;
	v28 =	vand.u32 $0xF, v33;
	v32 =	vor.u32 v36, v16;
	[tilespmem:v17+s19+$0x0] =	vst.idx.msk $0xffff, v24;
	v17 =	vmovc v30  }
0x2c0: {  	v23 =	vand.u32 $0xF, v23;
	v26 =	vand.u32 $0xF, v26;
	v24 =	vand.u32 $0xF, v38  }
0x2c1: {  	v29 =	vand.u32 $0xF, v29;
	v33 =	vor.u32 s30, v25;
	v25 =	vand.u32 $0xF, v27  }
0x2c2: {  	v28 =	vor.u32 s30, v28;
	v38 =	vor.u32 s30, v23;
	v43 =	vor.u32 s30, v24  }
0x2c3: {  	v44 =	vor.u32 s30, v29;
	v45 =	vor.u32 s30, v26;
	v46 =	vor.u32 s30, v25  }
0x2c4: {  	v24 =	vor.u32 v33, v16;
	v47 =	vor.u32 v28, v16;
	v48 =	vor.u32 v38, v16;
	v49 =	vld.idx.msk [tilespmem:v32+s15+$0x0], $0xffff  }
0x2c5: {  	v26 =	vor.u32 v45, v16;
	v29 =	vor.u32 v43, v16;
	v25 =	vor.u32 v46, v16  }
0x2c6: {  	v20 =	vmul.f32 $8.000000000e+00, v20;
	v23 =	vor.u32 v44, v16;
	v27 =	vshll.u32 v36, $0x7  }
.Ltmp12:
0x2c7: {  	v21 =	vmul.f32 $8.000000000e+00, v21;
	v22 =	vmul.f32 $8.000000000e+00, v22;
	v30 =	vor.u32 v3, v27;
	(pc) =	sbr.rel @p0 .LBB2_23-.Ltmp12, $4  }
0x2c8: {  	v27 =	vmul.f32 $8.000000000e+00, v35;
	v32 =	vshll.u32 v33, $0x7;
	[tilespmem:v39+s19+$0x0] =	vst.idx.msk $0xffff, v20;
	v39 =	vmul.f32 $8.000000000e+00, v34  }
0x2c9: {  	v34 =	vshll.u32 v28, $0x7;
	v28 =	vmul.f32 $8.000000000e+00, v31;
	v20 =	vld.idx.msk [tilespmem:v24+s15+$0x0], $0xffff;
	v24 =	vmul.f32 $8.000000000e+00, v37;
	[tilespmem:v40+s19+$0x0] =	vst.idx.msk $0xffff, v21  }
0x2ca: {  	v36 =	vshll.u32 v38, $0x7;
	v35 =	vshll.u32 v43, $0x7;
	v38 =	vmul.f32 $8.000000000e+00, v49;
	v21 =	vld.idx.msk [tilespmem:v47+s15+$0x0], $0xffff;
	[tilespmem:v41+s19+$0x0] =	vst.idx.msk $0xffff, v22  }
0x2cb: {  	v33 =	vshll.u32 v46, $0x7;
	v31 =	vshll.u32 v44, $0x7;
	v37 =	vshll.u32 v45, $0x7;
	v22 =	vld.idx.msk [tilespmem:v48+s15+$0x0], $0xffff;
	[tilespmem:v42+s19+$0x0] =	vst.idx.msk $0xffff, v39  }
0x2cc: {  	_ =	sdelay $0x2  }
0x2cd: {  	v16 =	vor.u32 v3, v32  }
0x2ce: {  	v54 =	vor.u32 v3, v34;
	v29 =	vld.idx.msk [tilespmem:v29+s15+$0x0], $0xffff;
	[tilespmem:v30+s19+$0x0] =	vst.idx.msk $0xffff, v38  }
0x2cf: {  	v30 =	vor.u32 v3, v36;
	v26 =	vld.idx.msk [tilespmem:v26+s15+$0x0], $0xffff;
	[tilespmem:v18+s19+$0x0] =	vst.idx.msk $0xffff, v27  }
0x2d0: {  	v18 =	vor.u32 v3, v35;
	v25 =	vld.idx.msk [tilespmem:v25+s15+$0x0], $0xffff;
	[tilespmem:v19+s19+$0x0] =	vst.idx.msk $0xffff, v28;
	v19 =	vmul.f32 $8.000000000e+00, v20  }
0x2d1: {  	v23 =	vld.idx.msk [tilespmem:v23+s15+$0x0], $0xffff;
	[tilespmem:v17+s19+$0x0] =	vst.idx.msk $0xffff, v24;
	v20 =	vor.u32 v3, v37;
	v17 =	vmul.f32 $8.000000000e+00, v21  }
0x2d2: {  	v21 =	vor.u32 v3, v33;
	v22 =	vmul.f32 $8.000000000e+00, v22;
	[tilespmem:v16+s19+$0x0] =	vst.idx.msk $0xffff, v19  }
0x2d3: {  	v16 =	vor.u32 v3, v31;
	v19 =	vmul.f32 $8.000000000e+00, v29;
	[tilespmem:v54+s19+$0x0] =	vst.idx.msk $0xffff, v17  }
0x2d4: {  	v17 =	vmul.f32 $8.000000000e+00, v26;
	[tilespmem:v30+s19+$0x0] =	vst.idx.msk $0xffff, v22  }
0x2d5: {  	s0 =	simm.s32 $0x0;
	v22 =	vmul.f32 $8.000000000e+00, v25;
	[tilespmem:v18+s19+$0x0] =	vst.idx.msk $0xffff, v19  }
0x2d6: {  	s1 =	sand.u32 $0x8, s0;
	v18 =	vmul.f32 $8.000000000e+00, v23;
	[tilespmem:v20+s19+$0x0] =	vst.idx.msk $0xffff, v17  }
0x2d7: {  	s29 =	sor.u32 $0x1, s1;
	s30 =	sor.u32 $0x2, s1;
	s31 =	sor.u32 $0x5, s1;
	v17 =	vadd.s32 s1, v0;
	[tilespmem:v21+s19+$0x0] =	vst.idx.msk $0xffff, v22  }
0x2d8: {  	v19 =	vadd.s32 s29, v0;
	v20 =	vadd.s32 s30, v0;
	s29 =	sor.u32 $0x4, s1;
	v23 =	vadd.s32 s31, v0;
	[tilespmem:v16+s19+$0x0] =	vst.idx.msk $0xffff, v18  }
0x2d9: {  	v22 =	vadd.s32 s29, v0;
	v19 =	vand.u32 $0xF, v19;
	v20 =	vand.u32 $0xF, v20;
	v16 =	vld [tilespmem:s26+$0x20]  }
0x2da: {  	s0 =	sand.u32 $0x30, s0;
	v23 =	vand.u32 $0xF, v23;
	v17 =	vand.u32 $0xF, v17;
	v22 =	vand.u32 $0xF, v22  }
0x2db: {  	s28 =	sor.u32 $0x7, s1;
	v19 =	vor.u32 s0, v19;
	v20 =	vor.u32 s0, v20;
	v17 =	vor.u32 s0, v17  }
0x2dc: {  	v23 =	vor.u32 s0, v23;
	v18 =	vadd.s32 s28, v0;
	s28 =	sor.u32 $0x3, s1;
	s1 =	sor.u32 $0x6, s1;
	v22 =	vor.u32 s0, v22  }
0x2dd: {  	v18 =	vand.u32 $0xF, v18;
	v21 =	vadd.s32 s28, v0;
	v24 =	vadd.s32 s1, v0  }
0x2de: {  	v18 =	vor.u32 s0, v18;
	v21 =	vand.u32 $0xF, v21;
	v16 =	vand.u32 $0x40, v16  }
0x2df: {  	v24 =	vand.u32 $0xF, v24;
	v21 =	vor.u32 s0, v21;
	v16 =	vor.u32 v4, v16  }
0x2e0: {  	v24 =	vor.u32 s0, v24;
	v25 =	vor.u32 v18, v16;
	v26 =	vor.u32 v19, v16  }
0x2e1: {  	v27 =	vor.u32 v20, v16;
	v28 =	vor.u32 v21, v16;
	v29 =	vor.u32 v22, v16  }
0x2e2: {  	v30 =	vor.u32 v23, v16;
	v31 =	vor.u32 v24, v16;
	v18 =	vshll.u32 v18, $0x7  }
0x2e3: {  	v55 =	vor.u32 v17, v16;
	v17 =	vshll.u32 v17, $0x7;
	v23 =	vshll.u32 v23, $0x7  }
0x2e4: {  	v24 =	vshll.u32 v24, $0x7;
	v56 =	vor.u32 v5, v18;
	v18 =	vshll.u32 v19, $0x7  }
0x2e5: {  	s28 =	simm.s32 $0x8;
	v19 =	vshll.u32 v20, $0x7;
	v20 =	vshll.u32 v21, $0x7;
	v21 =	vshll.u32 v22, $0x7  }
0x2e6: {  	s0 =	sand.u32 $0x8, s28;
	v17 =	vor.u32 v5, v17;
	v57 =	vor.u32 v5, v18;
	v58 =	vor.u32 v5, v19  }
0x2e7: {  	s29 =	sor.u32 $0x2, s0;
	v59 =	vor.u32 v5, v20;
	v39 =	vor.u32 v5, v21;
	v18 =	vor.u32 v5, v23  }
0x2e8: {  	s1 =	sor.u32 $0x1, s0;
	s31 =	sor.u32 $0x7, s0;
	v20 =	vadd.s32 s0, v0;
	v19 =	vor.u32 v5, v24;
	v23 =	vadd.s32 s29, v0;
	s29 =	sor.u32 $0x4, s0  }
0x2e9: {  	s30 =	sor.u32 $0x5, s0;
	v21 =	vadd.s32 s1, v0;
	s1 =	sor.u32 $0x3, s0;
	v24 =	vadd.s32 s31, v0;
	s0 =	sor.u32 $0x6, s0;
	v60 =	vadd.s32 s29, v0  }
0x2ea: {  	s31 =	sand.u32 $0x30, s28;
	v24 =	vand.u32 $0xF, v24;
	v40 =	vadd.s32 s0, v0;
	v21 =	vand.u32 $0xF, v21  }
0x2eb: {  	v23 =	vand.u32 $0xF, v23;
	v20 =	vand.u32 $0xF, v20;
	v24 =	vor.u32 s31, v24;
	v25 =	vld.idx.msk [tilespmem:v25+s15+$0x0], $0xffff  }
0x2ec: {  	v36 =	vand.u32 $0xF, v60;
	v21 =	vor.u32 s31, v21;
	v43 =	vor.u32 s31, v23;
	v38 =	vld.idx.msk [tilespmem:v26+s15+$0x0], $0xffff  }
0x2ed: {  	v46 =	vor.u32 s31, v20;
	v26 =	vadd.s32 s30, v0;
	v27 =	vld.idx.msk [tilespmem:v27+s15+$0x0], $0xffff;
	v41 =	vor.u32 v24, v16  }
0x2ee: {  	v42 =	vld.idx.msk [tilespmem:v29+s15+$0x0], $0xffff;
	v29 =	vand.u32 $0xF, v40;
	v45 =	vor.u32 s31, v36;
	v20 =	vor.u32 v21, v16  }
0x2ef: {  	v28 =	vld.idx.msk [tilespmem:v28+s15+$0x0], $0xffff;
	v49 =	vor.u32 v43, v16;
	v23 =	vor.u32 v46, v16;
	v24 =	vshll.u32 v24, $0x7  }
0x2f0: {  	v31 =	vld.idx.msk [tilespmem:v31+s15+$0x0], $0xffff;
	v32 =	vshll.u32 v21, $0x7;
	v22 =	vmul.f32 $8.000000000e+00, v25;
	v25 =	vadd.s32 s1, v0  }
0x2f1: {  	v62 =	vld.idx.msk [tilespmem:v55+s15+$0x0], $0xffff;
	v34 =	vshll.u32 v43, $0x7;
	v26 =	vand.u32 $0xF, v26;
	v25 =	vand.u32 $0xF, v25  }
0x2f2: {  	v48 =	vor.u32 s31, v29;
	v29 =	vor.u32 v45, v16;
	v41 =	vld.idx.msk [tilespmem:v41+s15+$0x0], $0xffff;
	v44 =	vor.u32 s31, v25  }
0x2f3: {  	v61 =	vld.idx.msk [tilespmem:v30+s15+$0x0], $0xffff;
	v30 =	vor.u32 v5, v24;
	v38 =	vmul.f32 $8.000000000e+00, v38;
	v50 =	vor.u32 v44, v16  }
0x2f4: {  	v35 =	vshll.u32 v45, $0x7;
	v47 =	vor.u32 s31, v26;
	v63 =	vmul.f32 $8.000000000e+00, v28;
	[tilespmem:v56+s19+$0x0] =	vst.idx.msk $0xffff, v22  }
0x2f5: {  	v33 =	vshll.u32 v48, $0x7;
	v26 =	vor.u32 v47, v16;
	v42 =	vmul.f32 $8.000000000e+00, v42;
	[tilespmem:v57+s19+$0x0] =	vst.idx.msk $0xffff, v38  }
0x2f6: {  	v20 =	vld.idx.msk [tilespmem:v20+s15+$0x0], $0xffff;
	v24 =	vmul.f32 $8.000000000e+00, v62;
	v25 =	vor.u32 v48, v16;
	v22 =	vmul.f32 $8.000000000e+00, v27;
	[tilespmem:v59+s19+$0x0] =	vst.idx.msk $0xffff, v63  }
0x2f7: {  	v37 =	vshll.u32 v47, $0x7;
	v28 =	vmul.f32 $8.000000000e+00, v31;
	v21 =	vld.idx.msk [tilespmem:v49+s15+$0x0], $0xffff;
	[tilespmem:v39+s19+$0x0] =	vst.idx.msk $0xffff, v42;
	v38 =	vmul.f32 $8.000000000e+00, v41  }
0x2f8: {  	v31 =	vshll.u32 v46, $0x7;
	v27 =	vmul.f32 $8.000000000e+00, v61;
	v36 =	vshll.u32 v44, $0x7;
	[tilespmem:v58+s19+$0x0] =	vst.idx.msk $0xffff, v22;
	v22 =	vld.idx.msk [tilespmem:v50+s15+$0x0], $0xffff  }
.LBB2_25:
0x2f9: {  	s28 =	sadd.s32 $0x8, s28;
	v39 =	vor.u32 v5, v32;
	v40 =	vor.u32 v5, v34;
	v34 =	vld.idx.msk [tilespmem:v29+s15+$0x0], $0xffff;
	[tilespmem:v30+s19+$0x0] =	vst.idx.msk $0xffff, v38  }
0x2fa: {  	v41 =	vor.u32 v5, v36;
	v42 =	vor.u32 v5, v35;
	s0 =	sand.u32 $0x8, s28;
	p0 =	slt.u32 s28, $0x38;
	v35 =	vld.idx.msk [tilespmem:v26+s15+$0x0], $0xffff;
	v26 =	vor.u32 v5, v37  }
0x2fb: {  	v30 =	vor.u32 v5, v31;
	v29 =	vadd.s32 s0, v0;
	s1 =	sor.u32 $0x1, s0;
	s29 =	sor.u32 $0x2, s0;
	s30 =	sor.u32 $0x7, s0;
	v31 =	vld.idx.msk [tilespmem:v25+s15+$0x0], $0xffff;
	v25 =	vor.u32 v5, v33  }
0x2fc: {  	s31 =	sor.u32 $0x5, s0;
	v32 =	vadd.s32 s1, v0;
	v33 =	vadd.s32 s29, v0;
	s1 =	sor.u32 $0x3, s0;
	s29 =	sor.u32 $0x4, s0;
	v36 =	vadd.s32 s30, v0;
	v37 =	vld.idx.msk [tilespmem:v23+s15+$0x0], $0xffff  }
0x2fd: {  	s30 =	sand.u32 $0x30, s28;
	s0 =	sor.u32 $0x6, s0;
	v23 =	vadd.s32 s1, v0;
	v38 =	vadd.s32 s29, v0;
	v36 =	vand.u32 $0xF, v36;
	[tilespmem:v18+s19+$0x0] =	vst.idx.msk $0xffff, v27;
	v18 =	vmovc v26  }
0x2fe: {  	v26 =	vadd.s32 s31, v0;
	v27 =	vadd.s32 s0, v0;
	v36 =	vor.u32 s30, v36;
	[tilespmem:v19+s19+$0x0] =	vst.idx.msk $0xffff, v28;
	v19 =	vmovc v25  }
0x2ff: {  	v25 =	vand.u32 $0xF, v32;
	v28 =	vand.u32 $0xF, v33;
	v32 =	vor.u32 v36, v16;
	[tilespmem:v17+s19+$0x0] =	vst.idx.msk $0xffff, v24;
	v17 =	vmovc v30  }
0x300: {  	v23 =	vand.u32 $0xF, v23;
	v26 =	vand.u32 $0xF, v26;
	v24 =	vand.u32 $0xF, v38  }
0x301: {  	v29 =	vand.u32 $0xF, v29;
	v33 =	vor.u32 s30, v25;
	v25 =	vand.u32 $0xF, v27  }
0x302: {  	v28 =	vor.u32 s30, v28;
	v38 =	vor.u32 s30, v23;
	v43 =	vor.u32 s30, v24  }
0x303: {  	v44 =	vor.u32 s30, v29;
	v45 =	vor.u32 s30, v26;
	v46 =	vor.u32 s30, v25  }
0x304: {  	v24 =	vor.u32 v33, v16;
	v47 =	vor.u32 v28, v16;
	v48 =	vor.u32 v38, v16;
	v49 =	vld.idx.msk [tilespmem:v32+s15+$0x0], $0xffff  }
0x305: {  	v26 =	vor.u32 v45, v16;
	v29 =	vor.u32 v43, v16;
	v25 =	vor.u32 v46, v16  }
0x306: {  	v20 =	vmul.f32 $8.000000000e+00, v20;
	v23 =	vor.u32 v44, v16;
	v27 =	vshll.u32 v36, $0x7  }
.Ltmp13:
0x307: {  	v21 =	vmul.f32 $8.000000000e+00, v21;
	v22 =	vmul.f32 $8.000000000e+00, v22;
	v30 =	vor.u32 v5, v27;
	(pc) =	sbr.rel @p0 .LBB2_25-.Ltmp13, $4  }
0x308: {  	v27 =	vmul.f32 $8.000000000e+00, v35;
	v32 =	vshll.u32 v33, $0x7;
	[tilespmem:v39+s19+$0x0] =	vst.idx.msk $0xffff, v20;
	v39 =	vmul.f32 $8.000000000e+00, v34  }
0x309: {  	v34 =	vshll.u32 v28, $0x7;
	v28 =	vmul.f32 $8.000000000e+00, v31;
	v20 =	vld.idx.msk [tilespmem:v24+s15+$0x0], $0xffff;
	v24 =	vmul.f32 $8.000000000e+00, v37;
	[tilespmem:v40+s19+$0x0] =	vst.idx.msk $0xffff, v21  }
0x30a: {  	v36 =	vshll.u32 v38, $0x7;
	v35 =	vshll.u32 v43, $0x7;
	v38 =	vmul.f32 $8.000000000e+00, v49;
	v21 =	vld.idx.msk [tilespmem:v47+s15+$0x0], $0xffff;
	[tilespmem:v41+s19+$0x0] =	vst.idx.msk $0xffff, v22  }
0x30b: {  	v33 =	vshll.u32 v46, $0x7;
	v31 =	vshll.u32 v44, $0x7;
	v37 =	vshll.u32 v45, $0x7;
	v22 =	vld.idx.msk [tilespmem:v48+s15+$0x0], $0xffff;
	[tilespmem:v42+s19+$0x0] =	vst.idx.msk $0xffff, v39  }
0x30c: {  	_ =	sdelay $0x2  }
0x30d: {  	v16 =	vor.u32 v5, v32  }
0x30e: {  	v54 =	vor.u32 v5, v34;
	v29 =	vld.idx.msk [tilespmem:v29+s15+$0x0], $0xffff;
	[tilespmem:v30+s19+$0x0] =	vst.idx.msk $0xffff, v38  }
0x30f: {  	v30 =	vor.u32 v5, v36;
	v26 =	vld.idx.msk [tilespmem:v26+s15+$0x0], $0xffff;
	[tilespmem:v18+s19+$0x0] =	vst.idx.msk $0xffff, v27  }
0x310: {  	v18 =	vor.u32 v5, v35;
	v25 =	vld.idx.msk [tilespmem:v25+s15+$0x0], $0xffff;
	[tilespmem:v19+s19+$0x0] =	vst.idx.msk $0xffff, v28;
	v19 =	vmul.f32 $8.000000000e+00, v20  }
0x311: {  	v23 =	vld.idx.msk [tilespmem:v23+s15+$0x0], $0xffff;
	[tilespmem:v17+s19+$0x0] =	vst.idx.msk $0xffff, v24;
	v20 =	vor.u32 v5, v37;
	v17 =	vmul.f32 $8.000000000e+00, v21  }
0x312: {  	v21 =	vor.u32 v5, v33;
	v22 =	vmul.f32 $8.000000000e+00, v22;
	[tilespmem:v16+s19+$0x0] =	vst.idx.msk $0xffff, v19  }
0x313: {  	v16 =	vor.u32 v5, v31;
	v19 =	vmul.f32 $8.000000000e+00, v29;
	[tilespmem:v54+s19+$0x0] =	vst.idx.msk $0xffff, v17  }
0x314: {  	v17 =	vmul.f32 $8.000000000e+00, v26;
	[tilespmem:v30+s19+$0x0] =	vst.idx.msk $0xffff, v22  }
0x315: {  	s0 =	simm.s32 $0x0;
	v22 =	vmul.f32 $8.000000000e+00, v25;
	[tilespmem:v18+s19+$0x0] =	vst.idx.msk $0xffff, v19  }
0x316: {  	s1 =	sand.u32 $0x8, s0;
	v18 =	vmul.f32 $8.000000000e+00, v23;
	[tilespmem:v20+s19+$0x0] =	vst.idx.msk $0xffff, v17  }
0x317: {  	s29 =	sor.u32 $0x1, s1;
	s30 =	sor.u32 $0x2, s1;
	s31 =	sor.u32 $0x5, s1;
	v17 =	vadd.s32 s1, v0;
	[tilespmem:v21+s19+$0x0] =	vst.idx.msk $0xffff, v22  }
0x318: {  	v19 =	vadd.s32 s29, v0;
	v20 =	vadd.s32 s30, v0;
	s29 =	sor.u32 $0x4, s1;
	v23 =	vadd.s32 s31, v0;
	[tilespmem:v16+s19+$0x0] =	vst.idx.msk $0xffff, v18  }
0x319: {  	v22 =	vadd.s32 s29, v0;
	v19 =	vand.u32 $0xF, v19;
	v20 =	vand.u32 $0xF, v20;
	v16 =	vld [tilespmem:s26+$0x30]  }
0x31a: {  	s0 =	sand.u32 $0x30, s0;
	v23 =	vand.u32 $0xF, v23;
	v17 =	vand.u32 $0xF, v17;
	v22 =	vand.u32 $0xF, v22  }
0x31b: {  	s28 =	sor.u32 $0x7, s1;
	v19 =	vor.u32 s0, v19;
	v20 =	vor.u32 s0, v20;
	v17 =	vor.u32 s0, v17  }
0x31c: {  	v23 =	vor.u32 s0, v23;
	v18 =	vadd.s32 s28, v0;
	s28 =	sor.u32 $0x3, s1;
	s1 =	sor.u32 $0x6, s1;
	v22 =	vor.u32 s0, v22  }
0x31d: {  	v18 =	vand.u32 $0xF, v18;
	v21 =	vadd.s32 s28, v0;
	v24 =	vadd.s32 s1, v0  }
0x31e: {  	v18 =	vor.u32 s0, v18;
	v21 =	vand.u32 $0xF, v21;
	v16 =	vand.u32 $0x40, v16  }
0x31f: {  	v24 =	vand.u32 $0xF, v24;
	v21 =	vor.u32 s0, v21;
	v16 =	vor.u32 v6, v16  }
0x320: {  	v24 =	vor.u32 s0, v24;
	v25 =	vor.u32 v18, v16;
	v26 =	vor.u32 v19, v16  }
0x321: {  	v27 =	vor.u32 v20, v16;
	v28 =	vor.u32 v21, v16;
	v29 =	vor.u32 v22, v16  }
0x322: {  	v30 =	vor.u32 v23, v16;
	v31 =	vor.u32 v24, v16;
	v18 =	vshll.u32 v18, $0x7  }
0x323: {  	v55 =	vor.u32 v17, v16;
	v17 =	vshll.u32 v17, $0x7;
	v23 =	vshll.u32 v23, $0x7  }
0x324: {  	v24 =	vshll.u32 v24, $0x7;
	v56 =	vor.u32 v7, v18;
	v18 =	vshll.u32 v19, $0x7  }
0x325: {  	s28 =	simm.s32 $0x8;
	v19 =	vshll.u32 v20, $0x7;
	v20 =	vshll.u32 v21, $0x7;
	v21 =	vshll.u32 v22, $0x7  }
0x326: {  	s0 =	sand.u32 $0x8, s28;
	v17 =	vor.u32 v7, v17;
	v57 =	vor.u32 v7, v18;
	v58 =	vor.u32 v7, v19  }
0x327: {  	s29 =	sor.u32 $0x2, s0;
	v59 =	vor.u32 v7, v20;
	v39 =	vor.u32 v7, v21;
	v18 =	vor.u32 v7, v23  }
0x328: {  	s1 =	sor.u32 $0x1, s0;
	s31 =	sor.u32 $0x7, s0;
	v20 =	vadd.s32 s0, v0;
	v19 =	vor.u32 v7, v24;
	v23 =	vadd.s32 s29, v0;
	s29 =	sor.u32 $0x4, s0  }
0x329: {  	s30 =	sor.u32 $0x5, s0;
	v21 =	vadd.s32 s1, v0;
	s1 =	sor.u32 $0x3, s0;
	v24 =	vadd.s32 s31, v0;
	s0 =	sor.u32 $0x6, s0;
	v60 =	vadd.s32 s29, v0  }
0x32a: {  	s31 =	sand.u32 $0x30, s28;
	v24 =	vand.u32 $0xF, v24;
	v40 =	vadd.s32 s0, v0;
	v21 =	vand.u32 $0xF, v21  }
0x32b: {  	v23 =	vand.u32 $0xF, v23;
	v20 =	vand.u32 $0xF, v20;
	v24 =	vor.u32 s31, v24;
	v25 =	vld.idx.msk [tilespmem:v25+s15+$0x0], $0xffff  }
0x32c: {  	v36 =	vand.u32 $0xF, v60;
	v21 =	vor.u32 s31, v21;
	v43 =	vor.u32 s31, v23;
	v38 =	vld.idx.msk [tilespmem:v26+s15+$0x0], $0xffff  }
0x32d: {  	v46 =	vor.u32 s31, v20;
	v26 =	vadd.s32 s30, v0;
	v27 =	vld.idx.msk [tilespmem:v27+s15+$0x0], $0xffff;
	v41 =	vor.u32 v24, v16  }
0x32e: {  	v42 =	vld.idx.msk [tilespmem:v29+s15+$0x0], $0xffff;
	v29 =	vand.u32 $0xF, v40;
	v45 =	vor.u32 s31, v36;
	v20 =	vor.u32 v21, v16  }
0x32f: {  	v28 =	vld.idx.msk [tilespmem:v28+s15+$0x0], $0xffff;
	v49 =	vor.u32 v43, v16;
	v23 =	vor.u32 v46, v16;
	v24 =	vshll.u32 v24, $0x7  }
0x330: {  	v31 =	vld.idx.msk [tilespmem:v31+s15+$0x0], $0xffff;
	v32 =	vshll.u32 v21, $0x7;
	v22 =	vmul.f32 $8.000000000e+00, v25;
	v25 =	vadd.s32 s1, v0  }
0x331: {  	v62 =	vld.idx.msk [tilespmem:v55+s15+$0x0], $0xffff;
	v34 =	vshll.u32 v43, $0x7;
	v26 =	vand.u32 $0xF, v26;
	v25 =	vand.u32 $0xF, v25  }
0x332: {  	v48 =	vor.u32 s31, v29;
	v29 =	vor.u32 v45, v16;
	v41 =	vld.idx.msk [tilespmem:v41+s15+$0x0], $0xffff;
	v44 =	vor.u32 s31, v25  }
0x333: {  	v61 =	vld.idx.msk [tilespmem:v30+s15+$0x0], $0xffff;
	v30 =	vor.u32 v7, v24;
	v38 =	vmul.f32 $8.000000000e+00, v38;
	v50 =	vor.u32 v44, v16  }
0x334: {  	v35 =	vshll.u32 v45, $0x7;
	v47 =	vor.u32 s31, v26;
	v63 =	vmul.f32 $8.000000000e+00, v28;
	[tilespmem:v56+s19+$0x0] =	vst.idx.msk $0xffff, v22  }
0x335: {  	v33 =	vshll.u32 v48, $0x7;
	v26 =	vor.u32 v47, v16;
	v42 =	vmul.f32 $8.000000000e+00, v42;
	[tilespmem:v57+s19+$0x0] =	vst.idx.msk $0xffff, v38  }
0x336: {  	v20 =	vld.idx.msk [tilespmem:v20+s15+$0x0], $0xffff;
	v24 =	vmul.f32 $8.000000000e+00, v62;
	v25 =	vor.u32 v48, v16;
	v22 =	vmul.f32 $8.000000000e+00, v27;
	[tilespmem:v59+s19+$0x0] =	vst.idx.msk $0xffff, v63  }
0x337: {  	v37 =	vshll.u32 v47, $0x7;
	v28 =	vmul.f32 $8.000000000e+00, v31;
	v21 =	vld.idx.msk [tilespmem:v49+s15+$0x0], $0xffff;
	[tilespmem:v39+s19+$0x0] =	vst.idx.msk $0xffff, v42;
	v38 =	vmul.f32 $8.000000000e+00, v41  }
0x338: {  	v31 =	vshll.u32 v46, $0x7;
	v27 =	vmul.f32 $8.000000000e+00, v61;
	v36 =	vshll.u32 v44, $0x7;
	[tilespmem:v58+s19+$0x0] =	vst.idx.msk $0xffff, v22;
	v22 =	vld.idx.msk [tilespmem:v50+s15+$0x0], $0xffff  }
.LBB2_27:
0x339: {  	s28 =	sadd.s32 $0x8, s28;
	v39 =	vor.u32 v7, v32;
	v40 =	vor.u32 v7, v34;
	v34 =	vld.idx.msk [tilespmem:v29+s15+$0x0], $0xffff;
	[tilespmem:v30+s19+$0x0] =	vst.idx.msk $0xffff, v38  }
0x33a: {  	v41 =	vor.u32 v7, v36;
	v42 =	vor.u32 v7, v35;
	s0 =	sand.u32 $0x8, s28;
	p0 =	slt.u32 s28, $0x38;
	v35 =	vld.idx.msk [tilespmem:v26+s15+$0x0], $0xffff;
	v26 =	vor.u32 v7, v37  }
0x33b: {  	v30 =	vor.u32 v7, v31;
	v29 =	vadd.s32 s0, v0;
	s1 =	sor.u32 $0x1, s0;
	s29 =	sor.u32 $0x2, s0;
	s30 =	sor.u32 $0x7, s0;
	v31 =	vld.idx.msk [tilespmem:v25+s15+$0x0], $0xffff;
	v25 =	vor.u32 v7, v33  }
0x33c: {  	s31 =	sor.u32 $0x5, s0;
	v32 =	vadd.s32 s1, v0;
	v33 =	vadd.s32 s29, v0;
	s1 =	sor.u32 $0x3, s0;
	s29 =	sor.u32 $0x4, s0;
	v36 =	vadd.s32 s30, v0;
	v37 =	vld.idx.msk [tilespmem:v23+s15+$0x0], $0xffff  }
0x33d: {  	s30 =	sand.u32 $0x30, s28;
	s0 =	sor.u32 $0x6, s0;
	v23 =	vadd.s32 s1, v0;
	v38 =	vadd.s32 s29, v0;
	v36 =	vand.u32 $0xF, v36;
	[tilespmem:v18+s19+$0x0] =	vst.idx.msk $0xffff, v27;
	v18 =	vmovc v26  }
0x33e: {  	v26 =	vadd.s32 s31, v0;
	v27 =	vadd.s32 s0, v0;
	v36 =	vor.u32 s30, v36;
	[tilespmem:v19+s19+$0x0] =	vst.idx.msk $0xffff, v28;
	v19 =	vmovc v25  }
0x33f: {  	v25 =	vand.u32 $0xF, v32;
	v28 =	vand.u32 $0xF, v33;
	v32 =	vor.u32 v36, v16;
	[tilespmem:v17+s19+$0x0] =	vst.idx.msk $0xffff, v24;
	v17 =	vmovc v30  }
0x340: {  	v23 =	vand.u32 $0xF, v23;
	v26 =	vand.u32 $0xF, v26;
	v24 =	vand.u32 $0xF, v38  }
0x341: {  	v29 =	vand.u32 $0xF, v29;
	v33 =	vor.u32 s30, v25;
	v25 =	vand.u32 $0xF, v27  }
0x342: {  	v28 =	vor.u32 s30, v28;
	v38 =	vor.u32 s30, v23;
	v43 =	vor.u32 s30, v24  }
0x343: {  	v44 =	vor.u32 s30, v29;
	v45 =	vor.u32 s30, v26;
	v46 =	vor.u32 s30, v25  }
0x344: {  	v24 =	vor.u32 v33, v16;
	v47 =	vor.u32 v28, v16;
	v48 =	vor.u32 v38, v16;
	v49 =	vld.idx.msk [tilespmem:v32+s15+$0x0], $0xffff  }
0x345: {  	v26 =	vor.u32 v45, v16;
	v29 =	vor.u32 v43, v16;
	v25 =	vor.u32 v46, v16  }
0x346: {  	v20 =	vmul.f32 $8.000000000e+00, v20;
	v23 =	vor.u32 v44, v16;
	v27 =	vshll.u32 v36, $0x7  }
.Ltmp14:
0x347: {  	v21 =	vmul.f32 $8.000000000e+00, v21;
	v22 =	vmul.f32 $8.000000000e+00, v22;
	v30 =	vor.u32 v7, v27;
	(pc) =	sbr.rel @p0 .LBB2_27-.Ltmp14, $4  }
0x348: {  	v27 =	vmul.f32 $8.000000000e+00, v35;
	v32 =	vshll.u32 v33, $0x7;
	[tilespmem:v39+s19+$0x0] =	vst.idx.msk $0xffff, v20;
	v39 =	vmul.f32 $8.000000000e+00, v34  }
0x349: {  	v34 =	vshll.u32 v28, $0x7;
	v28 =	vmul.f32 $8.000000000e+00, v31;
	v20 =	vld.idx.msk [tilespmem:v24+s15+$0x0], $0xffff;
	v24 =	vmul.f32 $8.000000000e+00, v37;
	[tilespmem:v40+s19+$0x0] =	vst.idx.msk $0xffff, v21  }
0x34a: {  	v36 =	vshll.u32 v38, $0x7;
	v35 =	vshll.u32 v43, $0x7;
	v38 =	vmul.f32 $8.000000000e+00, v49;
	v21 =	vld.idx.msk [tilespmem:v47+s15+$0x0], $0xffff;
	[tilespmem:v41+s19+$0x0] =	vst.idx.msk $0xffff, v22  }
0x34b: {  	v33 =	vshll.u32 v46, $0x7;
	v31 =	vshll.u32 v44, $0x7;
	v37 =	vshll.u32 v45, $0x7;
	v22 =	vld.idx.msk [tilespmem:v48+s15+$0x0], $0xffff;
	[tilespmem:v42+s19+$0x0] =	vst.idx.msk $0xffff, v39  }
0x34c: {  	_ =	sdelay $0x2  }
0x34d: {  	v16 =	vor.u32 v7, v32  }
0x34e: {  	v54 =	vor.u32 v7, v34;
	v29 =	vld.idx.msk [tilespmem:v29+s15+$0x0], $0xffff;
	[tilespmem:v30+s19+$0x0] =	vst.idx.msk $0xffff, v38  }
0x34f: {  	v30 =	vor.u32 v7, v36;
	v26 =	vld.idx.msk [tilespmem:v26+s15+$0x0], $0xffff;
	[tilespmem:v18+s19+$0x0] =	vst.idx.msk $0xffff, v27  }
0x350: {  	v18 =	vor.u32 v7, v35;
	v25 =	vld.idx.msk [tilespmem:v25+s15+$0x0], $0xffff;
	[tilespmem:v19+s19+$0x0] =	vst.idx.msk $0xffff, v28;
	v19 =	vmul.f32 $8.000000000e+00, v20  }
0x351: {  	v23 =	vld.idx.msk [tilespmem:v23+s15+$0x0], $0xffff;
	[tilespmem:v17+s19+$0x0] =	vst.idx.msk $0xffff, v24;
	v20 =	vor.u32 v7, v37;
	v17 =	vmul.f32 $8.000000000e+00, v21  }
0x352: {  	v21 =	vor.u32 v7, v33;
	v22 =	vmul.f32 $8.000000000e+00, v22;
	[tilespmem:v16+s19+$0x0] =	vst.idx.msk $0xffff, v19  }
0x353: {  	v16 =	vor.u32 v7, v31;
	v19 =	vmul.f32 $8.000000000e+00, v29;
	[tilespmem:v54+s19+$0x0] =	vst.idx.msk $0xffff, v17  }
0x354: {  	v17 =	vmul.f32 $8.000000000e+00, v26;
	[tilespmem:v30+s19+$0x0] =	vst.idx.msk $0xffff, v22  }
0x355: {  	s0 =	simm.s32 $0x0;
	v22 =	vmul.f32 $8.000000000e+00, v25;
	[tilespmem:v18+s19+$0x0] =	vst.idx.msk $0xffff, v19  }
0x356: {  	s1 =	sand.u32 $0x8, s0;
	v18 =	vmul.f32 $8.000000000e+00, v23;
	[tilespmem:v20+s19+$0x0] =	vst.idx.msk $0xffff, v17  }
0x357: {  	s29 =	sor.u32 $0x1, s1;
	s30 =	sor.u32 $0x2, s1;
	s31 =	sor.u32 $0x5, s1;
	v17 =	vadd.s32 s1, v0;
	[tilespmem:v21+s19+$0x0] =	vst.idx.msk $0xffff, v22  }
0x358: {  	v19 =	vadd.s32 s29, v0;
	v20 =	vadd.s32 s30, v0;
	s29 =	sor.u32 $0x4, s1;
	v23 =	vadd.s32 s31, v0;
	[tilespmem:v16+s19+$0x0] =	vst.idx.msk $0xffff, v18  }
0x359: {  	v22 =	vadd.s32 s29, v0;
	v19 =	vand.u32 $0xF, v19;
	v20 =	vand.u32 $0xF, v20;
	v16 =	vld [tilespmem:s26+$0x40]  }
0x35a: {  	s0 =	sand.u32 $0x30, s0;
	v23 =	vand.u32 $0xF, v23;
	v17 =	vand.u32 $0xF, v17;
	v22 =	vand.u32 $0xF, v22  }
0x35b: {  	s28 =	sor.u32 $0x7, s1;
	v19 =	vor.u32 s0, v19;
	v20 =	vor.u32 s0, v20;
	v17 =	vor.u32 s0, v17  }
0x35c: {  	v23 =	vor.u32 s0, v23;
	v18 =	vadd.s32 s28, v0;
	s28 =	sor.u32 $0x3, s1;
	s1 =	sor.u32 $0x6, s1;
	v22 =	vor.u32 s0, v22  }
0x35d: {  	v18 =	vand.u32 $0xF, v18;
	v21 =	vadd.s32 s28, v0;
	v24 =	vadd.s32 s1, v0  }
0x35e: {  	v18 =	vor.u32 s0, v18;
	v21 =	vand.u32 $0xF, v21;
	v16 =	vand.u32 $0x40, v16  }
0x35f: {  	v24 =	vand.u32 $0xF, v24;
	v21 =	vor.u32 s0, v21;
	v16 =	vor.u32 v8, v16  }
0x360: {  	v24 =	vor.u32 s0, v24;
	v25 =	vor.u32 v18, v16;
	v26 =	vor.u32 v19, v16  }
0x361: {  	v27 =	vor.u32 v20, v16;
	v28 =	vor.u32 v21, v16;
	v29 =	vor.u32 v22, v16  }
0x362: {  	v30 =	vor.u32 v23, v16;
	v31 =	vor.u32 v24, v16;
	v18 =	vshll.u32 v18, $0x7  }
0x363: {  	v55 =	vor.u32 v17, v16;
	v17 =	vshll.u32 v17, $0x7;
	v23 =	vshll.u32 v23, $0x7  }
0x364: {  	v24 =	vshll.u32 v24, $0x7;
	v56 =	vor.u32 v9, v18;
	v18 =	vshll.u32 v19, $0x7  }
0x365: {  	s28 =	simm.s32 $0x8;
	v19 =	vshll.u32 v20, $0x7;
	v20 =	vshll.u32 v21, $0x7;
	v21 =	vshll.u32 v22, $0x7  }
0x366: {  	s0 =	sand.u32 $0x8, s28;
	v17 =	vor.u32 v9, v17;
	v57 =	vor.u32 v9, v18;
	v58 =	vor.u32 v9, v19  }
0x367: {  	s29 =	sor.u32 $0x2, s0;
	v59 =	vor.u32 v9, v20;
	v39 =	vor.u32 v9, v21;
	v18 =	vor.u32 v9, v23  }
0x368: {  	s1 =	sor.u32 $0x1, s0;
	s31 =	sor.u32 $0x7, s0;
	v20 =	vadd.s32 s0, v0;
	v19 =	vor.u32 v9, v24;
	v23 =	vadd.s32 s29, v0;
	s29 =	sor.u32 $0x4, s0  }
0x369: {  	s30 =	sor.u32 $0x5, s0;
	v21 =	vadd.s32 s1, v0;
	s1 =	sor.u32 $0x3, s0;
	v24 =	vadd.s32 s31, v0;
	s0 =	sor.u32 $0x6, s0;
	v60 =	vadd.s32 s29, v0  }
0x36a: {  	s31 =	sand.u32 $0x30, s28;
	v24 =	vand.u32 $0xF, v24;
	v40 =	vadd.s32 s0, v0;
	v21 =	vand.u32 $0xF, v21  }
0x36b: {  	v23 =	vand.u32 $0xF, v23;
	v20 =	vand.u32 $0xF, v20;
	v24 =	vor.u32 s31, v24;
	v25 =	vld.idx.msk [tilespmem:v25+s15+$0x0], $0xffff  }
0x36c: {  	v36 =	vand.u32 $0xF, v60;
	v21 =	vor.u32 s31, v21;
	v43 =	vor.u32 s31, v23;
	v38 =	vld.idx.msk [tilespmem:v26+s15+$0x0], $0xffff  }
0x36d: {  	v46 =	vor.u32 s31, v20;
	v26 =	vadd.s32 s30, v0;
	v27 =	vld.idx.msk [tilespmem:v27+s15+$0x0], $0xffff;
	v41 =	vor.u32 v24, v16  }
0x36e: {  	v42 =	vld.idx.msk [tilespmem:v29+s15+$0x0], $0xffff;
	v29 =	vand.u32 $0xF, v40;
	v45 =	vor.u32 s31, v36;
	v20 =	vor.u32 v21, v16  }
0x36f: {  	v28 =	vld.idx.msk [tilespmem:v28+s15+$0x0], $0xffff;
	v49 =	vor.u32 v43, v16;
	v23 =	vor.u32 v46, v16;
	v24 =	vshll.u32 v24, $0x7  }
0x370: {  	v31 =	vld.idx.msk [tilespmem:v31+s15+$0x0], $0xffff;
	v32 =	vshll.u32 v21, $0x7;
	v22 =	vmul.f32 $8.000000000e+00, v25;
	v25 =	vadd.s32 s1, v0  }
0x371: {  	v62 =	vld.idx.msk [tilespmem:v55+s15+$0x0], $0xffff;
	v34 =	vshll.u32 v43, $0x7;
	v26 =	vand.u32 $0xF, v26;
	v25 =	vand.u32 $0xF, v25  }
0x372: {  	v48 =	vor.u32 s31, v29;
	v29 =	vor.u32 v45, v16;
	v41 =	vld.idx.msk [tilespmem:v41+s15+$0x0], $0xffff;
	v44 =	vor.u32 s31, v25  }
0x373: {  	v61 =	vld.idx.msk [tilespmem:v30+s15+$0x0], $0xffff;
	v30 =	vor.u32 v9, v24;
	v38 =	vmul.f32 $8.000000000e+00, v38;
	v50 =	vor.u32 v44, v16  }
0x374: {  	v35 =	vshll.u32 v45, $0x7;
	v47 =	vor.u32 s31, v26;
	v63 =	vmul.f32 $8.000000000e+00, v28;
	[tilespmem:v56+s19+$0x0] =	vst.idx.msk $0xffff, v22  }
0x375: {  	v33 =	vshll.u32 v48, $0x7;
	v26 =	vor.u32 v47, v16;
	v42 =	vmul.f32 $8.000000000e+00, v42;
	[tilespmem:v57+s19+$0x0] =	vst.idx.msk $0xffff, v38  }
0x376: {  	v20 =	vld.idx.msk [tilespmem:v20+s15+$0x0], $0xffff;
	v24 =	vmul.f32 $8.000000000e+00, v62;
	v25 =	vor.u32 v48, v16;
	v22 =	vmul.f32 $8.000000000e+00, v27;
	[tilespmem:v59+s19+$0x0] =	vst.idx.msk $0xffff, v63  }
0x377: {  	v37 =	vshll.u32 v47, $0x7;
	v28 =	vmul.f32 $8.000000000e+00, v31;
	v21 =	vld.idx.msk [tilespmem:v49+s15+$0x0], $0xffff;
	[tilespmem:v39+s19+$0x0] =	vst.idx.msk $0xffff, v42;
	v38 =	vmul.f32 $8.000000000e+00, v41  }
0x378: {  	v31 =	vshll.u32 v46, $0x7;
	v27 =	vmul.f32 $8.000000000e+00, v61;
	v36 =	vshll.u32 v44, $0x7;
	[tilespmem:v58+s19+$0x0] =	vst.idx.msk $0xffff, v22;
	v22 =	vld.idx.msk [tilespmem:v50+s15+$0x0], $0xffff  }
.LBB2_29:
0x379: {  	s28 =	sadd.s32 $0x8, s28;
	v39 =	vor.u32 v9, v32;
	v40 =	vor.u32 v9, v34;
	v34 =	vld.idx.msk [tilespmem:v29+s15+$0x0], $0xffff;
	[tilespmem:v30+s19+$0x0] =	vst.idx.msk $0xffff, v38  }
0x37a: {  	v41 =	vor.u32 v9, v36;
	v42 =	vor.u32 v9, v35;
	s0 =	sand.u32 $0x8, s28;
	p0 =	slt.u32 s28, $0x38;
	v35 =	vld.idx.msk [tilespmem:v26+s15+$0x0], $0xffff;
	v26 =	vor.u32 v9, v37  }
0x37b: {  	v30 =	vor.u32 v9, v31;
	v29 =	vadd.s32 s0, v0;
	s1 =	sor.u32 $0x1, s0;
	s29 =	sor.u32 $0x2, s0;
	s30 =	sor.u32 $0x7, s0;
	v31 =	vld.idx.msk [tilespmem:v25+s15+$0x0], $0xffff;
	v25 =	vor.u32 v9, v33  }
0x37c: {  	s31 =	sor.u32 $0x5, s0;
	v32 =	vadd.s32 s1, v0;
	v33 =	vadd.s32 s29, v0;
	s1 =	sor.u32 $0x3, s0;
	s29 =	sor.u32 $0x4, s0;
	v36 =	vadd.s32 s30, v0;
	v37 =	vld.idx.msk [tilespmem:v23+s15+$0x0], $0xffff  }
0x37d: {  	s30 =	sand.u32 $0x30, s28;
	s0 =	sor.u32 $0x6, s0;
	v23 =	vadd.s32 s1, v0;
	v38 =	vadd.s32 s29, v0;
	v36 =	vand.u32 $0xF, v36;
	[tilespmem:v18+s19+$0x0] =	vst.idx.msk $0xffff, v27;
	v18 =	vmovc v26  }
0x37e: {  	v26 =	vadd.s32 s31, v0;
	v27 =	vadd.s32 s0, v0;
	v36 =	vor.u32 s30, v36;
	[tilespmem:v19+s19+$0x0] =	vst.idx.msk $0xffff, v28;
	v19 =	vmovc v25  }
0x37f: {  	v25 =	vand.u32 $0xF, v32;
	v28 =	vand.u32 $0xF, v33;
	v32 =	vor.u32 v36, v16;
	[tilespmem:v17+s19+$0x0] =	vst.idx.msk $0xffff, v24;
	v17 =	vmovc v30  }
0x380: {  	v23 =	vand.u32 $0xF, v23;
	v26 =	vand.u32 $0xF, v26;
	v24 =	vand.u32 $0xF, v38  }
0x381: {  	v29 =	vand.u32 $0xF, v29;
	v33 =	vor.u32 s30, v25;
	v25 =	vand.u32 $0xF, v27  }
0x382: {  	v28 =	vor.u32 s30, v28;
	v38 =	vor.u32 s30, v23;
	v43 =	vor.u32 s30, v24  }
0x383: {  	v44 =	vor.u32 s30, v29;
	v45 =	vor.u32 s30, v26;
	v46 =	vor.u32 s30, v25  }
0x384: {  	v24 =	vor.u32 v33, v16;
	v47 =	vor.u32 v28, v16;
	v48 =	vor.u32 v38, v16;
	v49 =	vld.idx.msk [tilespmem:v32+s15+$0x0], $0xffff  }
0x385: {  	v26 =	vor.u32 v45, v16;
	v29 =	vor.u32 v43, v16;
	v25 =	vor.u32 v46, v16  }
0x386: {  	v20 =	vmul.f32 $8.000000000e+00, v20;
	v23 =	vor.u32 v44, v16;
	v27 =	vshll.u32 v36, $0x7  }
.Ltmp15:
0x387: {  	v21 =	vmul.f32 $8.000000000e+00, v21;
	v22 =	vmul.f32 $8.000000000e+00, v22;
	v30 =	vor.u32 v9, v27;
	(pc) =	sbr.rel @p0 .LBB2_29-.Ltmp15, $4  }
0x388: {  	v27 =	vmul.f32 $8.000000000e+00, v35;
	v32 =	vshll.u32 v33, $0x7;
	[tilespmem:v39+s19+$0x0] =	vst.idx.msk $0xffff, v20;
	v39 =	vmul.f32 $8.000000000e+00, v34  }
0x389: {  	v34 =	vshll.u32 v28, $0x7;
	v28 =	vmul.f32 $8.000000000e+00, v31;
	v20 =	vld.idx.msk [tilespmem:v24+s15+$0x0], $0xffff;
	v24 =	vmul.f32 $8.000000000e+00, v37;
	[tilespmem:v40+s19+$0x0] =	vst.idx.msk $0xffff, v21  }
0x38a: {  	v36 =	vshll.u32 v38, $0x7;
	v35 =	vshll.u32 v43, $0x7;
	v38 =	vmul.f32 $8.000000000e+00, v49;
	v21 =	vld.idx.msk [tilespmem:v47+s15+$0x0], $0xffff;
	[tilespmem:v41+s19+$0x0] =	vst.idx.msk $0xffff, v22  }
0x38b: {  	v33 =	vshll.u32 v46, $0x7;
	v31 =	vshll.u32 v44, $0x7;
	v37 =	vshll.u32 v45, $0x7;
	v22 =	vld.idx.msk [tilespmem:v48+s15+$0x0], $0xffff;
	[tilespmem:v42+s19+$0x0] =	vst.idx.msk $0xffff, v39  }
0x38c: {  	_ =	sdelay $0x2  }
0x38d: {  	v16 =	vor.u32 v9, v32  }
0x38e: {  	v54 =	vor.u32 v9, v34;
	v29 =	vld.idx.msk [tilespmem:v29+s15+$0x0], $0xffff;
	[tilespmem:v30+s19+$0x0] =	vst.idx.msk $0xffff, v38  }
0x38f: {  	v30 =	vor.u32 v9, v36;
	v26 =	vld.idx.msk [tilespmem:v26+s15+$0x0], $0xffff;
	[tilespmem:v18+s19+$0x0] =	vst.idx.msk $0xffff, v27  }
0x390: {  	v18 =	vor.u32 v9, v35;
	v25 =	vld.idx.msk [tilespmem:v25+s15+$0x0], $0xffff;
	[tilespmem:v19+s19+$0x0] =	vst.idx.msk $0xffff, v28;
	v19 =	vmul.f32 $8.000000000e+00, v20  }
0x391: {  	v23 =	vld.idx.msk [tilespmem:v23+s15+$0x0], $0xffff;
	[tilespmem:v17+s19+$0x0] =	vst.idx.msk $0xffff, v24;
	v20 =	vor.u32 v9, v37;
	v17 =	vmul.f32 $8.000000000e+00, v21  }
0x392: {  	v21 =	vor.u32 v9, v33;
	v22 =	vmul.f32 $8.000000000e+00, v22;
	[tilespmem:v16+s19+$0x0] =	vst.idx.msk $0xffff, v19  }
0x393: {  	v16 =	vor.u32 v9, v31;
	v19 =	vmul.f32 $8.000000000e+00, v29;
	[tilespmem:v54+s19+$0x0] =	vst.idx.msk $0xffff, v17  }
0x394: {  	v17 =	vmul.f32 $8.000000000e+00, v26;
	[tilespmem:v30+s19+$0x0] =	vst.idx.msk $0xffff, v22  }
0x395: {  	s0 =	simm.s32 $0x0;
	v22 =	vmul.f32 $8.000000000e+00, v25;
	[tilespmem:v18+s19+$0x0] =	vst.idx.msk $0xffff, v19  }
0x396: {  	s1 =	sand.u32 $0x8, s0;
	v18 =	vmul.f32 $8.000000000e+00, v23;
	[tilespmem:v20+s19+$0x0] =	vst.idx.msk $0xffff, v17  }
0x397: {  	s29 =	sor.u32 $0x1, s1;
	s30 =	sor.u32 $0x2, s1;
	s31 =	sor.u32 $0x5, s1;
	v17 =	vadd.s32 s1, v0;
	[tilespmem:v21+s19+$0x0] =	vst.idx.msk $0xffff, v22  }
0x398: {  	v19 =	vadd.s32 s29, v0;
	v20 =	vadd.s32 s30, v0;
	s29 =	sor.u32 $0x4, s1;
	v23 =	vadd.s32 s31, v0;
	[tilespmem:v16+s19+$0x0] =	vst.idx.msk $0xffff, v18  }
0x399: {  	v22 =	vadd.s32 s29, v0;
	v19 =	vand.u32 $0xF, v19;
	v20 =	vand.u32 $0xF, v20;
	v16 =	vld [tilespmem:s26+$0x50]  }
0x39a: {  	s0 =	sand.u32 $0x30, s0;
	v23 =	vand.u32 $0xF, v23;
	v17 =	vand.u32 $0xF, v17;
	v22 =	vand.u32 $0xF, v22  }
0x39b: {  	s28 =	sor.u32 $0x7, s1;
	v19 =	vor.u32 s0, v19;
	v20 =	vor.u32 s0, v20;
	v17 =	vor.u32 s0, v17  }
0x39c: {  	v23 =	vor.u32 s0, v23;
	v18 =	vadd.s32 s28, v0;
	s28 =	sor.u32 $0x3, s1;
	s1 =	sor.u32 $0x6, s1;
	v22 =	vor.u32 s0, v22  }
0x39d: {  	v18 =	vand.u32 $0xF, v18;
	v21 =	vadd.s32 s28, v0;
	v24 =	vadd.s32 s1, v0  }
0x39e: {  	v18 =	vor.u32 s0, v18;
	v21 =	vand.u32 $0xF, v21;
	v16 =	vand.u32 $0x40, v16  }
0x39f: {  	v24 =	vand.u32 $0xF, v24;
	v21 =	vor.u32 s0, v21;
	v16 =	vor.u32 v10, v16  }
0x3a0: {  	v24 =	vor.u32 s0, v24;
	v25 =	vor.u32 v18, v16;
	v26 =	vor.u32 v19, v16  }
0x3a1: {  	v27 =	vor.u32 v20, v16;
	v28 =	vor.u32 v21, v16;
	v29 =	vor.u32 v22, v16  }
0x3a2: {  	v30 =	vor.u32 v23, v16;
	v31 =	vor.u32 v24, v16;
	v18 =	vshll.u32 v18, $0x7  }
0x3a3: {  	v55 =	vor.u32 v17, v16;
	v17 =	vshll.u32 v17, $0x7;
	v23 =	vshll.u32 v23, $0x7  }
0x3a4: {  	v24 =	vshll.u32 v24, $0x7;
	v56 =	vor.u32 v11, v18;
	v18 =	vshll.u32 v19, $0x7  }
0x3a5: {  	s28 =	simm.s32 $0x8;
	v19 =	vshll.u32 v20, $0x7;
	v20 =	vshll.u32 v21, $0x7;
	v21 =	vshll.u32 v22, $0x7  }
0x3a6: {  	s0 =	sand.u32 $0x8, s28;
	v17 =	vor.u32 v11, v17;
	v57 =	vor.u32 v11, v18;
	v58 =	vor.u32 v11, v19  }
0x3a7: {  	s29 =	sor.u32 $0x2, s0;
	v59 =	vor.u32 v11, v20;
	v39 =	vor.u32 v11, v21;
	v18 =	vor.u32 v11, v23  }
0x3a8: {  	s1 =	sor.u32 $0x1, s0;
	s31 =	sor.u32 $0x7, s0;
	v20 =	vadd.s32 s0, v0;
	v19 =	vor.u32 v11, v24;
	v23 =	vadd.s32 s29, v0;
	s29 =	sor.u32 $0x4, s0  }
0x3a9: {  	s30 =	sor.u32 $0x5, s0;
	v21 =	vadd.s32 s1, v0;
	s1 =	sor.u32 $0x3, s0;
	v24 =	vadd.s32 s31, v0;
	s0 =	sor.u32 $0x6, s0;
	v60 =	vadd.s32 s29, v0  }
0x3aa: {  	s31 =	sand.u32 $0x30, s28;
	v24 =	vand.u32 $0xF, v24;
	v40 =	vadd.s32 s0, v0;
	v21 =	vand.u32 $0xF, v21  }
0x3ab: {  	v23 =	vand.u32 $0xF, v23;
	v20 =	vand.u32 $0xF, v20;
	v24 =	vor.u32 s31, v24;
	v25 =	vld.idx.msk [tilespmem:v25+s15+$0x0], $0xffff  }
0x3ac: {  	v36 =	vand.u32 $0xF, v60;
	v21 =	vor.u32 s31, v21;
	v43 =	vor.u32 s31, v23;
	v38 =	vld.idx.msk [tilespmem:v26+s15+$0x0], $0xffff  }
0x3ad: {  	v46 =	vor.u32 s31, v20;
	v26 =	vadd.s32 s30, v0;
	v27 =	vld.idx.msk [tilespmem:v27+s15+$0x0], $0xffff;
	v41 =	vor.u32 v24, v16  }
0x3ae: {  	v42 =	vld.idx.msk [tilespmem:v29+s15+$0x0], $0xffff;
	v29 =	vand.u32 $0xF, v40;
	v45 =	vor.u32 s31, v36;
	v20 =	vor.u32 v21, v16  }
0x3af: {  	v28 =	vld.idx.msk [tilespmem:v28+s15+$0x0], $0xffff;
	v49 =	vor.u32 v43, v16;
	v23 =	vor.u32 v46, v16;
	v24 =	vshll.u32 v24, $0x7  }
0x3b0: {  	v31 =	vld.idx.msk [tilespmem:v31+s15+$0x0], $0xffff;
	v32 =	vshll.u32 v21, $0x7;
	v22 =	vmul.f32 $8.000000000e+00, v25;
	v25 =	vadd.s32 s1, v0  }
0x3b1: {  	v62 =	vld.idx.msk [tilespmem:v55+s15+$0x0], $0xffff;
	v34 =	vshll.u32 v43, $0x7;
	v26 =	vand.u32 $0xF, v26;
	v25 =	vand.u32 $0xF, v25  }
0x3b2: {  	v48 =	vor.u32 s31, v29;
	v29 =	vor.u32 v45, v16;
	v41 =	vld.idx.msk [tilespmem:v41+s15+$0x0], $0xffff;
	v44 =	vor.u32 s31, v25  }
0x3b3: {  	v61 =	vld.idx.msk [tilespmem:v30+s15+$0x0], $0xffff;
	v30 =	vor.u32 v11, v24;
	v38 =	vmul.f32 $8.000000000e+00, v38;
	v50 =	vor.u32 v44, v16  }
0x3b4: {  	v35 =	vshll.u32 v45, $0x7;
	v47 =	vor.u32 s31, v26;
	v63 =	vmul.f32 $8.000000000e+00, v28;
	[tilespmem:v56+s19+$0x0] =	vst.idx.msk $0xffff, v22  }
0x3b5: {  	v33 =	vshll.u32 v48, $0x7;
	v26 =	vor.u32 v47, v16;
	v42 =	vmul.f32 $8.000000000e+00, v42;
	[tilespmem:v57+s19+$0x0] =	vst.idx.msk $0xffff, v38  }
0x3b6: {  	v20 =	vld.idx.msk [tilespmem:v20+s15+$0x0], $0xffff;
	v24 =	vmul.f32 $8.000000000e+00, v62;
	v25 =	vor.u32 v48, v16;
	v22 =	vmul.f32 $8.000000000e+00, v27;
	[tilespmem:v59+s19+$0x0] =	vst.idx.msk $0xffff, v63  }
0x3b7: {  	v37 =	vshll.u32 v47, $0x7;
	v28 =	vmul.f32 $8.000000000e+00, v31;
	v21 =	vld.idx.msk [tilespmem:v49+s15+$0x0], $0xffff;
	[tilespmem:v39+s19+$0x0] =	vst.idx.msk $0xffff, v42;
	v38 =	vmul.f32 $8.000000000e+00, v41  }
0x3b8: {  	v31 =	vshll.u32 v46, $0x7;
	v27 =	vmul.f32 $8.000000000e+00, v61;
	v36 =	vshll.u32 v44, $0x7;
	[tilespmem:v58+s19+$0x0] =	vst.idx.msk $0xffff, v22;
	v22 =	vld.idx.msk [tilespmem:v50+s15+$0x0], $0xffff  }
.LBB2_31:
0x3b9: {  	s28 =	sadd.s32 $0x8, s28;
	v39 =	vor.u32 v11, v32;
	v40 =	vor.u32 v11, v34;
	v34 =	vld.idx.msk [tilespmem:v29+s15+$0x0], $0xffff;
	[tilespmem:v30+s19+$0x0] =	vst.idx.msk $0xffff, v38  }
0x3ba: {  	v41 =	vor.u32 v11, v36;
	v42 =	vor.u32 v11, v35;
	s0 =	sand.u32 $0x8, s28;
	p0 =	slt.u32 s28, $0x38;
	v35 =	vld.idx.msk [tilespmem:v26+s15+$0x0], $0xffff;
	v26 =	vor.u32 v11, v37  }
0x3bb: {  	v30 =	vor.u32 v11, v31;
	v29 =	vadd.s32 s0, v0;
	s1 =	sor.u32 $0x1, s0;
	s29 =	sor.u32 $0x2, s0;
	s30 =	sor.u32 $0x7, s0;
	v31 =	vld.idx.msk [tilespmem:v25+s15+$0x0], $0xffff;
	v25 =	vor.u32 v11, v33  }
0x3bc: {  	s31 =	sor.u32 $0x5, s0;
	v32 =	vadd.s32 s1, v0;
	v33 =	vadd.s32 s29, v0;
	s1 =	sor.u32 $0x3, s0;
	s29 =	sor.u32 $0x4, s0;
	v36 =	vadd.s32 s30, v0;
	v37 =	vld.idx.msk [tilespmem:v23+s15+$0x0], $0xffff  }
0x3bd: {  	s30 =	sand.u32 $0x30, s28;
	s0 =	sor.u32 $0x6, s0;
	v23 =	vadd.s32 s1, v0;
	v38 =	vadd.s32 s29, v0;
	v36 =	vand.u32 $0xF, v36;
	[tilespmem:v18+s19+$0x0] =	vst.idx.msk $0xffff, v27;
	v18 =	vmovc v26  }
0x3be: {  	v26 =	vadd.s32 s31, v0;
	v27 =	vadd.s32 s0, v0;
	v36 =	vor.u32 s30, v36;
	[tilespmem:v19+s19+$0x0] =	vst.idx.msk $0xffff, v28;
	v19 =	vmovc v25  }
0x3bf: {  	v25 =	vand.u32 $0xF, v32;
	v28 =	vand.u32 $0xF, v33;
	v32 =	vor.u32 v36, v16;
	[tilespmem:v17+s19+$0x0] =	vst.idx.msk $0xffff, v24;
	v17 =	vmovc v30  }
0x3c0: {  	v23 =	vand.u32 $0xF, v23;
	v26 =	vand.u32 $0xF, v26;
	v24 =	vand.u32 $0xF, v38  }
0x3c1: {  	v29 =	vand.u32 $0xF, v29;
	v33 =	vor.u32 s30, v25;
	v25 =	vand.u32 $0xF, v27  }
0x3c2: {  	v28 =	vor.u32 s30, v28;
	v38 =	vor.u32 s30, v23;
	v43 =	vor.u32 s30, v24  }
0x3c3: {  	v44 =	vor.u32 s30, v29;
	v45 =	vor.u32 s30, v26;
	v46 =	vor.u32 s30, v25  }
0x3c4: {  	v24 =	vor.u32 v33, v16;
	v47 =	vor.u32 v28, v16;
	v48 =	vor.u32 v38, v16;
	v49 =	vld.idx.msk [tilespmem:v32+s15+$0x0], $0xffff  }
0x3c5: {  	v26 =	vor.u32 v45, v16;
	v29 =	vor.u32 v43, v16;
	v25 =	vor.u32 v46, v16  }
0x3c6: {  	v20 =	vmul.f32 $8.000000000e+00, v20;
	v23 =	vor.u32 v44, v16;
	v27 =	vshll.u32 v36, $0x7  }
.Ltmp16:
0x3c7: {  	v21 =	vmul.f32 $8.000000000e+00, v21;
	v22 =	vmul.f32 $8.000000000e+00, v22;
	v30 =	vor.u32 v11, v27;
	(pc) =	sbr.rel @p0 .LBB2_31-.Ltmp16, $4  }
0x3c8: {  	v27 =	vmul.f32 $8.000000000e+00, v35;
	v32 =	vshll.u32 v33, $0x7;
	[tilespmem:v39+s19+$0x0] =	vst.idx.msk $0xffff, v20;
	v39 =	vmul.f32 $8.000000000e+00, v34  }
0x3c9: {  	v34 =	vshll.u32 v28, $0x7;
	v28 =	vmul.f32 $8.000000000e+00, v31;
	v20 =	vld.idx.msk [tilespmem:v24+s15+$0x0], $0xffff;
	v24 =	vmul.f32 $8.000000000e+00, v37;
	[tilespmem:v40+s19+$0x0] =	vst.idx.msk $0xffff, v21  }
0x3ca: {  	v36 =	vshll.u32 v38, $0x7;
	v35 =	vshll.u32 v43, $0x7;
	v38 =	vmul.f32 $8.000000000e+00, v49;
	v21 =	vld.idx.msk [tilespmem:v47+s15+$0x0], $0xffff;
	[tilespmem:v41+s19+$0x0] =	vst.idx.msk $0xffff, v22  }
0x3cb: {  	v33 =	vshll.u32 v46, $0x7;
	v31 =	vshll.u32 v44, $0x7;
	v37 =	vshll.u32 v45, $0x7;
	v22 =	vld.idx.msk [tilespmem:v48+s15+$0x0], $0xffff;
	[tilespmem:v42+s19+$0x0] =	vst.idx.msk $0xffff, v39  }
0x3cc: {  	_ =	sdelay $0x2  }
0x3cd: {  	v16 =	vor.u32 v11, v32  }
0x3ce: {  	v53 =	vor.u32 v11, v34;
	v29 =	vld.idx.msk [tilespmem:v29+s15+$0x0], $0xffff;
	[tilespmem:v30+s19+$0x0] =	vst.idx.msk $0xffff, v38  }
0x3cf: {  	v30 =	vor.u32 v11, v36;
	v26 =	vld.idx.msk [tilespmem:v26+s15+$0x0], $0xffff;
	[tilespmem:v18+s19+$0x0] =	vst.idx.msk $0xffff, v27  }
0x3d0: {  	v18 =	vor.u32 v11, v35;
	v25 =	vld.idx.msk [tilespmem:v25+s15+$0x0], $0xffff;
	[tilespmem:v19+s19+$0x0] =	vst.idx.msk $0xffff, v28;
	v19 =	vmul.f32 $8.000000000e+00, v20  }
0x3d1: {  	v23 =	vld.idx.msk [tilespmem:v23+s15+$0x0], $0xffff;
	[tilespmem:v17+s19+$0x0] =	vst.idx.msk $0xffff, v24;
	v20 =	vor.u32 v11, v37;
	v17 =	vmul.f32 $8.000000000e+00, v21  }
0x3d2: {  	v21 =	vor.u32 v11, v33;
	v22 =	vmul.f32 $8.000000000e+00, v22;
	[tilespmem:v16+s19+$0x0] =	vst.idx.msk $0xffff, v19  }
0x3d3: {  	v16 =	vor.u32 v11, v31;
	v19 =	vmul.f32 $8.000000000e+00, v29;
	[tilespmem:v53+s19+$0x0] =	vst.idx.msk $0xffff, v17  }
0x3d4: {  	v17 =	vmul.f32 $8.000000000e+00, v26;
	[tilespmem:v30+s19+$0x0] =	vst.idx.msk $0xffff, v22  }
0x3d5: {  	v22 =	vmul.f32 $8.000000000e+00, v25;
	[tilespmem:v18+s19+$0x0] =	vst.idx.msk $0xffff, v19  }
0x3d6: {  	s0 =	simm.s32 $0x0;
	v18 =	vmul.f32 $8.000000000e+00, v23;
	[tilespmem:v20+s19+$0x0] =	vst.idx.msk $0xffff, v17  }
0x3d7: {  	s1 =	sand.u32 $0x8, s0;
	[tilespmem:v21+s19+$0x0] =	vst.idx.msk $0xffff, v22  }
0x3d8: {  	s28 =	sor.u32 $0x7, s1;
	[tilespmem:v16+s19+$0x0] =	vst.idx.msk $0xffff, v18  }
0x3d9: {  	s30 =	sor.u32 $0x2, s1;
	v17 =	vadd.s32 s28, v0;
	s28 =	sor.u32 $0x3, s1;
	v16 =	vld [tilespmem:s26+$0x60]  }
0x3da: {  	s0 =	sand.u32 $0x30, s0;
	s31 =	sor.u32 $0x5, s1;
	v19 =	vadd.s32 s30, v0;
	v17 =	vand.u32 $0xF, v17;
	v20 =	vadd.s32 s28, v0  }
0x3db: {  	v22 =	vadd.s32 s31, v0;
	v19 =	vand.u32 $0xF, v19;
	v17 =	vor.u32 s0, v17  }
0x3dc: {  	s29 =	sor.u32 $0x1, s1;
	v20 =	vand.u32 $0xF, v20;
	v22 =	vand.u32 $0xF, v22;
	v19 =	vor.u32 s0, v19  }
0x3dd: {  	v18 =	vadd.s32 s29, v0;
	s29 =	sor.u32 $0x4, s1;
	v20 =	vor.u32 s0, v20;
	v22 =	vor.u32 s0, v22  }
0x3de: {  	v21 =	vadd.s32 s29, v0;
	v18 =	vand.u32 $0xF, v18;
	v16 =	vand.u32 $0x40, v16  }
0x3df: {  	v21 =	vand.u32 $0xF, v21;
	v14 =	vor.u32 v14, v16;
	v16 =	vadd.s32 s1, v0;
	s1 =	sor.u32 $0x6, s1  }
0x3e0: {  	v18 =	vor.u32 s0, v18;
	v21 =	vor.u32 s0, v21;
	v23 =	vadd.s32 s1, v0  }
0x3e1: {  	v24 =	vor.u32 v17, v14;
	v16 =	vand.u32 $0xF, v16;
	v25 =	vor.u32 v18, v14  }
0x3e2: {  	v26 =	vor.u32 v19, v14;
	v27 =	vor.u32 v20, v14;
	v28 =	vor.u32 v21, v14  }
0x3e3: {  	v29 =	vor.u32 v22, v14;
	v17 =	vshll.u32 v17, $0x7;
	v22 =	vshll.u32 v22, $0x7  }
0x3e4: {  	v23 =	vand.u32 $0xF, v23;
	v16 =	vor.u32 s0, v16;
	v54 =	vor.u32 v12, v17  }
0x3e5: {  	v17 =	vshll.u32 v18, $0x7;
	v18 =	vshll.u32 v19, $0x7;
	v19 =	vshll.u32 v20, $0x7  }
0x3e6: {  	v20 =	vshll.u32 v21, $0x7;
	v23 =	vor.u32 s0, v23;
	v31 =	vor.u32 v16, v14  }
0x3e7: {  	s28 =	simm.s32 $0x8;
	v16 =	vshll.u32 v16, $0x7;
	v55 =	vor.u32 v12, v17;
	v56 =	vor.u32 v12, v18  }
0x3e8: {  	s0 =	sand.u32 $0x8, s28;
	v57 =	vor.u32 v12, v19;
	v58 =	vor.u32 v12, v20;
	v17 =	vor.u32 v12, v22  }
0x3e9: {  	v30 =	vor.u32 v23, v14;
	v23 =	vshll.u32 v23, $0x7;
	v19 =	vadd.s32 s0, v0;
	s1 =	sor.u32 $0x1, s0  }
0x3ea: {  	s29 =	sor.u32 $0x2, s0;
	s31 =	sor.u32 $0x7, s0;
	v16 =	vor.u32 v12, v16;
	v18 =	vor.u32 v12, v23;
	v20 =	vadd.s32 s1, v0  }
0x3eb: {  	s30 =	sor.u32 $0x5, s0;
	v22 =	vadd.s32 s29, v0;
	s29 =	sor.u32 $0x4, s0;
	v23 =	vadd.s32 s31, v0;
	v19 =	vand.u32 $0xF, v19  }
0x3ec: {  	s1 =	sor.u32 $0x3, s0;
	s0 =	sor.u32 $0x6, s0;
	v59 =	vadd.s32 s29, v0;
	v23 =	vand.u32 $0xF, v23;
	v60 =	vld.idx.msk [tilespmem:v25+s15+$0x0], $0xffff;
	v25 =	vadd.s32 s30, v0  }
0x3ed: {  	s31 =	sand.u32 $0x30, s28;
	v24 =	vld.idx.msk [tilespmem:v24+s15+$0x0], $0xffff;
	v39 =	vadd.s32 s0, v0;
	v20 =	vand.u32 $0xF, v20;
	v22 =	vand.u32 $0xF, v22  }
0x3ee: {  	v45 =	vor.u32 s31, v19;
	v23 =	vor.u32 s31, v23;
	v35 =	vand.u32 $0xF, v59  }
0x3ef: {  	v26 =	vld.idx.msk [tilespmem:v26+s15+$0x0], $0xffff;
	v25 =	vand.u32 $0xF, v25;
	v20 =	vor.u32 s31, v20;
	v40 =	vor.u32 v23, v14  }
0x3f0: {  	v41 =	vld.idx.msk [tilespmem:v28+s15+$0x0], $0xffff;
	v28 =	vand.u32 $0xF, v39;
	v42 =	vor.u32 s31, v22;
	v22 =	vor.u32 v45, v14  }
0x3f1: {  	v27 =	vld.idx.msk [tilespmem:v27+s15+$0x0], $0xffff;
	v44 =	vor.u32 s31, v35;
	v46 =	vor.u32 s31, v25;
	v47 =	vor.u32 s31, v28  }
0x3f2: {  	v61 =	vld.idx.msk [tilespmem:v29+s15+$0x0], $0xffff;
	v19 =	vor.u32 v20, v14;
	v21 =	vmul.f32 $8.000000000e+00, v24;
	v24 =	vadd.s32 s1, v0  }
0x3f3: {  	v62 =	vld.idx.msk [tilespmem:v31+s15+$0x0], $0xffff;
	v48 =	vor.u32 v42, v14;
	v23 =	vshll.u32 v23, $0x7;
	v24 =	vand.u32 $0xF, v24  }
0x3f4: {  	v31 =	vshll.u32 v20, $0x7;
	v33 =	vshll.u32 v42, $0x7;
	v43 =	vor.u32 s31, v24;
	v40 =	vld.idx.msk [tilespmem:v40+s15+$0x0], $0xffff  }
0x3f5: {  	v30 =	vld.idx.msk [tilespmem:v30+s15+$0x0], $0xffff;
	v28 =	vor.u32 v44, v14;
	v37 =	vmul.f32 $8.000000000e+00, v60;
	v49 =	vor.u32 v43, v14  }
0x3f6: {  	v25 =	vor.u32 v46, v14;
	v29 =	vor.u32 v12, v23;
	v63 =	vmul.f32 $8.000000000e+00, v27;
	[tilespmem:v54+s19+$0x0] =	vst.idx.msk $0xffff, v21  }
0x3f7: {  	v34 =	vshll.u32 v44, $0x7;
	v36 =	vshll.u32 v46, $0x7;
	v41 =	vmul.f32 $8.000000000e+00, v41;
	[tilespmem:v55+s19+$0x0] =	vst.idx.msk $0xffff, v37  }
0x3f8: {  	v24 =	vor.u32 v47, v14;
	v21 =	vmul.f32 $8.000000000e+00, v26;
	v26 =	vmul.f32 $8.000000000e+00, v61;
	v19 =	vld.idx.msk [tilespmem:v19+s15+$0x0], $0xffff;
	[tilespmem:v57+s19+$0x0] =	vst.idx.msk $0xffff, v63  }
0x3f9: {  	v32 =	vshll.u32 v47, $0x7;
	v23 =	vmul.f32 $8.000000000e+00, v62;
	v20 =	vld.idx.msk [tilespmem:v48+s15+$0x0], $0xffff;
	[tilespmem:v58+s19+$0x0] =	vst.idx.msk $0xffff, v41;
	v37 =	vmul.f32 $8.000000000e+00, v40  }
0x3fa: {  	v27 =	vmul.f32 $8.000000000e+00, v30;
	v35 =	vshll.u32 v43, $0x7;
	v30 =	vshll.u32 v45, $0x7;
	[tilespmem:v56+s19+$0x0] =	vst.idx.msk $0xffff, v21;
	v21 =	vld.idx.msk [tilespmem:v49+s15+$0x0], $0xffff  }
.LBB2_33:
0x3fb: {  	s28 =	sadd.s32 $0x8, s28;
	v38 =	vor.u32 v12, v31;
	v39 =	vor.u32 v12, v33;
	v33 =	vld.idx.msk [tilespmem:v28+s15+$0x0], $0xffff;
	[tilespmem:v29+s19+$0x0] =	vst.idx.msk $0xffff, v37  }
0x3fc: {  	v40 =	vor.u32 v12, v35;
	v41 =	vor.u32 v12, v34;
	s0 =	sand.u32 $0x8, s28;
	p0 =	slt.u32 s28, $0x38;
	v34 =	vld.idx.msk [tilespmem:v25+s15+$0x0], $0xffff;
	v25 =	vor.u32 v12, v36  }
0x3fd: {  	v29 =	vor.u32 v12, v30;
	v28 =	vadd.s32 s0, v0;
	s1 =	sor.u32 $0x1, s0;
	s29 =	sor.u32 $0x2, s0;
	s30 =	sor.u32 $0x7, s0;
	v30 =	vld.idx.msk [tilespmem:v24+s15+$0x0], $0xffff;
	v24 =	vor.u32 v12, v32  }
0x3fe: {  	s31 =	sor.u32 $0x5, s0;
	v31 =	vadd.s32 s1, v0;
	v32 =	vadd.s32 s29, v0;
	s1 =	sor.u32 $0x3, s0;
	s29 =	sor.u32 $0x4, s0;
	v35 =	vadd.s32 s30, v0;
	v36 =	vld.idx.msk [tilespmem:v22+s15+$0x0], $0xffff  }
0x3ff: {  	s30 =	sand.u32 $0x30, s28;
	s0 =	sor.u32 $0x6, s0;
	v22 =	vadd.s32 s1, v0;
	v37 =	vadd.s32 s29, v0;
	v35 =	vand.u32 $0xF, v35;
	[tilespmem:v17+s19+$0x0] =	vst.idx.msk $0xffff, v26;
	v17 =	vmovc v25  }
0x400: {  	v25 =	vadd.s32 s31, v0;
	v26 =	vadd.s32 s0, v0;
	v35 =	vor.u32 s30, v35;
	[tilespmem:v18+s19+$0x0] =	vst.idx.msk $0xffff, v27;
	v18 =	vmovc v24  }
0x401: {  	v24 =	vand.u32 $0xF, v31;
	v27 =	vand.u32 $0xF, v32;
	v31 =	vor.u32 v35, v14;
	[tilespmem:v16+s19+$0x0] =	vst.idx.msk $0xffff, v23;
	v16 =	vmovc v29  }
0x402: {  	v22 =	vand.u32 $0xF, v22;
	v25 =	vand.u32 $0xF, v25;
	v23 =	vand.u32 $0xF, v37  }
0x403: {  	v28 =	vand.u32 $0xF, v28;
	v32 =	vor.u32 s30, v24;
	v24 =	vand.u32 $0xF, v26  }
0x404: {  	v27 =	vor.u32 s30, v27;
	v37 =	vor.u32 s30, v22;
	v42 =	vor.u32 s30, v23  }
0x405: {  	v43 =	vor.u32 s30, v28;
	v44 =	vor.u32 s30, v25;
	v45 =	vor.u32 s30, v24  }
0x406: {  	v23 =	vor.u32 v32, v14;
	v46 =	vor.u32 v27, v14;
	v47 =	vor.u32 v37, v14;
	v48 =	vld.idx.msk [tilespmem:v31+s15+$0x0], $0xffff  }
0x407: {  	v25 =	vor.u32 v44, v14;
	v28 =	vor.u32 v42, v14;
	v24 =	vor.u32 v45, v14  }
0x408: {  	v19 =	vmul.f32 $8.000000000e+00, v19;
	v22 =	vor.u32 v43, v14;
	v26 =	vshll.u32 v35, $0x7  }
.Ltmp17:
0x409: {  	v20 =	vmul.f32 $8.000000000e+00, v20;
	v21 =	vmul.f32 $8.000000000e+00, v21;
	v29 =	vor.u32 v12, v26;
	(pc) =	sbr.rel @p0 .LBB2_33-.Ltmp17, $4  }
0x40a: {  	v26 =	vmul.f32 $8.000000000e+00, v34;
	v31 =	vshll.u32 v32, $0x7;
	[tilespmem:v38+s19+$0x0] =	vst.idx.msk $0xffff, v19;
	v38 =	vmul.f32 $8.000000000e+00, v33  }
0x40b: {  	v33 =	vshll.u32 v27, $0x7;
	v27 =	vmul.f32 $8.000000000e+00, v30;
	v19 =	vld.idx.msk [tilespmem:v23+s15+$0x0], $0xffff;
	v23 =	vmul.f32 $8.000000000e+00, v36;
	[tilespmem:v39+s19+$0x0] =	vst.idx.msk $0xffff, v20  }
0x40c: {  	v35 =	vshll.u32 v37, $0x7;
	v34 =	vshll.u32 v42, $0x7;
	v37 =	vmul.f32 $8.000000000e+00, v48;
	v20 =	vld.idx.msk [tilespmem:v46+s15+$0x0], $0xffff;
	[tilespmem:v40+s19+$0x0] =	vst.idx.msk $0xffff, v21  }
0x40d: {  	v32 =	vshll.u32 v45, $0x7;
	v30 =	vshll.u32 v43, $0x7;
	v36 =	vshll.u32 v44, $0x7;
	v21 =	vld.idx.msk [tilespmem:v47+s15+$0x0], $0xffff;
	[tilespmem:v41+s19+$0x0] =	vst.idx.msk $0xffff, v38  }
0x40e: {  	_ =	sdelay $0x2  }
0x40f: {  	v14 =	vor.u32 v12, v31  }
0x410: {  	v31 =	vor.u32 v12, v33;
	v28 =	vld.idx.msk [tilespmem:v28+s15+$0x0], $0xffff;
	[tilespmem:v29+s19+$0x0] =	vst.idx.msk $0xffff, v37  }
0x411: {  	v29 =	vor.u32 v12, v35;
	v25 =	vld.idx.msk [tilespmem:v25+s15+$0x0], $0xffff;
	[tilespmem:v17+s19+$0x0] =	vst.idx.msk $0xffff, v26  }
0x412: {  	v17 =	vor.u32 v12, v34;
	v24 =	vld.idx.msk [tilespmem:v24+s15+$0x0], $0xffff;
	[tilespmem:v18+s19+$0x0] =	vst.idx.msk $0xffff, v27;
	v18 =	vmul.f32 $8.000000000e+00, v19  }
0x413: {  	v22 =	vld.idx.msk [tilespmem:v22+s15+$0x0], $0xffff;
	[tilespmem:v16+s19+$0x0] =	vst.idx.msk $0xffff, v23;
	v19 =	vor.u32 v12, v36;
	v16 =	vmul.f32 $8.000000000e+00, v20  }
0x414: {  	v20 =	vor.u32 v12, v32;
	v21 =	vmul.f32 $8.000000000e+00, v21;
	[tilespmem:v14+s19+$0x0] =	vst.idx.msk $0xffff, v18  }
0x415: {  	v12 =	vor.u32 v12, v30;
	v14 =	vmul.f32 $8.000000000e+00, v28;
	[tilespmem:v31+s19+$0x0] =	vst.idx.msk $0xffff, v16  }
0x416: {  	v16 =	vmul.f32 $8.000000000e+00, v25;
	[tilespmem:v29+s19+$0x0] =	vst.idx.msk $0xffff, v21  }
0x417: {  	v18 =	vmul.f32 $8.000000000e+00, v24;
	[tilespmem:v17+s19+$0x0] =	vst.idx.msk $0xffff, v14  }
0x418: {  	v14 =	vmul.f32 $8.000000000e+00, v22;
	[tilespmem:v19+s19+$0x0] =	vst.idx.msk $0xffff, v16  }
0x419: {  	s0 =	simm.s32 $0x0;
	[tilespmem:v20+s19+$0x0] =	vst.idx.msk $0xffff, v18  }
0x41a: {  	s1 =	sand.u32 $0x8, s0;
	[tilespmem:v12+s19+$0x0] =	vst.idx.msk $0xffff, v14  }
0x41b: {  	s28 =	sor.u32 $0x1, s1;
	v12 =	vld [tilespmem:s26+$0x70]  }
0x41c: {  	s29 =	sor.u32 $0x2, s1;
	s31 =	sor.u32 $0x4, s1;
	v16 =	vadd.s32 s28, v0  }
0x41d: {  	v17 =	vadd.s32 s29, v0;
	v19 =	vadd.s32 s31, v0;
	v16 =	vand.u32 $0xF, v16  }
0x41e: {  	s0 =	sand.u32 $0x30, s0;
	v17 =	vand.u32 $0xF, v17;
	v19 =	vand.u32 $0xF, v19;
	v14 =	vadd.s32 s1, v0  }
0x41f: {  	v16 =	vor.u32 s0, v16;
	v17 =	vor.u32 s0, v17;
	v19 =	vor.u32 s0, v19;
	s26 =	sor.u32 $0x3, s1  }
0x420: {  	s30 =	sor.u32 $0x7, s1;
	v14 =	vand.u32 $0xF, v14;
	v18 =	vadd.s32 s26, v0;
	v12 =	vand.u32 $0x40, v12  }
0x421: {  	v18 =	vand.u32 $0xF, v18;
	v12 =	vor.u32 v15, v12;
	v15 =	vadd.s32 s30, v0  }
0x422: {  	v14 =	vor.u32 s0, v14;
	v18 =	vor.u32 s0, v18;
	s30 =	sor.u32 $0x5, s1;
	s1 =	sor.u32 $0x6, s1;
	v15 =	vand.u32 $0xF, v15  }
0x423: {  	v20 =	vadd.s32 s30, v0;
	v21 =	vadd.s32 s1, v0;
	v23 =	vor.u32 v16, v12  }
0x424: {  	v24 =	vor.u32 v17, v12;
	v25 =	vor.u32 v18, v12;
	v26 =	vor.u32 v19, v12  }
0x425: {  	v29 =	vor.u32 v14, v12;
	v14 =	vshll.u32 v14, $0x7;
	v15 =	vor.u32 s0, v15  }
0x426: {  	v20 =	vand.u32 $0xF, v20;
	v21 =	vand.u32 $0xF, v21;
	v14 =	vor.u32 v13, v14  }
0x427: {  	v22 =	vor.u32 v15, v12;
	v20 =	vor.u32 s0, v20;
	v21 =	vor.u32 s0, v21  }
0x428: {  	v15 =	vshll.u32 v15, $0x7;
	v27 =	vor.u32 v20, v12;
	v28 =	vor.u32 v21, v12  }
0x429: {  	v30 =	vor.u32 v13, v15;
	v15 =	vshll.u32 v16, $0x7;
	v16 =	vshll.u32 v17, $0x7  }
0x42a: {  	s26 =	simm.s32 $0x8;
	v17 =	vshll.u32 v18, $0x7;
	v18 =	vshll.u32 v19, $0x7;
	v20 =	vshll.u32 v20, $0x7  }
0x42b: {  	s0 =	sand.u32 $0x8, s26;
	v21 =	vshll.u32 v21, $0x7;
	v31 =	vor.u32 v13, v15;
	v56 =	vor.u32 v13, v16  }
0x42c: {  	s1 =	sor.u32 $0x1, s0;
	v57 =	vor.u32 v13, v17;
	v58 =	vor.u32 v13, v18;
	v15 =	vor.u32 v13, v20  }
0x42d: {  	s31 =	sor.u32 $0x2, s0;
	s30 =	sor.u32 $0x7, s0;
	s28 =	sor.u32 $0x4, s0;
	v17 =	vadd.s32 s0, v0;
	v16 =	vor.u32 v13, v21;
	v18 =	vadd.s32 s1, v0  }
0x42e: {  	v20 =	vadd.s32 s31, v0;
	s1 =	sor.u32 $0x3, s0;
	v21 =	vadd.s32 s30, v0;
	s31 =	sor.u32 $0x5, s0;
	v59 =	vadd.s32 s28, v0;
	s0 =	sor.u32 $0x6, s0  }
0x42f: {  	v21 =	vand.u32 $0xF, v21;
	v60 =	vld.idx.msk [tilespmem:v23+s15+$0x0], $0xffff;
	v23 =	vadd.s32 s31, v0;
	v61 =	vadd.s32 s0, v0  }
0x430: {  	s30 =	sand.u32 $0x30, s26;
	v18 =	vand.u32 $0xF, v18;
	v20 =	vand.u32 $0xF, v20;
	v33 =	vand.u32 $0xF, v59;
	v22 =	vld.idx.msk [tilespmem:v22+s15+$0x0], $0xffff  }
0x431: {  	v24 =	vld.idx.msk [tilespmem:v24+s15+$0x0], $0xffff;
	v17 =	vand.u32 $0xF, v17;
	v21 =	vor.u32 s30, v21;
	v23 =	vand.u32 $0xF, v23  }
0x432: {  	v39 =	vld.idx.msk [tilespmem:v26+s15+$0x0], $0xffff;
	v18 =	vor.u32 s30, v18;
	v26 =	vand.u32 $0xF, v61;
	v38 =	vor.u32 v21, v12  }
0x433: {  	v25 =	vld.idx.msk [tilespmem:v25+s15+$0x0], $0xffff;
	v40 =	vor.u32 s30, v20;
	v42 =	vor.u32 s30, v33;
	v43 =	vor.u32 s30, v17  }
0x434: {  	v63 =	vld.idx.msk [tilespmem:v29+s15+$0x0], $0xffff;
	v44 =	vor.u32 s30, v23;
	v45 =	vor.u32 s30, v26;
	v17 =	vor.u32 v18, v12  }
0x435: {  	v46 =	vor.u32 v40, v12;
	v62 =	vld.idx.msk [tilespmem:v27+s15+$0x0], $0xffff;
	v19 =	vmul.f32 $8.000000000e+00, v22;
	v22 =	vadd.s32 s1, v0  }
0x436: {  	v26 =	vor.u32 v42, v12;
	v20 =	vor.u32 v43, v12;
	v28 =	vld.idx.msk [tilespmem:v28+s15+$0x0], $0xffff;
	v22 =	vand.u32 $0xF, v22  }
0x437: {  	v21 =	vshll.u32 v21, $0x7;
	v35 =	vmul.f32 $8.000000000e+00, v60;
	v38 =	vld.idx.msk [tilespmem:v38+s15+$0x0], $0xffff;
	v41 =	vor.u32 s30, v22  }
0x438: {  	v29 =	vshll.u32 v18, $0x7;
	v32 =	vshll.u32 v42, $0x7;
	v47 =	vor.u32 v41, v12  }
0x439: {  	v23 =	vor.u32 v44, v12;
	v27 =	vor.u32 v13, v21;
	v39 =	vmul.f32 $8.000000000e+00, v39;
	[tilespmem:v31+s19+$0x0] =	vst.idx.msk $0xffff, v35  }
0x43a: {  	v34 =	vshll.u32 v44, $0x7;
	v21 =	vmul.f32 $8.000000000e+00, v63;
	[tilespmem:v30+s19+$0x0] =	vst.idx.msk $0xffff, v19;
	v19 =	vmul.f32 $8.000000000e+00, v24  }
0x43b: {  	v17 =	vld.idx.msk [tilespmem:v17+s15+$0x0], $0xffff;
	[tilespmem:v58+s19+$0x0] =	vst.idx.msk $0xffff, v39;
	v22 =	vor.u32 v45, v12;
	v30 =	vmul.f32 $8.000000000e+00, v25;
	v24 =	vmul.f32 $8.000000000e+00, v62  }
0x43c: {  	v31 =	vshll.u32 v40, $0x7;
	v18 =	vld.idx.msk [tilespmem:v46+s15+$0x0], $0xffff;
	v25 =	vmul.f32 $8.000000000e+00, v28;
	[tilespmem:v56+s19+$0x0] =	vst.idx.msk $0xffff, v19;
	v35 =	vmul.f32 $8.000000000e+00, v38  }
0x43d: {  	v28 =	vshll.u32 v43, $0x7;
	v33 =	vshll.u32 v41, $0x7;
	[tilespmem:v57+s19+$0x0] =	vst.idx.msk $0xffff, v30;
	v30 =	vshll.u32 v45, $0x7;
	v19 =	vld.idx.msk [tilespmem:v47+s15+$0x0], $0xffff  }
.LBB2_35:
0x43e: {  	s26 =	sadd.s32 $0x8, s26;
	v36 =	vor.u32 v13, v29;
	v37 =	vor.u32 v13, v31;
	v31 =	vld.idx.msk [tilespmem:v26+s15+$0x0], $0xffff;
	[tilespmem:v27+s19+$0x0] =	vst.idx.msk $0xffff, v35  }
0x43f: {  	v38 =	vor.u32 v13, v33;
	v39 =	vor.u32 v13, v32;
	s0 =	sand.u32 $0x8, s26;
	p0 =	slt.u32 s26, $0x38;
	v32 =	vld.idx.msk [tilespmem:v23+s15+$0x0], $0xffff;
	v23 =	vor.u32 v13, v34  }
0x440: {  	v27 =	vor.u32 v13, v28;
	v26 =	vadd.s32 s0, v0;
	s1 =	sor.u32 $0x1, s0;
	s28 =	sor.u32 $0x2, s0;
	s29 =	sor.u32 $0x7, s0;
	v28 =	vld.idx.msk [tilespmem:v22+s15+$0x0], $0xffff;
	v22 =	vor.u32 v13, v30  }
0x441: {  	s30 =	sor.u32 $0x5, s0;
	v29 =	vadd.s32 s1, v0;
	v30 =	vadd.s32 s28, v0;
	s1 =	sor.u32 $0x3, s0;
	s28 =	sor.u32 $0x4, s0;
	v33 =	vadd.s32 s29, v0;
	v34 =	vld.idx.msk [tilespmem:v20+s15+$0x0], $0xffff  }
0x442: {  	s29 =	sand.u32 $0x30, s26;
	s0 =	sor.u32 $0x6, s0;
	v20 =	vadd.s32 s1, v0;
	v35 =	vadd.s32 s28, v0;
	v33 =	vand.u32 $0xF, v33;
	[tilespmem:v15+s19+$0x0] =	vst.idx.msk $0xffff, v24;
	v15 =	vmovc v23  }
0x443: {  	v23 =	vadd.s32 s30, v0;
	v24 =	vadd.s32 s0, v0;
	v33 =	vor.u32 s29, v33;
	[tilespmem:v16+s19+$0x0] =	vst.idx.msk $0xffff, v25;
	v16 =	vmovc v22  }
0x444: {  	v22 =	vand.u32 $0xF, v29;
	v25 =	vand.u32 $0xF, v30;
	v29 =	vor.u32 v33, v12;
	[tilespmem:v14+s19+$0x0] =	vst.idx.msk $0xffff, v21;
	v14 =	vmovc v27  }
0x445: {  	v20 =	vand.u32 $0xF, v20;
	v23 =	vand.u32 $0xF, v23;
	v21 =	vand.u32 $0xF, v35  }
0x446: {  	v26 =	vand.u32 $0xF, v26;
	v30 =	vor.u32 s29, v22;
	v22 =	vand.u32 $0xF, v24  }
0x447: {  	v25 =	vor.u32 s29, v25;
	v35 =	vor.u32 s29, v20;
	v40 =	vor.u32 s29, v21  }
0x448: {  	v41 =	vor.u32 s29, v26;
	v42 =	vor.u32 s29, v23;
	v43 =	vor.u32 s29, v22  }
0x449: {  	v21 =	vor.u32 v30, v12;
	v44 =	vor.u32 v25, v12;
	v45 =	vor.u32 v35, v12;
	v46 =	vld.idx.msk [tilespmem:v29+s15+$0x0], $0xffff  }
0x44a: {  	v23 =	vor.u32 v42, v12;
	v26 =	vor.u32 v40, v12;
	v22 =	vor.u32 v43, v12  }
0x44b: {  	v17 =	vmul.f32 $8.000000000e+00, v17;
	v20 =	vor.u32 v41, v12;
	v24 =	vshll.u32 v33, $0x7  }
.Ltmp18:
0x44c: {  	v18 =	vmul.f32 $8.000000000e+00, v18;
	v19 =	vmul.f32 $8.000000000e+00, v19;
	v27 =	vor.u32 v13, v24;
	(pc) =	sbr.rel @p0 .LBB2_35-.Ltmp18, $4  }
0x44d: {  	v24 =	vmul.f32 $8.000000000e+00, v32;
	v29 =	vshll.u32 v30, $0x7;
	[tilespmem:v36+s19+$0x0] =	vst.idx.msk $0xffff, v17;
	v36 =	vmul.f32 $8.000000000e+00, v31  }
0x44e: {  	v31 =	vshll.u32 v25, $0x7;
	v25 =	vmul.f32 $8.000000000e+00, v28;
	v17 =	vld.idx.msk [tilespmem:v21+s15+$0x0], $0xffff;
	v21 =	vmul.f32 $8.000000000e+00, v34;
	[tilespmem:v37+s19+$0x0] =	vst.idx.msk $0xffff, v18  }
0x44f: {  	v33 =	vshll.u32 v35, $0x7;
	v32 =	vshll.u32 v40, $0x7;
	v35 =	vmul.f32 $8.000000000e+00, v46;
	v18 =	vld.idx.msk [tilespmem:v44+s15+$0x0], $0xffff;
	[tilespmem:v38+s19+$0x0] =	vst.idx.msk $0xffff, v19  }
0x450: {  	v30 =	vshll.u32 v43, $0x7;
	v28 =	vshll.u32 v41, $0x7;
	v34 =	vshll.u32 v42, $0x7;
	v19 =	vld.idx.msk [tilespmem:v45+s15+$0x0], $0xffff;
	[tilespmem:v39+s19+$0x0] =	vst.idx.msk $0xffff, v36  }
0x451: {  	_ =	sdelay $0x2  }
0x452: {  	v12 =	vor.u32 v13, v29  }
0x453: {  	v52 =	vor.u32 v13, v31;
	v26 =	vld.idx.msk [tilespmem:v26+s15+$0x0], $0xffff;
	[tilespmem:v27+s19+$0x0] =	vst.idx.msk $0xffff, v35  }
0x454: {  	v53 =	vor.u32 v13, v33;
	v23 =	vld.idx.msk [tilespmem:v23+s15+$0x0], $0xffff;
	[tilespmem:v15+s19+$0x0] =	vst.idx.msk $0xffff, v24  }
0x455: {  	v54 =	vor.u32 v13, v32;
	v22 =	vld.idx.msk [tilespmem:v22+s15+$0x0], $0xffff;
	[tilespmem:v16+s19+$0x0] =	vst.idx.msk $0xffff, v25;
	v55 =	vmul.f32 $8.000000000e+00, v17  }
0x456: {  	v56 =	vor.u32 v13, v34;
	v20 =	vld.idx.msk [tilespmem:v20+s15+$0x0], $0xffff;
	[tilespmem:v14+s19+$0x0] =	vst.idx.msk $0xffff, v21;
	v57 =	vmul.f32 $8.000000000e+00, v18  }
0x457: {  	v58 =	vor.u32 v13, v30;
	v19 =	vmul.f32 $8.000000000e+00, v19;
	[tilespmem:v12+s19+$0x0] =	vst.idx.msk $0xffff, v55  }
0x458: {  	v59 =	vor.u32 v13, v28;
	v60 =	vmul.f32 $8.000000000e+00, v26;
	[tilespmem:v52+s19+$0x0] =	vst.idx.msk $0xffff, v57  }
0x459: {  	v61 =	vmul.f32 $8.000000000e+00, v23;
	[tilespmem:v53+s19+$0x0] =	vst.idx.msk $0xffff, v19  }
.Ltmp19:
0x45a: {  	s0 =	sshll.u32 s25, $0x12;
	v62 =	vmul.f32 $8.000000000e+00, v22;
	[tilespmem:v54+s19+$0x0] =	vst.idx.msk $0xffff, v60;
	(pc) =	sbr.rel @p1 .LBB2_38-.Ltmp19, $4  }
0x45b: {  	s0 =	sor.u32 s4, s0;
	v63 =	vmul.f32 $8.000000000e+00, v20;
	[tilespmem:v56+s19+$0x0] =	vst.idx.msk $0xffff, v61  }
0x45c: {  	s0 =	sshrl.u32 s0, $0x3;
	[tilespmem:v58+s19+$0x0] =	vst.idx.msk $0xffff, v62  }
0x45d: {  	s0 =	sadd.s32 s2, s0;
	[tilespmem:v59+s19+$0x0] =	vst.idx.msk $0xffff, v63  }
0x45e: {  	[hbm4b:s0+s8] =	stream.strided.scatter [tilespmem:s19], [sflag:$0x4], $0x2000, s9, s8, $0x38;
	[tilespmem:$0xF800] =	vst v63  }
.Ltmp20:
0x45f: {  	(pc) =	sbr.rel .LBB2_4-.Ltmp20, $3  }
0x460: {  	_ =	sdelay $0x1  }
0x461: {  	s0 =	sadd.s32 $0x1D80, s24;
	s23 =	sadd.s32 $0x1, s23  }
0x462: {  	[tilespmem:s15], [sflag:$0x2] =	stream.indirect.gather [hbm4b:s5+s11], $0x80, s0, s11, $0xb8;
	[tilespmem:$0xF800] =	vst v63  }
.LBB2_39:
0x463: {  	_ =	sfence.sel $0x180000  }
0x464: {  	[bflag:$0x0] =	sbarrier.arrive $0xFFFF  }
0x465: {  	_ =	strace $0x9000004A  }
0x466: {  	s0 =	stileid.u32;
	[bflag:$0x2] =	sbarrier.arrive $0xFFFF  }
0x467: {  	p0 =	sne.s32 s0, $0x0;
	s0 =	rddreg [dreg:$0x2]  }
0x468: {  	s0 =	sadd.s32 @!p0 $0x100000, s0  }
0x469: {  	[sflag:s0] =	ssyncadd.tile.s32 @!p0 $0x1;
	_ =	shalt  }
.Lfunc_end2:
_tile_overlayer_lowered:
.L_overlay_start_2:
0x46a: {  	(tag) =	ssettag $0x2  }
0x46b: {  	s0 =	rddreg [dreg:$0x0];
	s2 =	stileid.u32  }
0x46c: {  	s1 =	rddreg [dreg:$0x1];
	p0 =	sne.s32 s2, $0x0  }
0x46d: {  	s3 =	rddreg [dreg:$0x2];
	[bflag:$0x3] =	sbarrier.arrive $0xFFFF;
	s2 =	simm.s32 @!p0 $0x1C05  }
0x46e: {  	[timem:s3], [sflag:s2] =	dma.local @!p0 [hbm:s0], s1  }
0x46f: {  	s0 =	simm.s32 @!p0 $0x5  }
0x470: {  	_ =	swait.ge @!p0 [sflag:s0], s1  }
0x471: {  	s1 =	ssub.s32 @!p0 $0x0, s1;
	[sflag:s0] =	ssyncset.done @!p0 $0x0  }
0x472: {  	[sflag:s0] =	ssyncadd.s32 @!p0 s1  }
0x473: {  	[bflag:$0x3] =	sbarrier.arrive $0xFFFF  }
0x474: {  	_ =	shalt  }

</sc_bundles>
